<compile_context>
chip_gen: v7x
topology: tpu7x:2x2x1
jax: 0.10.2.dev20260603
libtpu: 0.0.44.dev20260713+nightly
codegen_flags: <defaults>
</compile_context>

<pallas_src>
import jax
import jax.numpy as jnp
from jax import lax
from jax.experimental import pallas as pl
from jax.experimental.pallas import tpu as pltpu
from jax.experimental.pallas import tpu_sc as plsc

NC = 2
NS = 16
L = 16
NW = NC * NS


def _mesh():
    return plsc.VectorSubcoreMesh(
        core_axis_name="c", subcore_axis_name="s", num_cores=NC,
        num_subcores=NS)


def _deg_kernel(n_pad, rows128):
    nrows_per_w = rows128 // NW
    npt = n_pad // NS

    def body(col_h, ew_h, deg_h, deg_s, colb, ewb, zb, sem):
        cid = lax.axis_index("c")
        sid = lax.axis_index("s")
        wid = cid * NS + sid

        def fill_z(i, _):
            zb[pl.ds(i * L, L)] = jnp.zeros((L,), jnp.float32)
            return 0
        lax.fori_loop(0, npt // L, fill_z, 0)
        pltpu.sync_copy(zb, deg_s.at[pl.ds(sid * npt, npt)])
        plsc.subcore_barrier()

        base = wid * nrows_per_w
        pltpu.sync_copy(col_h.at[pl.ds(base, nrows_per_w)], colb)
        pltpu.sync_copy(ew_h.at[pl.ds(base, nrows_per_w)], ewb)
        def deg_chunk(b, _):
            def deg_fire(j, _):
                pltpu.async_copy(ewb.at[b * 16 + j],
                                 deg_s.at[colb.at[b * 16 + j]], sem,
                                 add=True)
                return 0
            lax.fori_loop(0, 16, deg_fire, 0)
            def deg_drain(j, _):
                pltpu.make_async_copy(ewb.at[b * 16 + j],
                                      deg_s.at[colb.at[b * 16 + j]],
                                      sem).wait()
                return 0
            lax.fori_loop(0, 16, deg_drain, 0)
            return 0
        lax.fori_loop(0, nrows_per_w // 16, deg_chunk, 0)
        plsc.subcore_barrier()

        pltpu.sync_copy(deg_s.at[pl.ds(sid * npt, npt)],
                        deg_h.at[pl.ds(cid * n_pad + sid * npt, npt)])

    return pl.kernel(
        body,
        out_type=jax.ShapeDtypeStruct((NC * n_pad,), jnp.float32),
        mesh=_mesh(),
        scratch_types=[
            pltpu.VMEM_SHARED((n_pad,), jnp.float32),
            pltpu.VMEM((rows128 // NW, 128), jnp.int32),
            pltpu.VMEM((rows128 // NW, 128), jnp.float32),
            pltpu.VMEM((n_pad // NS,), jnp.float32),
            pltpu.SemaphoreType.DMA,
        ],
        compiler_params=pltpu.CompilerParams(needs_layout_passes=False),
        name="gcn_deg_sc",
    )


def _norm_kernel(n_pad, rows128):
    nrows_per_w = rows128 // NW

    def body(dinv_h, row_h, col_h, ew_h, norm_h, rowb, colb, ewb, normb,
             dinv_all):
        cid = lax.axis_index("c")
        sid = lax.axis_index("s")
        wid = cid * NS + sid

        base = wid * nrows_per_w
        pltpu.sync_copy(dinv_h, dinv_all)
        pltpu.sync_copy(row_h.at[pl.ds(base, nrows_per_w)], rowb)
        pltpu.sync_copy(col_h.at[pl.ds(base, nrows_per_w)], colb)
        pltpu.sync_copy(ew_h.at[pl.ds(base, nrows_per_w)], ewb)

        def norm_row(j, _):
            for g in range(8):
                rr = rowb[j, pl.ds(g * L, L)]
                cc = colb[j, pl.ds(g * L, L)]
                ev = ewb[j, pl.ds(g * L, L)]
                dr = plsc.load_gather(dinv_all, [rr])
                dc = plsc.load_gather(dinv_all, [cc])
                normb[j, pl.ds(g * L, L)] = dr * ev * dc
            return 0
        lax.fori_loop(0, nrows_per_w, norm_row, 0)
        pltpu.sync_copy(normb, norm_h.at[pl.ds(base, nrows_per_w)])

    return pl.kernel(
        body,
        out_type=jax.ShapeDtypeStruct((rows128, 128), jnp.float32),
        mesh=_mesh(),
        scratch_types=[
            pltpu.VMEM((rows128 // NW, 128), jnp.int32),
            pltpu.VMEM((rows128 // NW, 128), jnp.int32),
            pltpu.VMEM((rows128 // NW, 128), jnp.float32),
            pltpu.VMEM((rows128 // NW, 128), jnp.float32),
            pltpu.VMEM((n_pad,), jnp.float32),
        ],
        compiler_params=pltpu.CompilerParams(needs_layout_passes=False),
        name="gcn_norm_sc",
    )


def _aggregate_kernel(n_pad, rows64):
    tr = rows64 // NW
    npt = n_pad // NS
    assert tr % 16 == 0
    nsch = tr // 16

    def body(h_hbm, row_h, col_h, norm_h, out_h, acc_s, rowc, colc, normc,
             vb0, vb1, zbuf, g0, g1, s0, s1):
        bufs = [vb0, vb1]
        gsems = [g0, g1]
        ssems = [s0, s1]
        cid = lax.axis_index("c")
        sid = lax.axis_index("s")
        wid = cid * NS + sid
        base = wid * tr
        iotas = [lax.iota(jnp.int32, L) + g * L for g in range(4)]

        def zfill(r, _):
            for g in range(8):
                zbuf[r, pl.ds(g * L, L)] = jnp.zeros((L,), jnp.float32)
            return 0
        lax.fori_loop(0, 16, zfill, 0)
        def zcopy(k, _):
            pltpu.sync_copy(zbuf, acc_s.at[pl.ds(sid * npt + k * 16, 16)])
            return 0
        lax.fori_loop(0, npt // 16, zcopy, 0)
        plsc.subcore_barrier()

        def scale(k, j):
            nv = [normc[j, pl.ds(g * L, L)] for g in range(4)]
            def scale_f(f, _):
                for u in range(4):
                    fv = jnp.full((L,), f * 4 + u, jnp.int32)
                    for g in range(4):
                        vals = plsc.load_gather(bufs[k], [iotas[g], fv])
                        plsc.store_scatter(bufs[k], [iotas[g], fv],
                                           vals * nv[g])
                return 0
            lax.fori_loop(0, 32, scale_f, 0)

        def super_chunk(sc, _):
            pltpu.sync_copy(row_h.at[pl.ds(base + sc * 16, 16)], rowc)
            pltpu.sync_copy(col_h.at[pl.ds(base + sc * 16, 16)], colc)
            pltpu.sync_copy(norm_h.at[pl.ds(base + sc * 16, 16)], normc)
            pltpu.async_copy(h_hbm.at[rowc.at[0]], bufs[0], gsems[0])
            def pair(pi, _):
                for k in range(2):
                    j = pi * 2 + k
                    kp = (k + 1) % 2
                    @pl.when(j >= 1)
                    def _():
                        pltpu.make_async_copy(
                            bufs[kp], acc_s.at[colc.at[0]],
                            ssems[kp]).wait()
                    @pl.when(j + 1 < 16)
                    def _():
                        pltpu.async_copy(h_hbm.at[rowc.at[j + 1]],
                                         bufs[kp], gsems[kp])
                    pltpu.make_async_copy(h_hbm.at[rowc.at[0]], bufs[k],
                                          gsems[k]).wait()
                    scale(k, j)
                    pltpu.async_copy(bufs[k], acc_s.at[colc.at[j]],
                                     ssems[k], add=True)
                return 0
            lax.fori_loop(0, 8, pair, 0)
            pltpu.make_async_copy(bufs[1], acc_s.at[colc.at[0]],
                                  ssems[1]).wait()
            return 0
        lax.fori_loop(0, nsch, super_chunk, 0)
        plsc.subcore_barrier()

        pltpu.sync_copy(acc_s.at[pl.ds(sid * npt, npt)],
                        out_h.at[pl.ds(cid * n_pad + sid * npt, npt)])

    return pl.kernel(
        body,
        out_type=jax.ShapeDtypeStruct((NC * n_pad, 128), jnp.float32),
        mesh=_mesh(),
        scratch_types=[
            pltpu.VMEM_SHARED((n_pad, 128), jnp.float32),
            pltpu.VMEM((16, 64), jnp.int32),
            pltpu.VMEM((16, 64), jnp.int32),
            pltpu.VMEM((16, 64), jnp.float32),
            pltpu.VMEM((64, 128), jnp.float32),
            pltpu.VMEM((64, 128), jnp.float32),
            pltpu.VMEM((16, 128), jnp.float32),
            pltpu.SemaphoreType.DMA,
            pltpu.SemaphoreType.DMA,
            pltpu.SemaphoreType.DMA,
            pltpu.SemaphoreType.DMA,
        ],
        compiler_params=pltpu.CompilerParams(needs_layout_passes=False),
        name="gcn_aggregate_sc",
    )


def _mm_deg(x, w, deg0, deg1, bm):
    n = x.shape[0]
    def k(xb, wb, d0b, d1b, hb, dib, d2b):
        hb[...] = jnp.dot(xb[...], wb[...],
                          preferred_element_type=jnp.float32)
        dinv = lax.rsqrt(1.0 + d0b[...] + d1b[...])
        dib[...] = dinv
        d2b[...] = dinv * dinv
    return pl.pallas_call(
        k,
        grid=(n // bm,),
        in_specs=[pl.BlockSpec((bm, 128), lambda i: (i, 0)),
                  pl.BlockSpec((128, 128), lambda i: (0, 0)),
                  pl.BlockSpec((bm, 1), lambda i: (i, 0)),
                  pl.BlockSpec((bm, 1), lambda i: (i, 0))],
        out_specs=[pl.BlockSpec((bm, 128), lambda i: (i, 0)),
                   pl.BlockSpec((bm, 1), lambda i: (i, 0)),
                   pl.BlockSpec((bm, 1), lambda i: (i, 0))],
        out_shape=[jax.ShapeDtypeStruct((n, 128), jnp.float32),
                   jax.ShapeDtypeStruct((n, 1), jnp.float32),
                   jax.ShapeDtypeStruct((n, 1), jnp.float32)],
    )(x, w, deg0, deg1)


def _fused_relu_mm(p0, p1, h, d2, b, w, bm):
    n = h.shape[0]
    def k(p0b, p1b, hb, db, bb, wb, ob):
        g = jnp.maximum(
            p0b[...] + p1b[...] + db[...] * hb[...] + bb[...], 0.0)
        ob[...] = jnp.dot(g, wb[...], preferred_element_type=jnp.float32)
    return pl.pallas_call(
        k,
        grid=(n // bm,),
        in_specs=[pl.BlockSpec((bm, 128), lambda i: (i, 0)),
                  pl.BlockSpec((bm, 128), lambda i: (i, 0)),
                  pl.BlockSpec((bm, 128), lambda i: (i, 0)),
                  pl.BlockSpec((bm, 1), lambda i: (i, 0)),
                  pl.BlockSpec((1, 128), lambda i: (0, 0)),
                  pl.BlockSpec((128, 128), lambda i: (0, 0))],
        out_specs=pl.BlockSpec((bm, 128), lambda i: (i, 0)),
        out_shape=jax.ShapeDtypeStruct((n, 128), jnp.float32),
    )(p0, p1, h, d2, b, w)


def _epilogue(q0, q1, h, d2, b, bm):
    n = h.shape[0]
    def k(q0b, q1b, hb, db, bb, ob):
        ob[...] = q0b[...] + q1b[...] + db[...] * hb[...] + bb[...]
    return pl.pallas_call(
        k,
        grid=(n // bm,),
        in_specs=[pl.BlockSpec((bm, 128), lambda i: (i, 0)),
                  pl.BlockSpec((bm, 128), lambda i: (i, 0)),
                  pl.BlockSpec((bm, 128), lambda i: (i, 0)),
                  pl.BlockSpec((bm, 1), lambda i: (i, 0)),
                  pl.BlockSpec((1, 128), lambda i: (0, 0))],
        out_specs=pl.BlockSpec((bm, 128), lambda i: (i, 0)),
        out_shape=jax.ShapeDtypeStruct((n, 128), jnp.float32),
    )(q0, q1, h, d2, b)


def kernel(x, edge_index, edge_weight, W1, b1, W2, b2):
    n, d = x.shape
    e = edge_index.shape[1]

    n_pad = ((n + NW * L - 1) // (NW * L)) * (NW * L)
    rows = -(-e // 128)
    rows128 = ((rows + NW * 16 - 1) // (NW * 16)) * (NW * 16)

    row = edge_index[0].astype(jnp.int32)
    col = edge_index[1].astype(jnp.int32)
    ew = edge_weight.reshape(-1).astype(jnp.float32)
    e_pad = rows128 * 128
    row2d = jnp.pad(row, (0, e_pad - e)).reshape(rows128, 128)
    col2d = jnp.pad(col, (0, e_pad - e)).reshape(rows128, 128)
    ew2d = jnp.pad(ew, (0, e_pad - e)).reshape(rows128, 128)
    x_pad = jnp.pad(x, ((0, n_pad - n), (0, 0)))

    degp = _deg_kernel(n_pad, rows128)(col2d, ew2d)
    deg0 = degp[:n_pad].reshape(n_pad, 1)
    deg1 = degp[n_pad:].reshape(n_pad, 1)
    h1, dinv, d2 = _mm_deg(x_pad, W1, deg0, deg1, 512)
    norm2d = _norm_kernel(n_pad, rows128)(
        dinv.reshape(n_pad), row2d, col2d, ew2d)
    b1r = b1.reshape(1, d)
    b2r = b2.reshape(1, d)

    agg = _aggregate_kernel(n_pad, rows128 * 2)
    row64 = row2d.reshape(rows128 * 2, 64)
    col64 = col2d.reshape(rows128 * 2, 64)

    p = agg(h1, row64, col64, norm2d.reshape(rows128 * 2, 64))
    h2 = _fused_relu_mm(p[:n_pad], p[n_pad:], h1, d2, b1r, W2, 512)
    q = agg(h2, row64, col64, norm2d.reshape(rows128 * 2, 64))
    out = _epilogue(q[:n_pad], q[n_pad:], h2, d2, b2r, 512)
    return out[:n]

# --- scband reference (transcript-rebuilt; emitter-appended) ---
"""Pipeline reference for scband-gcn-40896678592680 (READ-ONLY COPY).

The authoritative reference and input builder live on the scoring server;
editing this copy changes nothing except your own understanding.
"""

import jax, jax.numpy as jnp
import numpy as np


def gcn_conv(x, row, col, ew, W, b, num_nodes):
    # PyG GCNConv (normalize=True, add_self_loops=True, improved=False)
    loop = jnp.arange(num_nodes, dtype=row.dtype)
    row2 = jnp.concatenate([row, loop])
    col2 = jnp.concatenate([col, loop])
    ew2 = jnp.concatenate([ew, jnp.ones((num_nodes,), dtype=ew.dtype)])
    deg = jnp.zeros((num_nodes,), dtype=ew.dtype).at[col2].add(ew2)
    dinv = jnp.where(deg > 0, jax.lax.rsqrt(deg), 0.0)
    norm = dinv[row2] * ew2 * dinv[col2]
    h = x @ W
    msg = norm[:, None] * jnp.take(h, row2, axis=0)
    out = jnp.zeros((num_nodes, h.shape[1]), dtype=h.dtype).at[col2].add(msg)
    return out + b


def setup_inputs(seed: int = 0) -> dict:
    key = jax.random.key(seed)
    k1, k2, k3, k4, k5, k6, k7 = jax.random.split(key, 7)
    N, E, d_in, d_hid, d_out = 10000, 320000, 128, 128, 128
    x = jax.random.normal(k1, (N, d_in), dtype=jnp.float32)
    edge_index = jax.random.randint(k2, (2, E), 0, N, dtype=jnp.int64)
    edge_weight = jax.random.uniform(k3, (E,), dtype=jnp.float32)
    s1 = (1.0 / np.sqrt(d_in)).astype(np.float32) if isinstance(np.sqrt(d_in), np.ndarray) else np.float32(1.0 / np.sqrt(d_in))
    s2 = np.float32(1.0 / np.sqrt(d_hid))
    W1 = jax.random.normal(k4, (d_in, d_hid), dtype=jnp.float32) * s1
    b1 = jnp.zeros((d_hid,), dtype=jnp.float32)
    W2 = jax.random.normal(k5, (d_hid, d_out), dtype=jnp.float32) * s2
    b2 = jnp.zeros((d_out,), dtype=jnp.float32)
    return {"x": x, "edge_index": edge_index, "edge_weight": edge_weight, "W1": W1, "b1": b1, "W2": W2, "b2": b2}


def reference(x, edge_index, edge_weight, W1, b1, W2, b2):
    num_nodes = x.shape[0]
    row, col = edge_index[0], edge_index[1]
    ew = edge_weight.reshape(-1)
    h = gcn_conv(x, row, col, ew, W1, b1, num_nodes)
    h = jax.nn.relu(h)
    # F.dropout(training=False) -> identity in eval mode
    out = gcn_conv(h, row, col, ew, W2, b2, num_nodes)
    return out

if __name__ == "__main__":
    import jax
    _d = setup_inputs()
    print(jax.jit(kernel)(*tuple(_d.values())))

</pallas_src>

<mosaic_0001>
#map = affine_map<(d0, d1) -> (0, 0)>
module attributes {stable_mosaic.version = 14 : i64} {
  func.func @gcn_aggregate_sc(%arg0: i32, %arg1: i32, %arg2: memref<10240x128xf32, #tpu.memory_space<hbm>>, %arg3: memref<5120x64xi32, #tpu.memory_space<hbm>>, %arg4: memref<5120x64xi32, #tpu.memory_space<hbm>>, %arg5: memref<5120x64xf32, #tpu.memory_space<hbm>>, %arg6: memref<20480x128xf32, #tpu.memory_space<hbm>>, %arg7: memref<10240x128xf32, #tpu.memory_space<vmem_shared>>, %arg8: memref<16x64xi32, #tpu.memory_space<vmem>>, %arg9: memref<16x64xi32, #tpu.memory_space<vmem>>, %arg10: memref<16x64xf32, #tpu.memory_space<vmem>>, %arg11: memref<64x128xf32, #tpu.memory_space<vmem>>, %arg12: memref<64x128xf32, #tpu.memory_space<vmem>>, %arg13: memref<16x128xf32, #tpu.memory_space<vmem>>, %arg14: memref<!tpu.dma_semaphore, #tpu.memory_space<semaphore_mem>>, %arg15: memref<!tpu.dma_semaphore, #tpu.memory_space<semaphore_mem>>, %arg16: memref<!tpu.dma_semaphore, #tpu.memory_space<semaphore_mem>>, %arg17: memref<!tpu.dma_semaphore, #tpu.memory_space<semaphore_mem>>) attributes {dimension_semantics = [#tpu.dimension_semantics<core_parallel>, #tpu.dimension_semantics<subcore_parallel>], iteration_bounds = array<i64: 2, 16>, scalar_prefetch = 0 : i64, scratch_operands = 11 : i64, tpu.core_type = #tpu.core_type<sc_vector_subcore>, window_params = [{transform_indices = #map}, {transform_indices = #map}, {transform_indices = #map}, {transform_indices = #map}, {transform_indices = #map}]} {
    %mul3A = arith.constant 16 : i32
    %mul3A_0 = arith.muli %arg0, %mul3A : i32
    %add3A = arith.addi %mul3A_0, %arg1 : i32
    %mul3A_1 = arith.constant 160 : i32
    %mul3A_2 = arith.muli %add3A, %mul3A_1 : i32
    %iota3A = tpu.iota {dimensions = array<i32: 0>} : vector<16xi32>
    %add3A_3 = arith.constant 0 : i32
    %add3A_4 = vector.broadcast %add3A_3 : i32 to vector<16xi32>
    %add3A_5 = arith.addi %iota3A, %add3A_4 : vector<16xi32>
    %iota3A_6 = tpu.iota {dimensions = array<i32: 0>} : vector<16xi32>
    %add3A_7 = arith.constant 16 : i32
    %add3A_8 = vector.broadcast %add3A_7 : i32 to vector<16xi32>
    %add3A_9 = arith.addi %iota3A_6, %add3A_8 : vector<16xi32>
    %iota3A_10 = tpu.iota {dimensions = array<i32: 0>} : vector<16xi32>
    %add3A_11 = arith.constant 32 : i32
    %add3A_12 = vector.broadcast %add3A_11 : i32 to vector<16xi32>
    %add3A_13 = arith.addi %iota3A_10, %add3A_12 : vector<16xi32>
    %iota3A_14 = tpu.iota {dimensions = array<i32: 0>} : vector<16xi32>
    %add3A_15 = arith.constant 48 : i32
    %add3A_16 = vector.broadcast %add3A_15 : i32 to vector<16xi32>
    %add3A_17 = arith.addi %iota3A_14, %add3A_16 : vector<16xi32>
    %scan3A = arith.constant 0 : i32
    %scan3A_18 = arith.constant 0 : i32
    %scan3A_19 = arith.constant 16 : i32
    %scan3A_20 = arith.addi %scan3A_18, %scan3A_19 : i32
    %scan3A_21 = arith.constant 1 : i32
    %scan3A_22 = scf.for %scan3A_46 = %scan3A_18 to %scan3A_20 step %scan3A_21 iter_args(%scan3A_47 = %scan3A) -> (i32)  : i32 {
      %broadcast_in_dim3A = arith.constant 0.000000e+00 : f32
      %broadcast_in_dim3A_48 = vector.broadcast %broadcast_in_dim3A : f32 to vector<16xf32>
      %swap3A = arith.index_cast %scan3A_46 : i32 to index
      %swap3A_49 = arith.constant 0 : index
      %swap3A_50 = tpu.vector_load %arg13[%swap3A, %swap3A_49] {strides = array<i32>} : memref<16x128xf32, #tpu.memory_space<vmem>>, vector<16xf32>,
      tpu.vector_store %arg13[%swap3A, %swap3A_49], %broadcast_in_dim3A_48 {strides = array<i32>} : memref<16x128xf32, #tpu.memory_space<vmem>>, vector<16xf32>,
      %broadcast_in_dim3A_51 = arith.constant 0.000000e+00 : f32
      %broadcast_in_dim3A_52 = vector.broadcast %broadcast_in_dim3A_51 : f32 to vector<16xf32>
      %swap3A_53 = arith.index_cast %scan3A_46 : i32 to index
      %swap3A_54 = arith.constant 16 : index
      %swap3A_55 = tpu.vector_load %arg13[%swap3A_53, %swap3A_54] {strides = array<i32>} : memref<16x128xf32, #tpu.memory_space<vmem>>, vector<16xf32>,
      tpu.vector_store %arg13[%swap3A_53, %swap3A_54], %broadcast_in_dim3A_52 {strides = array<i32>} : memref<16x128xf32, #tpu.memory_space<vmem>>, vector<16xf32>,
      %broadcast_in_dim3A_56 = arith.constant 0.000000e+00 : f32
      %broadcast_in_dim3A_57 = vector.broadcast %broadcast_in_dim3A_56 : f32 to vector<16xf32>
      %swap3A_58 = arith.index_cast %scan3A_46 : i32 to index
      %swap3A_59 = arith.constant 32 : index
      %swap3A_60 = tpu.vector_load %arg13[%swap3A_58, %swap3A_59] {strides = array<i32>} : memref<16x128xf32, #tpu.memory_space<vmem>>, vector<16xf32>,
      tpu.vector_store %arg13[%swap3A_58, %swap3A_59], %broadcast_in_dim3A_57 {strides = array<i32>} : memref<16x128xf32, #tpu.memory_space<vmem>>, vector<16xf32>,
      %broadcast_in_dim3A_61 = arith.constant 0.000000e+00 : f32
      %broadcast_in_dim3A_62 = vector.broadcast %broadcast_in_dim3A_61 : f32 to vector<16xf32>
      %swap3A_63 = arith.index_cast %scan3A_46 : i32 to index
      %swap3A_64 = arith.constant 48 : index
      %swap3A_65 = tpu.vector_load %arg13[%swap3A_63, %swap3A_64] {strides = array<i32>} : memref<16x128xf32, #tpu.memory_space<vmem>>, vector<16xf32>,
      tpu.vector_store %arg13[%swap3A_63, %swap3A_64], %broadcast_in_dim3A_62 {strides = array<i32>} : memref<16x128xf32, #tpu.memory_space<vmem>>, vector<16xf32>,
      %broadcast_in_dim3A_66 = arith.constant 0.000000e+00 : f32
      %broadcast_in_dim3A_67 = vector.broadcast %broadcast_in_dim3A_66 : f32 to vector<16xf32>
      %swap3A_68 = arith.index_cast %scan3A_46 : i32 to index
      %swap3A_69 = arith.constant 64 : index
      %swap3A_70 = tpu.vector_load %arg13[%swap3A_68, %swap3A_69] {strides = array<i32>} : memref<16x128xf32, #tpu.memory_space<vmem>>, vector<16xf32>,
      tpu.vector_store %arg13[%swap3A_68, %swap3A_69], %broadcast_in_dim3A_67 {strides = array<i32>} : memref<16x128xf32, #tpu.memory_space<vmem>>, vector<16xf32>,
      %broadcast_in_dim3A_71 = arith.constant 0.000000e+00 : f32
      %broadcast_in_dim3A_72 = vector.broadcast %broadcast_in_dim3A_71 : f32 to vector<16xf32>
      %swap3A_73 = arith.index_cast %scan3A_46 : i32 to index
      %swap3A_74 = arith.constant 80 : index
      %swap3A_75 = tpu.vector_load %arg13[%swap3A_73, %swap3A_74] {strides = array<i32>} : memref<16x128xf32, #tpu.memory_space<vmem>>, vector<16xf32>,
      tpu.vector_store %arg13[%swap3A_73, %swap3A_74], %broadcast_in_dim3A_72 {strides = array<i32>} : memref<16x128xf32, #tpu.memory_space<vmem>>, vector<16xf32>,
      %broadcast_in_dim3A_76 = arith.constant 0.000000e+00 : f32
      %broadcast_in_dim3A_77 = vector.broadcast %broadcast_in_dim3A_76 : f32 to vector<16xf32>
      %swap3A_78 = arith.index_cast %scan3A_46 : i32 to index
      %swap3A_79 = arith.constant 96 : index
      %swap3A_80 = tpu.vector_load %arg13[%swap3A_78, %swap3A_79] {strides = array<i32>} : memref<16x128xf32, #tpu.memory_space<vmem>>, vector<16xf32>,
      tpu.vector_store %arg13[%swap3A_78, %swap3A_79], %broadcast_in_dim3A_77 {strides = array<i32>} : memref<16x128xf32, #tpu.memory_space<vmem>>, vector<16xf32>,
      %broadcast_in_dim3A_81 = arith.constant 0.000000e+00 : f32
      %broadcast_in_dim3A_82 = vector.broadcast %broadcast_in_dim3A_81 : f32 to vector<16xf32>
      %swap3A_83 = arith.index_cast %scan3A_46 : i32 to index
      %swap3A_84 = arith.constant 112 : index
      %swap3A_85 = tpu.vector_load %arg13[%swap3A_83, %swap3A_84] {strides = array<i32>} : memref<16x128xf32, #tpu.memory_space<vmem>>, vector<16xf32>,
      tpu.vector_store %arg13[%swap3A_83, %swap3A_84], %broadcast_in_dim3A_82 {strides = array<i32>} : memref<16x128xf32, #tpu.memory_space<vmem>>, vector<16xf32>,
      %scan3A_86 = arith.constant 0 : i32
      scf.yield %scan3A_86 : i32
    }
    %scan3A_23 = arith.constant 16 : i32
    %scan3A_24 = arith.constant 0 : i32
    %scan3A_25 = arith.constant 0 : i32
    %scan3A_26 = arith.constant 40 : i32
    %scan3A_27 = arith.addi %scan3A_25, %scan3A_26 : i32
    %scan3A_28 = arith.constant 1 : i32
    %scan3A_29 = scf.for %scan3A_46 = %scan3A_25 to %scan3A_27 step %scan3A_28 iter_args(%scan3A_47 = %scan3A_24) -> (i32)  : i32 {
      %mul3A_48 = arith.constant 640 : i32
      %mul3A_49 = arith.muli %arg1, %mul3A_48 : i32
      %mul3A_50 = arith.constant 16 : i32
      %mul3A_51 = arith.muli %scan3A_46, %mul3A_50 : i32
      %add3A_52 = arith.addi %mul3A_49, %mul3A_51 : i32
      "tpu.region"() ({
        %run_scoped3A = tpu.sem_alloc : memref<!tpu.dma_semaphore, #tpu.memory_space<semaphore_mem>>
        %dma_start3A = arith.constant 0 : i32
        %dma_start3A_54 = tpu.memref_slice %arg7[%add3A_52, %dma_start3A] : memref<10240x128xf32, #tpu.memory_space<vmem_shared>> -> memref<16x128xf32, #tpu.memory_space<vmem_shared>>
        %dma_start3A_55 = arith.constant 0 : i32
        %dma_start3A_56 = tpu.memref_slice %arg7[%add3A_52, %dma_start3A_55] : memref<10240x128xf32, #tpu.memory_space<vmem_shared>> -> memref<16x128xf32, #tpu.memory_space<vmem_shared>>
        tpu.enqueue_dma source(%arg13 : memref<16x128xf32, #tpu.memory_space<vmem>>) target(%dma_start3A_56 : memref<16x128xf32, #tpu.memory_space<vmem_shared>>) target_semaphore(%run_scoped3A : memref<!tpu.dma_semaphore, #tpu.memory_space<semaphore_mem>>)
        %dma_wait3A = arith.constant 0 : i32
        %dma_wait3A_57 = tpu.memref_slice %arg7[%add3A_52, %dma_wait3A] : memref<10240x128xf32, #tpu.memory_space<vmem_shared>> -> memref<16x128xf32, #tpu.memory_space<vmem_shared>>
        %dma_wait3A_58 = arith.constant 0 : i32
        %dma_wait3A_59 = tpu.memref_slice %arg7[%add3A_52, %dma_wait3A_58] : memref<10240x128xf32, #tpu.memory_space<vmem_shared>> -> memref<16x128xf32, #tpu.memory_space<vmem_shared>>
        tpu.wait_dma2 semaphore(%run_scoped3A : memref<!tpu.dma_semaphore, #tpu.memory_space<semaphore_mem>>) src(%arg13 : memref<16x128xf32, #tpu.memory_space<vmem>>) dst(%dma_wait3A_59 : memref<16x128xf32, #tpu.memory_space<vmem_shared>>)
        tpu.yield
      }) : () -> ()
      %scan3A_53 = arith.constant 0 : i32
      scf.yield %scan3A_53 : i32
    }
    %scan3A_30 = arith.constant 40 : i32
    %barrier3A = arith.constant 0 : index
    tpu.barrier barrier_id(%barrier3A)
    %scan3A_31 = arith.constant 0 : i32
    %scan3A_32 = arith.constant 0 : i32
    %scan3A_33 = arith.constant 10 : i32
    %scan3A_34 = arith.addi %scan3A_32, %scan3A_33 : i32
    %scan3A_35 = arith.constant 1 : i32
    %scan3A_36 = scf.for %scan3A_46 = %scan3A_32 to %scan3A_34 step %scan3A_35 iter_args(%scan3A_47 = %scan3A_31) -> (i32)  : i32 {
      %mul3A_48 = arith.constant 16 : i32
      %mul3A_49 = arith.muli %scan3A_46, %mul3A_48 : i32
      %add3A_50 = arith.addi %mul3A_2, %mul3A_49 : i32
      "tpu.region"() ({
        %run_scoped3A = tpu.sem_alloc : memref<!tpu.dma_semaphore, #tpu.memory_space<semaphore_mem>>
        %dma_start3A_77 = arith.constant 0 : i32
        %dma_start3A_78 = tpu.memref_slice %arg3[%add3A_50, %dma_start3A_77] : memref<5120x64xi32, #tpu.memory_space<hbm>> -> memref<16x64xi32, #tpu.memory_space<hbm>>
        %dma_start3A_79 = arith.constant 0 : i32
        %dma_start3A_80 = tpu.memref_slice %arg3[%add3A_50, %dma_start3A_79] : memref<5120x64xi32, #tpu.memory_space<hbm>> -> memref<16x64xi32, #tpu.memory_space<hbm>>
        tpu.enqueue_dma source(%dma_start3A_80 : memref<16x64xi32, #tpu.memory_space<hbm>>) target(%arg8 : memref<16x64xi32, #tpu.memory_space<vmem>>) target_semaphore(%run_scoped3A : memref<!tpu.dma_semaphore, #tpu.memory_space<semaphore_mem>>)
        %dma_wait3A_81 = arith.constant 0 : i32
        %dma_wait3A_82 = tpu.memref_slice %arg3[%add3A_50, %dma_wait3A_81] : memref<5120x64xi32, #tpu.memory_space<hbm>> -> memref<16x64xi32, #tpu.memory_space<hbm>>
        %dma_wait3A_83 = arith.constant 0 : i32
        %dma_wait3A_84 = tpu.memref_slice %arg3[%add3A_50, %dma_wait3A_83] : memref<5120x64xi32, #tpu.memory_space<hbm>> -> memref<16x64xi32, #tpu.memory_space<hbm>>
        tpu.wait_dma2 semaphore(%run_scoped3A : memref<!tpu.dma_semaphore, #tpu.memory_space<semaphore_mem>>) src(%dma_wait3A_84 : memref<16x64xi32, #tpu.memory_space<hbm>>) dst(%arg8 : memref<16x64xi32, #tpu.memory_space<vmem>>)
        tpu.yield
      }) : () -> ()
      %mul3A_51 = arith.constant 16 : i32
      %mul3A_52 = arith.muli %scan3A_46, %mul3A_51 : i32
      %add3A_53 = arith.addi %mul3A_2, %mul3A_52 : i32
      "tpu.region"() ({
        %run_scoped3A = tpu.sem_alloc : memref<!tpu.dma_semaphore, #tpu.memory_space<semaphore_mem>>
        %dma_start3A_77 = arith.constant 0 : i32
        %dma_start3A_78 = tpu.memref_slice %arg4[%add3A_53, %dma_start3A_77] : memref<5120x64xi32, #tpu.memory_space<hbm>> -> memref<16x64xi32, #tpu.memory_space<hbm>>
        %dma_start3A_79 = arith.constant 0 : i32
        %dma_start3A_80 = tpu.memref_slice %arg4[%add3A_53, %dma_start3A_79] : memref<5120x64xi32, #tpu.memory_space<hbm>> -> memref<16x64xi32, #tpu.memory_space<hbm>>
        tpu.enqueue_dma source(%dma_start3A_80 : memref<16x64xi32, #tpu.memory_space<hbm>>) target(%arg9 : memref<16x64xi32, #tpu.memory_space<vmem>>) target_semaphore(%run_scoped3A : memref<!tpu.dma_semaphore, #tpu.memory_space<semaphore_mem>>)
        %dma_wait3A_81 = arith.constant 0 : i32
        %dma_wait3A_82 = tpu.memref_slice %arg4[%add3A_53, %dma_wait3A_81] : memref<5120x64xi32, #tpu.memory_space<hbm>> -> memref<16x64xi32, #tpu.memory_space<hbm>>
        %dma_wait3A_83 = arith.constant 0 : i32
        %dma_wait3A_84 = tpu.memref_slice %arg4[%add3A_53, %dma_wait3A_83] : memref<5120x64xi32, #tpu.memory_space<hbm>> -> memref<16x64xi32, #tpu.memory_space<hbm>>
        tpu.wait_dma2 semaphore(%run_scoped3A : memref<!tpu.dma_semaphore, #tpu.memory_space<semaphore_mem>>) src(%dma_wait3A_84 : memref<16x64xi32, #tpu.memory_space<hbm>>) dst(%arg9 : memref<16x64xi32, #tpu.memory_space<vmem>>)
        tpu.yield
      }) : () -> ()
      %mul3A_54 = arith.constant 16 : i32
      %mul3A_55 = arith.muli %scan3A_46, %mul3A_54 : i32
      %add3A_56 = arith.addi %mul3A_2, %mul3A_55 : i32
      "tpu.region"() ({
        %run_scoped3A = tpu.sem_alloc : memref<!tpu.dma_semaphore, #tpu.memory_space<semaphore_mem>>
        %dma_start3A_77 = arith.constant 0 : i32
        %dma_start3A_78 = tpu.memref_slice %arg5[%add3A_56, %dma_start3A_77] : memref<5120x64xf32, #tpu.memory_space<hbm>> -> memref<16x64xf32, #tpu.memory_space<hbm>>
        %dma_start3A_79 = arith.constant 0 : i32
        %dma_start3A_80 = tpu.memref_slice %arg5[%add3A_56, %dma_start3A_79] : memref<5120x64xf32, #tpu.memory_space<hbm>> -> memref<16x64xf32, #tpu.memory_space<hbm>>
        tpu.enqueue_dma source(%dma_start3A_80 : memref<16x64xf32, #tpu.memory_space<hbm>>) target(%arg10 : memref<16x64xf32, #tpu.memory_space<vmem>>) target_semaphore(%run_scoped3A : memref<!tpu.dma_semaphore, #tpu.memory_space<semaphore_mem>>)
        %dma_wait3A_81 = arith.constant 0 : i32
        %dma_wait3A_82 = tpu.memref_slice %arg5[%add3A_56, %dma_wait3A_81] : memref<5120x64xf32, #tpu.memory_space<hbm>> -> memref<16x64xf32, #tpu.memory_space<hbm>>
        %dma_wait3A_83 = arith.constant 0 : i32
        %dma_wait3A_84 = tpu.memref_slice %arg5[%add3A_56, %dma_wait3A_83] : memref<5120x64xf32, #tpu.memory_space<hbm>> -> memref<16x64xf32, #tpu.memory_space<hbm>>
        tpu.wait_dma2 semaphore(%run_scoped3A : memref<!tpu.dma_semaphore, #tpu.memory_space<semaphore_mem>>) src(%dma_wait3A_84 : memref<16x64xf32, #tpu.memory_space<hbm>>) dst(%arg10 : memref<16x64xf32, #tpu.memory_space<vmem>>)
        tpu.yield
      }) : () -> ()
      %dma_start3A = arith.constant 0 : i32
      %dma_start3A_57 = arith.constant 0 : i32
      %dma_start3A_58 = tpu.memref_slice %arg8[%dma_start3A, %dma_start3A_57] : memref<16x64xi32, #tpu.memory_space<vmem>> -> memref<1x64xi32, #tpu.memory_space<vmem>>
      %dma_start3A_59 = tpu.memref_squeeze %dma_start3A_58 : memref<1x64xi32, #tpu.memory_space<vmem>> -> memref<64xi32, #tpu.memory_space<vmem>>
      %dma_start3A_60 = arith.constant 0 : i32
      %dma_start3A_61 = arith.constant 0 : i32
      %dma_start3A_62 = tpu.memref_slice %arg2[%dma_start3A_60, %dma_start3A_61] : memref<10240x128xf32, #tpu.memory_space<hbm>> -> memref<10240x128xf32, #tpu.memory_space<hbm>>
      tpu.enqueue_indirect_dma source(%dma_start3A_62 : memref<10240x128xf32, #tpu.memory_space<hbm>>) target(%arg11 : memref<64x128xf32, #tpu.memory_space<vmem>>) offsets(%dma_start3A_59 : memref<64xi32, #tpu.memory_space<vmem>>) semaphore(%arg14 : memref<!tpu.dma_semaphore, #tpu.memory_space<semaphore_mem>>)
      %scan3A_63 = arith.constant 0 : i32
      %scan3A_64 = arith.constant 0 : i32
      %scan3A_65 = arith.constant 8 : i32
      %scan3A_66 = arith.addi %scan3A_64, %scan3A_65 : i32
      %scan3A_67 = arith.constant 1 : i32
      %scan3A_68 = scf.for %scan3A_77 = %scan3A_64 to %scan3A_66 step %scan3A_67 iter_args(%scan3A_78 = %scan3A_63) -> (i32)  : i32 {
        %mul3A_79 = arith.constant 2 : i32
        %mul3A_80 = arith.muli %scan3A_77, %mul3A_79 : i32
        %add3A_81 = arith.constant 0 : i32
        %add3A_82 = arith.addi %mul3A_80, %add3A_81 : i32
        %ge3A = arith.constant 1 : i32
        %ge3A_83 = arith.cmpi sge, %add3A_82, %ge3A : i32
        %convert_element_type3A = arith.extui %ge3A_83 : i1 to i32
        %cond3A = arith.constant 0 : i32
        %cond3A_84 = arith.cmpi ne, %convert_element_type3A, %cond3A : i32
        scf.if %cond3A_84 {
          %dma_wait3A_171 = arith.constant 0 : i32
          %dma_wait3A_172 = arith.constant 0 : i32
          %dma_wait3A_173 = tpu.memref_slice %arg9[%dma_wait3A_171, %dma_wait3A_172] : memref<16x64xi32, #tpu.memory_space<vmem>> -> memref<1x64xi32, #tpu.memory_space<vmem>>
          %dma_wait3A_174 = tpu.memref_squeeze %dma_wait3A_173 : memref<1x64xi32, #tpu.memory_space<vmem>> -> memref<64xi32, #tpu.memory_space<vmem>>
          %dma_wait3A_175 = arith.constant 0 : i32
          %dma_wait3A_176 = arith.constant 0 : i32
          %dma_wait3A_177 = tpu.memref_slice %arg7[%dma_wait3A_175, %dma_wait3A_176] : memref<10240x128xf32, #tpu.memory_space<vmem_shared>> -> memref<10240x128xf32, #tpu.memory_space<vmem_shared>>
          tpu.wait_indirect_dma semaphore(%arg17 : memref<!tpu.dma_semaphore, #tpu.memory_space<semaphore_mem>>) src(%arg12 : memref<64x128xf32, #tpu.memory_space<vmem>>) dst(%dma_wait3A_177 : memref<10240x128xf32, #tpu.memory_space<vmem_shared>>)
        } else {
        }
        %add3A_85 = arith.constant 1 : i32
        %add3A_86 = arith.addi %add3A_82, %add3A_85 : i32
        %lt3A = arith.constant 16 : i32
        %lt3A_87 = arith.cmpi slt, %add3A_86, %lt3A : i32
        %convert_element_type3A_88 = arith.extui %lt3A_87 : i1 to i32
        %cond3A_89 = arith.constant 0 : i32
        %cond3A_90 = arith.cmpi ne, %convert_element_type3A_88, %cond3A_89 : i32
        scf.if %cond3A_90 {
          %add3A_171 = arith.constant 1 : i32
          %add3A_172 = arith.addi %add3A_82, %add3A_171 : i32
          %dma_start3A_173 = arith.constant 0 : i32
          %dma_start3A_174 = tpu.memref_slice %arg8[%add3A_172, %dma_start3A_173] : memref<16x64xi32, #tpu.memory_space<vmem>> -> memref<1x64xi32, #tpu.memory_space<vmem>>
          %dma_start3A_175 = tpu.memref_squeeze %dma_start3A_174 : memref<1x64xi32, #tpu.memory_space<vmem>> -> memref<64xi32, #tpu.memory_space<vmem>>
          %dma_start3A_176 = arith.constant 0 : i32
          %dma_start3A_177 = arith.constant 0 : i32
          %dma_start3A_178 = tpu.memref_slice %arg2[%dma_start3A_176, %dma_start3A_177] : memref<10240x128xf32, #tpu.memory_space<hbm>> -> memref<10240x128xf32, #tpu.memory_space<hbm>>
          tpu.enqueue_indirect_dma source(%dma_start3A_178 : memref<10240x128xf32, #tpu.memory_space<hbm>>) target(%arg12 : memref<64x128xf32, #tpu.memory_space<vmem>>) offsets(%dma_start3A_175 : memref<64xi32, #tpu.memory_space<vmem>>) semaphore(%arg15 : memref<!tpu.dma_semaphore, #tpu.memory_space<semaphore_mem>>)
        } else {
        }
        %dma_wait3A_91 = arith.constant 0 : i32
        %dma_wait3A_92 = arith.constant 0 : i32
        %dma_wait3A_93 = tpu.memref_slice %arg8[%dma_wait3A_91, %dma_wait3A_92] : memref<16x64xi32, #tpu.memory_space<vmem>> -> memref<1x64xi32, #tpu.memory_space<vmem>>
        %dma_wait3A_94 = tpu.memref_squeeze %dma_wait3A_93 : memref<1x64xi32, #tpu.memory_space<vmem>> -> memref<64xi32, #tpu.memory_space<vmem>>
        %dma_wait3A_95 = arith.constant 0 : i32
        %dma_wait3A_96 = arith.constant 0 : i32
        %dma_wait3A_97 = tpu.memref_slice %arg2[%dma_wait3A_95, %dma_wait3A_96] : memref<10240x128xf32, #tpu.memory_space<hbm>> -> memref<10240x128xf32, #tpu.memory_space<hbm>>
        tpu.wait_indirect_dma semaphore(%arg14 : memref<!tpu.dma_semaphore, #tpu.memory_space<semaphore_mem>>) src(%dma_wait3A_97 : memref<10240x128xf32, #tpu.memory_space<hbm>>) dst(%arg11 : memref<64x128xf32, #tpu.memory_space<vmem>>)
        %get3A = arith.index_cast %add3A_82 : i32 to index
        %get3A_98 = arith.constant 0 : index
        %get3A_99 = tpu.vector_load %arg10[%get3A, %get3A_98] {strides = array<i32>} : memref<16x64xf32, #tpu.memory_space<vmem>>, vector<16xf32>,
        %get3A_100 = arith.index_cast %add3A_82 : i32 to index
        %get3A_101 = arith.constant 16 : index
        %get3A_102 = tpu.vector_load %arg10[%get3A_100, %get3A_101] {strides = array<i32>} : memref<16x64xf32, #tpu.memory_space<vmem>>, vector<16xf32>,
        %get3A_103 = arith.index_cast %add3A_82 : i32 to index
        %get3A_104 = arith.constant 32 : index
        %get3A_105 = tpu.vector_load %arg10[%get3A_103, %get3A_104] {strides = array<i32>} : memref<16x64xf32, #tpu.memory_space<vmem>>, vector<16xf32>,
        %get3A_106 = arith.index_cast %add3A_82 : i32 to index
        %get3A_107 = arith.constant 48 : index
        %get3A_108 = tpu.vector_load %arg10[%get3A_106, %get3A_107] {strides = array<i32>} : memref<16x64xf32, #tpu.memory_space<vmem>>, vector<16xf32>,
        %scan3A_109 = arith.constant 0 : i32
        %scan3A_110 = arith.constant 0 : i32
        %scan3A_111 = arith.constant 32 : i32
        %scan3A_112 = arith.addi %scan3A_110, %scan3A_111 : i32
        %scan3A_113 = arith.constant 1 : i32
        %scan3A_114 = scf.for %scan3A_171 = %scan3A_110 to %scan3A_112 step %scan3A_113 iter_args(%scan3A_172 = %scan3A_109) -> (i32)  : i32 {
          %mul3A_173 = arith.constant 4 : i32
          %mul3A_174 = arith.muli %scan3A_171, %mul3A_173 : i32
          %add3A_175 = arith.constant 0 : i32
          %add3A_176 = arith.addi %mul3A_174, %add3A_175 : i32
          %broadcast_in_dim3A = vector.broadcast %add3A_176 : i32 to vector<16xi32>
          %gather3A = tpu.vector_load_idx %arg11[%add3A_5, %broadcast_in_dim3A] : memref<64x128xf32, #tpu.memory_space<vmem>>[vector<16xi32>, vector<16xi32>], vector<16xf32>,
          %mul3A_177 = arith.mulf %gather3A, %get3A_99 : vector<16xf32>
          tpu.vector_store_idx %arg11[%add3A_5, %broadcast_in_dim3A], %mul3A_177 : memref<64x128xf32, #tpu.memory_space<vmem>>[vector<16xi32>, vector<16xi32>], vector<16xf32>,
          %gather3A_178 = tpu.vector_load_idx %arg11[%add3A_9, %broadcast_in_dim3A] : memref<64x128xf32, #tpu.memory_space<vmem>>[vector<16xi32>, vector<16xi32>], vector<16xf32>,
          %mul3A_179 = arith.mulf %gather3A_178, %get3A_102 : vector<16xf32>
          tpu.vector_store_idx %arg11[%add3A_9, %broadcast_in_dim3A], %mul3A_179 : memref<64x128xf32, #tpu.memory_space<vmem>>[vector<16xi32>, vector<16xi32>], vector<16xf32>,
          %gather3A_180 = tpu.vector_load_idx %arg11[%add3A_13, %broadcast_in_dim3A] : memref<64x128xf32, #tpu.memory_space<vmem>>[vector<16xi32>, vector<16xi32>], vector<16xf32>,
          %mul3A_181 = arith.mulf %gather3A_180, %get3A_105 : vector<16xf32>
          tpu.vector_store_idx %arg11[%add3A_13, %broadcast_in_dim3A], %mul3A_181 : memref<64x128xf32, #tpu.memory_space<vmem>>[vector<16xi32>, vector<16xi32>], vector<16xf32>,
          %gather3A_182 = tpu.vector_load_idx %arg11[%add3A_17, %broadcast_in_dim3A] : memref<64x128xf32, #tpu.memory_space<vmem>>[vector<16xi32>, vector<16xi32>], vector<16xf32>,
          %mul3A_183 = arith.mulf %gather3A_182, %get3A_108 : vector<16xf32>
          tpu.vector_store_idx %arg11[%add3A_17, %broadcast_in_dim3A], %mul3A_183 : memref<64x128xf32, #tpu.memory_space<vmem>>[vector<16xi32>, vector<16xi32>], vector<16xf32>,
          %mul3A_184 = arith.constant 4 : i32
          %mul3A_185 = arith.muli %scan3A_171, %mul3A_184 : i32
          %add3A_186 = arith.constant 1 : i32
          %add3A_187 = arith.addi %mul3A_185, %add3A_186 : i32
          %broadcast_in_dim3A_188 = vector.broadcast %add3A_187 : i32 to vector<16xi32>
          %gather3A_189 = tpu.vector_load_idx %arg11[%add3A_5, %broadcast_in_dim3A_188] : memref<64x128xf32, #tpu.memory_space<vmem>>[vector<16xi32>, vector<16xi32>], vector<16xf32>,
          %mul3A_190 = arith.mulf %gather3A_189, %get3A_99 : vector<16xf32>
          tpu.vector_store_idx %arg11[%add3A_5, %broadcast_in_dim3A_188], %mul3A_190 : memref<64x128xf32, #tpu.memory_space<vmem>>[vector<16xi32>, vector<16xi32>], vector<16xf32>,
          %gather3A_191 = tpu.vector_load_idx %arg11[%add3A_9, %broadcast_in_dim3A_188] : memref<64x128xf32, #tpu.memory_space<vmem>>[vector<16xi32>, vector<16xi32>], vector<16xf32>,
          %mul3A_192 = arith.mulf %gather3A_191, %get3A_102 : vector<16xf32>
          tpu.vector_store_idx %arg11[%add3A_9, %broadcast_in_dim3A_188], %mul3A_192 : memref<64x128xf32, #tpu.memory_space<vmem>>[vector<16xi32>, vector<16xi32>], vector<16xf32>,
          %gather3A_193 = tpu.vector_load_idx %arg11[%add3A_13, %broadcast_in_dim3A_188] : memref<64x128xf32, #tpu.memory_space<vmem>>[vector<16xi32>, vector<16xi32>], vector<16xf32>,
          %mul3A_194 = arith.mulf %gather3A_193, %get3A_105 : vector<16xf32>
          tpu.vector_store_idx %arg11[%add3A_13, %broadcast_in_dim3A_188], %mul3A_194 : memref<64x128xf32, #tpu.memory_space<vmem>>[vector<16xi32>, vector<16xi32>], vector<16xf32>,
          %gather3A_195 = tpu.vector_load_idx %arg11[%add3A_17, %broadcast_in_dim3A_188] : memref<64x128xf32, #tpu.memory_space<vmem>>[vector<16xi32>, vector<16xi32>], vector<16xf32>,
          %mul3A_196 = arith.mulf %gather3A_195, %get3A_108 : vector<16xf32>
          tpu.vector_store_idx %arg11[%add3A_17, %broadcast_in_dim3A_188], %mul3A_196 : memref<64x128xf32, #tpu.memory_space<vmem>>[vector<16xi32>, vector<16xi32>], vector<16xf32>,
          %mul3A_197 = arith.constant 4 : i32
          %mul3A_198 = arith.muli %scan3A_171, %mul3A_197 : i32
          %add3A_199 = arith.constant 2 : i32
          %add3A_200 = arith.addi %mul3A_198, %add3A_199 : i32
          %broadcast_in_dim3A_201 = vector.broadcast %add3A_200 : i32 to vector<16xi32>
          %gather3A_202 = tpu.vector_load_idx %arg11[%add3A_5, %broadcast_in_dim3A_201] : memref<64x128xf32, #tpu.memory_space<vmem>>[vector<16xi32>, vector<16xi32>], vector<16xf32>,
          %mul3A_203 = arith.mulf %gather3A_202, %get3A_99 : vector<16xf32>
          tpu.vector_store_idx %arg11[%add3A_5, %broadcast_in_dim3A_201], %mul3A_203 : memref<64x128xf32, #tpu.memory_space<vmem>>[vector<16xi32>, vector<16xi32>], vector<16xf32>,
          %gather3A_204 = tpu.vector_load_idx %arg11[%add3A_9, %broadcast_in_dim3A_201] : memref<64x128xf32, #tpu.memory_space<vmem>>[vector<16xi32>, vector<16xi32>], vector<16xf32>,
          %mul3A_205 = arith.mulf %gather3A_204, %get3A_102 : vector<16xf32>
          tpu.vector_store_idx %arg11[%add3A_9, %broadcast_in_dim3A_201], %mul3A_205 : memref<64x128xf32, #tpu.memory_space<vmem>>[vector<16xi32>, vector<16xi32>], vector<16xf32>,
          %gather3A_206 = tpu.vector_load_idx %arg11[%add3A_13, %broadcast_in_dim3A_201] : memref<64x128xf32, #tpu.memory_space<vmem>>[vector<16xi32>, vector<16xi32>], vector<16xf32>,
          %mul3A_207 = arith.mulf %gather3A_206, %get3A_105 : vector<16xf32>
          tpu.vector_store_idx %arg11[%add3A_13, %broadcast_in_dim3A_201], %mul3A_207 : memref<64x128xf32, #tpu.memory_space<vmem>>[vector<16xi32>, vector<16xi32>], vector<16xf32>,
          %gather3A_208 = tpu.vector_load_idx %arg11[%add3A_17, %broadcast_in_dim3A_201] : memref<64x128xf32, #tpu.memory_space<vmem>>[vector<16xi32>, vector<16xi32>], vector<16xf32>,
          %mul3A_209 = arith.mulf %gather3A_208, %get3A_108 : vector<16xf32>
          tpu.vector_store_idx %arg11[%add3A_17, %broadcast_in_dim3A_201], %mul3A_209 : memref<64x128xf32, #tpu.memory_space<vmem>>[vector<16xi32>, vector<16xi32>], vector<16xf32>,
          %mul3A_210 = arith.constant 4 : i32
          %mul3A_211 = arith.muli %scan3A_171, %mul3A_210 : i32
          %add3A_212 = arith.constant 3 : i32
          %add3A_213 = arith.addi %mul3A_211, %add3A_212 : i32
          %broadcast_in_dim3A_214 = vector.broadcast %add3A_213 : i32 to vector<16xi32>
          %gather3A_215 = tpu.vector_load_idx %arg11[%add3A_5, %broadcast_in_dim3A_214] : memref<64x128xf32, #tpu.memory_space<vmem>>[vector<16xi32>, vector<16xi32>], vector<16xf32>,
          %mul3A_216 = arith.mulf %gather3A_215, %get3A_99 : vector<16xf32>
          tpu.vector_store_idx %arg11[%add3A_5, %broadcast_in_dim3A_214], %mul3A_216 : memref<64x128xf32, #tpu.memory_space<vmem>>[vector<16xi32>, vector<16xi32>], vector<16xf32>,
          %gather3A_217 = tpu.vector_load_idx %arg11[%add3A_9, %broadcast_in_dim3A_214] : memref<64x128xf32, #tpu.memory_space<vmem>>[vector<16xi32>, vector<16xi32>], vector<16xf32>,
          %mul3A_218 = arith.mulf %gather3A_217, %get3A_102 : vector<16xf32>
          tpu.vector_store_idx %arg11[%add3A_9, %broadcast_in_dim3A_214], %mul3A_218 : memref<64x128xf32, #tpu.memory_space<vmem>>[vector<16xi32>, vector<16xi32>], vector<16xf32>,
          %gather3A_219 = tpu.vector_load_idx %arg11[%add3A_13, %broadcast_in_dim3A_214] : memref<64x128xf32, #tpu.memory_space<vmem>>[vector<16xi32>, vector<16xi32>], vector<16xf32>,
          %mul3A_220 = arith.mulf %gather3A_219, %get3A_105 : vector<16xf32>
          tpu.vector_store_idx %arg11[%add3A_13, %broadcast_in_dim3A_214], %mul3A_220 : memref<64x128xf32, #tpu.memory_space<vmem>>[vector<16xi32>, vector<16xi32>], vector<16xf32>,
          %gather3A_221 = tpu.vector_load_idx %arg11[%add3A_17, %broadcast_in_dim3A_214] : memref<64x128xf32, #tpu.memory_space<vmem>>[vector<16xi32>, vector<16xi32>], vector<16xf32>,
          %mul3A_222 = arith.mulf %gather3A_221, %get3A_108 : vector<16xf32>
          tpu.vector_store_idx %arg11[%add3A_17, %broadcast_in_dim3A_214], %mul3A_222 : memref<64x128xf32, #tpu.memory_space<vmem>>[vector<16xi32>, vector<16xi32>], vector<16xf32>,
          %scan3A_223 = arith.constant 0 : i32
          scf.yield %scan3A_223 : i32
        }
        %scan3A_115 = arith.constant 32 : i32
        %dma_start3A_116 = arith.constant 0 : i32
        %dma_start3A_117 = tpu.memref_slice %arg9[%add3A_82, %dma_start3A_116] : memref<16x64xi32, #tpu.memory_space<vmem>> -> memref<1x64xi32, #tpu.memory_space<vmem>>
        %dma_start3A_118 = tpu.memref_squeeze %dma_start3A_117 : memref<1x64xi32, #tpu.memory_space<vmem>> -> memref<64xi32, #tpu.memory_space<vmem>>
        %dma_start3A_119 = arith.constant 0 : i32
        %dma_start3A_120 = arith.constant 0 : i32
        %dma_start3A_121 = tpu.memref_slice %arg7[%dma_start3A_119, %dma_start3A_120] : memref<10240x128xf32, #tpu.memory_space<vmem_shared>> -> memref<10240x128xf32, #tpu.memory_space<vmem_shared>>
        tpu.enqueue_indirect_dma source(%arg11 : memref<64x128xf32, #tpu.memory_space<vmem>>) target(%dma_start3A_121 : memref<10240x128xf32, #tpu.memory_space<vmem_shared>>) offsets(%dma_start3A_118 : memref<64xi32, #tpu.memory_space<vmem>>) semaphore(%arg16 : memref<!tpu.dma_semaphore, #tpu.memory_space<semaphore_mem>>) {add = true}
        %mul3A_122 = arith.constant 2 : i32
        %mul3A_123 = arith.muli %scan3A_77, %mul3A_122 : i32
        %add3A_124 = arith.constant 1 : i32
        %add3A_125 = arith.addi %mul3A_123, %add3A_124 : i32
        %ge3A_126 = arith.constant 1 : i32
        %ge3A_127 = arith.cmpi sge, %add3A_125, %ge3A_126 : i32
        %convert_element_type3A_128 = arith.extui %ge3A_127 : i1 to i32
        %cond3A_129 = arith.constant 0 : i32
        %cond3A_130 = arith.cmpi ne, %convert_element_type3A_128, %cond3A_129 : i32
        scf.if %cond3A_130 {
          %dma_wait3A_171 = arith.constant 0 : i32
          %dma_wait3A_172 = arith.constant 0 : i32
          %dma_wait3A_173 = tpu.memref_slice %arg9[%dma_wait3A_171, %dma_wait3A_172] : memref<16x64xi32, #tpu.memory_space<vmem>> -> memref<1x64xi32, #tpu.memory_space<vmem>>
          %dma_wait3A_174 = tpu.memref_squeeze %dma_wait3A_173 : memref<1x64xi32, #tpu.memory_space<vmem>> -> memref<64xi32, #tpu.memory_space<vmem>>
          %dma_wait3A_175 = arith.constant 0 : i32
          %dma_wait3A_176 = arith.constant 0 : i32
          %dma_wait3A_177 = tpu.memref_slice %arg7[%dma_wait3A_175, %dma_wait3A_176] : memref<10240x128xf32, #tpu.memory_space<vmem_shared>> -> memref<10240x128xf32, #tpu.memory_space<vmem_shared>>
          tpu.wait_indirect_dma semaphore(%arg16 : memref<!tpu.dma_semaphore, #tpu.memory_space<semaphore_mem>>) src(%arg11 : memref<64x128xf32, #tpu.memory_space<vmem>>) dst(%dma_wait3A_177 : memref<10240x128xf32, #tpu.memory_space<vmem_shared>>)
        } else {
        }
        %add3A_131 = arith.constant 1 : i32
        %add3A_132 = arith.addi %add3A_125, %add3A_131 : i32
        %lt3A_133 = arith.constant 16 : i32
        %lt3A_134 = arith.cmpi slt, %add3A_132, %lt3A_133 : i32
        %convert_element_type3A_135 = arith.extui %lt3A_134 : i1 to i32
        %cond3A_136 = arith.constant 0 : i32
        %cond3A_137 = arith.cmpi ne, %convert_element_type3A_135, %cond3A_136 : i32
        scf.if %cond3A_137 {
          %add3A_171 = arith.constant 1 : i32
          %add3A_172 = arith.addi %add3A_125, %add3A_171 : i32
          %dma_start3A_173 = arith.constant 0 : i32
          %dma_start3A_174 = tpu.memref_slice %arg8[%add3A_172, %dma_start3A_173] : memref<16x64xi32, #tpu.memory_space<vmem>> -> memref<1x64xi32, #tpu.memory_space<vmem>>
          %dma_start3A_175 = tpu.memref_squeeze %dma_start3A_174 : memref<1x64xi32, #tpu.memory_space<vmem>> -> memref<64xi32, #tpu.memory_space<vmem>>
          %dma_start3A_176 = arith.constant 0 : i32
          %dma_start3A_177 = arith.constant 0 : i32
          %dma_start3A_178 = tpu.memref_slice %arg2[%dma_start3A_176, %dma_start3A_177] : memref<10240x128xf32, #tpu.memory_space<hbm>> -> memref<10240x128xf32, #tpu.memory_space<hbm>>
          tpu.enqueue_indirect_dma source(%dma_start3A_178 : memref<10240x128xf32, #tpu.memory_space<hbm>>) target(%arg11 : memref<64x128xf32, #tpu.memory_space<vmem>>) offsets(%dma_start3A_175 : memref<64xi32, #tpu.memory_space<vmem>>) semaphore(%arg14 : memref<!tpu.dma_semaphore, #tpu.memory_space<semaphore_mem>>)
        } else {
        }
        %dma_wait3A_138 = arith.constant 0 : i32
        %dma_wait3A_139 = arith.constant 0 : i32
        %dma_wait3A_140 = tpu.memref_slice %arg8[%dma_wait3A_138, %dma_wait3A_139] : memref<16x64xi32, #tpu.memory_space<vmem>> -> memref<1x64xi32, #tpu.memory_space<vmem>>
        %dma_wait3A_141 = tpu.memref_squeeze %dma_wait3A_140 : memref<1x64xi32, #tpu.memory_space<vmem>> -> memref<64xi32, #tpu.memory_space<vmem>>
        %dma_wait3A_142 = arith.constant 0 : i32
        %dma_wait3A_143 = arith.constant 0 : i32
        %dma_wait3A_144 = tpu.memref_slice %arg2[%dma_wait3A_142, %dma_wait3A_143] : memref<10240x128xf32, #tpu.memory_space<hbm>> -> memref<10240x128xf32, #tpu.memory_space<hbm>>
        tpu.wait_indirect_dma semaphore(%arg15 : memref<!tpu.dma_semaphore, #tpu.memory_space<semaphore_mem>>) src(%dma_wait3A_144 : memref<10240x128xf32, #tpu.memory_space<hbm>>) dst(%arg12 : memref<64x128xf32, #tpu.memory_space<vmem>>)
        %get3A_145 = arith.index_cast %add3A_125 : i32 to index
        %get3A_146 = arith.constant 0 : index
        %get3A_147 = tpu.vector_load %arg10[%get3A_145, %get3A_146] {strides = array<i32>} : memref<16x64xf32, #tpu.memory_space<vmem>>, vector<16xf32>,
        %get3A_148 = arith.index_cast %add3A_125 : i32 to index
        %get3A_149 = arith.constant 16 : index
        %get3A_150 = tpu.vector_load %arg10[%get3A_148, %get3A_149] {strides = array<i32>} : memref<16x64xf32, #tpu.memory_space<vmem>>, vector<16xf32>,
        %get3A_151 = arith.index_cast %add3A_125 : i32 to index
        %get3A_152 = arith.constant 32 : index
        %get3A_153 = tpu.vector_load %arg10[%get3A_151, %get3A_152] {strides = array<i32>} : memref<16x64xf32, #tpu.memory_space<vmem>>, vector<16xf32>,
        %get3A_154 = arith.index_cast %add3A_125 : i32 to index
        %get3A_155 = arith.constant 48 : index
        %get3A_156 = tpu.vector_load %arg10[%get3A_154, %get3A_155] {strides = array<i32>} : memref<16x64xf32, #tpu.memory_space<vmem>>, vector<16xf32>,
        %scan3A_157 = arith.constant 0 : i32
        %scan3A_158 = arith.constant 0 : i32
        %scan3A_159 = arith.constant 32 : i32
        %scan3A_160 = arith.addi %scan3A_158, %scan3A_159 : i32
        %scan3A_161 = arith.constant 1 : i32
        %scan3A_162 = scf.for %scan3A_171 = %scan3A_158 to %scan3A_160 step %scan3A_161 iter_args(%scan3A_172 = %scan3A_157) -> (i32)  : i32 {
          %mul3A_173 = arith.constant 4 : i32
          %mul3A_174 = arith.muli %scan3A_171, %mul3A_173 : i32
          %add3A_175 = arith.constant 0 : i32
          %add3A_176 = arith.addi %mul3A_174, %add3A_175 : i32
          %broadcast_in_dim3A = vector.broadcast %add3A_176 : i32 to vector<16xi32>
          %gather3A = tpu.vector_load_idx %arg12[%add3A_5, %broadcast_in_dim3A] : memref<64x128xf32, #tpu.memory_space<vmem>>[vector<16xi32>, vector<16xi32>], vector<16xf32>,
          %mul3A_177 = arith.mulf %gather3A, %get3A_147 : vector<16xf32>
          tpu.vector_store_idx %arg12[%add3A_5, %broadcast_in_dim3A], %mul3A_177 : memref<64x128xf32, #tpu.memory_space<vmem>>[vector<16xi32>, vector<16xi32>], vector<16xf32>,
          %gather3A_178 = tpu.vector_load_idx %arg12[%add3A_9, %broadcast_in_dim3A] : memref<64x128xf32, #tpu.memory_space<vmem>>[vector<16xi32>, vector<16xi32>], vector<16xf32>,
          %mul3A_179 = arith.mulf %gather3A_178, %get3A_150 : vector<16xf32>
          tpu.vector_store_idx %arg12[%add3A_9, %broadcast_in_dim3A], %mul3A_179 : memref<64x128xf32, #tpu.memory_space<vmem>>[vector<16xi32>, vector<16xi32>], vector<16xf32>,
          %gather3A_180 = tpu.vector_load_idx %arg12[%add3A_13, %broadcast_in_dim3A] : memref<64x128xf32, #tpu.memory_space<vmem>>[vector<16xi32>, vector<16xi32>], vector<16xf32>,
          %mul3A_181 = arith.mulf %gather3A_180, %get3A_153 : vector<16xf32>
          tpu.vector_store_idx %arg12[%add3A_13, %broadcast_in_dim3A], %mul3A_181 : memref<64x128xf32, #tpu.memory_space<vmem>>[vector<16xi32>, vector<16xi32>], vector<16xf32>,
          %gather3A_182 = tpu.vector_load_idx %arg12[%add3A_17, %broadcast_in_dim3A] : memref<64x128xf32, #tpu.memory_space<vmem>>[vector<16xi32>, vector<16xi32>], vector<16xf32>,
          %mul3A_183 = arith.mulf %gather3A_182, %get3A_156 : vector<16xf32>
          tpu.vector_store_idx %arg12[%add3A_17, %broadcast_in_dim3A], %mul3A_183 : memref<64x128xf32, #tpu.memory_space<vmem>>[vector<16xi32>, vector<16xi32>], vector<16xf32>,
          %mul3A_184 = arith.constant 4 : i32
          %mul3A_185 = arith.muli %scan3A_171, %mul3A_184 : i32
          %add3A_186 = arith.constant 1 : i32
          %add3A_187 = arith.addi %mul3A_185, %add3A_186 : i32
          %broadcast_in_dim3A_188 = vector.broadcast %add3A_187 : i32 to vector<16xi32>
          %gather3A_189 = tpu.vector_load_idx %arg12[%add3A_5, %broadcast_in_dim3A_188] : memref<64x128xf32, #tpu.memory_space<vmem>>[vector<16xi32>, vector<16xi32>], vector<16xf32>,
          %mul3A_190 = arith.mulf %gather3A_189, %get3A_147 : vector<16xf32>
          tpu.vector_store_idx %arg12[%add3A_5, %broadcast_in_dim3A_188], %mul3A_190 : memref<64x128xf32, #tpu.memory_space<vmem>>[vector<16xi32>, vector<16xi32>], vector<16xf32>,
          %gather3A_191 = tpu.vector_load_idx %arg12[%add3A_9, %broadcast_in_dim3A_188] : memref<64x128xf32, #tpu.memory_space<vmem>>[vector<16xi32>, vector<16xi32>], vector<16xf32>,
          %mul3A_192 = arith.mulf %gather3A_191, %get3A_150 : vector<16xf32>
          tpu.vector_store_idx %arg12[%add3A_9, %broadcast_in_dim3A_188], %mul3A_192 : memref<64x128xf32, #tpu.memory_space<vmem>>[vector<16xi32>, vector<16xi32>], vector<16xf32>,
          %gather3A_193 = tpu.vector_load_idx %arg12[%add3A_13, %broadcast_in_dim3A_188] : memref<64x128xf32, #tpu.memory_space<vmem>>[vector<16xi32>, vector<16xi32>], vector<16xf32>,
          %mul3A_194 = arith.mulf %gather3A_193, %get3A_153 : vector<16xf32>
          tpu.vector_store_idx %arg12[%add3A_13, %broadcast_in_dim3A_188], %mul3A_194 : memref<64x128xf32, #tpu.memory_space<vmem>>[vector<16xi32>, vector<16xi32>], vector<16xf32>,
          %gather3A_195 = tpu.vector_load_idx %arg12[%add3A_17, %broadcast_in_dim3A_188] : memref<64x128xf32, #tpu.memory_space<vmem>>[vector<16xi32>, vector<16xi32>], vector<16xf32>,
          %mul3A_196 = arith.mulf %gather3A_195, %get3A_156 : vector<16xf32>
          tpu.vector_store_idx %arg12[%add3A_17, %broadcast_in_dim3A_188], %mul3A_196 : memref<64x128xf32, #tpu.memory_space<vmem>>[vector<16xi32>, vector<16xi32>], vector<16xf32>,
          %mul3A_197 = arith.constant 4 : i32
          %mul3A_198 = arith.muli %scan3A_171, %mul3A_197 : i32
          %add3A_199 = arith.constant 2 : i32
          %add3A_200 = arith.addi %mul3A_198, %add3A_199 : i32
          %broadcast_in_dim3A_201 = vector.broadcast %add3A_200 : i32 to vector<16xi32>
          %gather3A_202 = tpu.vector_load_idx %arg12[%add3A_5, %broadcast_in_dim3A_201] : memref<64x128xf32, #tpu.memory_space<vmem>>[vector<16xi32>, vector<16xi32>], vector<16xf32>,
          %mul3A_203 = arith.mulf %gather3A_202, %get3A_147 : vector<16xf32>
          tpu.vector_store_idx %arg12[%add3A_5, %broadcast_in_dim3A_201], %mul3A_203 : memref<64x128xf32, #tpu.memory_space<vmem>>[vector<16xi32>, vector<16xi32>], vector<16xf32>,
          %gather3A_204 = tpu.vector_load_idx %arg12[%add3A_9, %broadcast_in_dim3A_201] : memref<64x128xf32, #tpu.memory_space<vmem>>[vector<16xi32>, vector<16xi32>], vector<16xf32>,
          %mul3A_205 = arith.mulf %gather3A_204, %get3A_150 : vector<16xf32>
          tpu.vector_store_idx %arg12[%add3A_9, %broadcast_in_dim3A_201], %mul3A_205 : memref<64x128xf32, #tpu.memory_space<vmem>>[vector<16xi32>, vector<16xi32>], vector<16xf32>,
          %gather3A_206 = tpu.vector_load_idx %arg12[%add3A_13, %broadcast_in_dim3A_201] : memref<64x128xf32, #tpu.memory_space<vmem>>[vector<16xi32>, vector<16xi32>], vector<16xf32>,
          %mul3A_207 = arith.mulf %gather3A_206, %get3A_153 : vector<16xf32>
          tpu.vector_store_idx %arg12[%add3A_13, %broadcast_in_dim3A_201], %mul3A_207 : memref<64x128xf32, #tpu.memory_space<vmem>>[vector<16xi32>, vector<16xi32>], vector<16xf32>,
          %gather3A_208 = tpu.vector_load_idx %arg12[%add3A_17, %broadcast_in_dim3A_201] : memref<64x128xf32, #tpu.memory_space<vmem>>[vector<16xi32>, vector<16xi32>], vector<16xf32>,
          %mul3A_209 = arith.mulf %gather3A_208, %get3A_156 : vector<16xf32>
          tpu.vector_store_idx %arg12[%add3A_17, %broadcast_in_dim3A_201], %mul3A_209 : memref<64x128xf32, #tpu.memory_space<vmem>>[vector<16xi32>, vector<16xi32>], vector<16xf32>,
          %mul3A_210 = arith.constant 4 : i32
          %mul3A_211 = arith.muli %scan3A_171, %mul3A_210 : i32
          %add3A_212 = arith.constant 3 : i32
          %add3A_213 = arith.addi %mul3A_211, %add3A_212 : i32
          %broadcast_in_dim3A_214 = vector.broadcast %add3A_213 : i32 to vector<16xi32>
          %gather3A_215 = tpu.vector_load_idx %arg12[%add3A_5, %broadcast_in_dim3A_214] : memref<64x128xf32, #tpu.memory_space<vmem>>[vector<16xi32>, vector<16xi32>], vector<16xf32>,
          %mul3A_216 = arith.mulf %gather3A_215, %get3A_147 : vector<16xf32>
          tpu.vector_store_idx %arg12[%add3A_5, %broadcast_in_dim3A_214], %mul3A_216 : memref<64x128xf32, #tpu.memory_space<vmem>>[vector<16xi32>, vector<16xi32>], vector<16xf32>,
          %gather3A_217 = tpu.vector_load_idx %arg12[%add3A_9, %broadcast_in_dim3A_214] : memref<64x128xf32, #tpu.memory_space<vmem>>[vector<16xi32>, vector<16xi32>], vector<16xf32>,
          %mul3A_218 = arith.mulf %gather3A_217, %get3A_150 : vector<16xf32>
          tpu.vector_store_idx %arg12[%add3A_9, %broadcast_in_dim3A_214], %mul3A_218 : memref<64x128xf32, #tpu.memory_space<vmem>>[vector<16xi32>, vector<16xi32>], vector<16xf32>,
          %gather3A_219 = tpu.vector_load_idx %arg12[%add3A_13, %broadcast_in_dim3A_214] : memref<64x128xf32, #tpu.memory_space<vmem>>[vector<16xi32>, vector<16xi32>], vector<16xf32>,
          %mul3A_220 = arith.mulf %gather3A_219, %get3A_153 : vector<16xf32>
          tpu.vector_store_idx %arg12[%add3A_13, %broadcast_in_dim3A_214], %mul3A_220 : memref<64x128xf32, #tpu.memory_space<vmem>>[vector<16xi32>, vector<16xi32>], vector<16xf32>,
          %gather3A_221 = tpu.vector_load_idx %arg12[%add3A_17, %broadcast_in_dim3A_214] : memref<64x128xf32, #tpu.memory_space<vmem>>[vector<16xi32>, vector<16xi32>], vector<16xf32>,
          %mul3A_222 = arith.mulf %gather3A_221, %get3A_156 : vector<16xf32>
          tpu.vector_store_idx %arg12[%add3A_17, %broadcast_in_dim3A_214], %mul3A_222 : memref<64x128xf32, #tpu.memory_space<vmem>>[vector<16xi32>, vector<16xi32>], vector<16xf32>,
          %scan3A_223 = arith.constant 0 : i32
          scf.yield %scan3A_223 : i32
        }
        %scan3A_163 = arith.constant 32 : i32
        %dma_start3A_164 = arith.constant 0 : i32
        %dma_start3A_165 = tpu.memref_slice %arg9[%add3A_125, %dma_start3A_164] : memref<16x64xi32, #tpu.memory_space<vmem>> -> memref<1x64xi32, #tpu.memory_space<vmem>>
        %dma_start3A_166 = tpu.memref_squeeze %dma_start3A_165 : memref<1x64xi32, #tpu.memory_space<vmem>> -> memref<64xi32, #tpu.memory_space<vmem>>
        %dma_start3A_167 = arith.constant 0 : i32
        %dma_start3A_168 = arith.constant 0 : i32
        %dma_start3A_169 = tpu.memref_slice %arg7[%dma_start3A_167, %dma_start3A_168] : memref<10240x128xf32, #tpu.memory_space<vmem_shared>> -> memref<10240x128xf32, #tpu.memory_space<vmem_shared>>
        tpu.enqueue_indirect_dma source(%arg12 : memref<64x128xf32, #tpu.memory_space<vmem>>) target(%dma_start3A_169 : memref<10240x128xf32, #tpu.memory_space<vmem_shared>>) offsets(%dma_start3A_166 : memref<64xi32, #tpu.memory_space<vmem>>) semaphore(%arg17 : memref<!tpu.dma_semaphore, #tpu.memory_space<semaphore_mem>>) {add = true}
        %scan3A_170 = arith.constant 0 : i32
        scf.yield %scan3A_170 : i32
      }
      %scan3A_69 = arith.constant 8 : i32
      %dma_wait3A = arith.constant 0 : i32
      %dma_wait3A_70 = arith.constant 0 : i32
      %dma_wait3A_71 = tpu.memref_slice %arg9[%dma_wait3A, %dma_wait3A_70] : memref<16x64xi32, #tpu.memory_space<vmem>> -> memref<1x64xi32, #tpu.memory_space<vmem>>
      %dma_wait3A_72 = tpu.memref_squeeze %dma_wait3A_71 : memref<1x64xi32, #tpu.memory_space<vmem>> -> memref<64xi32, #tpu.memory_space<vmem>>
      %dma_wait3A_73 = arith.constant 0 : i32
      %dma_wait3A_74 = arith.constant 0 : i32
      %dma_wait3A_75 = tpu.memref_slice %arg7[%dma_wait3A_73, %dma_wait3A_74] : memref<10240x128xf32, #tpu.memory_space<vmem_shared>> -> memref<10240x128xf32, #tpu.memory_space<vmem_shared>>
      tpu.wait_indirect_dma semaphore(%arg17 : memref<!tpu.dma_semaphore, #tpu.memory_space<semaphore_mem>>) src(%arg12 : memref<64x128xf32, #tpu.memory_space<vmem>>) dst(%dma_wait3A_75 : memref<10240x128xf32, #tpu.memory_space<vmem_shared>>)
      %scan3A_76 = arith.constant 0 : i32
      scf.yield %scan3A_76 : i32
    }
    %scan3A_37 = arith.constant 10 : i32
    %barrier3A_38 = arith.constant 0 : index
    tpu.barrier barrier_id(%barrier3A_38)
    %mul3A_39 = arith.constant 640 : i32
    %mul3A_40 = arith.muli %arg1, %mul3A_39 : i32
    %mul3A_41 = arith.constant 10240 : i32
    %mul3A_42 = arith.muli %arg0, %mul3A_41 : i32
    %mul3A_43 = arith.constant 640 : i32
    %mul3A_44 = arith.muli %arg1, %mul3A_43 : i32
    %add3A_45 = arith.addi %mul3A_42, %mul3A_44 : i32
    "tpu.region"() ({
      %run_scoped3A = tpu.sem_alloc : memref<!tpu.dma_semaphore, #tpu.memory_space<semaphore_mem>>
      %dma_start3A = arith.constant 0 : i32
      %dma_start3A_46 = tpu.memref_slice %arg6[%add3A_45, %dma_start3A] : memref<20480x128xf32, #tpu.memory_space<hbm>> -> memref<640x128xf32, #tpu.memory_space<hbm>>
      %dma_start3A_47 = arith.constant 0 : i32
      %dma_start3A_48 = tpu.memref_slice %arg7[%mul3A_40, %dma_start3A_47] : memref<10240x128xf32, #tpu.memory_space<vmem_shared>> -> memref<640x128xf32, #tpu.memory_space<vmem_shared>>
      tpu.enqueue_dma source(%dma_start3A_48 : memref<640x128xf32, #tpu.memory_space<vmem_shared>>) target(%dma_start3A_46 : memref<640x128xf32, #tpu.memory_space<hbm>>) target_semaphore(%run_scoped3A : memref<!tpu.dma_semaphore, #tpu.memory_space<semaphore_mem>>)
      %dma_wait3A = arith.constant 0 : i32
      %dma_wait3A_49 = tpu.memref_slice %arg6[%add3A_45, %dma_wait3A] : memref<20480x128xf32, #tpu.memory_space<hbm>> -> memref<640x128xf32, #tpu.memory_space<hbm>>
      %dma_wait3A_50 = arith.constant 0 : i32
      %dma_wait3A_51 = tpu.memref_slice %arg7[%mul3A_40, %dma_wait3A_50] : memref<10240x128xf32, #tpu.memory_space<vmem_shared>> -> memref<640x128xf32, #tpu.memory_space<vmem_shared>>
      tpu.wait_dma2 semaphore(%run_scoped3A : memref<!tpu.dma_semaphore, #tpu.memory_space<semaphore_mem>>) src(%dma_wait3A_51 : memref<640x128xf32, #tpu.memory_space<vmem_shared>>) dst(%dma_wait3A_49 : memref<640x128xf32, #tpu.memory_space<hbm>>)
      tpu.yield
    }) : () -> ()
    return
  }
}

#map = affine_map<(d0, d1) -> (0, 0)>
#map1 = affine_map<(d0, d1) -> (0)>
module attributes {stable_mosaic.version = 14 : i64} {
  func.func @gcn_deg_sc(%arg0: i32, %arg1: i32, %arg2: memref<2560x128xi32, #tpu.memory_space<hbm>>, %arg3: memref<2560x128xf32, #tpu.memory_space<hbm>>, %arg4: memref<20480xf32, #tpu.memory_space<hbm>>, %arg5: memref<10240xf32, #tpu.memory_space<vmem_shared>>, %arg6: memref<80x128xi32, #tpu.memory_space<vmem>>, %arg7: memref<80x128xf32, #tpu.memory_space<vmem>>, %arg8: memref<640xf32, #tpu.memory_space<vmem>>, %arg9: memref<!tpu.dma_semaphore, #tpu.memory_space<semaphore_mem>>) attributes {dimension_semantics = [#tpu.dimension_semantics<core_parallel>, #tpu.dimension_semantics<subcore_parallel>], iteration_bounds = array<i64: 2, 16>, scalar_prefetch = 0 : i64, scratch_operands = 5 : i64, tpu.core_type = #tpu.core_type<sc_vector_subcore>, window_params = [{transform_indices = #map}, {transform_indices = #map}, {transform_indices = #map1}]} {
    %mul3A = arith.constant 16 : i32
    %mul3A_0 = arith.muli %arg0, %mul3A : i32
    %add3A = arith.addi %mul3A_0, %arg1 : i32
    %scan3A = arith.constant 0 : i32
    %scan3A_1 = arith.constant 0 : i32
    %scan3A_2 = arith.constant 40 : i32
    %scan3A_3 = arith.addi %scan3A_1, %scan3A_2 : i32
    %scan3A_4 = arith.constant 1 : i32
    %scan3A_5 = scf.for %scan3A_26 = %scan3A_1 to %scan3A_3 step %scan3A_4 iter_args(%scan3A_27 = %scan3A) -> (i32)  : i32 {
      %broadcast_in_dim3A = arith.constant 0.000000e+00 : f32
      %broadcast_in_dim3A_28 = vector.broadcast %broadcast_in_dim3A : f32 to vector<16xf32>
      %mul3A_29 = arith.constant 16 : i32
      %mul3A_30 = arith.muli %scan3A_26, %mul3A_29 : i32
      %swap3A = arith.index_cast %mul3A_30 : i32 to index
      %swap3A_31 = tpu.vector_load %arg8[%swap3A] {strides = array<i32>} : memref<640xf32, #tpu.memory_space<vmem>>, vector<16xf32>,
      tpu.vector_store %arg8[%swap3A], %broadcast_in_dim3A_28 {strides = array<i32>} : memref<640xf32, #tpu.memory_space<vmem>>, vector<16xf32>,
      %scan3A_32 = arith.constant 0 : i32
      scf.yield %scan3A_32 : i32
    }
    %scan3A_6 = arith.constant 40 : i32
    %mul3A_7 = arith.constant 640 : i32
    %mul3A_8 = arith.muli %arg1, %mul3A_7 : i32
    "tpu.region"() ({
      %run_scoped3A = tpu.sem_alloc : memref<!tpu.dma_semaphore, #tpu.memory_space<semaphore_mem>>
      %dma_start3A = tpu.memref_slice %arg5[%mul3A_8] : memref<10240xf32, #tpu.memory_space<vmem_shared>> -> memref<640xf32, #tpu.memory_space<vmem_shared>>
      %dma_start3A_26 = tpu.memref_slice %arg5[%mul3A_8] : memref<10240xf32, #tpu.memory_space<vmem_shared>> -> memref<640xf32, #tpu.memory_space<vmem_shared>>
      tpu.enqueue_dma source(%arg8 : memref<640xf32, #tpu.memory_space<vmem>>) target(%dma_start3A_26 : memref<640xf32, #tpu.memory_space<vmem_shared>>) target_semaphore(%run_scoped3A : memref<!tpu.dma_semaphore, #tpu.memory_space<semaphore_mem>>)
      %dma_wait3A = tpu.memref_slice %arg5[%mul3A_8] : memref<10240xf32, #tpu.memory_space<vmem_shared>> -> memref<640xf32, #tpu.memory_space<vmem_shared>>
      %dma_wait3A_27 = tpu.memref_slice %arg5[%mul3A_8] : memref<10240xf32, #tpu.memory_space<vmem_shared>> -> memref<640xf32, #tpu.memory_space<vmem_shared>>
      tpu.wait_dma2 semaphore(%run_scoped3A : memref<!tpu.dma_semaphore, #tpu.memory_space<semaphore_mem>>) src(%arg8 : memref<640xf32, #tpu.memory_space<vmem>>) dst(%dma_wait3A_27 : memref<640xf32, #tpu.memory_space<vmem_shared>>)
      tpu.yield
    }) : () -> ()
    %barrier3A = arith.constant 0 : index
    tpu.barrier barrier_id(%barrier3A)
    %mul3A_9 = arith.constant 80 : i32
    %mul3A_10 = arith.muli %add3A, %mul3A_9 : i32
    "tpu.region"() ({
      %run_scoped3A = tpu.sem_alloc : memref<!tpu.dma_semaphore, #tpu.memory_space<semaphore_mem>>
      %dma_start3A = arith.constant 0 : i32
      %dma_start3A_26 = tpu.memref_slice %arg2[%mul3A_10, %dma_start3A] : memref<2560x128xi32, #tpu.memory_space<hbm>> -> memref<80x128xi32, #tpu.memory_space<hbm>>
      %dma_start3A_27 = arith.constant 0 : i32
      %dma_start3A_28 = tpu.memref_slice %arg2[%mul3A_10, %dma_start3A_27] : memref<2560x128xi32, #tpu.memory_space<hbm>> -> memref<80x128xi32, #tpu.memory_space<hbm>>
      tpu.enqueue_dma source(%dma_start3A_28 : memref<80x128xi32, #tpu.memory_space<hbm>>) target(%arg6 : memref<80x128xi32, #tpu.memory_space<vmem>>) target_semaphore(%run_scoped3A : memref<!tpu.dma_semaphore, #tpu.memory_space<semaphore_mem>>)
      %dma_wait3A = arith.constant 0 : i32
      %dma_wait3A_29 = tpu.memref_slice %arg2[%mul3A_10, %dma_wait3A] : memref<2560x128xi32, #tpu.memory_space<hbm>> -> memref<80x128xi32, #tpu.memory_space<hbm>>
      %dma_wait3A_30 = arith.constant 0 : i32
      %dma_wait3A_31 = tpu.memref_slice %arg2[%mul3A_10, %dma_wait3A_30] : memref<2560x128xi32, #tpu.memory_space<hbm>> -> memref<80x128xi32, #tpu.memory_space<hbm>>
      tpu.wait_dma2 semaphore(%run_scoped3A : memref<!tpu.dma_semaphore, #tpu.memory_space<semaphore_mem>>) src(%dma_wait3A_31 : memref<80x128xi32, #tpu.memory_space<hbm>>) dst(%arg6 : memref<80x128xi32, #tpu.memory_space<vmem>>)
      tpu.yield
    }) : () -> ()
    "tpu.region"() ({
      %run_scoped3A = tpu.sem_alloc : memref<!tpu.dma_semaphore, #tpu.memory_space<semaphore_mem>>
      %dma_start3A = arith.constant 0 : i32
      %dma_start3A_26 = tpu.memref_slice %arg3[%mul3A_10, %dma_start3A] : memref<2560x128xf32, #tpu.memory_space<hbm>> -> memref<80x128xf32, #tpu.memory_space<hbm>>
      %dma_start3A_27 = arith.constant 0 : i32
      %dma_start3A_28 = tpu.memref_slice %arg3[%mul3A_10, %dma_start3A_27] : memref<2560x128xf32, #tpu.memory_space<hbm>> -> memref<80x128xf32, #tpu.memory_space<hbm>>
      tpu.enqueue_dma source(%dma_start3A_28 : memref<80x128xf32, #tpu.memory_space<hbm>>) target(%arg7 : memref<80x128xf32, #tpu.memory_space<vmem>>) target_semaphore(%run_scoped3A : memref<!tpu.dma_semaphore, #tpu.memory_space<semaphore_mem>>)
      %dma_wait3A = arith.constant 0 : i32
      %dma_wait3A_29 = tpu.memref_slice %arg3[%mul3A_10, %dma_wait3A] : memref<2560x128xf32, #tpu.memory_space<hbm>> -> memref<80x128xf32, #tpu.memory_space<hbm>>
      %dma_wait3A_30 = arith.constant 0 : i32
      %dma_wait3A_31 = tpu.memref_slice %arg3[%mul3A_10, %dma_wait3A_30] : memref<2560x128xf32, #tpu.memory_space<hbm>> -> memref<80x128xf32, #tpu.memory_space<hbm>>
      tpu.wait_dma2 semaphore(%run_scoped3A : memref<!tpu.dma_semaphore, #tpu.memory_space<semaphore_mem>>) src(%dma_wait3A_31 : memref<80x128xf32, #tpu.memory_space<hbm>>) dst(%arg7 : memref<80x128xf32, #tpu.memory_space<vmem>>)
      tpu.yield
    }) : () -> ()
    %scan3A_11 = arith.constant 0 : i32
    %scan3A_12 = arith.constant 0 : i32
    %scan3A_13 = arith.constant 5 : i32
    %scan3A_14 = arith.addi %scan3A_12, %scan3A_13 : i32
    %scan3A_15 = arith.constant 1 : i32
    %scan3A_16 = scf.for %scan3A_26 = %scan3A_12 to %scan3A_14 step %scan3A_15 iter_args(%scan3A_27 = %scan3A_11) -> (i32)  : i32 {
      %scan3A_28 = arith.constant 0 : i32
      %scan3A_29 = arith.constant 0 : i32
      %scan3A_30 = arith.constant 16 : i32
      %scan3A_31 = arith.addi %scan3A_29, %scan3A_30 : i32
      %scan3A_32 = arith.constant 1 : i32
      %scan3A_33 = scf.for %scan3A_43 = %scan3A_29 to %scan3A_31 step %scan3A_32 iter_args(%scan3A_44 = %scan3A_28) -> (i32)  : i32 {
        %mul3A_45 = arith.constant 16 : i32
        %mul3A_46 = arith.muli %scan3A_26, %mul3A_45 : i32
        %add3A_47 = arith.addi %mul3A_46, %scan3A_43 : i32
        %mul3A_48 = arith.constant 16 : i32
        %mul3A_49 = arith.muli %scan3A_26, %mul3A_48 : i32
        %add3A_50 = arith.addi %mul3A_49, %scan3A_43 : i32
        %dma_start3A = arith.constant 0 : i32
        %dma_start3A_51 = tpu.memref_slice %arg7[%add3A_47, %dma_start3A] : memref<80x128xf32, #tpu.memory_space<vmem>> -> memref<1x128xf32, #tpu.memory_space<vmem>>
        %dma_start3A_52 = tpu.memref_squeeze %dma_start3A_51 : memref<1x128xf32, #tpu.memory_space<vmem>> -> memref<128xf32, #tpu.memory_space<vmem>>
        %dma_start3A_53 = arith.constant 0 : i32
        %dma_start3A_54 = tpu.memref_slice %arg6[%add3A_50, %dma_start3A_53] : memref<80x128xi32, #tpu.memory_space<vmem>> -> memref<1x128xi32, #tpu.memory_space<vmem>>
        %dma_start3A_55 = tpu.memref_squeeze %dma_start3A_54 : memref<1x128xi32, #tpu.memory_space<vmem>> -> memref<128xi32, #tpu.memory_space<vmem>>
        %dma_start3A_56 = arith.constant 0 : i32
        %dma_start3A_57 = tpu.memref_slice %arg5[%dma_start3A_56] : memref<10240xf32, #tpu.memory_space<vmem_shared>> -> memref<10240xf32, #tpu.memory_space<vmem_shared>>
        tpu.enqueue_indirect_dma source(%dma_start3A_52 : memref<128xf32, #tpu.memory_space<vmem>>) target(%dma_start3A_57 : memref<10240xf32, #tpu.memory_space<vmem_shared>>) offsets(%dma_start3A_55 : memref<128xi32, #tpu.memory_space<vmem>>) semaphore(%arg9 : memref<!tpu.dma_semaphore, #tpu.memory_space<semaphore_mem>>) {add = true}
        %scan3A_58 = arith.constant 0 : i32
        scf.yield %scan3A_58 : i32
      }
      %scan3A_34 = arith.constant 16 : i32
      %scan3A_35 = arith.constant 0 : i32
      %scan3A_36 = arith.constant 0 : i32
      %scan3A_37 = arith.constant 16 : i32
      %scan3A_38 = arith.addi %scan3A_36, %scan3A_37 : i32
      %scan3A_39 = arith.constant 1 : i32
      %scan3A_40 = scf.for %scan3A_43 = %scan3A_36 to %scan3A_38 step %scan3A_39 iter_args(%scan3A_44 = %scan3A_35) -> (i32)  : i32 {
        %mul3A_45 = arith.constant 16 : i32
        %mul3A_46 = arith.muli %scan3A_26, %mul3A_45 : i32
        %add3A_47 = arith.addi %mul3A_46, %scan3A_43 : i32
        %mul3A_48 = arith.constant 16 : i32
        %mul3A_49 = arith.muli %scan3A_26, %mul3A_48 : i32
        %add3A_50 = arith.addi %mul3A_49, %scan3A_43 : i32
        %dma_wait3A = arith.constant 0 : i32
        %dma_wait3A_51 = tpu.memref_slice %arg7[%add3A_47, %dma_wait3A] : memref<80x128xf32, #tpu.memory_space<vmem>> -> memref<1x128xf32, #tpu.memory_space<vmem>>
        %dma_wait3A_52 = tpu.memref_squeeze %dma_wait3A_51 : memref<1x128xf32, #tpu.memory_space<vmem>> -> memref<128xf32, #tpu.memory_space<vmem>>
        %dma_wait3A_53 = arith.constant 0 : i32
        %dma_wait3A_54 = tpu.memref_slice %arg6[%add3A_50, %dma_wait3A_53] : memref<80x128xi32, #tpu.memory_space<vmem>> -> memref<1x128xi32, #tpu.memory_space<vmem>>
        %dma_wait3A_55 = tpu.memref_squeeze %dma_wait3A_54 : memref<1x128xi32, #tpu.memory_space<vmem>> -> memref<128xi32, #tpu.memory_space<vmem>>
        %dma_wait3A_56 = arith.constant 0 : i32
        %dma_wait3A_57 = tpu.memref_slice %arg5[%dma_wait3A_56] : memref<10240xf32, #tpu.memory_space<vmem_shared>> -> memref<10240xf32, #tpu.memory_space<vmem_shared>>
        tpu.wait_indirect_dma semaphore(%arg9 : memref<!tpu.dma_semaphore, #tpu.memory_space<semaphore_mem>>) src(%dma_wait3A_52 : memref<128xf32, #tpu.memory_space<vmem>>) dst(%dma_wait3A_57 : memref<10240xf32, #tpu.memory_space<vmem_shared>>)
        %scan3A_58 = arith.constant 0 : i32
        scf.yield %scan3A_58 : i32
      }
      %scan3A_41 = arith.constant 16 : i32
      %scan3A_42 = arith.constant 0 : i32
      scf.yield %scan3A_42 : i32
    }
    %scan3A_17 = arith.constant 5 : i32
    %barrier3A_18 = arith.constant 0 : index
    tpu.barrier barrier_id(%barrier3A_18)
    %mul3A_19 = arith.constant 640 : i32
    %mul3A_20 = arith.muli %arg1, %mul3A_19 : i32
    %mul3A_21 = arith.constant 10240 : i32
    %mul3A_22 = arith.muli %arg0, %mul3A_21 : i32
    %mul3A_23 = arith.constant 640 : i32
    %mul3A_24 = arith.muli %arg1, %mul3A_23 : i32
    %add3A_25 = arith.addi %mul3A_22, %mul3A_24 : i32
    "tpu.region"() ({
      %run_scoped3A = tpu.sem_alloc : memref<!tpu.dma_semaphore, #tpu.memory_space<semaphore_mem>>
      %dma_start3A = tpu.memref_slice %arg4[%add3A_25] : memref<20480xf32, #tpu.memory_space<hbm>> -> memref<640xf32, #tpu.memory_space<hbm>>
      %dma_start3A_26 = tpu.memref_slice %arg5[%mul3A_20] : memref<10240xf32, #tpu.memory_space<vmem_shared>> -> memref<640xf32, #tpu.memory_space<vmem_shared>>
      tpu.enqueue_dma source(%dma_start3A_26 : memref<640xf32, #tpu.memory_space<vmem_shared>>) target(%dma_start3A : memref<640xf32, #tpu.memory_space<hbm>>) target_semaphore(%run_scoped3A : memref<!tpu.dma_semaphore, #tpu.memory_space<semaphore_mem>>)
      %dma_wait3A = tpu.memref_slice %arg4[%add3A_25] : memref<20480xf32, #tpu.memory_space<hbm>> -> memref<640xf32, #tpu.memory_space<hbm>>
      %dma_wait3A_27 = tpu.memref_slice %arg5[%mul3A_20] : memref<10240xf32, #tpu.memory_space<vmem_shared>> -> memref<640xf32, #tpu.memory_space<vmem_shared>>
      tpu.wait_dma2 semaphore(%run_scoped3A : memref<!tpu.dma_semaphore, #tpu.memory_space<semaphore_mem>>) src(%dma_wait3A_27 : memref<640xf32, #tpu.memory_space<vmem_shared>>) dst(%dma_wait3A : memref<640xf32, #tpu.memory_space<hbm>>)
      tpu.yield
    }) : () -> ()
    return
  }
}

#map = affine_map<(d0, d1) -> (0, 0)>
module attributes {stable_mosaic.version = 14 : i64} {
  func.func @gcn_aggregate_sc(%arg0: i32, %arg1: i32, %arg2: memref<10240x128xf32, #tpu.memory_space<hbm>>, %arg3: memref<5120x64xi32, #tpu.memory_space<hbm>>, %arg4: memref<5120x64xi32, #tpu.memory_space<hbm>>, %arg5: memref<5120x64xf32, #tpu.memory_space<hbm>>, %arg6: memref<20480x128xf32, #tpu.memory_space<hbm>>, %arg7: memref<10240x128xf32, #tpu.memory_space<vmem_shared>>, %arg8: memref<16x64xi32, #tpu.memory_space<vmem>>, %arg9: memref<16x64xi32, #tpu.memory_space<vmem>>, %arg10: memref<16x64xf32, #tpu.memory_space<vmem>>, %arg11: memref<64x128xf32, #tpu.memory_space<vmem>>, %arg12: memref<64x128xf32, #tpu.memory_space<vmem>>, %arg13: memref<16x128xf32, #tpu.memory_space<vmem>>, %arg14: memref<!tpu.dma_semaphore, #tpu.memory_space<semaphore_mem>>, %arg15: memref<!tpu.dma_semaphore, #tpu.memory_space<semaphore_mem>>, %arg16: memref<!tpu.dma_semaphore, #tpu.memory_space<semaphore_mem>>, %arg17: memref<!tpu.dma_semaphore, #tpu.memory_space<semaphore_mem>>) attributes {dimension_semantics = [#tpu.dimension_semantics<core_parallel>, #tpu.dimension_semantics<subcore_parallel>], iteration_bounds = array<i64: 2, 16>, scalar_prefetch = 0 : i64, scratch_operands = 11 : i64, tpu.core_type = #tpu.core_type<sc_vector_subcore>, window_params = [{transform_indices = #map}, {transform_indices = #map}, {transform_indices = #map}, {transform_indices = #map}, {transform_indices = #map}]} {
    %mul3A = arith.constant 16 : i32
    %mul3A_0 = arith.muli %arg0, %mul3A : i32
    %add3A = arith.addi %mul3A_0, %arg1 : i32
    %mul3A_1 = arith.constant 160 : i32
    %mul3A_2 = arith.muli %add3A, %mul3A_1 : i32
    %iota3A = tpu.iota {dimensions = array<i32: 0>} : vector<16xi32>
    %add3A_3 = arith.constant 0 : i32
    %add3A_4 = vector.broadcast %add3A_3 : i32 to vector<16xi32>
    %add3A_5 = arith.addi %iota3A, %add3A_4 : vector<16xi32>
    %iota3A_6 = tpu.iota {dimensions = array<i32: 0>} : vector<16xi32>
    %add3A_7 = arith.constant 16 : i32
    %add3A_8 = vector.broadcast %add3A_7 : i32 to vector<16xi32>
    %add3A_9 = arith.addi %iota3A_6, %add3A_8 : vector<16xi32>
    %iota3A_10 = tpu.iota {dimensions = array<i32: 0>} : vector<16xi32>
    %add3A_11 = arith.constant 32 : i32
    %add3A_12 = vector.broadcast %add3A_11 : i32 to vector<16xi32>
    %add3A_13 = arith.addi %iota3A_10, %add3A_12 : vector<16xi32>
    %iota3A_14 = tpu.iota {dimensions = array<i32: 0>} : vector<16xi32>
    %add3A_15 = arith.constant 48 : i32
    %add3A_16 = vector.broadcast %add3A_15 : i32 to vector<16xi32>
    %add3A_17 = arith.addi %iota3A_14, %add3A_16 : vector<16xi32>
    %scan3A = arith.constant 0 : i32
    %scan3A_18 = arith.constant 0 : i32
    %scan3A_19 = arith.constant 16 : i32
    %scan3A_20 = arith.addi %scan3A_18, %scan3A_19 : i32
    %scan3A_21 = arith.constant 1 : i32
    %scan3A_22 = scf.for %scan3A_46 = %scan3A_18 to %scan3A_20 step %scan3A_21 iter_args(%scan3A_47 = %scan3A) -> (i32)  : i32 {
      %broadcast_in_dim3A = arith.constant 0.000000e+00 : f32
      %broadcast_in_dim3A_48 = vector.broadcast %broadcast_in_dim3A : f32 to vector<16xf32>
      %swap3A = arith.index_cast %scan3A_46 : i32 to index
      %swap3A_49 = arith.constant 0 : index
      %swap3A_50 = tpu.vector_load %arg13[%swap3A, %swap3A_49] {strides = array<i32>} : memref<16x128xf32, #tpu.memory_space<vmem>>, vector<16xf32>,
      tpu.vector_store %arg13[%swap3A, %swap3A_49], %broadcast_in_dim3A_48 {strides = array<i32>} : memref<16x128xf32, #tpu.memory_space<vmem>>, vector<16xf32>,
      %broadcast_in_dim3A_51 = arith.constant 0.000000e+00 : f32
      %broadcast_in_dim3A_52 = vector.broadcast %broadcast_in_dim3A_51 : f32 to vector<16xf32>
      %swap3A_53 = arith.index_cast %scan3A_46 : i32 to index
      %swap3A_54 = arith.constant 16 : index
      %swap3A_55 = tpu.vector_load %arg13[%swap3A_53, %swap3A_54] {strides = array<i32>} : memref<16x128xf32, #tpu.memory_space<vmem>>, vector<16xf32>,
      tpu.vector_store %arg13[%swap3A_53, %swap3A_54], %broadcast_in_dim3A_52 {strides = array<i32>} : memref<16x128xf32, #tpu.memory_space<vmem>>, vector<16xf32>,
      %broadcast_in_dim3A_56 = arith.constant 0.000000e+00 : f32
      %broadcast_in_dim3A_57 = vector.broadcast %broadcast_in_dim3A_56 : f32 to vector<16xf32>
      %swap3A_58 = arith.index_cast %scan3A_46 : i32 to index
      %swap3A_59 = arith.constant 32 : index
      %swap3A_60 = tpu.vector_load %arg13[%swap3A_58, %swap3A_59] {strides = array<i32>} : memref<16x128xf32, #tpu.memory_space<vmem>>, vector<16xf32>,
      tpu.vector_store %arg13[%swap3A_58, %swap3A_59], %broadcast_in_dim3A_57 {strides = array<i32>} : memref<16x128xf32, #tpu.memory_space<vmem>>, vector<16xf32>,
      %broadcast_in_dim3A_61 = arith.constant 0.000000e+00 : f32
      %broadcast_in_dim3A_62 = vector.broadcast %broadcast_in_dim3A_61 : f32 to vector<16xf32>
      %swap3A_63 = arith.index_cast %scan3A_46 : i32 to index
      %swap3A_64 = arith.constant 48 : index
      %swap3A_65 = tpu.vector_load %arg13[%swap3A_63, %swap3A_64] {strides = array<i32>} : memref<16x128xf32, #tpu.memory_space<vmem>>, vector<16xf32>,
      tpu.vector_store %arg13[%swap3A_63, %swap3A_64], %broadcast_in_dim3A_62 {strides = array<i32>} : memref<16x128xf32, #tpu.memory_space<vmem>>, vector<16xf32>,
      %broadcast_in_dim3A_66 = arith.constant 0.000000e+00 : f32
      %broadcast_in_dim3A_67 = vector.broadcast %broadcast_in_dim3A_66 : f32 to vector<16xf32>
      %swap3A_68 = arith.index_cast %scan3A_46 : i32 to index
      %swap3A_69 = arith.constant 64 : index
      %swap3A_70 = tpu.vector_load %arg13[%swap3A_68, %swap3A_69] {strides = array<i32>} : memref<16x128xf32, #tpu.memory_space<vmem>>, vector<16xf32>,
      tpu.vector_store %arg13[%swap3A_68, %swap3A_69], %broadcast_in_dim3A_67 {strides = array<i32>} : memref<16x128xf32, #tpu.memory_space<vmem>>, vector<16xf32>,
      %broadcast_in_dim3A_71 = arith.constant 0.000000e+00 : f32
      %broadcast_in_dim3A_72 = vector.broadcast %broadcast_in_dim3A_71 : f32 to vector<16xf32>
      %swap3A_73 = arith.index_cast %scan3A_46 : i32 to index
      %swap3A_74 = arith.constant 80 : index
      %swap3A_75 = tpu.vector_load %arg13[%swap3A_73, %swap3A_74] {strides = array<i32>} : memref<16x128xf32, #tpu.memory_space<vmem>>, vector<16xf32>,
      tpu.vector_store %arg13[%swap3A_73, %swap3A_74], %broadcast_in_dim3A_72 {strides = array<i32>} : memref<16x128xf32, #tpu.memory_space<vmem>>, vector<16xf32>,
      %broadcast_in_dim3A_76 = arith.constant 0.000000e+00 : f32
      %broadcast_in_dim3A_77 = vector.broadcast %broadcast_in_dim3A_76 : f32 to vector<16xf32>
      %swap3A_78 = arith.index_cast %scan3A_46 : i32 to index
      %swap3A_79 = arith.constant 96 : index
      %swap3A_80 = tpu.vector_load %arg13[%swap3A_78, %swap3A_79] {strides = array<i32>} : memref<16x128xf32, #tpu.memory_space<vmem>>, vector<16xf32>,
      tpu.vector_store %arg13[%swap3A_78, %swap3A_79], %broadcast_in_dim3A_77 {strides = array<i32>} : memref<16x128xf32, #tpu.memory_space<vmem>>, vector<16xf32>,
      %broadcast_in_dim3A_81 = arith.constant 0.000000e+00 : f32
      %broadcast_in_dim3A_82 = vector.broadcast %broadcast_in_dim3A_81 : f32 to vector<16xf32>
      %swap3A_83 = arith.index_cast %scan3A_46 : i32 to index
      %swap3A_84 = arith.constant 112 : index
      %swap3A_85 = tpu.vector_load %arg13[%swap3A_83, %swap3A_84] {strides = array<i32>} : memref<16x128xf32, #tpu.memory_space<vmem>>, vector<16xf32>,
      tpu.vector_store %arg13[%swap3A_83, %swap3A_84], %broadcast_in_dim3A_82 {strides = array<i32>} : memref<16x128xf32, #tpu.memory_space<vmem>>, vector<16xf32>,
      %scan3A_86 = arith.constant 0 : i32
      scf.yield %scan3A_86 : i32
    }
    %scan3A_23 = arith.constant 16 : i32
    %scan3A_24 = arith.constant 0 : i32
    %scan3A_25 = arith.constant 0 : i32
    %scan3A_26 = arith.constant 40 : i32
    %scan3A_27 = arith.addi %scan3A_25, %scan3A_26 : i32
    %scan3A_28 = arith.constant 1 : i32
    %scan3A_29 = scf.for %scan3A_46 = %scan3A_25 to %scan3A_27 step %scan3A_28 iter_args(%scan3A_47 = %scan3A_24) -> (i32)  : i32 {
      %mul3A_48 = arith.constant 640 : i32
      %mul3A_49 = arith.muli %arg1, %mul3A_48 : i32
      %mul3A_50 = arith.constant 16 : i32
      %mul3A_51 = arith.muli %scan3A_46, %mul3A_50 : i32
      %add3A_52 = arith.addi %mul3A_49, %mul3A_51 : i32
      "tpu.region"() ({
        %run_scoped3A = tpu.sem_alloc : memref<!tpu.dma_semaphore, #tpu.memory_space<semaphore_mem>>
        %dma_start3A = arith.constant 0 : i32
        %dma_start3A_54 = tpu.memref_slice %arg7[%add3A_52, %dma_start3A] : memref<10240x128xf32, #tpu.memory_space<vmem_shared>> -> memref<16x128xf32, #tpu.memory_space<vmem_shared>>
        %dma_start3A_55 = arith.constant 0 : i32
        %dma_start3A_56 = tpu.memref_slice %arg7[%add3A_52, %dma_start3A_55] : memref<10240x128xf32, #tpu.memory_space<vmem_shared>> -> memref<16x128xf32, #tpu.memory_space<vmem_shared>>
        tpu.enqueue_dma source(%arg13 : memref<16x128xf32, #tpu.memory_space<vmem>>) target(%dma_start3A_56 : memref<16x128xf32, #tpu.memory_space<vmem_shared>>) target_semaphore(%run_scoped3A : memref<!tpu.dma_semaphore, #tpu.memory_space<semaphore_mem>>)
        %dma_wait3A = arith.constant 0 : i32
        %dma_wait3A_57 = tpu.memref_slice %arg7[%add3A_52, %dma_wait3A] : memref<10240x128xf32, #tpu.memory_space<vmem_shared>> -> memref<16x128xf32, #tpu.memory_space<vmem_shared>>
        %dma_wait3A_58 = arith.constant 0 : i32
        %dma_wait3A_59 = tpu.memref_slice %arg7[%add3A_52, %dma_wait3A_58] : memref<10240x128xf32, #tpu.memory_space<vmem_shared>> -> memref<16x128xf32, #tpu.memory_space<vmem_shared>>
        tpu.wait_dma2 semaphore(%run_scoped3A : memref<!tpu.dma_semaphore, #tpu.memory_space<semaphore_mem>>) src(%arg13 : memref<16x128xf32, #tpu.memory_space<vmem>>) dst(%dma_wait3A_59 : memref<16x128xf32, #tpu.memory_space<vmem_shared>>)
        tpu.yield
      }) : () -> ()
      %scan3A_53 = arith.constant 0 : i32
      scf.yield %scan3A_53 : i32
    }
    %scan3A_30 = arith.constant 40 : i32
    %barrier3A = arith.constant 0 : index
    tpu.barrier barrier_id(%barrier3A)
    %scan3A_31 = arith.constant 0 : i32
    %scan3A_32 = arith.constant 0 : i32
    %scan3A_33 = arith.constant 10 : i32
    %scan3A_34 = arith.addi %scan3A_32, %scan3A_33 : i32
    %scan3A_35 = arith.constant 1 : i32
    %scan3A_36 = scf.for %scan3A_46 = %scan3A_32 to %scan3A_34 step %scan3A_35 iter_args(%scan3A_47 = %scan3A_31) -> (i32)  : i32 {
      %mul3A_48 = arith.constant 16 : i32
      %mul3A_49 = arith.muli %scan3A_46, %mul3A_48 : i32
      %add3A_50 = arith.addi %mul3A_2, %mul3A_49 : i32
      "tpu.region"() ({
        %run_scoped3A = tpu.sem_alloc : memref<!tpu.dma_semaphore, #tpu.memory_space<semaphore_mem>>
        %dma_start3A_77 = arith.constant 0 : i32
        %dma_start3A_78 = tpu.memref_slice %arg3[%add3A_50, %dma_start3A_77] : memref<5120x64xi32, #tpu.memory_space<hbm>> -> memref<16x64xi32, #tpu.memory_space<hbm>>
        %dma_start3A_79 = arith.constant 0 : i32
        %dma_start3A_80 = tpu.memref_slice %arg3[%add3A_50, %dma_start3A_79] : memref<5120x64xi32, #tpu.memory_space<hbm>> -> memref<16x64xi32, #tpu.memory_space<hbm>>
        tpu.enqueue_dma source(%dma_start3A_80 : memref<16x64xi32, #tpu.memory_space<hbm>>) target(%arg8 : memref<16x64xi32, #tpu.memory_space<vmem>>) target_semaphore(%run_scoped3A : memref<!tpu.dma_semaphore, #tpu.memory_space<semaphore_mem>>)
        %dma_wait3A_81 = arith.constant 0 : i32
        %dma_wait3A_82 = tpu.memref_slice %arg3[%add3A_50, %dma_wait3A_81] : memref<5120x64xi32, #tpu.memory_space<hbm>> -> memref<16x64xi32, #tpu.memory_space<hbm>>
        %dma_wait3A_83 = arith.constant 0 : i32
        %dma_wait3A_84 = tpu.memref_slice %arg3[%add3A_50, %dma_wait3A_83] : memref<5120x64xi32, #tpu.memory_space<hbm>> -> memref<16x64xi32, #tpu.memory_space<hbm>>
        tpu.wait_dma2 semaphore(%run_scoped3A : memref<!tpu.dma_semaphore, #tpu.memory_space<semaphore_mem>>) src(%dma_wait3A_84 : memref<16x64xi32, #tpu.memory_space<hbm>>) dst(%arg8 : memref<16x64xi32, #tpu.memory_space<vmem>>)
        tpu.yield
      }) : () -> ()
      %mul3A_51 = arith.constant 16 : i32
      %mul3A_52 = arith.muli %scan3A_46, %mul3A_51 : i32
      %add3A_53 = arith.addi %mul3A_2, %mul3A_52 : i32
      "tpu.region"() ({
        %run_scoped3A = tpu.sem_alloc : memref<!tpu.dma_semaphore, #tpu.memory_space<semaphore_mem>>
        %dma_start3A_77 = arith.constant 0 : i32
        %dma_start3A_78 = tpu.memref_slice %arg4[%add3A_53, %dma_start3A_77] : memref<5120x64xi32, #tpu.memory_space<hbm>> -> memref<16x64xi32, #tpu.memory_space<hbm>>
        %dma_start3A_79 = arith.constant 0 : i32
        %dma_start3A_80 = tpu.memref_slice %arg4[%add3A_53, %dma_start3A_79] : memref<5120x64xi32, #tpu.memory_space<hbm>> -> memref<16x64xi32, #tpu.memory_space<hbm>>
        tpu.enqueue_dma source(%dma_start3A_80 : memref<16x64xi32, #tpu.memory_space<hbm>>) target(%arg9 : memref<16x64xi32, #tpu.memory_space<vmem>>) target_semaphore(%run_scoped3A : memref<!tpu.dma_semaphore, #tpu.memory_space<semaphore_mem>>)
        %dma_wait3A_81 = arith.constant 0 : i32
        %dma_wait3A_82 = tpu.memref_slice %arg4[%add3A_53, %dma_wait3A_81] : memref<5120x64xi32, #tpu.memory_space<hbm>> -> memref<16x64xi32, #tpu.memory_space<hbm>>
        %dma_wait3A_83 = arith.constant 0 : i32
        %dma_wait3A_84 = tpu.memref_slice %arg4[%add3A_53, %dma_wait3A_83] : memref<5120x64xi32, #tpu.memory_space<hbm>> -> memref<16x64xi32, #tpu.memory_space<hbm>>
        tpu.wait_dma2 semaphore(%run_scoped3A : memref<!tpu.dma_semaphore, #tpu.memory_space<semaphore_mem>>) src(%dma_wait3A_84 : memref<16x64xi32, #tpu.memory_space<hbm>>) dst(%arg9 : memref<16x64xi32, #tpu.memory_space<vmem>>)
        tpu.yield
      }) : () -> ()
      %mul3A_54 = arith.constant 16 : i32
      %mul3A_55 = arith.muli %scan3A_46, %mul3A_54 : i32
      %add3A_56 = arith.addi %mul3A_2, %mul3A_55 : i32
      "tpu.region"() ({
        %run_scoped3A = tpu.sem_alloc : memref<!tpu.dma_semaphore, #tpu.memory_space<semaphore_mem>>
        %dma_start3A_77 = arith.constant 0 : i32
        %dma_start3A_78 = tpu.memref_slice %arg5[%add3A_56, %dma_start3A_77] : memref<5120x64xf32, #tpu.memory_space<hbm>> -> memref<16x64xf32, #tpu.memory_space<hbm>>
        %dma_start3A_79 = arith.constant 0 : i32
        %dma_start3A_80 = tpu.memref_slice %arg5[%add3A_56, %dma_start3A_79] : memref<5120x64xf32, #tpu.memory_space<hbm>> -> memref<16x64xf32, #tpu.memory_space<hbm>>
        tpu.enqueue_dma source(%dma_start3A_80 : memref<16x64xf32, #tpu.memory_space<hbm>>) target(%arg10 : memref<16x64xf32, #tpu.memory_space<vmem>>) target_semaphore(%run_scoped3A : memref<!tpu.dma_semaphore, #tpu.memory_space<semaphore_mem>>)
        %dma_wait3A_81 = arith.constant 0 : i32
        %dma_wait3A_82 = tpu.memref_slice %arg5[%add3A_56, %dma_wait3A_81] : memref<5120x64xf32, #tpu.memory_space<hbm>> -> memref<16x64xf32, #tpu.memory_space<hbm>>
        %dma_wait3A_83 = arith.constant 0 : i32
        %dma_wait3A_84 = tpu.memref_slice %arg5[%add3A_56, %dma_wait3A_83] : memref<5120x64xf32, #tpu.memory_space<hbm>> -> memref<16x64xf32, #tpu.memory_space<hbm>>
        tpu.wait_dma2 semaphore(%run_scoped3A : memref<!tpu.dma_semaphore, #tpu.memory_space<semaphore_mem>>) src(%dma_wait3A_84 : memref<16x64xf32, #tpu.memory_space<hbm>>) dst(%arg10 : memref<16x64xf32, #tpu.memory_space<vmem>>)
        tpu.yield
      }) : () -> ()
      %dma_start3A = arith.constant 0 : i32
      %dma_start3A_57 = arith.constant 0 : i32
      %dma_start3A_58 = tpu.memref_slice %arg8[%dma_start3A, %dma_start3A_57] : memref<16x64xi32, #tpu.memory_space<vmem>> -> memref<1x64xi32, #tpu.memory_space<vmem>>
      %dma_start3A_59 = tpu.memref_squeeze %dma_start3A_58 : memref<1x64xi32, #tpu.memory_space<vmem>> -> memref<64xi32, #tpu.memory_space<vmem>>
      %dma_start3A_60 = arith.constant 0 : i32
      %dma_start3A_61 = arith.constant 0 : i32
      %dma_start3A_62 = tpu.memref_slice %arg2[%dma_start3A_60, %dma_start3A_61] : memref<10240x128xf32, #tpu.memory_space<hbm>> -> memref<10240x128xf32, #tpu.memory_space<hbm>>
      tpu.enqueue_indirect_dma source(%dma_start3A_62 : memref<10240x128xf32, #tpu.memory_space<hbm>>) target(%arg11 : memref<64x128xf32, #tpu.memory_space<vmem>>) offsets(%dma_start3A_59 : memref<64xi32, #tpu.memory_space<vmem>>) semaphore(%arg14 : memref<!tpu.dma_semaphore, #tpu.memory_space<semaphore_mem>>)
      %scan3A_63 = arith.constant 0 : i32
      %scan3A_64 = arith.constant 0 : i32
      %scan3A_65 = arith.constant 8 : i32
      %scan3A_66 = arith.addi %scan3A_64, %scan3A_65 : i32
      %scan3A_67 = arith.constant 1 : i32
      %scan3A_68 = scf.for %scan3A_77 = %scan3A_64 to %scan3A_66 step %scan3A_67 iter_args(%scan3A_78 = %scan3A_63) -> (i32)  : i32 {
        %mul3A_79 = arith.constant 2 : i32
        %mul3A_80 = arith.muli %scan3A_77, %mul3A_79 : i32
        %add3A_81 = arith.constant 0 : i32
        %add3A_82 = arith.addi %mul3A_80, %add3A_81 : i32
        %ge3A = arith.constant 1 : i32
        %ge3A_83 = arith.cmpi sge, %add3A_82, %ge3A : i32
        %convert_element_type3A = arith.extui %ge3A_83 : i1 to i32
        %cond3A = arith.constant 0 : i32
        %cond3A_84 = arith.cmpi ne, %convert_element_type3A, %cond3A : i32
        scf.if %cond3A_84 {
          %dma_wait3A_171 = arith.constant 0 : i32
          %dma_wait3A_172 = arith.constant 0 : i32
          %dma_wait3A_173 = tpu.memref_slice %arg9[%dma_wait3A_171, %dma_wait3A_172] : memref<16x64xi32, #tpu.memory_space<vmem>> -> memref<1x64xi32, #tpu.memory_space<vmem>>
          %dma_wait3A_174 = tpu.memref_squeeze %dma_wait3A_173 : memref<1x64xi32, #tpu.memory_space<vmem>> -> memref<64xi32, #tpu.memory_space<vmem>>
          %dma_wait3A_175 = arith.constant 0 : i32
          %dma_wait3A_176 = arith.constant 0 : i32
          %dma_wait3A_177 = tpu.memref_slice %arg7[%dma_wait3A_175, %dma_wait3A_176] : memref<10240x128xf32, #tpu.memory_space<vmem_shared>> -> memref<10240x128xf32, #tpu.memory_space<vmem_shared>>
          tpu.wait_indirect_dma semaphore(%arg17 : memref<!tpu.dma_semaphore, #tpu.memory_space<semaphore_mem>>) src(%arg12 : memref<64x128xf32, #tpu.memory_space<vmem>>) dst(%dma_wait3A_177 : memref<10240x128xf32, #tpu.memory_space<vmem_shared>>)
        } else {
        }
        %add3A_85 = arith.constant 1 : i32
        %add3A_86 = arith.addi %add3A_82, %add3A_85 : i32
        %lt3A = arith.constant 16 : i32
        %lt3A_87 = arith.cmpi slt, %add3A_86, %lt3A : i32
        %convert_element_type3A_88 = arith.extui %lt3A_87 : i1 to i32
        %cond3A_89 = arith.constant 0 : i32
        %cond3A_90 = arith.cmpi ne, %convert_element_type3A_88, %cond3A_89 : i32
        scf.if %cond3A_90 {
          %add3A_171 = arith.constant 1 : i32
          %add3A_172 = arith.addi %add3A_82, %add3A_171 : i32
          %dma_start3A_173 = arith.constant 0 : i32
          %dma_start3A_174 = tpu.memref_slice %arg8[%add3A_172, %dma_start3A_173] : memref<16x64xi32, #tpu.memory_space<vmem>> -> memref<1x64xi32, #tpu.memory_space<vmem>>
          %dma_start3A_175 = tpu.memref_squeeze %dma_start3A_174 : memref<1x64xi32, #tpu.memory_space<vmem>> -> memref<64xi32, #tpu.memory_space<vmem>>
          %dma_start3A_176 = arith.constant 0 : i32
          %dma_start3A_177 = arith.constant 0 : i32
          %dma_start3A_178 = tpu.memref_slice %arg2[%dma_start3A_176, %dma_start3A_177] : memref<10240x128xf32, #tpu.memory_space<hbm>> -> memref<10240x128xf32, #tpu.memory_space<hbm>>
          tpu.enqueue_indirect_dma source(%dma_start3A_178 : memref<10240x128xf32, #tpu.memory_space<hbm>>) target(%arg12 : memref<64x128xf32, #tpu.memory_space<vmem>>) offsets(%dma_start3A_175 : memref<64xi32, #tpu.memory_space<vmem>>) semaphore(%arg15 : memref<!tpu.dma_semaphore, #tpu.memory_space<semaphore_mem>>)
        } else {
        }
        %dma_wait3A_91 = arith.constant 0 : i32
        %dma_wait3A_92 = arith.constant 0 : i32
        %dma_wait3A_93 = tpu.memref_slice %arg8[%dma_wait3A_91, %dma_wait3A_92] : memref<16x64xi32, #tpu.memory_space<vmem>> -> memref<1x64xi32, #tpu.memory_space<vmem>>
        %dma_wait3A_94 = tpu.memref_squeeze %dma_wait3A_93 : memref<1x64xi32, #tpu.memory_space<vmem>> -> memref<64xi32, #tpu.memory_space<vmem>>
        %dma_wait3A_95 = arith.constant 0 : i32
        %dma_wait3A_96 = arith.constant 0 : i32
        %dma_wait3A_97 = tpu.memref_slice %arg2[%dma_wait3A_95, %dma_wait3A_96] : memref<10240x128xf32, #tpu.memory_space<hbm>> -> memref<10240x128xf32, #tpu.memory_space<hbm>>
        tpu.wait_indirect_dma semaphore(%arg14 : memref<!tpu.dma_semaphore, #tpu.memory_space<semaphore_mem>>) src(%dma_wait3A_97 : memref<10240x128xf32, #tpu.memory_space<hbm>>) dst(%arg11 : memref<64x128xf32, #tpu.memory_space<vmem>>)
        %get3A = arith.index_cast %add3A_82 : i32 to index
        %get3A_98 = arith.constant 0 : index
        %get3A_99 = tpu.vector_load %arg10[%get3A, %get3A_98] {strides = array<i32>} : memref<16x64xf32, #tpu.memory_space<vmem>>, vector<16xf32>,
        %get3A_100 = arith.index_cast %add3A_82 : i32 to index
        %get3A_101 = arith.constant 16 : index
        %get3A_102 = tpu.vector_load %arg10[%get3A_100, %get3A_101] {strides = array<i32>} : memref<16x64xf32, #tpu.memory_space<vmem>>, vector<16xf32>,
        %get3A_103 = arith.index_cast %add3A_82 : i32 to index
        %get3A_104 = arith.constant 32 : index
        %get3A_105 = tpu.vector_load %arg10[%get3A_103, %get3A_104] {strides = array<i32>} : memref<16x64xf32, #tpu.memory_space<vmem>>, vector<16xf32>,
        %get3A_106 = arith.index_cast %add3A_82 : i32 to index
        %get3A_107 = arith.constant 48 : index
        %get3A_108 = tpu.vector_load %arg10[%get3A_106, %get3A_107] {strides = array<i32>} : memref<16x64xf32, #tpu.memory_space<vmem>>, vector<16xf32>,
        %scan3A_109 = arith.constant 0 : i32
        %scan3A_110 = arith.constant 0 : i32
        %scan3A_111 = arith.constant 32 : i32
        %scan3A_112 = arith.addi %scan3A_110, %scan3A_111 : i32
        %scan3A_113 = arith.constant 1 : i32
        %scan3A_114 = scf.for %scan3A_171 = %scan3A_110 to %scan3A_112 step %scan3A_113 iter_args(%scan3A_172 = %scan3A_109) -> (i32)  : i32 {
          %mul3A_173 = arith.constant 4 : i32
          %mul3A_174 = arith.muli %scan3A_171, %mul3A_173 : i32
          %add3A_175 = arith.constant 0 : i32
          %add3A_176 = arith.addi %mul3A_174, %add3A_175 : i32
          %broadcast_in_dim3A = vector.broadcast %add3A_176 : i32 to vector<16xi32>
          %gather3A = tpu.vector_load_idx %arg11[%add3A_5, %broadcast_in_dim3A] : memref<64x128xf32, #tpu.memory_space<vmem>>[vector<16xi32>, vector<16xi32>], vector<16xf32>,
          %mul3A_177 = arith.mulf %gather3A, %get3A_99 : vector<16xf32>
          tpu.vector_store_idx %arg11[%add3A_5, %broadcast_in_dim3A], %mul3A_177 : memref<64x128xf32, #tpu.memory_space<vmem>>[vector<16xi32>, vector<16xi32>], vector<16xf32>,
          %gather3A_178 = tpu.vector_load_idx %arg11[%add3A_9, %broadcast_in_dim3A] : memref<64x128xf32, #tpu.memory_space<vmem>>[vector<16xi32>, vector<16xi32>], vector<16xf32>,
          %mul3A_179 = arith.mulf %gather3A_178, %get3A_102 : vector<16xf32>
          tpu.vector_store_idx %arg11[%add3A_9, %broadcast_in_dim3A], %mul3A_179 : memref<64x128xf32, #tpu.memory_space<vmem>>[vector<16xi32>, vector<16xi32>], vector<16xf32>,
          %gather3A_180 = tpu.vector_load_idx %arg11[%add3A_13, %broadcast_in_dim3A] : memref<64x128xf32, #tpu.memory_space<vmem>>[vector<16xi32>, vector<16xi32>], vector<16xf32>,
          %mul3A_181 = arith.mulf %gather3A_180, %get3A_105 : vector<16xf32>
          tpu.vector_store_idx %arg11[%add3A_13, %broadcast_in_dim3A], %mul3A_181 : memref<64x128xf32, #tpu.memory_space<vmem>>[vector<16xi32>, vector<16xi32>], vector<16xf32>,
          %gather3A_182 = tpu.vector_load_idx %arg11[%add3A_17, %broadcast_in_dim3A] : memref<64x128xf32, #tpu.memory_space<vmem>>[vector<16xi32>, vector<16xi32>], vector<16xf32>,
          %mul3A_183 = arith.mulf %gather3A_182, %get3A_108 : vector<16xf32>
          tpu.vector_store_idx %arg11[%add3A_17, %broadcast_in_dim3A], %mul3A_183 : memref<64x128xf32, #tpu.memory_space<vmem>>[vector<16xi32>, vector<16xi32>], vector<16xf32>,
          %mul3A_184 = arith.constant 4 : i32
          %mul3A_185 = arith.muli %scan3A_171, %mul3A_184 : i32
          %add3A_186 = arith.constant 1 : i32
          %add3A_187 = arith.addi %mul3A_185, %add3A_186 : i32
          %broadcast_in_dim3A_188 = vector.broadcast %add3A_187 : i32 to vector<16xi32>
          %gather3A_189 = tpu.vector_load_idx %arg11[%add3A_5, %broadcast_in_dim3A_188] : memref<64x128xf32, #tpu.memory_space<vmem>>[vector<16xi32>, vector<16xi32>], vector<16xf32>,
          %mul3A_190 = arith.mulf %gather3A_189, %get3A_99 : vector<16xf32>
          tpu.vector_store_idx %arg11[%add3A_5, %broadcast_in_dim3A_188], %mul3A_190 : memref<64x128xf32, #tpu.memory_space<vmem>>[vector<16xi32>, vector<16xi32>], vector<16xf32>,
          %gather3A_191 = tpu.vector_load_idx %arg11[%add3A_9, %broadcast_in_dim3A_188] : memref<64x128xf32, #tpu.memory_space<vmem>>[vector<16xi32>, vector<16xi32>], vector<16xf32>,
          %mul3A_192 = arith.mulf %gather3A_191, %get3A_102 : vector<16xf32>
          tpu.vector_store_idx %arg11[%add3A_9, %broadcast_in_dim3A_188], %mul3A_192 : memref<64x128xf32, #tpu.memory_space<vmem>>[vector<16xi32>, vector<16xi32>], vector<16xf32>,
          %gather3A_193 = tpu.vector_load_idx %arg11[%add3A_13, %broadcast_in_dim3A_188] : memref<64x128xf32, #tpu.memory_space<vmem>>[vector<16xi32>, vector<16xi32>], vector<16xf32>,
          %mul3A_194 = arith.mulf %gather3A_193, %get3A_105 : vector<16xf32>
          tpu.vector_store_idx %arg11[%add3A_13, %broadcast_in_dim3A_188], %mul3A_194 : memref<64x128xf32, #tpu.memory_space<vmem>>[vector<16xi32>, vector<16xi32>], vector<16xf32>,
          %gather3A_195 = tpu.vector_load_idx %arg11[%add3A_17, %broadcast_in_dim3A_188] : memref<64x128xf32, #tpu.memory_space<vmem>>[vector<16xi32>, vector<16xi32>], vector<16xf32>,
          %mul3A_196 = arith.mulf %gather3A_195, %get3A_108 : vector<16xf32>
          tpu.vector_store_idx %arg11[%add3A_17, %broadcast_in_dim3A_188], %mul3A_196 : memref<64x128xf32, #tpu.memory_space<vmem>>[vector<16xi32>, vector<16xi32>], vector<16xf32>,
          %mul3A_197 = arith.constant 4 : i32
          %mul3A_198 = arith.muli %scan3A_171, %mul3A_197 : i32
          %add3A_199 = arith.constant 2 : i32
          %add3A_200 = arith.addi %mul3A_198, %add3A_199 : i32
          %broadcast_in_dim3A_201 = vector.broadcast %add3A_200 : i32 to vector<16xi32>
          %gather3A_202 = tpu.vector_load_idx %arg11[%add3A_5, %broadcast_in_dim3A_201] : memref<64x128xf32, #tpu.memory_space<vmem>>[vector<16xi32>, vector<16xi32>], vector<16xf32>,
          %mul3A_203 = arith.mulf %gather3A_202, %get3A_99 : vector<16xf32>
          tpu.vector_store_idx %arg11[%add3A_5, %broadcast_in_dim3A_201], %mul3A_203 : memref<64x128xf32, #tpu.memory_space<vmem>>[vector<16xi32>, vector<16xi32>], vector<16xf32>,
          %gather3A_204 = tpu.vector_load_idx %arg11[%add3A_9, %broadcast_in_dim3A_201] : memref<64x128xf32, #tpu.memory_space<vmem>>[vector<16xi32>, vector<16xi32>], vector<16xf32>,
          %mul3A_205 = arith.mulf %gather3A_204, %get3A_102 : vector<16xf32>
          tpu.vector_store_idx %arg11[%add3A_9, %broadcast_in_dim3A_201], %mul3A_205 : memref<64x128xf32, #tpu.memory_space<vmem>>[vector<16xi32>, vector<16xi32>], vector<16xf32>,
          %gather3A_206 = tpu.vector_load_idx %arg11[%add3A_13, %broadcast_in_dim3A_201] : memref<64x128xf32, #tpu.memory_space<vmem>>[vector<16xi32>, vector<16xi32>], vector<16xf32>,
          %mul3A_207 = arith.mulf %gather3A_206, %get3A_105 : vector<16xf32>
          tpu.vector_store_idx %arg11[%add3A_13, %broadcast_in_dim3A_201], %mul3A_207 : memref<64x128xf32, #tpu.memory_space<vmem>>[vector<16xi32>, vector<16xi32>], vector<16xf32>,
          %gather3A_208 = tpu.vector_load_idx %arg11[%add3A_17, %broadcast_in_dim3A_201] : memref<64x128xf32, #tpu.memory_space<vmem>>[vector<16xi32>, vector<16xi32>], vector<16xf32>,
          %mul3A_209 = arith.mulf %gather3A_208, %get3A_108 : vector<16xf32>
          tpu.vector_store_idx %arg11[%add3A_17, %broadcast_in_dim3A_201], %mul3A_209 : memref<64x128xf32, #tpu.memory_space<vmem>>[vector<16xi32>, vector<16xi32>], vector<16xf32>,
          %mul3A_210 = arith.constant 4 : i32
          %mul3A_211 = arith.muli %scan3A_171, %mul3A_210 : i32
          %add3A_212 = arith.constant 3 : i32
          %add3A_213 = arith.addi %mul3A_211, %add3A_212 : i32
          %broadcast_in_dim3A_214 = vector.broadcast %add3A_213 : i32 to vector<16xi32>
          %gather3A_215 = tpu.vector_load_idx %arg11[%add3A_5, %broadcast_in_dim3A_214] : memref<64x128xf32, #tpu.memory_space<vmem>>[vector<16xi32>, vector<16xi32>], vector<16xf32>,
          %mul3A_216 = arith.mulf %gather3A_215, %get3A_99 : vector<16xf32>
          tpu.vector_store_idx %arg11[%add3A_5, %broadcast_in_dim3A_214], %mul3A_216 : memref<64x128xf32, #tpu.memory_space<vmem>>[vector<16xi32>, vector<16xi32>], vector<16xf32>,
          %gather3A_217 = tpu.vector_load_idx %arg11[%add3A_9, %broadcast_in_dim3A_214] : memref<64x128xf32, #tpu.memory_space<vmem>>[vector<16xi32>, vector<16xi32>], vector<16xf32>,
          %mul3A_218 = arith.mulf %gather3A_217, %get3A_102 : vector<16xf32>
          tpu.vector_store_idx %arg11[%add3A_9, %broadcast_in_dim3A_214], %mul3A_218 : memref<64x128xf32, #tpu.memory_space<vmem>>[vector<16xi32>, vector<16xi32>], vector<16xf32>,
          %gather3A_219 = tpu.vector_load_idx %arg11[%add3A_13, %broadcast_in_dim3A_214] : memref<64x128xf32, #tpu.memory_space<vmem>>[vector<16xi32>, vector<16xi32>], vector<16xf32>,
          %mul3A_220 = arith.mulf %gather3A_219, %get3A_105 : vector<16xf32>
          tpu.vector_store_idx %arg11[%add3A_13, %broadcast_in_dim3A_214], %mul3A_220 : memref<64x128xf32, #tpu.memory_space<vmem>>[vector<16xi32>, vector<16xi32>], vector<16xf32>,
          %gather3A_221 = tpu.vector_load_idx %arg11[%add3A_17, %broadcast_in_dim3A_214] : memref<64x128xf32, #tpu.memory_space<vmem>>[vector<16xi32>, vector<16xi32>], vector<16xf32>,
          %mul3A_222 = arith.mulf %gather3A_221, %get3A_108 : vector<16xf32>
          tpu.vector_store_idx %arg11[%add3A_17, %broadcast_in_dim3A_214], %mul3A_222 : memref<64x128xf32, #tpu.memory_space<vmem>>[vector<16xi32>, vector<16xi32>], vector<16xf32>,
          %scan3A_223 = arith.constant 0 : i32
          scf.yield %scan3A_223 : i32
        }
        %scan3A_115 = arith.constant 32 : i32
        %dma_start3A_116 = arith.constant 0 : i32
        %dma_start3A_117 = tpu.memref_slice %arg9[%add3A_82, %dma_start3A_116] : memref<16x64xi32, #tpu.memory_space<vmem>> -> memref<1x64xi32, #tpu.memory_space<vmem>>
        %dma_start3A_118 = tpu.memref_squeeze %dma_start3A_117 : memref<1x64xi32, #tpu.memory_space<vmem>> -> memref<64xi32, #tpu.memory_space<vmem>>
        %dma_start3A_119 = arith.constant 0 : i32
        %dma_start3A_120 = arith.constant 0 : i32
        %dma_start3A_121 = tpu.memref_slice %arg7[%dma_start3A_119, %dma_start3A_120] : memref<10240x128xf32, #tpu.memory_space<vmem_shared>> -> memref<10240x128xf32, #tpu.memory_space<vmem_shared>>
        tpu.enqueue_indirect_dma source(%arg11 : memref<64x128xf32, #tpu.memory_space<vmem>>) target(%dma_start3A_121 : memref<10240x128xf32, #tpu.memory_space<vmem_shared>>) offsets(%dma_start3A_118 : memref<64xi32, #tpu.memory_space<vmem>>) semaphore(%arg16 : memref<!tpu.dma_semaphore, #tpu.memory_space<semaphore_mem>>) {add = true}
        %mul3A_122 = arith.constant 2 : i32
        %mul3A_123 = arith.muli %scan3A_77, %mul3A_122 : i32
        %add3A_124 = arith.constant 1 : i32
        %add3A_125 = arith.addi %mul3A_123, %add3A_124 : i32
        %ge3A_126 = arith.constant 1 : i32
        %ge3A_127 = arith.cmpi sge, %add3A_125, %ge3A_126 : i32
        %convert_element_type3A_128 = arith.extui %ge3A_127 : i1 to i32
        %cond3A_129 = arith.constant 0 : i32
        %cond3A_130 = arith.cmpi ne, %convert_element_type3A_128, %cond3A_129 : i32
        scf.if %cond3A_130 {
          %dma_wait3A_171 = arith.constant 0 : i32
          %dma_wait3A_172 = arith.constant 0 : i32
          %dma_wait3A_173 = tpu.memref_slice %arg9[%dma_wait3A_171, %dma_wait3A_172] : memref<16x64xi32, #tpu.memory_space<vmem>> -> memref<1x64xi32, #tpu.memory_space<vmem>>
          %dma_wait3A_174 = tpu.memref_squeeze %dma_wait3A_173 : memref<1x64xi32, #tpu.memory_space<vmem>> -> memref<64xi32, #tpu.memory_space<vmem>>
          %dma_wait3A_175 = arith.constant 0 : i32
          %dma_wait3A_176 = arith.constant 0 : i32
          %dma_wait3A_177 = tpu.memref_slice %arg7[%dma_wait3A_175, %dma_wait3A_176] : memref<10240x128xf32, #tpu.memory_space<vmem_shared>> -> memref<10240x128xf32, #tpu.memory_space<vmem_shared>>
          tpu.wait_indirect_dma semaphore(%arg16 : memref<!tpu.dma_semaphore, #tpu.memory_space<semaphore_mem>>) src(%arg11 : memref<64x128xf32, #tpu.memory_space<vmem>>) dst(%dma_wait3A_177 : memref<10240x128xf32, #tpu.memory_space<vmem_shared>>)
        } else {
        }
        %add3A_131 = arith.constant 1 : i32
        %add3A_132 = arith.addi %add3A_125, %add3A_131 : i32
        %lt3A_133 = arith.constant 16 : i32
        %lt3A_134 = arith.cmpi slt, %add3A_132, %lt3A_133 : i32
        %convert_element_type3A_135 = arith.extui %lt3A_134 : i1 to i32
        %cond3A_136 = arith.constant 0 : i32
        %cond3A_137 = arith.cmpi ne, %convert_element_type3A_135, %cond3A_136 : i32
        scf.if %cond3A_137 {
          %add3A_171 = arith.constant 1 : i32
          %add3A_172 = arith.addi %add3A_125, %add3A_171 : i32
          %dma_start3A_173 = arith.constant 0 : i32
          %dma_start3A_174 = tpu.memref_slice %arg8[%add3A_172, %dma_start3A_173] : memref<16x64xi32, #tpu.memory_space<vmem>> -> memref<1x64xi32, #tpu.memory_space<vmem>>
          %dma_start3A_175 = tpu.memref_squeeze %dma_start3A_174 : memref<1x64xi32, #tpu.memory_space<vmem>> -> memref<64xi32, #tpu.memory_space<vmem>>
          %dma_start3A_176 = arith.constant 0 : i32
          %dma_start3A_177 = arith.constant 0 : i32
          %dma_start3A_178 = tpu.memref_slice %arg2[%dma_start3A_176, %dma_start3A_177] : memref<10240x128xf32, #tpu.memory_space<hbm>> -> memref<10240x128xf32, #tpu.memory_space<hbm>>
          tpu.enqueue_indirect_dma source(%dma_start3A_178 : memref<10240x128xf32, #tpu.memory_space<hbm>>) target(%arg11 : memref<64x128xf32, #tpu.memory_space<vmem>>) offsets(%dma_start3A_175 : memref<64xi32, #tpu.memory_space<vmem>>) semaphore(%arg14 : memref<!tpu.dma_semaphore, #tpu.memory_space<semaphore_mem>>)
        } else {
        }
        %dma_wait3A_138 = arith.constant 0 : i32
        %dma_wait3A_139 = arith.constant 0 : i32
        %dma_wait3A_140 = tpu.memref_slice %arg8[%dma_wait3A_138, %dma_wait3A_139] : memref<16x64xi32, #tpu.memory_space<vmem>> -> memref<1x64xi32, #tpu.memory_space<vmem>>
        %dma_wait3A_141 = tpu.memref_squeeze %dma_wait3A_140 : memref<1x64xi32, #tpu.memory_space<vmem>> -> memref<64xi32, #tpu.memory_space<vmem>>
        %dma_wait3A_142 = arith.constant 0 : i32
        %dma_wait3A_143 = arith.constant 0 : i32
        %dma_wait3A_144 = tpu.memref_slice %arg2[%dma_wait3A_142, %dma_wait3A_143] : memref<10240x128xf32, #tpu.memory_space<hbm>> -> memref<10240x128xf32, #tpu.memory_space<hbm>>
        tpu.wait_indirect_dma semaphore(%arg15 : memref<!tpu.dma_semaphore, #tpu.memory_space<semaphore_mem>>) src(%dma_wait3A_144 : memref<10240x128xf32, #tpu.memory_space<hbm>>) dst(%arg12 : memref<64x128xf32, #tpu.memory_space<vmem>>)
        %get3A_145 = arith.index_cast %add3A_125 : i32 to index
        %get3A_146 = arith.constant 0 : index
        %get3A_147 = tpu.vector_load %arg10[%get3A_145, %get3A_146] {strides = array<i32>} : memref<16x64xf32, #tpu.memory_space<vmem>>, vector<16xf32>,
        %get3A_148 = arith.index_cast %add3A_125 : i32 to index
        %get3A_149 = arith.constant 16 : index
        %get3A_150 = tpu.vector_load %arg10[%get3A_148, %get3A_149] {strides = array<i32>} : memref<16x64xf32, #tpu.memory_space<vmem>>, vector<16xf32>,
        %get3A_151 = arith.index_cast %add3A_125 : i32 to index
        %get3A_152 = arith.constant 32 : index
        %get3A_153 = tpu.vector_load %arg10[%get3A_151, %get3A_152] {strides = array<i32>} : memref<16x64xf32, #tpu.memory_space<vmem>>, vector<16xf32>,
        %get3A_154 = arith.index_cast %add3A_125 : i32 to index
        %get3A_155 = arith.constant 48 : index
        %get3A_156 = tpu.vector_load %arg10[%get3A_154, %get3A_155] {strides = array<i32>} : memref<16x64xf32, #tpu.memory_space<vmem>>, vector<16xf32>,
        %scan3A_157 = arith.constant 0 : i32
        %scan3A_158 = arith.constant 0 : i32
        %scan3A_159 = arith.constant 32 : i32
        %scan3A_160 = arith.addi %scan3A_158, %scan3A_159 : i32
        %scan3A_161 = arith.constant 1 : i32
        %scan3A_162 = scf.for %scan3A_171 = %scan3A_158 to %scan3A_160 step %scan3A_161 iter_args(%scan3A_172 = %scan3A_157) -> (i32)  : i32 {
          %mul3A_173 = arith.constant 4 : i32
          %mul3A_174 = arith.muli %scan3A_171, %mul3A_173 : i32
          %add3A_175 = arith.constant 0 : i32
          %add3A_176 = arith.addi %mul3A_174, %add3A_175 : i32
          %broadcast_in_dim3A = vector.broadcast %add3A_176 : i32 to vector<16xi32>
          %gather3A = tpu.vector_load_idx %arg12[%add3A_5, %broadcast_in_dim3A] : memref<64x128xf32, #tpu.memory_space<vmem>>[vector<16xi32>, vector<16xi32>], vector<16xf32>,
          %mul3A_177 = arith.mulf %gather3A, %get3A_147 : vector<16xf32>
          tpu.vector_store_idx %arg12[%add3A_5, %broadcast_in_dim3A], %mul3A_177 : memref<64x128xf32, #tpu.memory_space<vmem>>[vector<16xi32>, vector<16xi32>], vector<16xf32>,
          %gather3A_178 = tpu.vector_load_idx %arg12[%add3A_9, %broadcast_in_dim3A] : memref<64x128xf32, #tpu.memory_space<vmem>>[vector<16xi32>, vector<16xi32>], vector<16xf32>,
          %mul3A_179 = arith.mulf %gather3A_178, %get3A_150 : vector<16xf32>
          tpu.vector_store_idx %arg12[%add3A_9, %broadcast_in_dim3A], %mul3A_179 : memref<64x128xf32, #tpu.memory_space<vmem>>[vector<16xi32>, vector<16xi32>], vector<16xf32>,
          %gather3A_180 = tpu.vector_load_idx %arg12[%add3A_13, %broadcast_in_dim3A] : memref<64x128xf32, #tpu.memory_space<vmem>>[vector<16xi32>, vector<16xi32>], vector<16xf32>,
          %mul3A_181 = arith.mulf %gather3A_180, %get3A_153 : vector<16xf32>
          tpu.vector_store_idx %arg12[%add3A_13, %broadcast_in_dim3A], %mul3A_181 : memref<64x128xf32, #tpu.memory_space<vmem>>[vector<16xi32>, vector<16xi32>], vector<16xf32>,
          %gather3A_182 = tpu.vector_load_idx %arg12[%add3A_17, %broadcast_in_dim3A] : memref<64x128xf32, #tpu.memory_space<vmem>>[vector<16xi32>, vector<16xi32>], vector<16xf32>,
          %mul3A_183 = arith.mulf %gather3A_182, %get3A_156 : vector<16xf32>
          tpu.vector_store_idx %arg12[%add3A_17, %broadcast_in_dim3A], %mul3A_183 : memref<64x128xf32, #tpu.memory_space<vmem>>[vector<16xi32>, vector<16xi32>], vector<16xf32>,
          %mul3A_184 = arith.constant 4 : i32
          %mul3A_185 = arith.muli %scan3A_171, %mul3A_184 : i32
          %add3A_186 = arith.constant 1 : i32
          %add3A_187 = arith.addi %mul3A_185, %add3A_186 : i32
          %broadcast_in_dim3A_188 = vector.broadcast %add3A_187 : i32 to vector<16xi32>
          %gather3A_189 = tpu.vector_load_idx %arg12[%add3A_5, %broadcast_in_dim3A_188] : memref<64x128xf32, #tpu.memory_space<vmem>>[vector<16xi32>, vector<16xi32>], vector<16xf32>,
          %mul3A_190 = arith.mulf %gather3A_189, %get3A_147 : vector<16xf32>
          tpu.vector_store_idx %arg12[%add3A_5, %broadcast_in_dim3A_188], %mul3A_190 : memref<64x128xf32, #tpu.memory_space<vmem>>[vector<16xi32>, vector<16xi32>], vector<16xf32>,
          %gather3A_191 = tpu.vector_load_idx %arg12[%add3A_9, %broadcast_in_dim3A_188] : memref<64x128xf32, #tpu.memory_space<vmem>>[vector<16xi32>, vector<16xi32>], vector<16xf32>,
          %mul3A_192 = arith.mulf %gather3A_191, %get3A_150 : vector<16xf32>
          tpu.vector_store_idx %arg12[%add3A_9, %broadcast_in_dim3A_188], %mul3A_192 : memref<64x128xf32, #tpu.memory_space<vmem>>[vector<16xi32>, vector<16xi32>], vector<16xf32>,
          %gather3A_193 = tpu.vector_load_idx %arg12[%add3A_13, %broadcast_in_dim3A_188] : memref<64x128xf32, #tpu.memory_space<vmem>>[vector<16xi32>, vector<16xi32>], vector<16xf32>,
          %mul3A_194 = arith.mulf %gather3A_193, %get3A_153 : vector<16xf32>
          tpu.vector_store_idx %arg12[%add3A_13, %broadcast_in_dim3A_188], %mul3A_194 : memref<64x128xf32, #tpu.memory_space<vmem>>[vector<16xi32>, vector<16xi32>], vector<16xf32>,
          %gather3A_195 = tpu.vector_load_idx %arg12[%add3A_17, %broadcast_in_dim3A_188] : memref<64x128xf32, #tpu.memory_space<vmem>>[vector<16xi32>, vector<16xi32>], vector<16xf32>,
          %mul3A_196 = arith.mulf %gather3A_195, %get3A_156 : vector<16xf32>
          tpu.vector_store_idx %arg12[%add3A_17, %broadcast_in_dim3A_188], %mul3A_196 : memref<64x128xf32, #tpu.memory_space<vmem>>[vector<16xi32>, vector<16xi32>], vector<16xf32>,
          %mul3A_197 = arith.constant 4 : i32
          %mul3A_198 = arith.muli %scan3A_171, %mul3A_197 : i32
          %add3A_199 = arith.constant 2 : i32
          %add3A_200 = arith.addi %mul3A_198, %add3A_199 : i32
          %broadcast_in_dim3A_201 = vector.broadcast %add3A_200 : i32 to vector<16xi32>
          %gather3A_202 = tpu.vector_load_idx %arg12[%add3A_5, %broadcast_in_dim3A_201] : memref<64x128xf32, #tpu.memory_space<vmem>>[vector<16xi32>, vector<16xi32>], vector<16xf32>,
          %mul3A_203 = arith.mulf %gather3A_202, %get3A_147 : vector<16xf32>
          tpu.vector_store_idx %arg12[%add3A_5, %broadcast_in_dim3A_201], %mul3A_203 : memref<64x128xf32, #tpu.memory_space<vmem>>[vector<16xi32>, vector<16xi32>], vector<16xf32>,
          %gather3A_204 = tpu.vector_load_idx %arg12[%add3A_9, %broadcast_in_dim3A_201] : memref<64x128xf32, #tpu.memory_space<vmem>>[vector<16xi32>, vector<16xi32>], vector<16xf32>,
          %mul3A_205 = arith.mulf %gather3A_204, %get3A_150 : vector<16xf32>
          tpu.vector_store_idx %arg12[%add3A_9, %broadcast_in_dim3A_201], %mul3A_205 : memref<64x128xf32, #tpu.memory_space<vmem>>[vector<16xi32>, vector<16xi32>], vector<16xf32>,
          %gather3A_206 = tpu.vector_load_idx %arg12[%add3A_13, %broadcast_in_dim3A_201] : memref<64x128xf32, #tpu.memory_space<vmem>>[vector<16xi32>, vector<16xi32>], vector<16xf32>,
          %mul3A_207 = arith.mulf %gather3A_206, %get3A_153 : vector<16xf32>
          tpu.vector_store_idx %arg12[%add3A_13, %broadcast_in_dim3A_201], %mul3A_207 : memref<64x128xf32, #tpu.memory_space<vmem>>[vector<16xi32>, vector<16xi32>], vector<16xf32>,
          %gather3A_208 = tpu.vector_load_idx %arg12[%add3A_17, %broadcast_in_dim3A_201] : memref<64x128xf32, #tpu.memory_space<vmem>>[vector<16xi32>, vector<16xi32>], vector<16xf32>,
          %mul3A_209 = arith.mulf %gather3A_208, %get3A_156 : vector<16xf32>
          tpu.vector_store_idx %arg12[%add3A_17, %broadcast_in_dim3A_201], %mul3A_209 : memref<64x128xf32, #tpu.memory_space<vmem>>[vector<16xi32>, vector<16xi32>], vector<16xf32>,
          %mul3A_210 = arith.constant 4 : i32
          %mul3A_211 = arith.muli %scan3A_171, %mul3A_210 : i32
          %add3A_212 = arith.constant 3 : i32
          %add3A_213 = arith.addi %mul3A_211, %add3A_212 : i32
          %broadcast_in_dim3A_214 = vector.broadcast %add3A_213 : i32 to vector<16xi32>
          %gather3A_215 = tpu.vector_load_idx %arg12[%add3A_5, %broadcast_in_dim3A_214] : memref<64x128xf32, #tpu.memory_space<vmem>>[vector<16xi32>, vector<16xi32>], vector<16xf32>,
          %mul3A_216 = arith.mulf %gather3A_215, %get3A_147 : vector<16xf32>
          tpu.vector_store_idx %arg12[%add3A_5, %broadcast_in_dim3A_214], %mul3A_216 : memref<64x128xf32, #tpu.memory_space<vmem>>[vector<16xi32>, vector<16xi32>], vector<16xf32>,
          %gather3A_217 = tpu.vector_load_idx %arg12[%add3A_9, %broadcast_in_dim3A_214] : memref<64x128xf32, #tpu.memory_space<vmem>>[vector<16xi32>, vector<16xi32>], vector<16xf32>,
          %mul3A_218 = arith.mulf %gather3A_217, %get3A_150 : vector<16xf32>
          tpu.vector_store_idx %arg12[%add3A_9, %broadcast_in_dim3A_214], %mul3A_218 : memref<64x128xf32, #tpu.memory_space<vmem>>[vector<16xi32>, vector<16xi32>], vector<16xf32>,
          %gather3A_219 = tpu.vector_load_idx %arg12[%add3A_13, %broadcast_in_dim3A_214] : memref<64x128xf32, #tpu.memory_space<vmem>>[vector<16xi32>, vector<16xi32>], vector<16xf32>,
          %mul3A_220 = arith.mulf %gather3A_219, %get3A_153 : vector<16xf32>
          tpu.vector_store_idx %arg12[%add3A_13, %broadcast_in_dim3A_214], %mul3A_220 : memref<64x128xf32, #tpu.memory_space<vmem>>[vector<16xi32>, vector<16xi32>], vector<16xf32>,
          %gather3A_221 = tpu.vector_load_idx %arg12[%add3A_17, %broadcast_in_dim3A_214] : memref<64x128xf32, #tpu.memory_space<vmem>>[vector<16xi32>, vector<16xi32>], vector<16xf32>,
          %mul3A_222 = arith.mulf %gather3A_221, %get3A_156 : vector<16xf32>
          tpu.vector_store_idx %arg12[%add3A_17, %broadcast_in_dim3A_214], %mul3A_222 : memref<64x128xf32, #tpu.memory_space<vmem>>[vector<16xi32>, vector<16xi32>], vector<16xf32>,
          %scan3A_223 = arith.constant 0 : i32
          scf.yield %scan3A_223 : i32
        }
        %scan3A_163 = arith.constant 32 : i32
        %dma_start3A_164 = arith.constant 0 : i32
        %dma_start3A_165 = tpu.memref_slice %arg9[%add3A_125, %dma_start3A_164] : memref<16x64xi32, #tpu.memory_space<vmem>> -> memref<1x64xi32, #tpu.memory_space<vmem>>
        %dma_start3A_166 = tpu.memref_squeeze %dma_start3A_165 : memref<1x64xi32, #tpu.memory_space<vmem>> -> memref<64xi32, #tpu.memory_space<vmem>>
        %dma_start3A_167 = arith.constant 0 : i32
        %dma_start3A_168 = arith.constant 0 : i32
        %dma_start3A_169 = tpu.memref_slice %arg7[%dma_start3A_167, %dma_start3A_168] : memref<10240x128xf32, #tpu.memory_space<vmem_shared>> -> memref<10240x128xf32, #tpu.memory_space<vmem_shared>>
        tpu.enqueue_indirect_dma source(%arg12 : memref<64x128xf32, #tpu.memory_space<vmem>>) target(%dma_start3A_169 : memref<10240x128xf32, #tpu.memory_space<vmem_shared>>) offsets(%dma_start3A_166 : memref<64xi32, #tpu.memory_space<vmem>>) semaphore(%arg17 : memref<!tpu.dma_semaphore, #tpu.memory_space<semaphore_mem>>) {add = true}
        %scan3A_170 = arith.constant 0 : i32
        scf.yield %scan3A_170 : i32
      }
      %scan3A_69 = arith.constant 8 : i32
      %dma_wait3A = arith.constant 0 : i32
      %dma_wait3A_70 = arith.constant 0 : i32
      %dma_wait3A_71 = tpu.memref_slice %arg9[%dma_wait3A, %dma_wait3A_70] : memref<16x64xi32, #tpu.memory_space<vmem>> -> memref<1x64xi32, #tpu.memory_space<vmem>>
      %dma_wait3A_72 = tpu.memref_squeeze %dma_wait3A_71 : memref<1x64xi32, #tpu.memory_space<vmem>> -> memref<64xi32, #tpu.memory_space<vmem>>
      %dma_wait3A_73 = arith.constant 0 : i32
      %dma_wait3A_74 = arith.constant 0 : i32
      %dma_wait3A_75 = tpu.memref_slice %arg7[%dma_wait3A_73, %dma_wait3A_74] : memref<10240x128xf32, #tpu.memory_space<vmem_shared>> -> memref<10240x128xf32, #tpu.memory_space<vmem_shared>>
      tpu.wait_indirect_dma semaphore(%arg17 : memref<!tpu.dma_semaphore, #tpu.memory_space<semaphore_mem>>) src(%arg12 : memref<64x128xf32, #tpu.memory_space<vmem>>) dst(%dma_wait3A_75 : memref<10240x128xf32, #tpu.memory_space<vmem_shared>>)
      %scan3A_76 = arith.constant 0 : i32
      scf.yield %scan3A_76 : i32
    }
    %scan3A_37 = arith.constant 10 : i32
    %barrier3A_38 = arith.constant 0 : index
    tpu.barrier barrier_id(%barrier3A_38)
    %mul3A_39 = arith.constant 640 : i32
    %mul3A_40 = arith.muli %arg1, %mul3A_39 : i32
    %mul3A_41 = arith.constant 10240 : i32
    %mul3A_42 = arith.muli %arg0, %mul3A_41 : i32
    %mul3A_43 = arith.constant 640 : i32
    %mul3A_44 = arith.muli %arg1, %mul3A_43 : i32
    %add3A_45 = arith.addi %mul3A_42, %mul3A_44 : i32
    "tpu.region"() ({
      %run_scoped3A = tpu.sem_alloc : memref<!tpu.dma_semaphore, #tpu.memory_space<semaphore_mem>>
      %dma_start3A = arith.constant 0 : i32
      %dma_start3A_46 = tpu.memref_slice %arg6[%add3A_45, %dma_start3A] : memref<20480x128xf32, #tpu.memory_space<hbm>> -> memref<640x128xf32, #tpu.memory_space<hbm>>
      %dma_start3A_47 = arith.constant 0 : i32
      %dma_start3A_48 = tpu.memref_slice %arg7[%mul3A_40, %dma_start3A_47] : memref<10240x128xf32, #tpu.memory_space<vmem_shared>> -> memref<640x128xf32, #tpu.memory_space<vmem_shared>>
      tpu.enqueue_dma source(%dma_start3A_48 : memref<640x128xf32, #tpu.memory_space<vmem_shared>>) target(%dma_start3A_46 : memref<640x128xf32, #tpu.memory_space<hbm>>) target_semaphore(%run_scoped3A : memref<!tpu.dma_semaphore, #tpu.memory_space<semaphore_mem>>)
      %dma_wait3A = arith.constant 0 : i32
      %dma_wait3A_49 = tpu.memref_slice %arg6[%add3A_45, %dma_wait3A] : memref<20480x128xf32, #tpu.memory_space<hbm>> -> memref<640x128xf32, #tpu.memory_space<hbm>>
      %dma_wait3A_50 = arith.constant 0 : i32
      %dma_wait3A_51 = tpu.memref_slice %arg7[%mul3A_40, %dma_wait3A_50] : memref<10240x128xf32, #tpu.memory_space<vmem_shared>> -> memref<640x128xf32, #tpu.memory_space<vmem_shared>>
      tpu.wait_dma2 semaphore(%run_scoped3A : memref<!tpu.dma_semaphore, #tpu.memory_space<semaphore_mem>>) src(%dma_wait3A_51 : memref<640x128xf32, #tpu.memory_space<vmem_shared>>) dst(%dma_wait3A_49 : memref<640x128xf32, #tpu.memory_space<hbm>>)
      tpu.yield
    }) : () -> ()
    return
  }
}

#map = affine_map<(d0, d1) -> (0)>
#map1 = affine_map<(d0, d1) -> (0, 0)>
module attributes {stable_mosaic.version = 14 : i64} {
  func.func @gcn_norm_sc(%arg0: i32, %arg1: i32, %arg2: memref<10240xf32, #tpu.memory_space<hbm>>, %arg3: memref<2560x128xi32, #tpu.memory_space<hbm>>, %arg4: memref<2560x128xi32, #tpu.memory_space<hbm>>, %arg5: memref<2560x128xf32, #tpu.memory_space<hbm>>, %arg6: memref<2560x128xf32, #tpu.memory_space<hbm>>, %arg7: memref<80x128xi32, #tpu.memory_space<vmem>>, %arg8: memref<80x128xi32, #tpu.memory_space<vmem>>, %arg9: memref<80x128xf32, #tpu.memory_space<vmem>>, %arg10: memref<80x128xf32, #tpu.memory_space<vmem>>, %arg11: memref<10240xf32, #tpu.memory_space<vmem>>) attributes {dimension_semantics = [#tpu.dimension_semantics<core_parallel>, #tpu.dimension_semantics<subcore_parallel>], iteration_bounds = array<i64: 2, 16>, scalar_prefetch = 0 : i64, scratch_operands = 5 : i64, tpu.core_type = #tpu.core_type<sc_vector_subcore>, window_params = [{transform_indices = #map}, {transform_indices = #map1}, {transform_indices = #map1}, {transform_indices = #map1}, {transform_indices = #map1}]} {
    %mul3A = arith.constant 16 : i32
    %mul3A_0 = arith.muli %arg0, %mul3A : i32
    %add3A = arith.addi %mul3A_0, %arg1 : i32
    %mul3A_1 = arith.constant 80 : i32
    %mul3A_2 = arith.muli %add3A, %mul3A_1 : i32
    "tpu.region"() ({
      %run_scoped3A = tpu.sem_alloc : memref<!tpu.dma_semaphore, #tpu.memory_space<semaphore_mem>>
      tpu.enqueue_dma source(%arg2 : memref<10240xf32, #tpu.memory_space<hbm>>) target(%arg11 : memref<10240xf32, #tpu.memory_space<vmem>>) target_semaphore(%run_scoped3A : memref<!tpu.dma_semaphore, #tpu.memory_space<semaphore_mem>>)
      tpu.wait_dma2 semaphore(%run_scoped3A : memref<!tpu.dma_semaphore, #tpu.memory_space<semaphore_mem>>) src(%arg2 : memref<10240xf32, #tpu.memory_space<hbm>>) dst(%arg11 : memref<10240xf32, #tpu.memory_space<vmem>>)
      tpu.yield
    }) : () -> ()
    "tpu.region"() ({
      %run_scoped3A = tpu.sem_alloc : memref<!tpu.dma_semaphore, #tpu.memory_space<semaphore_mem>>
      %dma_start3A = arith.constant 0 : i32
      %dma_start3A_9 = tpu.memref_slice %arg3[%mul3A_2, %dma_start3A] : memref<2560x128xi32, #tpu.memory_space<hbm>> -> memref<80x128xi32, #tpu.memory_space<hbm>>
      %dma_start3A_10 = arith.constant 0 : i32
      %dma_start3A_11 = tpu.memref_slice %arg3[%mul3A_2, %dma_start3A_10] : memref<2560x128xi32, #tpu.memory_space<hbm>> -> memref<80x128xi32, #tpu.memory_space<hbm>>
      tpu.enqueue_dma source(%dma_start3A_11 : memref<80x128xi32, #tpu.memory_space<hbm>>) target(%arg7 : memref<80x128xi32, #tpu.memory_space<vmem>>) target_semaphore(%run_scoped3A : memref<!tpu.dma_semaphore, #tpu.memory_space<semaphore_mem>>)
      %dma_wait3A = arith.constant 0 : i32
      %dma_wait3A_12 = tpu.memref_slice %arg3[%mul3A_2, %dma_wait3A] : memref<2560x128xi32, #tpu.memory_space<hbm>> -> memref<80x128xi32, #tpu.memory_space<hbm>>
      %dma_wait3A_13 = arith.constant 0 : i32
      %dma_wait3A_14 = tpu.memref_slice %arg3[%mul3A_2, %dma_wait3A_13] : memref<2560x128xi32, #tpu.memory_space<hbm>> -> memref<80x128xi32, #tpu.memory_space<hbm>>
      tpu.wait_dma2 semaphore(%run_scoped3A : memref<!tpu.dma_semaphore, #tpu.memory_space<semaphore_mem>>) src(%dma_wait3A_14 : memref<80x128xi32, #tpu.memory_space<hbm>>) dst(%arg7 : memref<80x128xi32, #tpu.memory_space<vmem>>)
      tpu.yield
    }) : () -> ()
    "tpu.region"() ({
      %run_scoped3A = tpu.sem_alloc : memref<!tpu.dma_semaphore, #tpu.memory_space<semaphore_mem>>
      %dma_start3A = arith.constant 0 : i32
      %dma_start3A_9 = tpu.memref_slice %arg4[%mul3A_2, %dma_start3A] : memref<2560x128xi32, #tpu.memory_space<hbm>> -> memref<80x128xi32, #tpu.memory_space<hbm>>
      %dma_start3A_10 = arith.constant 0 : i32
      %dma_start3A_11 = tpu.memref_slice %arg4[%mul3A_2, %dma_start3A_10] : memref<2560x128xi32, #tpu.memory_space<hbm>> -> memref<80x128xi32, #tpu.memory_space<hbm>>
      tpu.enqueue_dma source(%dma_start3A_11 : memref<80x128xi32, #tpu.memory_space<hbm>>) target(%arg8 : memref<80x128xi32, #tpu.memory_space<vmem>>) target_semaphore(%run_scoped3A : memref<!tpu.dma_semaphore, #tpu.memory_space<semaphore_mem>>)
      %dma_wait3A = arith.constant 0 : i32
      %dma_wait3A_12 = tpu.memref_slice %arg4[%mul3A_2, %dma_wait3A] : memref<2560x128xi32, #tpu.memory_space<hbm>> -> memref<80x128xi32, #tpu.memory_space<hbm>>
      %dma_wait3A_13 = arith.constant 0 : i32
      %dma_wait3A_14 = tpu.memref_slice %arg4[%mul3A_2, %dma_wait3A_13] : memref<2560x128xi32, #tpu.memory_space<hbm>> -> memref<80x128xi32, #tpu.memory_space<hbm>>
      tpu.wait_dma2 semaphore(%run_scoped3A : memref<!tpu.dma_semaphore, #tpu.memory_space<semaphore_mem>>) src(%dma_wait3A_14 : memref<80x128xi32, #tpu.memory_space<hbm>>) dst(%arg8 : memref<80x128xi32, #tpu.memory_space<vmem>>)
      tpu.yield
    }) : () -> ()
    "tpu.region"() ({
      %run_scoped3A = tpu.sem_alloc : memref<!tpu.dma_semaphore, #tpu.memory_space<semaphore_mem>>
      %dma_start3A = arith.constant 0 : i32
      %dma_start3A_9 = tpu.memref_slice %arg5[%mul3A_2, %dma_start3A] : memref<2560x128xf32, #tpu.memory_space<hbm>> -> memref<80x128xf32, #tpu.memory_space<hbm>>
      %dma_start3A_10 = arith.constant 0 : i32
      %dma_start3A_11 = tpu.memref_slice %arg5[%mul3A_2, %dma_start3A_10] : memref<2560x128xf32, #tpu.memory_space<hbm>> -> memref<80x128xf32, #tpu.memory_space<hbm>>
      tpu.enqueue_dma source(%dma_start3A_11 : memref<80x128xf32, #tpu.memory_space<hbm>>) target(%arg9 : memref<80x128xf32, #tpu.memory_space<vmem>>) target_semaphore(%run_scoped3A : memref<!tpu.dma_semaphore, #tpu.memory_space<semaphore_mem>>)
      %dma_wait3A = arith.constant 0 : i32
      %dma_wait3A_12 = tpu.memref_slice %arg5[%mul3A_2, %dma_wait3A] : memref<2560x128xf32, #tpu.memory_space<hbm>> -> memref<80x128xf32, #tpu.memory_space<hbm>>
      %dma_wait3A_13 = arith.constant 0 : i32
      %dma_wait3A_14 = tpu.memref_slice %arg5[%mul3A_2, %dma_wait3A_13] : memref<2560x128xf32, #tpu.memory_space<hbm>> -> memref<80x128xf32, #tpu.memory_space<hbm>>
      tpu.wait_dma2 semaphore(%run_scoped3A : memref<!tpu.dma_semaphore, #tpu.memory_space<semaphore_mem>>) src(%dma_wait3A_14 : memref<80x128xf32, #tpu.memory_space<hbm>>) dst(%arg9 : memref<80x128xf32, #tpu.memory_space<vmem>>)
      tpu.yield
    }) : () -> ()
    %scan3A = arith.constant 0 : i32
    %scan3A_3 = arith.constant 0 : i32
    %scan3A_4 = arith.constant 80 : i32
    %scan3A_5 = arith.addi %scan3A_3, %scan3A_4 : i32
    %scan3A_6 = arith.constant 1 : i32
    %scan3A_7 = scf.for %scan3A_9 = %scan3A_3 to %scan3A_5 step %scan3A_6 iter_args(%scan3A_10 = %scan3A) -> (i32)  : i32 {
      %get3A = arith.index_cast %scan3A_9 : i32 to index
      %get3A_11 = arith.constant 0 : index
      %get3A_12 = tpu.vector_load %arg7[%get3A, %get3A_11] {strides = array<i32>} : memref<80x128xi32, #tpu.memory_space<vmem>>, vector<16xi32>,
      %get3A_13 = arith.index_cast %scan3A_9 : i32 to index
      %get3A_14 = arith.constant 0 : index
      %get3A_15 = tpu.vector_load %arg8[%get3A_13, %get3A_14] {strides = array<i32>} : memref<80x128xi32, #tpu.memory_space<vmem>>, vector<16xi32>,
      %get3A_16 = arith.index_cast %scan3A_9 : i32 to index
      %get3A_17 = arith.constant 0 : index
      %get3A_18 = tpu.vector_load %arg9[%get3A_16, %get3A_17] {strides = array<i32>} : memref<80x128xf32, #tpu.memory_space<vmem>>, vector<16xf32>,
      %gather3A = tpu.vector_load_idx %arg11[%get3A_12] : memref<10240xf32, #tpu.memory_space<vmem>>[vector<16xi32>], vector<16xf32>,
      %gather3A_19 = tpu.vector_load_idx %arg11[%get3A_15] : memref<10240xf32, #tpu.memory_space<vmem>>[vector<16xi32>], vector<16xf32>,
      %mul3A_20 = arith.mulf %gather3A, %get3A_18 : vector<16xf32>
      %mul3A_21 = arith.mulf %mul3A_20, %gather3A_19 : vector<16xf32>
      %swap3A = arith.index_cast %scan3A_9 : i32 to index
      %swap3A_22 = arith.constant 0 : index
      %swap3A_23 = tpu.vector_load %arg10[%swap3A, %swap3A_22] {strides = array<i32>} : memref<80x128xf32, #tpu.memory_space<vmem>>, vector<16xf32>,
      tpu.vector_store %arg10[%swap3A, %swap3A_22], %mul3A_21 {strides = array<i32>} : memref<80x128xf32, #tpu.memory_space<vmem>>, vector<16xf32>,
      %get3A_24 = arith.index_cast %scan3A_9 : i32 to index
      %get3A_25 = arith.constant 16 : index
      %get3A_26 = tpu.vector_load %arg7[%get3A_24, %get3A_25] {strides = array<i32>} : memref<80x128xi32, #tpu.memory_space<vmem>>, vector<16xi32>,
      %get3A_27 = arith.index_cast %scan3A_9 : i32 to index
      %get3A_28 = arith.constant 16 : index
      %get3A_29 = tpu.vector_load %arg8[%get3A_27, %get3A_28] {strides = array<i32>} : memref<80x128xi32, #tpu.memory_space<vmem>>, vector<16xi32>,
      %get3A_30 = arith.index_cast %scan3A_9 : i32 to index
      %get3A_31 = arith.constant 16 : index
      %get3A_32 = tpu.vector_load %arg9[%get3A_30, %get3A_31] {strides = array<i32>} : memref<80x128xf32, #tpu.memory_space<vmem>>, vector<16xf32>,
      %gather3A_33 = tpu.vector_load_idx %arg11[%get3A_26] : memref<10240xf32, #tpu.memory_space<vmem>>[vector<16xi32>], vector<16xf32>,
      %gather3A_34 = tpu.vector_load_idx %arg11[%get3A_29] : memref<10240xf32, #tpu.memory_space<vmem>>[vector<16xi32>], vector<16xf32>,
      %mul3A_35 = arith.mulf %gather3A_33, %get3A_32 : vector<16xf32>
      %mul3A_36 = arith.mulf %mul3A_35, %gather3A_34 : vector<16xf32>
      %swap3A_37 = arith.index_cast %scan3A_9 : i32 to index
      %swap3A_38 = arith.constant 16 : index
      %swap3A_39 = tpu.vector_load %arg10[%swap3A_37, %swap3A_38] {strides = array<i32>} : memref<80x128xf32, #tpu.memory_space<vmem>>, vector<16xf32>,
      tpu.vector_store %arg10[%swap3A_37, %swap3A_38], %mul3A_36 {strides = array<i32>} : memref<80x128xf32, #tpu.memory_space<vmem>>, vector<16xf32>,
      %get3A_40 = arith.index_cast %scan3A_9 : i32 to index
      %get3A_41 = arith.constant 32 : index
      %get3A_42 = tpu.vector_load %arg7[%get3A_40, %get3A_41] {strides = array<i32>} : memref<80x128xi32, #tpu.memory_space<vmem>>, vector<16xi32>,
      %get3A_43 = arith.index_cast %scan3A_9 : i32 to index
      %get3A_44 = arith.constant 32 : index
      %get3A_45 = tpu.vector_load %arg8[%get3A_43, %get3A_44] {strides = array<i32>} : memref<80x128xi32, #tpu.memory_space<vmem>>, vector<16xi32>,
      %get3A_46 = arith.index_cast %scan3A_9 : i32 to index
      %get3A_47 = arith.constant 32 : index
      %get3A_48 = tpu.vector_load %arg9[%get3A_46, %get3A_47] {strides = array<i32>} : memref<80x128xf32, #tpu.memory_space<vmem>>, vector<16xf32>,
      %gather3A_49 = tpu.vector_load_idx %arg11[%get3A_42] : memref<10240xf32, #tpu.memory_space<vmem>>[vector<16xi32>], vector<16xf32>,
      %gather3A_50 = tpu.vector_load_idx %arg11[%get3A_45] : memref<10240xf32, #tpu.memory_space<vmem>>[vector<16xi32>], vector<16xf32>,
      %mul3A_51 = arith.mulf %gather3A_49, %get3A_48 : vector<16xf32>
      %mul3A_52 = arith.mulf %mul3A_51, %gather3A_50 : vector<16xf32>
      %swap3A_53 = arith.index_cast %scan3A_9 : i32 to index
      %swap3A_54 = arith.constant 32 : index
      %swap3A_55 = tpu.vector_load %arg10[%swap3A_53, %swap3A_54] {strides = array<i32>} : memref<80x128xf32, #tpu.memory_space<vmem>>, vector<16xf32>,
      tpu.vector_store %arg10[%swap3A_53, %swap3A_54], %mul3A_52 {strides = array<i32>} : memref<80x128xf32, #tpu.memory_space<vmem>>, vector<16xf32>,
      %get3A_56 = arith.index_cast %scan3A_9 : i32 to index
      %get3A_57 = arith.constant 48 : index
      %get3A_58 = tpu.vector_load %arg7[%get3A_56, %get3A_57] {strides = array<i32>} : memref<80x128xi32, #tpu.memory_space<vmem>>, vector<16xi32>,
      %get3A_59 = arith.index_cast %scan3A_9 : i32 to index
      %get3A_60 = arith.constant 48 : index
      %get3A_61 = tpu.vector_load %arg8[%get3A_59, %get3A_60] {strides = array<i32>} : memref<80x128xi32, #tpu.memory_space<vmem>>, vector<16xi32>,
      %get3A_62 = arith.index_cast %scan3A_9 : i32 to index
      %get3A_63 = arith.constant 48 : index
      %get3A_64 = tpu.vector_load %arg9[%get3A_62, %get3A_63] {strides = array<i32>} : memref<80x128xf32, #tpu.memory_space<vmem>>, vector<16xf32>,
      %gather3A_65 = tpu.vector_load_idx %arg11[%get3A_58] : memref<10240xf32, #tpu.memory_space<vmem>>[vector<16xi32>], vector<16xf32>,
      %gather3A_66 = tpu.vector_load_idx %arg11[%get3A_61] : memref<10240xf32, #tpu.memory_space<vmem>>[vector<16xi32>], vector<16xf32>,
      %mul3A_67 = arith.mulf %gather3A_65, %get3A_64 : vector<16xf32>
      %mul3A_68 = arith.mulf %mul3A_67, %gather3A_66 : vector<16xf32>
      %swap3A_69 = arith.index_cast %scan3A_9 : i32 to index
      %swap3A_70 = arith.constant 48 : index
      %swap3A_71 = tpu.vector_load %arg10[%swap3A_69, %swap3A_70] {strides = array<i32>} : memref<80x128xf32, #tpu.memory_space<vmem>>, vector<16xf32>,
      tpu.vector_store %arg10[%swap3A_69, %swap3A_70], %mul3A_68 {strides = array<i32>} : memref<80x128xf32, #tpu.memory_space<vmem>>, vector<16xf32>,
      %get3A_72 = arith.index_cast %scan3A_9 : i32 to index
      %get3A_73 = arith.constant 64 : index
      %get3A_74 = tpu.vector_load %arg7[%get3A_72, %get3A_73] {strides = array<i32>} : memref<80x128xi32, #tpu.memory_space<vmem>>, vector<16xi32>,
      %get3A_75 = arith.index_cast %scan3A_9 : i32 to index
      %get3A_76 = arith.constant 64 : index
      %get3A_77 = tpu.vector_load %arg8[%get3A_75, %get3A_76] {strides = array<i32>} : memref<80x128xi32, #tpu.memory_space<vmem>>, vector<16xi32>,
      %get3A_78 = arith.index_cast %scan3A_9 : i32 to index
      %get3A_79 = arith.constant 64 : index
      %get3A_80 = tpu.vector_load %arg9[%get3A_78, %get3A_79] {strides = array<i32>} : memref<80x128xf32, #tpu.memory_space<vmem>>, vector<16xf32>,
      %gather3A_81 = tpu.vector_load_idx %arg11[%get3A_74] : memref<10240xf32, #tpu.memory_space<vmem>>[vector<16xi32>], vector<16xf32>,
      %gather3A_82 = tpu.vector_load_idx %arg11[%get3A_77] : memref<10240xf32, #tpu.memory_space<vmem>>[vector<16xi32>], vector<16xf32>,
      %mul3A_83 = arith.mulf %gather3A_81, %get3A_80 : vector<16xf32>
      %mul3A_84 = arith.mulf %mul3A_83, %gather3A_82 : vector<16xf32>
      %swap3A_85 = arith.index_cast %scan3A_9 : i32 to index
      %swap3A_86 = arith.constant 64 : index
      %swap3A_87 = tpu.vector_load %arg10[%swap3A_85, %swap3A_86] {strides = array<i32>} : memref<80x128xf32, #tpu.memory_space<vmem>>, vector<16xf32>,
      tpu.vector_store %arg10[%swap3A_85, %swap3A_86], %mul3A_84 {strides = array<i32>} : memref<80x128xf32, #tpu.memory_space<vmem>>, vector<16xf32>,
      %get3A_88 = arith.index_cast %scan3A_9 : i32 to index
      %get3A_89 = arith.constant 80 : index
      %get3A_90 = tpu.vector_load %arg7[%get3A_88, %get3A_89] {strides = array<i32>} : memref<80x128xi32, #tpu.memory_space<vmem>>, vector<16xi32>,
      %get3A_91 = arith.index_cast %scan3A_9 : i32 to index
      %get3A_92 = arith.constant 80 : index
      %get3A_93 = tpu.vector_load %arg8[%get3A_91, %get3A_92] {strides = array<i32>} : memref<80x128xi32, #tpu.memory_space<vmem>>, vector<16xi32>,
      %get3A_94 = arith.index_cast %scan3A_9 : i32 to index
      %get3A_95 = arith.constant 80 : index
      %get3A_96 = tpu.vector_load %arg9[%get3A_94, %get3A_95] {strides = array<i32>} : memref<80x128xf32, #tpu.memory_space<vmem>>, vector<16xf32>,
      %gather3A_97 = tpu.vector_load_idx %arg11[%get3A_90] : memref<10240xf32, #tpu.memory_space<vmem>>[vector<16xi32>], vector<16xf32>,
      %gather3A_98 = tpu.vector_load_idx %arg11[%get3A_93] : memref<10240xf32, #tpu.memory_space<vmem>>[vector<16xi32>], vector<16xf32>,
      %mul3A_99 = arith.mulf %gather3A_97, %get3A_96 : vector<16xf32>
      %mul3A_100 = arith.mulf %mul3A_99, %gather3A_98 : vector<16xf32>
      %swap3A_101 = arith.index_cast %scan3A_9 : i32 to index
      %swap3A_102 = arith.constant 80 : index
      %swap3A_103 = tpu.vector_load %arg10[%swap3A_101, %swap3A_102] {strides = array<i32>} : memref<80x128xf32, #tpu.memory_space<vmem>>, vector<16xf32>,
      tpu.vector_store %arg10[%swap3A_101, %swap3A_102], %mul3A_100 {strides = array<i32>} : memref<80x128xf32, #tpu.memory_space<vmem>>, vector<16xf32>,
      %get3A_104 = arith.index_cast %scan3A_9 : i32 to index
      %get3A_105 = arith.constant 96 : index
      %get3A_106 = tpu.vector_load %arg7[%get3A_104, %get3A_105] {strides = array<i32>} : memref<80x128xi32, #tpu.memory_space<vmem>>, vector<16xi32>,
      %get3A_107 = arith.index_cast %scan3A_9 : i32 to index
      %get3A_108 = arith.constant 96 : index
      %get3A_109 = tpu.vector_load %arg8[%get3A_107, %get3A_108] {strides = array<i32>} : memref<80x128xi32, #tpu.memory_space<vmem>>, vector<16xi32>,
      %get3A_110 = arith.index_cast %scan3A_9 : i32 to index
      %get3A_111 = arith.constant 96 : index
      %get3A_112 = tpu.vector_load %arg9[%get3A_110, %get3A_111] {strides = array<i32>} : memref<80x128xf32, #tpu.memory_space<vmem>>, vector<16xf32>,
      %gather3A_113 = tpu.vector_load_idx %arg11[%get3A_106] : memref<10240xf32, #tpu.memory_space<vmem>>[vector<16xi32>], vector<16xf32>,
      %gather3A_114 = tpu.vector_load_idx %arg11[%get3A_109] : memref<10240xf32, #tpu.memory_space<vmem>>[vector<16xi32>], vector<16xf32>,
      %mul3A_115 = arith.mulf %gather3A_113, %get3A_112 : vector<16xf32>
      %mul3A_116 = arith.mulf %mul3A_115, %gather3A_114 : vector<16xf32>
      %swap3A_117 = arith.index_cast %scan3A_9 : i32 to index
      %swap3A_118 = arith.constant 96 : index
      %swap3A_119 = tpu.vector_load %arg10[%swap3A_117, %swap3A_118] {strides = array<i32>} : memref<80x128xf32, #tpu.memory_space<vmem>>, vector<16xf32>,
      tpu.vector_store %arg10[%swap3A_117, %swap3A_118], %mul3A_116 {strides = array<i32>} : memref<80x128xf32, #tpu.memory_space<vmem>>, vector<16xf32>,
      %get3A_120 = arith.index_cast %scan3A_9 : i32 to index
      %get3A_121 = arith.constant 112 : index
      %get3A_122 = tpu.vector_load %arg7[%get3A_120, %get3A_121] {strides = array<i32>} : memref<80x128xi32, #tpu.memory_space<vmem>>, vector<16xi32>,
      %get3A_123 = arith.index_cast %scan3A_9 : i32 to index
      %get3A_124 = arith.constant 112 : index
      %get3A_125 = tpu.vector_load %arg8[%get3A_123, %get3A_124] {strides = array<i32>} : memref<80x128xi32, #tpu.memory_space<vmem>>, vector<16xi32>,
      %get3A_126 = arith.index_cast %scan3A_9 : i32 to index
      %get3A_127 = arith.constant 112 : index
      %get3A_128 = tpu.vector_load %arg9[%get3A_126, %get3A_127] {strides = array<i32>} : memref<80x128xf32, #tpu.memory_space<vmem>>, vector<16xf32>,
      %gather3A_129 = tpu.vector_load_idx %arg11[%get3A_122] : memref<10240xf32, #tpu.memory_space<vmem>>[vector<16xi32>], vector<16xf32>,
      %gather3A_130 = tpu.vector_load_idx %arg11[%get3A_125] : memref<10240xf32, #tpu.memory_space<vmem>>[vector<16xi32>], vector<16xf32>,
      %mul3A_131 = arith.mulf %gather3A_129, %get3A_128 : vector<16xf32>
      %mul3A_132 = arith.mulf %mul3A_131, %gather3A_130 : vector<16xf32>
      %swap3A_133 = arith.index_cast %scan3A_9 : i32 to index
      %swap3A_134 = arith.constant 112 : index
      %swap3A_135 = tpu.vector_load %arg10[%swap3A_133, %swap3A_134] {strides = array<i32>} : memref<80x128xf32, #tpu.memory_space<vmem>>, vector<16xf32>,
      tpu.vector_store %arg10[%swap3A_133, %swap3A_134], %mul3A_132 {strides = array<i32>} : memref<80x128xf32, #tpu.memory_space<vmem>>, vector<16xf32>,
      %scan3A_136 = arith.constant 0 : i32
      scf.yield %scan3A_136 : i32
    }
    %scan3A_8 = arith.constant 80 : i32
    "tpu.region"() ({
      %run_scoped3A = tpu.sem_alloc : memref<!tpu.dma_semaphore, #tpu.memory_space<semaphore_mem>>
      %dma_start3A = arith.constant 0 : i32
      %dma_start3A_9 = tpu.memref_slice %arg6[%mul3A_2, %dma_start3A] : memref<2560x128xf32, #tpu.memory_space<hbm>> -> memref<80x128xf32, #tpu.memory_space<hbm>>
      %dma_start3A_10 = arith.constant 0 : i32
      %dma_start3A_11 = tpu.memref_slice %arg6[%mul3A_2, %dma_start3A_10] : memref<2560x128xf32, #tpu.memory_space<hbm>> -> memref<80x128xf32, #tpu.memory_space<hbm>>
      tpu.enqueue_dma source(%arg10 : memref<80x128xf32, #tpu.memory_space<vmem>>) target(%dma_start3A_11 : memref<80x128xf32, #tpu.memory_space<hbm>>) target_semaphore(%run_scoped3A : memref<!tpu.dma_semaphore, #tpu.memory_space<semaphore_mem>>)
      %dma_wait3A = arith.constant 0 : i32
      %dma_wait3A_12 = tpu.memref_slice %arg6[%mul3A_2, %dma_wait3A] : memref<2560x128xf32, #tpu.memory_space<hbm>> -> memref<80x128xf32, #tpu.memory_space<hbm>>
      %dma_wait3A_13 = arith.constant 0 : i32
      %dma_wait3A_14 = tpu.memref_slice %arg6[%mul3A_2, %dma_wait3A_13] : memref<2560x128xf32, #tpu.memory_space<hbm>> -> memref<80x128xf32, #tpu.memory_space<hbm>>
      tpu.wait_dma2 semaphore(%run_scoped3A : memref<!tpu.dma_semaphore, #tpu.memory_space<semaphore_mem>>) src(%arg10 : memref<80x128xf32, #tpu.memory_space<vmem>>) dst(%dma_wait3A_14 : memref<80x128xf32, #tpu.memory_space<hbm>>)
      tpu.yield
    }) : () -> ()
    return
  }
}

module attributes {stable_mosaic.version = 14 : i64} {
  func.func @k(%arg0: i32, %arg1: memref<512x128xf32, #tpu.memory_space<vmem>>, %arg2: memref<128x128xf32, #tpu.memory_space<vmem>>, %arg3: memref<512x1xf32, #tpu.memory_space<vmem>>, %arg4: memref<512x1xf32, #tpu.memory_space<vmem>>, %arg5: memref<512x128xf32, #tpu.memory_space<vmem>>, %arg6: memref<512x1xf32, #tpu.memory_space<vmem>>, %arg7: memref<512x1xf32, #tpu.memory_space<vmem>>) attributes {dimension_semantics = [#tpu.dimension_semantics<arbitrary>], iteration_bounds = array<i64: 20>, scalar_prefetch = 0 : i64, scratch_operands = 0 : i64, tpu.core_type = #tpu.core_type<tc>, window_params = [{transform_indices = @transform_0, window_bounds = array<i64: 512, 128>}, {pipeline_mode = #tpu.pipeline_mode<synchronous>, transform_indices = @transform_1, window_bounds = array<i64: 128, 128>}, {transform_indices = @transform_2, window_bounds = array<i64: 512, 1>}, {transform_indices = @transform_3, window_bounds = array<i64: 512, 1>}, {transform_indices = @transform_4, window_bounds = array<i64: 512, 128>}, {transform_indices = @transform_5, window_bounds = array<i64: 512, 1>}, {transform_indices = @transform_6, window_bounds = array<i64: 512, 1>}]} {
    %get3A = arith.constant 0 : index
    %get3A_0 = arith.constant 0 : index
    %get3A_1 = vector.load %arg1[%get3A, %get3A_0] : memref<512x128xf32, #tpu.memory_space<vmem>>, vector<512x128xf32>
    %get3A_2 = arith.constant 0 : index
    %get3A_3 = arith.constant 0 : index
    %get3A_4 = vector.load %arg2[%get3A_2, %get3A_3] : memref<128x128xf32, #tpu.memory_space<vmem>>, vector<128x128xf32>
    %dot_general3A = arith.constant dense<0.000000e+00> : vector<512x128xf32>
    %dot_general3A_5 = tpu.matmul %get3A_1, %get3A_4, %dot_general3A {dimension_numbers = #tpu.dot_dimension_numbers<[1], [0], [0], [1], [0, 0, 1, 1], [], []>, transpose_lhs_hint = false} : vector<512x128xf32>, vector<128x128xf32>, vector<512x128xf32> -> vector<512x128xf32>
    %swap3A = arith.constant 0 : index
    %swap3A_6 = arith.constant 0 : index
    %swap3A_7 = vector.load %arg5[%swap3A, %swap3A_6] : memref<512x128xf32, #tpu.memory_space<vmem>>, vector<512x128xf32>
    tpu.vector_store %arg5[%swap3A, %swap3A_6], %dot_general3A_5 {strides = array<i32>} : memref<512x128xf32, #tpu.memory_space<vmem>>, vector<512x128xf32>,
    %get3A_8 = arith.constant 0 : index
    %get3A_9 = arith.constant 0 : index
    %get3A_10 = vector.load %arg3[%get3A_8, %get3A_9] : memref<512x1xf32, #tpu.memory_space<vmem>>, vector<512x1xf32>
    %add3A = arith.constant 1.000000e+00 : f32
    %add3A_11 = vector.broadcast %add3A : f32 to vector<512x1xf32>
    %add3A_12 = arith.addf %add3A_11, %get3A_10 : vector<512x1xf32>
    %get3A_13 = arith.constant 0 : index
    %get3A_14 = arith.constant 0 : index
    %get3A_15 = vector.load %arg4[%get3A_13, %get3A_14] : memref<512x1xf32, #tpu.memory_space<vmem>>, vector<512x1xf32>
    %add3A_16 = arith.addf %add3A_12, %get3A_15 : vector<512x1xf32>
    %rsqrt3A = math.rsqrt %add3A_16 : vector<512x1xf32>
    %swap3A_17 = arith.constant 0 : index
    %swap3A_18 = arith.constant 0 : index
    %swap3A_19 = vector.load %arg6[%swap3A_17, %swap3A_18] : memref<512x1xf32, #tpu.memory_space<vmem>>, vector<512x1xf32>
    tpu.vector_store %arg6[%swap3A_17, %swap3A_18], %rsqrt3A {strides = array<i32>} : memref<512x1xf32, #tpu.memory_space<vmem>>, vector<512x1xf32>,
    %mul3A = arith.mulf %rsqrt3A, %rsqrt3A : vector<512x1xf32>
    %swap3A_20 = arith.constant 0 : index
    %swap3A_21 = arith.constant 0 : index
    %swap3A_22 = vector.load %arg7[%swap3A_20, %swap3A_21] : memref<512x1xf32, #tpu.memory_space<vmem>>, vector<512x1xf32>
    tpu.vector_store %arg7[%swap3A_20, %swap3A_21], %mul3A {strides = array<i32>} : memref<512x1xf32, #tpu.memory_space<vmem>>, vector<512x1xf32>,
    return
  }
  func.func @transform_0(%arg0: i32) -> (i32, i32) {
    %c0_i32 = arith.constant 0 : i32
    %c0_i32_0 = arith.constant 0 : i32
    return %arg0, %c0_i32 : i32, i32
  }
  func.func @transform_1(%arg0: i32) -> (i32, i32) {
    %c0_i32 = arith.constant 0 : i32
    %c0_i32_0 = arith.constant 0 : i32
    %c0_i32_1 = arith.constant 0 : i32
    return %c0_i32, %c0_i32_0 : i32, i32
  }
  func.func @transform_2(%arg0: i32) -> (i32, i32) {
    %c0_i32 = arith.constant 0 : i32
    %c0_i32_0 = arith.constant 0 : i32
    return %arg0, %c0_i32 : i32, i32
  }
  func.func @transform_3(%arg0: i32) -> (i32, i32) {
    %c0_i32 = arith.constant 0 : i32
    %c0_i32_0 = arith.constant 0 : i32
    return %arg0, %c0_i32 : i32, i32
  }
  func.func @transform_4(%arg0: i32) -> (i32, i32) {
    %c0_i32 = arith.constant 0 : i32
    %c0_i32_0 = arith.constant 0 : i32
    return %arg0, %c0_i32 : i32, i32
  }
  func.func @transform_5(%arg0: i32) -> (i32, i32) {
    %c0_i32 = arith.constant 0 : i32
    %c0_i32_0 = arith.constant 0 : i32
    return %arg0, %c0_i32 : i32, i32
  }
  func.func @transform_6(%arg0: i32) -> (i32, i32) {
    %c0_i32 = arith.constant 0 : i32
    %c0_i32_0 = arith.constant 0 : i32
    return %arg0, %c0_i32 : i32, i32
  }
}

module attributes {stable_mosaic.version = 14 : i64} {
  func.func @k(%arg0: i32, %arg1: memref<512x128xf32, #tpu.memory_space<vmem>>, %arg2: memref<512x128xf32, #tpu.memory_space<vmem>>, %arg3: memref<512x128xf32, #tpu.memory_space<vmem>>, %arg4: memref<512x1xf32, #tpu.memory_space<vmem>>, %arg5: memref<1x128xf32, #tpu.memory_space<vmem>>, %arg6: memref<128x128xf32, #tpu.memory_space<vmem>>, %arg7: memref<512x128xf32, #tpu.memory_space<vmem>>) attributes {dimension_semantics = [#tpu.dimension_semantics<arbitrary>], iteration_bounds = array<i64: 20>, scalar_prefetch = 0 : i64, scratch_operands = 0 : i64, tpu.core_type = #tpu.core_type<tc>, window_params = [{transform_indices = @transform_0, window_bounds = array<i64: 512, 128>}, {transform_indices = @transform_1, window_bounds = array<i64: 512, 128>}, {transform_indices = @transform_2, window_bounds = array<i64: 512, 128>}, {transform_indices = @transform_3, window_bounds = array<i64: 512, 1>}, {pipeline_mode = #tpu.pipeline_mode<synchronous>, transform_indices = @transform_4, window_bounds = array<i64: 1, 128>}, {pipeline_mode = #tpu.pipeline_mode<synchronous>, transform_indices = @transform_5, window_bounds = array<i64: 128, 128>}, {transform_indices = @transform_6, window_bounds = array<i64: 512, 128>}]} {
    %get3A = arith.constant 0 : index
    %get3A_0 = arith.constant 0 : index
    %get3A_1 = vector.load %arg1[%get3A, %get3A_0] : memref<512x128xf32, #tpu.memory_space<vmem>>, vector<512x128xf32>
    %get3A_2 = arith.constant 0 : index
    %get3A_3 = arith.constant 0 : index
    %get3A_4 = vector.load %arg2[%get3A_2, %get3A_3] : memref<512x128xf32, #tpu.memory_space<vmem>>, vector<512x128xf32>
    %add3A = arith.addf %get3A_1, %get3A_4 : vector<512x128xf32>
    %get3A_5 = arith.constant 0 : index
    %get3A_6 = arith.constant 0 : index
    %get3A_7 = vector.load %arg4[%get3A_5, %get3A_6] : memref<512x1xf32, #tpu.memory_space<vmem>>, vector<512x1xf32>
    %get3A_8 = arith.constant 0 : index
    %get3A_9 = arith.constant 0 : index
    %get3A_10 = vector.load %arg3[%get3A_8, %get3A_9] : memref<512x128xf32, #tpu.memory_space<vmem>>, vector<512x128xf32>
    %mul3A = vector.broadcast %get3A_7 : vector<512x1xf32> to vector<512x128xf32>
    %mul3A_11 = arith.mulf %mul3A, %get3A_10 : vector<512x128xf32>
    %add3A_12 = arith.addf %add3A, %mul3A_11 : vector<512x128xf32>
    %get3A_13 = arith.constant 0 : index
    %get3A_14 = arith.constant 0 : index
    %get3A_15 = vector.load %arg5[%get3A_13, %get3A_14] : memref<1x128xf32, #tpu.memory_space<vmem>>, vector<1x128xf32>
    %add3A_16 = vector.broadcast %get3A_15 : vector<1x128xf32> to vector<512x128xf32>
    %add3A_17 = arith.addf %add3A_12, %add3A_16 : vector<512x128xf32>
    %max3A = arith.constant 0.000000e+00 : f32
    %max3A_18 = vector.broadcast %max3A : f32 to vector<512x128xf32>
    %max3A_19 = arith.maximumf %add3A_17, %max3A_18 : vector<512x128xf32>
    %get3A_20 = arith.constant 0 : index
    %get3A_21 = arith.constant 0 : index
    %get3A_22 = vector.load %arg6[%get3A_20, %get3A_21] : memref<128x128xf32, #tpu.memory_space<vmem>>, vector<128x128xf32>
    %dot_general3A = arith.constant dense<0.000000e+00> : vector<512x128xf32>
    %dot_general3A_23 = tpu.matmul %max3A_19, %get3A_22, %dot_general3A {dimension_numbers = #tpu.dot_dimension_numbers<[1], [0], [0], [1], [0, 0, 1, 1], [], []>, transpose_lhs_hint = false} : vector<512x128xf32>, vector<128x128xf32>, vector<512x128xf32> -> vector<512x128xf32>
    %swap3A = arith.constant 0 : index
    %swap3A_24 = arith.constant 0 : index
    %swap3A_25 = vector.load %arg7[%swap3A, %swap3A_24] : memref<512x128xf32, #tpu.memory_space<vmem>>, vector<512x128xf32>
    tpu.vector_store %arg7[%swap3A, %swap3A_24], %dot_general3A_23 {strides = array<i32>} : memref<512x128xf32, #tpu.memory_space<vmem>>, vector<512x128xf32>,
    return
  }
  func.func @transform_0(%arg0: i32) -> (i32, i32) {
    %c0_i32 = arith.constant 0 : i32
    %c0_i32_0 = arith.constant 0 : i32
    return %arg0, %c0_i32 : i32, i32
  }
  func.func @transform_1(%arg0: i32) -> (i32, i32) {
    %c0_i32 = arith.constant 0 : i32
    %c0_i32_0 = arith.constant 0 : i32
    return %arg0, %c0_i32 : i32, i32
  }
  func.func @transform_2(%arg0: i32) -> (i32, i32) {
    %c0_i32 = arith.constant 0 : i32
    %c0_i32_0 = arith.constant 0 : i32
    return %arg0, %c0_i32 : i32, i32
  }
  func.func @transform_3(%arg0: i32) -> (i32, i32) {
    %c0_i32 = arith.constant 0 : i32
    %c0_i32_0 = arith.constant 0 : i32
    return %arg0, %c0_i32 : i32, i32
  }
  func.func @transform_4(%arg0: i32) -> (i32, i32) {
    %c0_i32 = arith.constant 0 : i32
    %c0_i32_0 = arith.constant 0 : i32
    %c0_i32_1 = arith.constant 0 : i32
    return %c0_i32, %c0_i32_0 : i32, i32
  }
  func.func @transform_5(%arg0: i32) -> (i32, i32) {
    %c0_i32 = arith.constant 0 : i32
    %c0_i32_0 = arith.constant 0 : i32
    %c0_i32_1 = arith.constant 0 : i32
    return %c0_i32, %c0_i32_0 : i32, i32
  }
  func.func @transform_6(%arg0: i32) -> (i32, i32) {
    %c0_i32 = arith.constant 0 : i32
    %c0_i32_0 = arith.constant 0 : i32
    return %arg0, %c0_i32 : i32, i32
  }
}

module attributes {stable_mosaic.version = 14 : i64} {
  func.func @k(%arg0: i32, %arg1: memref<512x128xf32, #tpu.memory_space<vmem>>, %arg2: memref<512x128xf32, #tpu.memory_space<vmem>>, %arg3: memref<512x128xf32, #tpu.memory_space<vmem>>, %arg4: memref<512x1xf32, #tpu.memory_space<vmem>>, %arg5: memref<1x128xf32, #tpu.memory_space<vmem>>, %arg6: memref<512x128xf32, #tpu.memory_space<vmem>>) attributes {dimension_semantics = [#tpu.dimension_semantics<arbitrary>], iteration_bounds = array<i64: 20>, scalar_prefetch = 0 : i64, scratch_operands = 0 : i64, tpu.core_type = #tpu.core_type<tc>, window_params = [{transform_indices = @transform_0, window_bounds = array<i64: 512, 128>}, {transform_indices = @transform_1, window_bounds = array<i64: 512, 128>}, {transform_indices = @transform_2, window_bounds = array<i64: 512, 128>}, {transform_indices = @transform_3, window_bounds = array<i64: 512, 1>}, {pipeline_mode = #tpu.pipeline_mode<synchronous>, transform_indices = @transform_4, window_bounds = array<i64: 1, 128>}, {transform_indices = @transform_5, window_bounds = array<i64: 512, 128>}]} {
    %get3A = arith.constant 0 : index
    %get3A_0 = arith.constant 0 : index
    %get3A_1 = vector.load %arg1[%get3A, %get3A_0] : memref<512x128xf32, #tpu.memory_space<vmem>>, vector<512x128xf32>
    %get3A_2 = arith.constant 0 : index
    %get3A_3 = arith.constant 0 : index
    %get3A_4 = vector.load %arg2[%get3A_2, %get3A_3] : memref<512x128xf32, #tpu.memory_space<vmem>>, vector<512x128xf32>
    %add3A = arith.addf %get3A_1, %get3A_4 : vector<512x128xf32>
    %get3A_5 = arith.constant 0 : index
    %get3A_6 = arith.constant 0 : index
    %get3A_7 = vector.load %arg4[%get3A_5, %get3A_6] : memref<512x1xf32, #tpu.memory_space<vmem>>, vector<512x1xf32>
    %get3A_8 = arith.constant 0 : index
    %get3A_9 = arith.constant 0 : index
    %get3A_10 = vector.load %arg3[%get3A_8, %get3A_9] : memref<512x128xf32, #tpu.memory_space<vmem>>, vector<512x128xf32>
    %mul3A = vector.broadcast %get3A_7 : vector<512x1xf32> to vector<512x128xf32>
    %mul3A_11 = arith.mulf %mul3A, %get3A_10 : vector<512x128xf32>
    %add3A_12 = arith.addf %add3A, %mul3A_11 : vector<512x128xf32>
    %get3A_13 = arith.constant 0 : index
    %get3A_14 = arith.constant 0 : index
    %get3A_15 = vector.load %arg5[%get3A_13, %get3A_14] : memref<1x128xf32, #tpu.memory_space<vmem>>, vector<1x128xf32>
    %add3A_16 = vector.broadcast %get3A_15 : vector<1x128xf32> to vector<512x128xf32>
    %add3A_17 = arith.addf %add3A_12, %add3A_16 : vector<512x128xf32>
    %swap3A = arith.constant 0 : index
    %swap3A_18 = arith.constant 0 : index
    %swap3A_19 = vector.load %arg6[%swap3A, %swap3A_18] : memref<512x128xf32, #tpu.memory_space<vmem>>, vector<512x128xf32>
    tpu.vector_store %arg6[%swap3A, %swap3A_18], %add3A_17 {strides = array<i32>} : memref<512x128xf32, #tpu.memory_space<vmem>>, vector<512x128xf32>,
    return
  }
  func.func @transform_0(%arg0: i32) -> (i32, i32) {
    %c0_i32 = arith.constant 0 : i32
    %c0_i32_0 = arith.constant 0 : i32
    return %arg0, %c0_i32 : i32, i32
  }
  func.func @transform_1(%arg0: i32) -> (i32, i32) {
    %c0_i32 = arith.constant 0 : i32
    %c0_i32_0 = arith.constant 0 : i32
    return %arg0, %c0_i32 : i32, i32
  }
  func.func @transform_2(%arg0: i32) -> (i32, i32) {
    %c0_i32 = arith.constant 0 : i32
    %c0_i32_0 = arith.constant 0 : i32
    return %arg0, %c0_i32 : i32, i32
  }
  func.func @transform_3(%arg0: i32) -> (i32, i32) {
    %c0_i32 = arith.constant 0 : i32
    %c0_i32_0 = arith.constant 0 : i32
    return %arg0, %c0_i32 : i32, i32
  }
  func.func @transform_4(%arg0: i32) -> (i32, i32) {
    %c0_i32 = arith.constant 0 : i32
    %c0_i32_0 = arith.constant 0 : i32
    %c0_i32_1 = arith.constant 0 : i32
    return %c0_i32, %c0_i32_0 : i32, i32
  }
  func.func @transform_5(%arg0: i32) -> (i32, i32) {
    %c0_i32 = arith.constant 0 : i32
    %c0_i32_0 = arith.constant 0 : i32
    return %arg0, %c0_i32 : i32, i32
  }
}

</mosaic_0001>

<sc_bundles>
// kernel: gcn_aggregate_sc.4.cloned.1.call-start
scs
__scs_entry_jumppad:
0x0: {  	(pc) =	sbr.rel $0x88, $3  }
0x1: {  	(tag) =	ssettag $0x0;
	lr =	simm.s32 $0x1  }
0x2: {  	[smem:$0x3F9A] =	sst lr;
	_ =	strace $0xD0000000  }
0x3: {  	_ = 	snop  }
0x4: {  	_ = 	snop  }
0x5: {  	_ = 	snop  }
0x6: {  	_ = 	snop  }
0x7: {  	_ = 	snop  }
__scs_overlays_trampoline_lowered:
0x8: {  	[smem:$0x3FA9] =	sst s0  }
0x9: {  	[smem:$0x3FAA] =	sst s1  }
0xa: {  	[smem:$0x3FAB] =	sst s2  }
0xb: {  	[smem:$0x3FAC] =	sst s3  }
0xc: {  	[smem:$0x3FAD] =	sst s4  }
0xd: {  	[smem:$0x3FAE] =	sst s5  }
0xe: {  	[smem:$0x3FAF] =	sst s6  }
0xf: {  	[smem:$0x3FB0] =	sst s7  }
0x10: {  	[smem:$0x3FB1] =	sst s8  }
0x11: {  	[smem:$0x3FB2] =	sst s9;
	s0 =	simm.s32 @!p0 $0x0  }
0x12: {  	s1 =	sld [smem:$0x3F98];
	s0 =	simm.s32 @p0 $0x1  }
0x13: {  	[smem:$0x3FB3] =	sst s0;
	s0 =	simm.s32 @!p1 $0x0  }
0x14: {  	s2 =	sld [smem:$0x3F97];
	s0 =	simm.s32 @p1 $0x1  }
0x15: {  	[smem:$0x3FB4] =	sst s0;
	s0 =	simm.s32 @!p2 $0x0  }
0x16: {  	s3 =	sld [smem:$0x3FDB];
	s0 =	simm.s32 @p2 $0x1  }
0x17: {  	s4 =	simm.s32 $0x1BF5;
	[smem:$0x3FB6] =	sst s0  }
0x18: {  	s0 =	sld [smem:$0x3F99];
	_ =	swait.ge [sflag:s4], $0x0  }
0x19: {  	s7 =	sld [smem:$0x3F9A]  }
0x1a: {  	s8 =	sadd.s32 $0xFFFFE003, lr  }
0x1b: {  	s9 =	sadd.s32 $0xFFFFFEF7, lr;
	s5 =	simm.s32 $0xFFFFFFFF;
	p2 =	slt.u32 s8, $0xFFFFF086  }
0x1c: {  	p1 =	slt.u32 s9, $0xF7A;
	s5 =	simm.s32 @!p2 $0x0  }
0x1d: {  	s5 =	simm.s32 @p1 $0x1;
	p0 =	seq.s32 s7, s2  }
0x1e: {  	s7 =	smul.u32 @!p0 $0xF7A, s2;
	p2 =	seq.s32 @!p0 s5, $0x0  }
0x1f: {  	s9 =	smul.u32 $0xF7A, s1;
	s8 =	simm.s32 @!p0 $0x1BF5;
	p2 =	por !p2, p0  }
0x20: {  	[sflag:s8] =	ssyncset.s32 @!p0 $0xFFFFF086;
	s6 =	sadd.s32 @!p0 s3, s7;
	s7 =	simm.s32 @!p0 $0x108  }
0x21: {  	s3 =	sadd.s32 s3, s9;
	s6 =	sadd.s32 @!p0 $0x88, s6;
	s7 =	simm.s32 @p2 $0x1082  }
0x22: {  	[simem:s7], [sflag:s8] =	dma.local @!p0 [hbm:s6], $0xF7A  }
0x23: {  	s9 =	sor.u32 $0xD0000000, s2;
	s6 =	simm.s32 $0x108;
	_ =	swait.ge @!p0 [sflag:s8], $0x0  }
0x24: {  	s3 =	sadd.s32 $0x88, s3;
	s6 =	simm.s32 @!p1 $0x1082;
	[sflag:s4] =	ssyncset.s32 $0xFFFFF086  }
0x25: {  	[simem:s6], [sflag:s4] =	dma.local [hbm:s3], $0xF7A  }
0x26: {  	[smem:$0x3F9A] =	sst s1;
	(tag) =	ssettag s2;
	_ =	strace s9  }
0x27: {  	s1 =	sld [smem:$0x3FAA]  }
0x28: {  	s2 =	sld [smem:$0x3FAB]  }
0x29: {  	s4 =	sld [smem:$0x3FAD]  }
0x2a: {  	p0 =	seq.s32 s5, $0x0;
	s5 =	sld [smem:$0x3FAE]  }
0x2b: {  	s6 =	sld [smem:$0x3FAF]  }
0x2c: {  	s7 =	sld [smem:$0x3FB0]  }
0x2d: {  	s3 =	simm.s32 $0x108;
	s8 =	sld [smem:$0x3FB1]  }
0x2e: {  	s3 =	simm.s32 @!p0 $0x1082;
	s9 =	sld [smem:$0x3FB2]  }
0x2f: {  	lr =	sadd.s32 s0, s3;
	s0 =	sld [smem:$0x3FA9]  }
0x30: {  	s3 =	sld [smem:$0x3FAC]  }
0x31: {  	[smem:$0x3FB5] =	sst s10  }
0x32: {  	s10 =	sld [smem:$0x3FB3];
	_ =	sdelay $0x3  }
0x33: {  	p0 =	seq.s32 s10, $0x1;
	s10 =	sld [smem:$0x3FB5];
	_ =	sdelay $0x3  }
0x34: {  	[smem:$0x3FB5] =	sst s10  }
0x35: {  	s10 =	sld [smem:$0x3FB4];
	_ =	sdelay $0x3  }
0x36: {  	p1 =	seq.s32 s10, $0x1;
	s10 =	sld [smem:$0x3FB5];
	_ =	sdelay $0x3  }
0x37: {  	[smem:$0x3FB5] =	sst s10  }
0x38: {  	s10 =	sld [smem:$0x3FB6]  }
0x39: {  	_ = 	snop;
	(pc) =	sbr.ind lr, $3  }
0x3a: {  	_ = 	snop  }
0x3b: {  	_ = 	snop  }
0x3c: {  	p2 =	seq.s32 s10, $0x1;
	s10 =	sld [smem:$0x3FB5]  }
0x3d: {  	_ =	shalt  }
0x3e: {  	_ =	shalt  }
0x3f: {  	_ =	shalt  }
0x40: {  	_ =	shalt  }
0x41: {  	_ =	shalt  }
0x42: {  	_ =	shalt  }
0x43: {  	_ =	shalt  }
0x44: {  	_ =	shalt  }
0x45: {  	_ =	shalt  }
0x46: {  	_ =	shalt  }
0x47: {  	_ =	shalt  }
0x48: {  	_ =	shalt  }
0x49: {  	_ =	shalt  }
0x4a: {  	_ =	shalt  }
0x4b: {  	_ =	shalt  }
0x4c: {  	_ =	shalt  }
0x4d: {  	_ =	shalt  }
0x4e: {  	_ =	shalt  }
0x4f: {  	_ =	shalt  }
0x50: {  	_ =	shalt  }
0x51: {  	_ =	shalt  }
0x52: {  	_ =	shalt  }
0x53: {  	_ =	shalt  }
0x54: {  	_ =	shalt  }
0x55: {  	_ =	shalt  }
0x56: {  	_ =	shalt  }
0x57: {  	_ =	shalt  }
0x58: {  	_ =	shalt  }
0x59: {  	_ =	shalt  }
0x5a: {  	_ =	shalt  }
0x5b: {  	_ =	shalt  }
0x5c: {  	_ =	shalt  }
0x5d: {  	_ =	shalt  }
0x5e: {  	_ =	shalt  }
0x5f: {  	_ =	shalt  }
0x60: {  	_ =	shalt  }
0x61: {  	_ =	shalt  }
0x62: {  	_ =	shalt  }
0x63: {  	_ =	shalt  }
0x64: {  	_ =	shalt  }
0x65: {  	_ =	shalt  }
0x66: {  	_ =	shalt  }
0x67: {  	_ =	shalt  }
0x68: {  	_ =	shalt  }
0x69: {  	_ =	shalt  }
0x6a: {  	_ =	shalt  }
0x6b: {  	_ =	shalt  }
0x6c: {  	_ =	shalt  }
0x6d: {  	_ =	shalt  }
0x6e: {  	_ =	shalt  }
0x6f: {  	_ =	shalt  }
0x70: {  	_ =	shalt  }
0x71: {  	_ =	shalt  }
0x72: {  	_ =	shalt  }
0x73: {  	_ =	shalt  }
0x74: {  	_ =	shalt  }
0x75: {  	_ =	shalt  }
0x76: {  	_ =	shalt  }
0x77: {  	_ =	shalt  }
0x78: {  	_ =	shalt  }
0x79: {  	_ =	shalt  }
0x7a: {  	_ =	shalt  }
0x7b: {  	_ =	shalt  }
0x7c: {  	_ =	shalt  }
0x7d: {  	_ =	shalt  }
0x7e: {  	_ =	shalt  }
0x7f: {  	_ =	shalt  }
0x80: {  	_ =	shalt  }
0x81: {  	_ =	shalt  }
0x82: {  	_ =	shalt  }
0x83: {  	_ =	shalt  }
0x84: {  	_ =	shalt  }
0x85: {  	_ =	shalt  }
0x86: {  	_ =	shalt  }
0x87: {  	_ =	shalt  }
.Lfunc_end0:
.L_simem_size_0:
called_computation.2_lowered:
.L_overlay_start_0:
0x88: {  	s2 =	sld [smem:$0x3FD9]  }
0x89: {  	s3 =	sld [smem:$0x3FFE];
	_ =	sdelay $0x1  }
0x8a: {  	s1 =	srdreg.scid  }
0x8b: {  	s0 =	sand.u32 $0x1, s1  }
0x8c: {  	s17 =	sshll.u32 s0, $0xA;
	s2 =	sadd.s32 s3, s2  }
0x8d: {  	s2 =	sadd.s32 s2, s17  }
0x8e: {  	[smem:$0x3FC1] =	sst s2  }
0x8f: {  	_ = 	snop  }
0x90: {  	s2 =	sld [smem:$0x3FD0];
	(tm) =	ssettm $0x1  }
0x91: {  	s18 =	sld [smem:$0x3FFB];
	_ =	sdelay $0x3  }
0x92: {  	_ =	strace s18  }
0x93: {  	s3 =	sld [smem:$0x3FFC];
	_ =	sdelay $0x3  }
0x94: {  	_ =	strace s3  }
0x95: {  	s3 =	sld [smem:$0x3FFD];
	_ =	sdelay $0x3  }
0x96: {  	_ =	strace s3  }
0x97: {  	_ =	strace $0x8FFFFFFF  }
0x98: {  	s19 =	sld [smem:$0x3FDB];
	_ =	sdelay $0x1  }
0x99: {  	s4 =	simm.s32 $_scs_section_size  }
0x9a: {  	s5 =	simm.s32 $_size__tile_overlayer_lowered;
	s6 =	simm.s32 $_tile_overlayer_lowered  }
0x9b: {  	s22 =	simm.s32 $0x1BFF;
	s21 =	sshll.u32 s6, $0x1;
	s3 =	sadd.s32 s4, s19  }
0x9c: {  	s7 =	simm.s32 $0x0;
	s20 =	sshll.u32 s5, $0x1;
	s5 =	sadd.s32 s21, s3  }
0x9d: {  	[timem:s7], [sflag:s22] =	dma.local [hbm:s5], s20  }
0x9e: {  	_ =	swait.ge [sflag:s22], s20  }
0x9f: {  	s4 =	ssub.s32 $0x0, s20;
	[sflag:s22] =	ssyncset.done $0x0  }
0xa0: {  	[sflag:s22] =	ssyncadd.s32 s4;
	_ =	sdelay $0x1  }
0xa1: {  	s23 =	simm.s32 $0x1B8B  }
0xa2: {  	_ =	swait.ge [sflag:s23], $0x1  }
0xa3: {  	[sflag:s23] =	ssyncset.done $0x0  }
0xa4: {  	s25 =	simm.s32 $0x1B8E;
	s24 =	sld [smem:$0x3FFE];
	[sflag:s23] =	ssyncadd.s32 $0xFFFFFFFF  }
0xa5: {  	s26 =	simm.s32 $execute0_lowered;
	[smem:$0x3FD2] =	sst s25  }
0xa6: {  	s5 =	sshll.u32 s26, $0x1;
	_ =	strace $0x8000004C;
	[dreg:$0x1] =	wrdreg $0xFFFFFFFF  }
0xa7: {  	s28 =	simm.s32 $_size_execute0_lowered;
	s3 =	sadd.s32 s3, s5;
	[dreg:$0x0] =	wrdreg $0x0  }
0xa8: {  	s5 =	sshll.u32 s28, $0x1;
	[dreg:$0x2] =	wrdreg s3  }
0xa9: {  	[dreg:$0x3] =	wrdreg s5  }
0xaa: {  	[dreg:$0x4] =	wrdreg $0xC0  }
0xab: {  	_ =	task [dreg:s7], $0x5FFFF  }
0xac: {  	[dreg:$0x1] =	wrdreg $0xFFFFFFFF  }
0xad: {  	[dreg:$0x0] =	wrdreg $0x60  }
0xae: {  	[dreg:$0x2] =	wrdreg s24  }
0xaf: {  	[dreg:$0x3] =	wrdreg s2  }
0xb0: {  	[dreg:$0x4] =	wrdreg $0x0  }
0xb1: {  	[dreg:$0x5] =	wrdreg $0x9  }
0xb2: {  	_ =	task.clear_ibuf [dreg:s7], $0x6FFFF;
	_ =	strace $0x9000004C  }
0xb3: {  	s29 =	simm.s32 $0x9;
	_ =	strace $0x8000004E  }
0xb4: {  	_ =	swait.ge [sflag:s29], $0x1  }
0xb5: {  	[sflag:s29] =	ssyncadd.s32 $0xFFFFFFFF  }
0xb6: {  	_ =	strace $0x9000004E  }
0xb7: {  	_ =	sfence  }
0xb8: {  	s30 =	sld [smem:$0x0];
	_ =	sdelay $0x2  }
0xb9: {  	s31 =	sshll.u32 s1, $0xD;
	s1 =	sshrl.u32 s1, $0x2  }
0xba: {  	s3 =	sand.u32 $0x4000, s31;
	s1 =	sadd.s32 s1, s30  }
0xbb: {  	s0 =	sor.u32 s3, s0;
	s1 =	sshll.u32 s1, $0x11  }
0xbc: {  	s0 =	sor.u32 s1, s0  }
0xbd: {  	s0 =	sadd.s32 $0x8F2B, s0  }
0xbe: {  	[sflag:s0] =	ssyncadd.remote.s32 $0x1  }
0xbf: {  	_ =	sfence.sel $0xFFFF  }
0xc0: {  	[dreg:$0x0] =	wrdreg $0xFFFFFFFF;
	(pc) =	sbr.abs _section_cstart, $3  }
0xc1: {  	[dreg:$0x1] =	wrdreg $0xFFFFFFFF  }
0xc2: {  	_ =	task.clear_ibuf [dreg:s7], $0x2FFFF;
	_ =	strace $0x9FFFFFFF  }
0xc3: {  	(tm) =	ssettm $0x7FFFFFFF  }
tec
execute0_lowered:
.L_overlay_start_1:
0x0: {  	(tag) =	ssettag $0x1  }
0x1: {  	s0 =	rddreg [dreg:$0x0]  }
0x2: {  	s1 =	rddreg [dreg:$0x1]  }
0x3: {  	s2 =	rddreg [dreg:$0x2]  }
0x4: {  	s3 =	srdreg.scid;
	s4 =	simm.s32 $0x0;
	s29 =	stileid.u32  }
0x5: {  	s12 =	simm.s32 $0x19800;
	s13 =	simm.s32 $0x5;
	s14 =	simm.s32 $0x14000  }
0x6: {  	s15 =	simm.s32 $0x14800;
	s16 =	simm.s32 $0x15000;
	s17 =	simm.s32 $0x40  }
0x7: {  	s18 =	simm.s32 $0x15800;
	s19 =	simm.s32 $0x17800;
	s20 =	simm.s32 $0x1  }
0x8: {  	s21 =	simm.s32 $0x3;
	s22 =	simm.s32 $0x2;
	s23 =	simm.s32 $0x4  }
0x9: {  	s8 =	sand.u32 $0x1, s3;
	[smem:$0x7FF] =	sst s4;
	s9 =	smul.u32 $0x2800, s29  }
0xa: {  	s5 =	sadd.s32 $0x48E00, s0;
	s6 =	sadd.s32 $0x7B400, s0;
	s10 =	smul.u32 $0x50000, s29  }
0xb: {  	s7 =	smul.u32 $0x28000, s8;
	_ =	strace $0x8000004D;
	s30 =	ssub.s32 $0x2, s8  }
0xc: {  	v0 =	vlaneseq.u32;
	s8 =	sshll.u32 s8, $0x4;
	s11 =	sshrl.u32 s30, $0x1;
	s10 =	sshrl.u32 s10, $0x2  }
0xd: {  	v0 =	vmul.u32 $0x80, v0;
	s31 =	sor.u32 s29, s8;
	s9 =	sadd.s32 s9, s7;
	s7 =	sadd.s32 $0x2E00, s0  }
0xe: {  	v1 =	vimm.f32 $0.0e+00;
	s11 =	ssub.s32 s30, s11;
	s8 =	sadd.s32 s10, s2;
	s0 =	sadd.s32 s9, s0  }
0xf: {  	v2 =	vor.u32 $0x800, v0;
	v3 =	vor.u32 $0x1000, v0;
	v4 =	vor.u32 $0x1800, v0;
	s9 =	smul.u32 $0x5000, s31;
	s11 =	smax.u32 s11, $0x1;
	s10 =	sadd.s32 $0x8F400, s0  }
.LBB2_1:
0x10: {  	s0 =	simm.s32 $0x0;
	s24 =	simm.s32 $0x200  }
.LBB2_2:
0x11: {  	p0 =	sne.s32 s24, $0x1E00;
	[tilespmem:s0+$0x19870] =	vst v1  }
0x12: {  	[tilespmem:s0+$0x19800] =	vst v1  }
0x13: {  	[tilespmem:s0+$0x19810] =	vst v1  }
.Ltmp0:
0x14: {  	[tilespmem:s0+$0x19820] =	vst v1;
	(pc) =	sbr.rel @p0 .LBB2_2-.Ltmp0, $4  }
0x15: {  	[tilespmem:s0+$0x19830] =	vst v1  }
0x16: {  	[tilespmem:s0+$0x19840] =	vst v1  }
0x17: {  	[tilespmem:s0+$0x19850] =	vst v1  }
0x18: {  	[tilespmem:s0+$0x19860] =	vst v1;
	s0 =	sshra.s32 s24, $0x2;
	s24 =	sadd.s32 $0x200, s24  }
0x19: {  	[tilespmem:s0+$0x19870] =	vst v1  }
0x1a: {  	[tilespmem:s0+$0x19800] =	vst v1  }
0x1b: {  	[tilespmem:s0+$0x19810] =	vst v1  }
0x1c: {  	[tilespmem:s0+$0x19820] =	vst v1  }
0x1d: {  	[tilespmem:s0+$0x19830] =	vst v1  }
0x1e: {  	[tilespmem:s0+$0x19840] =	vst v1  }
0x1f: {  	[tilespmem:s0+$0x19850] =	vst v1  }
0x20: {  	[tilespmem:s0+$0x19860] =	vst v1;
	s31 =	sadd.s32 $0x0, s8  }
0x21: {  	[spmem:s31] =	stream.linear.scatter [tilespmem:s12], [sflag:$0x5], $0x800, $0x38;
	[tilespmem:$0x1A000] =	vst v63  }
0x22: {  	s0 =	simm.s32 $0x2000;
	_ =	swait.ge [sflag:s13], $0x800  }
.LBB2_4:
0x23: {  	s24 =	sshra.s32 s0, $0x2;
	[sflag:s13] =	ssyncset.done $0x0;
	p0 =	sne.s32 s0, $0x4E000  }
.Ltmp1:
0x24: {  	s24 =	sadd.s32 s24, s8;
	[sflag:s13] =	ssyncadd.s32 $0xFFFFF800;
	(pc) =	sbr.rel @p0 .LBB2_4-.Ltmp1, $3  }
0x25: {  	[spmem:s24] =	stream.linear.scatter [tilespmem:s12], [sflag:$0x5], $0x800, $0x38;
	[tilespmem:$0x1A000] =	vst v63  }
0x26: {  	s0 =	sadd.s32 $0x2000, s0;
	_ =	sdelay $0x1  }
0x27: {  	_ =	swait.ge [sflag:s13], $0x800  }
0x28: {  	[sflag:s13] =	ssyncset.done $0x0  }
0x29: {  	[sflag:s13] =	ssyncadd.s32 $0xFFFFF800  }
0x2a: {  	s24 =	simm.s32 $0x0;
	s25 =	simm.s32 $0x0;
	[bflag:$0x0] =	sbarrier.arrive $0xFFFF  }
.LBB2_6:
0x2b: {  	s0 =	sshll.u32 s25, $0xB  }
0x2c: {  	s0 =	sadd.s32 s9, s0  }
0x2d: {  	s0 =	sshrl.u32 s0, $0x3  }
0x2e: {  	s26 =	sadd.s32 s1, s0  }
0x2f: {  	[tilespmem:s14], [sflag:$0x5] =	stream.linear.gather [hbm4b:s26+s24], $0x800, $0x38;
	[tilespmem:$0x1A000] =	vst v63  }
0x30: {  	_ =	swait.ge [sflag:s13], $0x800  }
0x31: {  	[sflag:s13] =	ssyncset.done $0x0  }
0x32: {  	s31 =	sadd.s32 s6, s0;
	[sflag:s13] =	ssyncadd.s32 $0xFFFFF800  }
0x33: {  	[tilespmem:s15], [sflag:$0x5] =	stream.linear.gather [hbm4b:s31+s24], $0x800, $0x38;
	[tilespmem:$0x1A000] =	vst v63  }
0x34: {  	_ =	swait.ge [sflag:s13], $0x800  }
0x35: {  	[sflag:s13] =	ssyncset.done $0x0  }
0x36: {  	s0 =	sadd.s32 s7, s0;
	[sflag:s13] =	ssyncadd.s32 $0xFFFFF800  }
0x37: {  	[tilespmem:s16], [sflag:$0x5] =	stream.linear.gather [hbm4b:s0+s24], $0x800, $0x38;
	[tilespmem:$0x1A000] =	vst v63  }
0x38: {  	_ =	swait.ge [sflag:s13], $0x800  }
0x39: {  	[sflag:s13] =	ssyncset.done $0x0  }
0x3a: {  	s26 =	simm.s32 $0x0;
	[sflag:s13] =	ssyncadd.s32 $0xFFFFF800  }
0x3b: {  	[tilespmem:s18], [sflag:$0x1] =	stream.indirect.gather [hbm4b:s5+s17], $0x80, s14, s17, $0xb8;
	[tilespmem:$0x1A000] =	vst v63  }
.LBB2_7:
0x3c: {  	s0 =	sshll.u32 s26, $0x1;
	p0 =	seq.s32 s26, $0x0;
	s28 =	simm.s32 $0x0  }
0x3d: {  	s29 =	simm.s32 @!p0 $0x4;
	s0 =	sor.u32 $0x1, s0;
	v5 =	vmov s28  }
0x3e: {  	_ =	swait.ge @!p0 [sflag:s29], $0x2000;
	s28 =	sshll.u32 s0, $0x7;
	v5 =	vand.u32 $0x7C, v5  }
0x3f: {  	[sflag:s29] =	ssyncset.done @!p0 $0x0;
	s0 =	sand.u32 $0x3FFFFF80, s28;
	v9 =	vbroadcast v5, $0x0  }
0x40: {  	[sflag:s29] =	ssyncadd.s32 @!p0 $0xFFFFE000;
	s0 =	sadd.s32 $0x14000, s0  }
0x41: {  	[tilespmem:s19], [sflag:$0x2] =	stream.indirect.gather [hbm4b:s5+s17], $0x80, s0, s17, $0xb8;
	v10 =	vor.u32 v0, v9;
	[tilespmem:$0x1A000] =	vst v63  }
0x42: {  	_ =	swait.ge [sflag:s20], $0x2000  }
0x43: {  	[sflag:s20] =	ssyncset.done $0x0  }
0x44: {  	s29 =	sshll.u32 s26, $0x8;
	[sflag:s20] =	ssyncadd.s32 $0xFFFFE000  }
0x45: {  	v8 =	vld [tilespmem:s29+$0x15000]  }
0x46: {  	v5 =	vld.idx.msk [tilespmem:v10+s18+$0x0], $0xffff;
	_ =	sdelay $0x2  }
0x47: {  	v11 =	vor.u32 v2, v9;
	_ =	sdelay $0x1  }
0x48: {  	v7 =	vld [tilespmem:s29+$0x15010];
	v12 =	vmul.f32 v5, v8  }
0x49: {  	v6 =	vld [tilespmem:s29+$0x15020]  }
0x4a: {  	v5 =	vld [tilespmem:s29+$0x15030];
	[tilespmem:v10+s18+$0x0] =	vst.idx.msk $0xffff, v12  }
0x4b: {  	v10 =	vld.idx.msk [tilespmem:v11+s18+$0x0], $0xffff;
	_ =	sdelay $0x2  }
0x4c: {  	v12 =	vor.u32 v3, v9;
	_ =	sdelay $0x1  }
0x4d: {  	v10 =	vmul.f32 v10, v7;
	_ =	sdelay $0x1  }
0x4e: {  	[tilespmem:v11+s18+$0x0] =	vst.idx.msk $0xffff, v10  }
0x4f: {  	v10 =	vld.idx.msk [tilespmem:v12+s18+$0x0], $0xffff;
	_ =	sdelay $0x2  }
0x50: {  	v9 =	vor.u32 v4, v9;
	_ =	sdelay $0x1  }
0x51: {  	v10 =	vmul.f32 v10, v6  }
0x52: {  	s3 =	simm.s32 $0x1  }
0x53: {  	[tilespmem:v12+s18+$0x0] =	vst.idx.msk $0xffff, v10;
	v10 =	vmov s3  }
0x54: {  	v11 =	vld.idx.msk [tilespmem:v9+s18+$0x0], $0xffff;
	v10 =	vand.u32 $0x7D, v10  }
0x55: {  	v10 =	vbroadcast v10, $0x0;
	_ =	sdelay $0x1  }
0x56: {  	v12 =	vor.u32 v0, v10;
	_ =	sdelay $0x1  }
0x57: {  	v11 =	vmul.f32 v11, v5;
	_ =	sdelay $0x1  }
0x58: {  	[tilespmem:v9+s18+$0x0] =	vst.idx.msk $0xffff, v11  }
0x59: {  	v9 =	vld.idx.msk [tilespmem:v12+s18+$0x0], $0xffff;
	_ =	sdelay $0x2  }
0x5a: {  	v11 =	vor.u32 v2, v10;
	_ =	sdelay $0x1  }
0x5b: {  	v9 =	vmul.f32 v9, v8;
	_ =	sdelay $0x1  }
0x5c: {  	[tilespmem:v12+s18+$0x0] =	vst.idx.msk $0xffff, v9  }
0x5d: {  	v9 =	vld.idx.msk [tilespmem:v11+s18+$0x0], $0xffff;
	_ =	sdelay $0x2  }
0x5e: {  	v12 =	vor.u32 v3, v10;
	_ =	sdelay $0x1  }
0x5f: {  	v9 =	vmul.f32 v9, v7;
	_ =	sdelay $0x1  }
0x60: {  	[tilespmem:v11+s18+$0x0] =	vst.idx.msk $0xffff, v9  }
0x61: {  	v9 =	vld.idx.msk [tilespmem:v12+s18+$0x0], $0xffff;
	_ =	sdelay $0x2  }
0x62: {  	v10 =	vor.u32 v4, v10;
	_ =	sdelay $0x1  }
0x63: {  	v9 =	vmul.f32 v9, v6  }
0x64: {  	s3 =	simm.s32 $0x2  }
0x65: {  	[tilespmem:v12+s18+$0x0] =	vst.idx.msk $0xffff, v9;
	v9 =	vmov s3  }
0x66: {  	v11 =	vld.idx.msk [tilespmem:v10+s18+$0x0], $0xffff;
	v9 =	vand.u32 $0x7E, v9  }
0x67: {  	v9 =	vbroadcast v9, $0x0;
	_ =	sdelay $0x1  }
0x68: {  	v12 =	vor.u32 v0, v9;
	_ =	sdelay $0x1  }
0x69: {  	v11 =	vmul.f32 v11, v5;
	_ =	sdelay $0x1  }
0x6a: {  	[tilespmem:v10+s18+$0x0] =	vst.idx.msk $0xffff, v11  }
0x6b: {  	v10 =	vld.idx.msk [tilespmem:v12+s18+$0x0], $0xffff;
	_ =	sdelay $0x2  }
0x6c: {  	v11 =	vor.u32 v2, v9;
	_ =	sdelay $0x1  }
0x6d: {  	v10 =	vmul.f32 v10, v8;
	_ =	sdelay $0x1  }
0x6e: {  	[tilespmem:v12+s18+$0x0] =	vst.idx.msk $0xffff, v10  }
0x6f: {  	v10 =	vld.idx.msk [tilespmem:v11+s18+$0x0], $0xffff;
	_ =	sdelay $0x2  }
0x70: {  	v12 =	vor.u32 v3, v9;
	_ =	sdelay $0x1  }
0x71: {  	v10 =	vmul.f32 v10, v7;
	_ =	sdelay $0x1  }
0x72: {  	[tilespmem:v11+s18+$0x0] =	vst.idx.msk $0xffff, v10  }
0x73: {  	v10 =	vld.idx.msk [tilespmem:v12+s18+$0x0], $0xffff;
	_ =	sdelay $0x2  }
0x74: {  	v9 =	vor.u32 v4, v9;
	_ =	sdelay $0x1  }
0x75: {  	v10 =	vmul.f32 v10, v6  }
0x76: {  	s3 =	simm.s32 $0x3  }
0x77: {  	[tilespmem:v12+s18+$0x0] =	vst.idx.msk $0xffff, v10;
	v10 =	vmov s3  }
0x78: {  	v11 =	vld.idx.msk [tilespmem:v9+s18+$0x0], $0xffff;
	v10 =	vand.u32 $0x7F, v10  }
0x79: {  	v10 =	vbroadcast v10, $0x0;
	_ =	sdelay $0x1  }
0x7a: {  	v12 =	vor.u32 v0, v10;
	_ =	sdelay $0x1  }
0x7b: {  	v11 =	vmul.f32 v11, v5;
	_ =	sdelay $0x1  }
0x7c: {  	[tilespmem:v9+s18+$0x0] =	vst.idx.msk $0xffff, v11  }
0x7d: {  	v9 =	vld.idx.msk [tilespmem:v12+s18+$0x0], $0xffff;
	_ =	sdelay $0x2  }
0x7e: {  	v11 =	vor.u32 v2, v10;
	_ =	sdelay $0x1  }
0x7f: {  	v9 =	vmul.f32 v9, v8;
	_ =	sdelay $0x1  }
0x80: {  	[tilespmem:v12+s18+$0x0] =	vst.idx.msk $0xffff, v9  }
0x81: {  	v9 =	vld.idx.msk [tilespmem:v11+s18+$0x0], $0xffff;
	_ =	sdelay $0x2  }
0x82: {  	v12 =	vor.u32 v3, v10;
	_ =	sdelay $0x1  }
0x83: {  	v9 =	vmul.f32 v9, v7;
	_ =	sdelay $0x1  }
0x84: {  	[tilespmem:v11+s18+$0x0] =	vst.idx.msk $0xffff, v9  }
0x85: {  	v9 =	vld.idx.msk [tilespmem:v12+s18+$0x0], $0xffff;
	_ =	sdelay $0x2  }
0x86: {  	v10 =	vor.u32 v4, v10;
	_ =	sdelay $0x1  }
0x87: {  	v9 =	vmul.f32 v9, v6  }
0x88: {  	s30 =	simm.s32 $0x4  }
0x89: {  	[tilespmem:v12+s18+$0x0] =	vst.idx.msk $0xffff, v9;
	v9 =	vmov s30  }
0x8a: {  	v12 =	vld.idx.msk [tilespmem:v10+s18+$0x0], $0xffff;
	v9 =	vand.u32 $0x7C, v9  }
0x8b: {  	v9 =	vbroadcast v9, $0x0;
	_ =	sdelay $0x1  }
0x8c: {  	v11 =	vor.u32 v0, v9;
	_ =	sdelay $0x1  }
0x8d: {  	s31 =	simm.s32 $0x8;
	v12 =	vmul.f32 v12, v5  }
.LBB2_8:
0x8e: {  	_ = 	snop  }
0x8f: {  	p0 =	sne.s32 s31, $0x7C;
	s0 =	smov.u32 s31;
	s31 =	sadd.s32 $0x4, s31;
	[tilespmem:v10+s18+$0x0] =	vst.idx.msk $0xffff, v12  }
0x90: {  	v10 =	vld.idx.msk [tilespmem:v11+s18+$0x0], $0xffff;
	_ =	sdelay $0x3  }
0x91: {  	v12 =	vor.u32 v2, v9;
	_ =	sdelay $0x1  }
0x92: {  	v10 =	vmul.f32 v10, v8;
	_ =	sdelay $0x1  }
0x93: {  	[tilespmem:v11+s18+$0x0] =	vst.idx.msk $0xffff, v10  }
0x94: {  	v10 =	vld.idx.msk [tilespmem:v12+s18+$0x0], $0xffff;
	_ =	sdelay $0x3  }
0x95: {  	v11 =	vor.u32 v3, v9;
	_ =	sdelay $0x1  }
0x96: {  	v10 =	vmul.f32 v10, v7;
	_ =	sdelay $0x1  }
0x97: {  	[tilespmem:v12+s18+$0x0] =	vst.idx.msk $0xffff, v10  }
0x98: {  	v10 =	vld.idx.msk [tilespmem:v11+s18+$0x0], $0xffff;
	_ =	sdelay $0x3  }
0x99: {  	v9 =	vor.u32 v4, v9;
	_ =	sdelay $0x1  }
0x9a: {  	v10 =	vmul.f32 v10, v6;
	_ =	sdelay $0x1  }
0x9b: {  	s3 =	sadd.s32 $0x1, s30;
	[tilespmem:v11+s18+$0x0] =	vst.idx.msk $0xffff, v10  }
0x9c: {  	v11 =	vmov s3;
	v10 =	vld.idx.msk [tilespmem:v9+s18+$0x0], $0xffff  }
0x9d: {  	v11 =	vand.u32 $0x7D, v11  }
0x9e: {  	v11 =	vbroadcast v11, $0x0;
	_ =	sdelay $0x1  }
0x9f: {  	v12 =	vor.u32 v0, v11;
	_ =	sdelay $0x1  }
0xa0: {  	v10 =	vmul.f32 v10, v5;
	_ =	sdelay $0x1  }
0xa1: {  	[tilespmem:v9+s18+$0x0] =	vst.idx.msk $0xffff, v10  }
0xa2: {  	v9 =	vld.idx.msk [tilespmem:v12+s18+$0x0], $0xffff;
	_ =	sdelay $0x3  }
0xa3: {  	v10 =	vor.u32 v2, v11;
	_ =	sdelay $0x1  }
0xa4: {  	v9 =	vmul.f32 v9, v8;
	_ =	sdelay $0x1  }
0xa5: {  	[tilespmem:v12+s18+$0x0] =	vst.idx.msk $0xffff, v9  }
0xa6: {  	v9 =	vld.idx.msk [tilespmem:v10+s18+$0x0], $0xffff;
	_ =	sdelay $0x3  }
0xa7: {  	v12 =	vor.u32 v3, v11;
	_ =	sdelay $0x1  }
0xa8: {  	v9 =	vmul.f32 v9, v7;
	_ =	sdelay $0x1  }
0xa9: {  	[tilespmem:v10+s18+$0x0] =	vst.idx.msk $0xffff, v9  }
0xaa: {  	v9 =	vld.idx.msk [tilespmem:v12+s18+$0x0], $0xffff;
	_ =	sdelay $0x3  }
0xab: {  	v10 =	vor.u32 v4, v11;
	_ =	sdelay $0x1  }
0xac: {  	v9 =	vmul.f32 v9, v6;
	_ =	sdelay $0x1  }
0xad: {  	s3 =	sadd.s32 $0x2, s30;
	[tilespmem:v12+s18+$0x0] =	vst.idx.msk $0xffff, v9  }
0xae: {  	v11 =	vmov s3;
	v9 =	vld.idx.msk [tilespmem:v10+s18+$0x0], $0xffff  }
0xaf: {  	v11 =	vand.u32 $0x7E, v11  }
0xb0: {  	v11 =	vbroadcast v11, $0x0;
	_ =	sdelay $0x1  }
0xb1: {  	v12 =	vor.u32 v0, v11;
	_ =	sdelay $0x1  }
0xb2: {  	v9 =	vmul.f32 v9, v5;
	_ =	sdelay $0x1  }
0xb3: {  	[tilespmem:v10+s18+$0x0] =	vst.idx.msk $0xffff, v9  }
0xb4: {  	v9 =	vld.idx.msk [tilespmem:v12+s18+$0x0], $0xffff;
	_ =	sdelay $0x3  }
0xb5: {  	v10 =	vor.u32 v2, v11;
	_ =	sdelay $0x1  }
0xb6: {  	v9 =	vmul.f32 v9, v8;
	_ =	sdelay $0x1  }
0xb7: {  	[tilespmem:v12+s18+$0x0] =	vst.idx.msk $0xffff, v9  }
0xb8: {  	v9 =	vld.idx.msk [tilespmem:v10+s18+$0x0], $0xffff;
	_ =	sdelay $0x3  }
0xb9: {  	v12 =	vor.u32 v3, v11;
	_ =	sdelay $0x1  }
0xba: {  	v9 =	vmul.f32 v9, v7;
	_ =	sdelay $0x1  }
0xbb: {  	[tilespmem:v10+s18+$0x0] =	vst.idx.msk $0xffff, v9  }
0xbc: {  	v9 =	vld.idx.msk [tilespmem:v12+s18+$0x0], $0xffff;
	_ =	sdelay $0x3  }
0xbd: {  	v10 =	vor.u32 v4, v11;
	_ =	sdelay $0x1  }
0xbe: {  	v9 =	vmul.f32 v9, v6;
	_ =	sdelay $0x1  }
0xbf: {  	s3 =	sadd.s32 $0x3, s30;
	s30 =	smov.u32 s0;
	[tilespmem:v12+s18+$0x0] =	vst.idx.msk $0xffff, v9  }
0xc0: {  	v11 =	vmov s3;
	v9 =	vld.idx.msk [tilespmem:v10+s18+$0x0], $0xffff  }
0xc1: {  	v11 =	vand.u32 $0x7F, v11  }
0xc2: {  	v11 =	vbroadcast v11, $0x0;
	_ =	sdelay $0x1  }
0xc3: {  	v12 =	vor.u32 v0, v11;
	_ =	sdelay $0x1  }
0xc4: {  	v9 =	vmul.f32 v9, v5;
	_ =	sdelay $0x1  }
0xc5: {  	[tilespmem:v10+s18+$0x0] =	vst.idx.msk $0xffff, v9  }
0xc6: {  	v9 =	vld.idx.msk [tilespmem:v12+s18+$0x0], $0xffff;
	_ =	sdelay $0x3  }
0xc7: {  	v10 =	vor.u32 v2, v11;
	_ =	sdelay $0x1  }
0xc8: {  	v9 =	vmul.f32 v9, v8;
	_ =	sdelay $0x1  }
0xc9: {  	[tilespmem:v12+s18+$0x0] =	vst.idx.msk $0xffff, v9  }
0xca: {  	v9 =	vld.idx.msk [tilespmem:v10+s18+$0x0], $0xffff;
	_ =	sdelay $0x3  }
0xcb: {  	v12 =	vor.u32 v3, v11;
	_ =	sdelay $0x1  }
0xcc: {  	v9 =	vmul.f32 v9, v7;
	_ =	sdelay $0x1  }
0xcd: {  	[tilespmem:v10+s18+$0x0] =	vst.idx.msk $0xffff, v9  }
0xce: {  	v9 =	vld.idx.msk [tilespmem:v12+s18+$0x0], $0xffff;
	_ =	sdelay $0x3  }
0xcf: {  	v10 =	vor.u32 v4, v11;
	_ =	sdelay $0x1  }
0xd0: {  	v9 =	vmul.f32 v9, v6;
	_ =	sdelay $0x1  }
0xd1: {  	[tilespmem:v12+s18+$0x0] =	vst.idx.msk $0xffff, v9  }
0xd2: {  	v9 =	vmov s30;
	v12 =	vld.idx.msk [tilespmem:v10+s18+$0x0], $0xffff  }
0xd3: {  	v9 =	vand.u32 $0x7C, v9  }
.Ltmp2:
0xd4: {  	v9 =	vbroadcast v9, $0x0;
	(pc) =	sbr.rel @p0 .LBB2_8-.Ltmp2, $3  }
0xd5: {  	_ = 	snop  }
0xd6: {  	v11 =	vor.u32 v0, v9;
	_ =	sdelay $0x1  }
0xd7: {  	v12 =	vmul.f32 v12, v5  }
0xd8: {  	_ =	sdelay $0x3  }
0xd9: {  	[tilespmem:v10+s18+$0x0] =	vst.idx.msk $0xffff, v12  }
0xda: {  	v10 =	vld.idx.msk [tilespmem:v11+s18+$0x0], $0xffff;
	_ =	sdelay $0x2  }
0xdb: {  	v12 =	vor.u32 v2, v9;
	_ =	sdelay $0x1  }
0xdc: {  	v10 =	vmul.f32 v10, v8;
	_ =	sdelay $0x1  }
0xdd: {  	[tilespmem:v11+s18+$0x0] =	vst.idx.msk $0xffff, v10  }
0xde: {  	v10 =	vld.idx.msk [tilespmem:v12+s18+$0x0], $0xffff;
	_ =	sdelay $0x2  }
0xdf: {  	v11 =	vor.u32 v3, v9;
	_ =	sdelay $0x1  }
0xe0: {  	v10 =	vmul.f32 v10, v7;
	_ =	sdelay $0x1  }
0xe1: {  	[tilespmem:v12+s18+$0x0] =	vst.idx.msk $0xffff, v10  }
0xe2: {  	v10 =	vld.idx.msk [tilespmem:v11+s18+$0x0], $0xffff;
	_ =	sdelay $0x2  }
0xe3: {  	v9 =	vor.u32 v4, v9;
	_ =	sdelay $0x1  }
0xe4: {  	v10 =	vmul.f32 v10, v6  }
0xe5: {  	s0 =	sadd.s32 $0x1, s30  }
0xe6: {  	[tilespmem:v11+s18+$0x0] =	vst.idx.msk $0xffff, v10;
	v10 =	vmov s0  }
0xe7: {  	v11 =	vld.idx.msk [tilespmem:v9+s18+$0x0], $0xffff;
	v10 =	vand.u32 $0x7D, v10  }
0xe8: {  	v10 =	vbroadcast v10, $0x0;
	_ =	sdelay $0x1  }
0xe9: {  	v12 =	vor.u32 v0, v10;
	_ =	sdelay $0x1  }
0xea: {  	v11 =	vmul.f32 v11, v5;
	_ =	sdelay $0x1  }
0xeb: {  	[tilespmem:v9+s18+$0x0] =	vst.idx.msk $0xffff, v11  }
0xec: {  	v9 =	vld.idx.msk [tilespmem:v12+s18+$0x0], $0xffff;
	_ =	sdelay $0x2  }
0xed: {  	v11 =	vor.u32 v2, v10;
	_ =	sdelay $0x1  }
0xee: {  	v9 =	vmul.f32 v9, v8;
	_ =	sdelay $0x1  }
0xef: {  	[tilespmem:v12+s18+$0x0] =	vst.idx.msk $0xffff, v9  }
0xf0: {  	v9 =	vld.idx.msk [tilespmem:v11+s18+$0x0], $0xffff;
	_ =	sdelay $0x2  }
0xf1: {  	v12 =	vor.u32 v3, v10;
	_ =	sdelay $0x1  }
0xf2: {  	v9 =	vmul.f32 v9, v7;
	_ =	sdelay $0x1  }
0xf3: {  	[tilespmem:v11+s18+$0x0] =	vst.idx.msk $0xffff, v9  }
0xf4: {  	v9 =	vld.idx.msk [tilespmem:v12+s18+$0x0], $0xffff;
	_ =	sdelay $0x2  }
0xf5: {  	v10 =	vor.u32 v4, v10;
	_ =	sdelay $0x1  }
0xf6: {  	v9 =	vmul.f32 v9, v6  }
0xf7: {  	s31 =	sadd.s32 $0x2, s30  }
0xf8: {  	[tilespmem:v12+s18+$0x0] =	vst.idx.msk $0xffff, v9;
	v9 =	vmov s31  }
0xf9: {  	v11 =	vld.idx.msk [tilespmem:v10+s18+$0x0], $0xffff;
	v9 =	vand.u32 $0x7E, v9  }
0xfa: {  	v9 =	vbroadcast v9, $0x0;
	_ =	sdelay $0x1  }
0xfb: {  	v12 =	vor.u32 v0, v9;
	_ =	sdelay $0x1  }
0xfc: {  	v11 =	vmul.f32 v11, v5;
	_ =	sdelay $0x1  }
0xfd: {  	[tilespmem:v10+s18+$0x0] =	vst.idx.msk $0xffff, v11  }
0xfe: {  	v10 =	vld.idx.msk [tilespmem:v12+s18+$0x0], $0xffff;
	_ =	sdelay $0x2  }
0xff: {  	v11 =	vor.u32 v2, v9;
	_ =	sdelay $0x1  }
0x100: {  	v10 =	vmul.f32 v10, v8;
	_ =	sdelay $0x1  }
0x101: {  	[tilespmem:v12+s18+$0x0] =	vst.idx.msk $0xffff, v10  }
0x102: {  	v10 =	vld.idx.msk [tilespmem:v11+s18+$0x0], $0xffff;
	_ =	sdelay $0x2  }
0x103: {  	v12 =	vor.u32 v3, v9;
	_ =	sdelay $0x1  }
0x104: {  	v10 =	vmul.f32 v10, v7;
	_ =	sdelay $0x1  }
0x105: {  	[tilespmem:v11+s18+$0x0] =	vst.idx.msk $0xffff, v10  }
0x106: {  	v10 =	vld.idx.msk [tilespmem:v12+s18+$0x0], $0xffff;
	_ =	sdelay $0x2  }
0x107: {  	v9 =	vor.u32 v4, v9;
	_ =	sdelay $0x1  }
0x108: {  	v10 =	vmul.f32 v10, v6  }
0x109: {  	s3 =	sadd.s32 $0x3, s30  }
0x10a: {  	[tilespmem:v12+s18+$0x0] =	vst.idx.msk $0xffff, v10;
	v10 =	vmov s3  }
0x10b: {  	v11 =	vld.idx.msk [tilespmem:v9+s18+$0x0], $0xffff;
	v10 =	vand.u32 $0x7F, v10  }
0x10c: {  	v10 =	vbroadcast v10, $0x0;
	_ =	sdelay $0x1  }
0x10d: {  	v12 =	vor.u32 v0, v10;
	_ =	sdelay $0x1  }
0x10e: {  	v11 =	vmul.f32 v11, v5;
	_ =	sdelay $0x1  }
0x10f: {  	[tilespmem:v9+s18+$0x0] =	vst.idx.msk $0xffff, v11  }
0x110: {  	v9 =	vld.idx.msk [tilespmem:v12+s18+$0x0], $0xffff;
	_ =	sdelay $0x2  }
0x111: {  	v11 =	vor.u32 v2, v10;
	_ =	sdelay $0x1  }
0x112: {  	v8 =	vmul.f32 v9, v8;
	_ =	sdelay $0x1  }
0x113: {  	[tilespmem:v12+s18+$0x0] =	vst.idx.msk $0xffff, v8  }
0x114: {  	v8 =	vld.idx.msk [tilespmem:v11+s18+$0x0], $0xffff;
	_ =	sdelay $0x2  }
0x115: {  	v9 =	vor.u32 v3, v10;
	_ =	sdelay $0x1  }
0x116: {  	v7 =	vmul.f32 v8, v7;
	_ =	sdelay $0x1  }
0x117: {  	[tilespmem:v11+s18+$0x0] =	vst.idx.msk $0xffff, v7  }
0x118: {  	v7 =	vld.idx.msk [tilespmem:v9+s18+$0x0], $0xffff;
	_ =	sdelay $0x2  }
0x119: {  	v8 =	vor.u32 v4, v10;
	_ =	sdelay $0x1  }
0x11a: {  	v6 =	vmul.f32 v7, v6;
	_ =	sdelay $0x1  }
0x11b: {  	[tilespmem:v9+s18+$0x0] =	vst.idx.msk $0xffff, v6  }
0x11c: {  	v6 =	vld.idx.msk [tilespmem:v8+s18+$0x0], $0xffff;
	_ =	sdelay $0x4  }
0x11d: {  	v5 =	vmul.f32 v6, v5  }
0x11e: {  	p0 =	seq.s32 s26, $0x7  }
0x11f: {  	s0 =	sshll.u32 @!p0 s26, $0x8;
	s31 =	sadd.s32 $0x14800, s29;
	s3 =	simm.s32 $0x0;
	[tilespmem:v8+s18+$0x0] =	vst.idx.msk $0xffff, v5  }
0x120: {  	v5 =	vmov s3;
	[spmem:s2] =	stream.indirect.scatter.add.f32 [tilespmem:s18], [sflag:$0x3], $0x80, s31, s17, $0xb8;
	[tilespmem:$0x1A000] =	vst v63  }
0x121: {  	s0 =	sand.u32 @!p0 $0x3FFFFF00, s0;
	v5 =	vand.u32 $0x7C, v5;
	_ =	swait.ge [sflag:s21], $0x2000  }
0x122: {  	s0 =	sadd.s32 @!p0 $0x14100, s0;
	v9 =	vbroadcast v5, $0x0;
	[sflag:s21] =	ssyncset.done $0x0  }
0x123: {  	s29 =	simm.s32 @!p0 $0x15800;
	s3 =	simm.s32 @!p0 $0x40;
	[sflag:s21] =	ssyncadd.s32 $0xFFFFE000  }
0x124: {  	v10 =	vor.u32 v0, v9;
	[tilespmem:s29], [sflag:$0x1] =	stream.indirect.gather @!p0 [hbm4b:s5+s3], $0x80, s0, s3, $0xb8;
	[tilespmem:$0x1A000] =	vst v63  }
0x125: {  	_ =	swait.ge [sflag:s22], $0x2000  }
0x126: {  	[sflag:s22] =	ssyncset.done $0x0  }
0x127: {  	[sflag:s22] =	ssyncadd.s32 $0xFFFFE000  }
0x128: {  	v8 =	vld [tilespmem:s28+$0x15000]  }
0x129: {  	v5 =	vld.idx.msk [tilespmem:v10+s19+$0x0], $0xffff;
	_ =	sdelay $0x2  }
0x12a: {  	v11 =	vor.u32 v2, v9;
	_ =	sdelay $0x1  }
0x12b: {  	v7 =	vld [tilespmem:s28+$0x15010];
	v12 =	vmul.f32 v5, v8  }
0x12c: {  	v6 =	vld [tilespmem:s28+$0x15020]  }
0x12d: {  	v5 =	vld [tilespmem:s28+$0x15030];
	[tilespmem:v10+s19+$0x0] =	vst.idx.msk $0xffff, v12  }
0x12e: {  	v10 =	vld.idx.msk [tilespmem:v11+s19+$0x0], $0xffff;
	_ =	sdelay $0x2  }
0x12f: {  	v12 =	vor.u32 v3, v9;
	_ =	sdelay $0x1  }
0x130: {  	v10 =	vmul.f32 v10, v7;
	_ =	sdelay $0x1  }
0x131: {  	[tilespmem:v11+s19+$0x0] =	vst.idx.msk $0xffff, v10  }
0x132: {  	v10 =	vld.idx.msk [tilespmem:v12+s19+$0x0], $0xffff;
	_ =	sdelay $0x2  }
0x133: {  	v9 =	vor.u32 v4, v9;
	_ =	sdelay $0x1  }
0x134: {  	v10 =	vmul.f32 v10, v6  }
0x135: {  	s31 =	simm.s32 $0x1  }
0x136: {  	[tilespmem:v12+s19+$0x0] =	vst.idx.msk $0xffff, v10;
	v10 =	vmov s31  }
0x137: {  	v11 =	vld.idx.msk [tilespmem:v9+s19+$0x0], $0xffff;
	v10 =	vand.u32 $0x7D, v10  }
0x138: {  	v10 =	vbroadcast v10, $0x0;
	_ =	sdelay $0x1  }
0x139: {  	v12 =	vor.u32 v0, v10;
	_ =	sdelay $0x1  }
0x13a: {  	v11 =	vmul.f32 v11, v5;
	_ =	sdelay $0x1  }
0x13b: {  	[tilespmem:v9+s19+$0x0] =	vst.idx.msk $0xffff, v11  }
0x13c: {  	v9 =	vld.idx.msk [tilespmem:v12+s19+$0x0], $0xffff;
	_ =	sdelay $0x2  }
0x13d: {  	v11 =	vor.u32 v2, v10;
	_ =	sdelay $0x1  }
0x13e: {  	v9 =	vmul.f32 v9, v8;
	_ =	sdelay $0x1  }
0x13f: {  	[tilespmem:v12+s19+$0x0] =	vst.idx.msk $0xffff, v9  }
0x140: {  	v9 =	vld.idx.msk [tilespmem:v11+s19+$0x0], $0xffff;
	_ =	sdelay $0x2  }
0x141: {  	v12 =	vor.u32 v3, v10;
	_ =	sdelay $0x1  }
0x142: {  	v9 =	vmul.f32 v9, v7;
	_ =	sdelay $0x1  }
0x143: {  	[tilespmem:v11+s19+$0x0] =	vst.idx.msk $0xffff, v9  }
0x144: {  	v9 =	vld.idx.msk [tilespmem:v12+s19+$0x0], $0xffff;
	_ =	sdelay $0x2  }
0x145: {  	v10 =	vor.u32 v4, v10;
	_ =	sdelay $0x1  }
0x146: {  	v9 =	vmul.f32 v9, v6  }
0x147: {  	s3 =	simm.s32 $0x2  }
0x148: {  	[tilespmem:v12+s19+$0x0] =	vst.idx.msk $0xffff, v9;
	v9 =	vmov s3  }
0x149: {  	v11 =	vld.idx.msk [tilespmem:v10+s19+$0x0], $0xffff;
	v9 =	vand.u32 $0x7E, v9  }
0x14a: {  	v9 =	vbroadcast v9, $0x0;
	_ =	sdelay $0x1  }
0x14b: {  	v12 =	vor.u32 v0, v9;
	_ =	sdelay $0x1  }
0x14c: {  	v11 =	vmul.f32 v11, v5;
	_ =	sdelay $0x1  }
0x14d: {  	[tilespmem:v10+s19+$0x0] =	vst.idx.msk $0xffff, v11  }
0x14e: {  	v10 =	vld.idx.msk [tilespmem:v12+s19+$0x0], $0xffff;
	_ =	sdelay $0x2  }
0x14f: {  	v11 =	vor.u32 v2, v9;
	_ =	sdelay $0x1  }
0x150: {  	v10 =	vmul.f32 v10, v8;
	_ =	sdelay $0x1  }
0x151: {  	[tilespmem:v12+s19+$0x0] =	vst.idx.msk $0xffff, v10  }
0x152: {  	v10 =	vld.idx.msk [tilespmem:v11+s19+$0x0], $0xffff;
	_ =	sdelay $0x2  }
0x153: {  	v12 =	vor.u32 v3, v9;
	_ =	sdelay $0x1  }
0x154: {  	v10 =	vmul.f32 v10, v7;
	_ =	sdelay $0x1  }
0x155: {  	[tilespmem:v11+s19+$0x0] =	vst.idx.msk $0xffff, v10  }
0x156: {  	v10 =	vld.idx.msk [tilespmem:v12+s19+$0x0], $0xffff;
	_ =	sdelay $0x2  }
0x157: {  	v9 =	vor.u32 v4, v9;
	_ =	sdelay $0x1  }
0x158: {  	v10 =	vmul.f32 v10, v6  }
0x159: {  	s31 =	simm.s32 $0x3  }
0x15a: {  	[tilespmem:v12+s19+$0x0] =	vst.idx.msk $0xffff, v10;
	v10 =	vmov s31  }
0x15b: {  	v11 =	vld.idx.msk [tilespmem:v9+s19+$0x0], $0xffff;
	v10 =	vand.u32 $0x7F, v10  }
0x15c: {  	v10 =	vbroadcast v10, $0x0;
	_ =	sdelay $0x1  }
0x15d: {  	v12 =	vor.u32 v0, v10;
	_ =	sdelay $0x1  }
0x15e: {  	v11 =	vmul.f32 v11, v5;
	_ =	sdelay $0x1  }
0x15f: {  	[tilespmem:v9+s19+$0x0] =	vst.idx.msk $0xffff, v11  }
0x160: {  	v9 =	vld.idx.msk [tilespmem:v12+s19+$0x0], $0xffff;
	_ =	sdelay $0x2  }
0x161: {  	v11 =	vor.u32 v2, v10;
	_ =	sdelay $0x1  }
0x162: {  	v9 =	vmul.f32 v9, v8;
	_ =	sdelay $0x1  }
0x163: {  	[tilespmem:v12+s19+$0x0] =	vst.idx.msk $0xffff, v9  }
0x164: {  	v9 =	vld.idx.msk [tilespmem:v11+s19+$0x0], $0xffff;
	_ =	sdelay $0x2  }
0x165: {  	v12 =	vor.u32 v3, v10;
	_ =	sdelay $0x1  }
0x166: {  	v9 =	vmul.f32 v9, v7;
	_ =	sdelay $0x1  }
0x167: {  	[tilespmem:v11+s19+$0x0] =	vst.idx.msk $0xffff, v9  }
0x168: {  	v9 =	vld.idx.msk [tilespmem:v12+s19+$0x0], $0xffff;
	_ =	sdelay $0x2  }
0x169: {  	v10 =	vor.u32 v4, v10;
	_ =	sdelay $0x1  }
0x16a: {  	v9 =	vmul.f32 v9, v6  }
0x16b: {  	s29 =	simm.s32 $0x4  }
0x16c: {  	[tilespmem:v12+s19+$0x0] =	vst.idx.msk $0xffff, v9;
	v9 =	vmov s29  }
0x16d: {  	v12 =	vld.idx.msk [tilespmem:v10+s19+$0x0], $0xffff;
	v9 =	vand.u32 $0x7C, v9  }
0x16e: {  	v9 =	vbroadcast v9, $0x0;
	_ =	sdelay $0x1  }
0x16f: {  	v11 =	vor.u32 v0, v9;
	_ =	sdelay $0x1  }
0x170: {  	s30 =	simm.s32 $0x8;
	v12 =	vmul.f32 v12, v5  }
.LBB2_10:
0x171: {  	_ = 	snop  }
0x172: {  	p0 =	sne.s32 s30, $0x7C;
	s0 =	smov.u32 s30;
	s30 =	sadd.s32 $0x4, s30;
	[tilespmem:v10+s19+$0x0] =	vst.idx.msk $0xffff, v12  }
0x173: {  	v10 =	vld.idx.msk [tilespmem:v11+s19+$0x0], $0xffff;
	_ =	sdelay $0x3  }
0x174: {  	v12 =	vor.u32 v2, v9;
	_ =	sdelay $0x1  }
0x175: {  	v10 =	vmul.f32 v10, v8;
	_ =	sdelay $0x1  }
0x176: {  	[tilespmem:v11+s19+$0x0] =	vst.idx.msk $0xffff, v10  }
0x177: {  	v10 =	vld.idx.msk [tilespmem:v12+s19+$0x0], $0xffff;
	_ =	sdelay $0x3  }
0x178: {  	v11 =	vor.u32 v3, v9;
	_ =	sdelay $0x1  }
0x179: {  	v10 =	vmul.f32 v10, v7;
	_ =	sdelay $0x1  }
0x17a: {  	[tilespmem:v12+s19+$0x0] =	vst.idx.msk $0xffff, v10  }
0x17b: {  	v10 =	vld.idx.msk [tilespmem:v11+s19+$0x0], $0xffff;
	_ =	sdelay $0x3  }
0x17c: {  	v9 =	vor.u32 v4, v9;
	_ =	sdelay $0x1  }
0x17d: {  	v10 =	vmul.f32 v10, v6;
	_ =	sdelay $0x1  }
0x17e: {  	s3 =	sadd.s32 $0x1, s29;
	[tilespmem:v11+s19+$0x0] =	vst.idx.msk $0xffff, v10  }
0x17f: {  	v11 =	vmov s3;
	v10 =	vld.idx.msk [tilespmem:v9+s19+$0x0], $0xffff  }
0x180: {  	v11 =	vand.u32 $0x7D, v11  }
0x181: {  	v11 =	vbroadcast v11, $0x0;
	_ =	sdelay $0x1  }
0x182: {  	v12 =	vor.u32 v0, v11;
	_ =	sdelay $0x1  }
0x183: {  	v10 =	vmul.f32 v10, v5;
	_ =	sdelay $0x1  }
0x184: {  	[tilespmem:v9+s19+$0x0] =	vst.idx.msk $0xffff, v10  }
0x185: {  	v9 =	vld.idx.msk [tilespmem:v12+s19+$0x0], $0xffff;
	_ =	sdelay $0x3  }
0x186: {  	v10 =	vor.u32 v2, v11;
	_ =	sdelay $0x1  }
0x187: {  	v9 =	vmul.f32 v9, v8;
	_ =	sdelay $0x1  }
0x188: {  	[tilespmem:v12+s19+$0x0] =	vst.idx.msk $0xffff, v9  }
0x189: {  	v9 =	vld.idx.msk [tilespmem:v10+s19+$0x0], $0xffff;
	_ =	sdelay $0x3  }
0x18a: {  	v12 =	vor.u32 v3, v11;
	_ =	sdelay $0x1  }
0x18b: {  	v9 =	vmul.f32 v9, v7;
	_ =	sdelay $0x1  }
0x18c: {  	[tilespmem:v10+s19+$0x0] =	vst.idx.msk $0xffff, v9  }
0x18d: {  	v9 =	vld.idx.msk [tilespmem:v12+s19+$0x0], $0xffff;
	_ =	sdelay $0x3  }
0x18e: {  	v10 =	vor.u32 v4, v11;
	_ =	sdelay $0x1  }
0x18f: {  	v9 =	vmul.f32 v9, v6;
	_ =	sdelay $0x1  }
0x190: {  	s3 =	sadd.s32 $0x2, s29;
	[tilespmem:v12+s19+$0x0] =	vst.idx.msk $0xffff, v9  }
0x191: {  	v11 =	vmov s3;
	v9 =	vld.idx.msk [tilespmem:v10+s19+$0x0], $0xffff  }
0x192: {  	v11 =	vand.u32 $0x7E, v11  }
0x193: {  	v11 =	vbroadcast v11, $0x0;
	_ =	sdelay $0x1  }
0x194: {  	v12 =	vor.u32 v0, v11;
	_ =	sdelay $0x1  }
0x195: {  	v9 =	vmul.f32 v9, v5;
	_ =	sdelay $0x1  }
0x196: {  	[tilespmem:v10+s19+$0x0] =	vst.idx.msk $0xffff, v9  }
0x197: {  	v9 =	vld.idx.msk [tilespmem:v12+s19+$0x0], $0xffff;
	_ =	sdelay $0x3  }
0x198: {  	v10 =	vor.u32 v2, v11;
	_ =	sdelay $0x1  }
0x199: {  	v9 =	vmul.f32 v9, v8;
	_ =	sdelay $0x1  }
0x19a: {  	[tilespmem:v12+s19+$0x0] =	vst.idx.msk $0xffff, v9  }
0x19b: {  	v9 =	vld.idx.msk [tilespmem:v10+s19+$0x0], $0xffff;
	_ =	sdelay $0x3  }
0x19c: {  	v12 =	vor.u32 v3, v11;
	_ =	sdelay $0x1  }
0x19d: {  	v9 =	vmul.f32 v9, v7;
	_ =	sdelay $0x1  }
0x19e: {  	[tilespmem:v10+s19+$0x0] =	vst.idx.msk $0xffff, v9  }
0x19f: {  	v9 =	vld.idx.msk [tilespmem:v12+s19+$0x0], $0xffff;
	_ =	sdelay $0x3  }
0x1a0: {  	v10 =	vor.u32 v4, v11;
	_ =	sdelay $0x1  }
0x1a1: {  	v9 =	vmul.f32 v9, v6;
	_ =	sdelay $0x1  }
0x1a2: {  	s3 =	sadd.s32 $0x3, s29;
	s29 =	smov.u32 s0;
	[tilespmem:v12+s19+$0x0] =	vst.idx.msk $0xffff, v9  }
0x1a3: {  	v11 =	vmov s3;
	v9 =	vld.idx.msk [tilespmem:v10+s19+$0x0], $0xffff  }
0x1a4: {  	v11 =	vand.u32 $0x7F, v11  }
0x1a5: {  	v11 =	vbroadcast v11, $0x0;
	_ =	sdelay $0x1  }
0x1a6: {  	v12 =	vor.u32 v0, v11;
	_ =	sdelay $0x1  }
0x1a7: {  	v9 =	vmul.f32 v9, v5;
	_ =	sdelay $0x1  }
0x1a8: {  	[tilespmem:v10+s19+$0x0] =	vst.idx.msk $0xffff, v9  }
0x1a9: {  	v9 =	vld.idx.msk [tilespmem:v12+s19+$0x0], $0xffff;
	_ =	sdelay $0x3  }
0x1aa: {  	v10 =	vor.u32 v2, v11;
	_ =	sdelay $0x1  }
0x1ab: {  	v9 =	vmul.f32 v9, v8;
	_ =	sdelay $0x1  }
0x1ac: {  	[tilespmem:v12+s19+$0x0] =	vst.idx.msk $0xffff, v9  }
0x1ad: {  	v9 =	vld.idx.msk [tilespmem:v10+s19+$0x0], $0xffff;
	_ =	sdelay $0x3  }
0x1ae: {  	v12 =	vor.u32 v3, v11;
	_ =	sdelay $0x1  }
0x1af: {  	v9 =	vmul.f32 v9, v7;
	_ =	sdelay $0x1  }
0x1b0: {  	[tilespmem:v10+s19+$0x0] =	vst.idx.msk $0xffff, v9  }
0x1b1: {  	v9 =	vld.idx.msk [tilespmem:v12+s19+$0x0], $0xffff;
	_ =	sdelay $0x3  }
0x1b2: {  	v10 =	vor.u32 v4, v11;
	_ =	sdelay $0x1  }
0x1b3: {  	v9 =	vmul.f32 v9, v6;
	_ =	sdelay $0x1  }
0x1b4: {  	[tilespmem:v12+s19+$0x0] =	vst.idx.msk $0xffff, v9  }
0x1b5: {  	v9 =	vmov s29;
	v12 =	vld.idx.msk [tilespmem:v10+s19+$0x0], $0xffff  }
0x1b6: {  	v9 =	vand.u32 $0x7C, v9  }
.Ltmp3:
0x1b7: {  	v9 =	vbroadcast v9, $0x0;
	(pc) =	sbr.rel @p0 .LBB2_10-.Ltmp3, $3  }
0x1b8: {  	_ = 	snop  }
0x1b9: {  	v11 =	vor.u32 v0, v9;
	_ =	sdelay $0x1  }
0x1ba: {  	v12 =	vmul.f32 v12, v5  }
0x1bb: {  	_ =	sdelay $0x3  }
0x1bc: {  	[tilespmem:v10+s19+$0x0] =	vst.idx.msk $0xffff, v12  }
0x1bd: {  	v10 =	vld.idx.msk [tilespmem:v11+s19+$0x0], $0xffff;
	_ =	sdelay $0x2  }
0x1be: {  	v47 =	vor.u32 v2, v9;
	_ =	sdelay $0x1  }
0x1bf: {  	v10 =	vmul.f32 v10, v8;
	_ =	sdelay $0x1  }
0x1c0: {  	[tilespmem:v11+s19+$0x0] =	vst.idx.msk $0xffff, v10  }
0x1c1: {  	v10 =	vld.idx.msk [tilespmem:v47+s19+$0x0], $0xffff;
	_ =	sdelay $0x2  }
0x1c2: {  	v48 =	vor.u32 v3, v9;
	_ =	sdelay $0x1  }
0x1c3: {  	v10 =	vmul.f32 v10, v7;
	_ =	sdelay $0x1  }
0x1c4: {  	[tilespmem:v47+s19+$0x0] =	vst.idx.msk $0xffff, v10  }
0x1c5: {  	v10 =	vld.idx.msk [tilespmem:v48+s19+$0x0], $0xffff;
	_ =	sdelay $0x2  }
0x1c6: {  	v49 =	vor.u32 v4, v9;
	_ =	sdelay $0x1  }
0x1c7: {  	v10 =	vmul.f32 v10, v6  }
0x1c8: {  	s0 =	sadd.s32 $0x1, s29  }
0x1c9: {  	v50 =	vmov s0;
	[tilespmem:v48+s19+$0x0] =	vst.idx.msk $0xffff, v10  }
0x1ca: {  	v10 =	vand.u32 $0x7D, v50;
	v11 =	vld.idx.msk [tilespmem:v49+s19+$0x0], $0xffff  }
0x1cb: {  	v10 =	vbroadcast v10, $0x0;
	_ =	sdelay $0x1  }
0x1cc: {  	v51 =	vor.u32 v0, v10;
	_ =	sdelay $0x1  }
0x1cd: {  	v11 =	vmul.f32 v11, v5;
	_ =	sdelay $0x1  }
0x1ce: {  	[tilespmem:v49+s19+$0x0] =	vst.idx.msk $0xffff, v11  }
0x1cf: {  	v9 =	vld.idx.msk [tilespmem:v51+s19+$0x0], $0xffff;
	_ =	sdelay $0x2  }
0x1d0: {  	v52 =	vor.u32 v2, v10;
	_ =	sdelay $0x1  }
0x1d1: {  	v9 =	vmul.f32 v9, v8;
	_ =	sdelay $0x1  }
0x1d2: {  	[tilespmem:v51+s19+$0x0] =	vst.idx.msk $0xffff, v9  }
0x1d3: {  	v9 =	vld.idx.msk [tilespmem:v52+s19+$0x0], $0xffff;
	_ =	sdelay $0x2  }
0x1d4: {  	v53 =	vor.u32 v3, v10;
	_ =	sdelay $0x1  }
0x1d5: {  	v9 =	vmul.f32 v9, v7;
	_ =	sdelay $0x1  }
0x1d6: {  	[tilespmem:v52+s19+$0x0] =	vst.idx.msk $0xffff, v9  }
0x1d7: {  	v9 =	vld.idx.msk [tilespmem:v53+s19+$0x0], $0xffff;
	_ =	sdelay $0x2  }
0x1d8: {  	v10 =	vor.u32 v4, v10;
	_ =	sdelay $0x1  }
0x1d9: {  	v9 =	vmul.f32 v9, v6  }
0x1da: {  	s3 =	sadd.s32 $0x2, s29  }
0x1db: {  	v54 =	vmov s3;
	[tilespmem:v53+s19+$0x0] =	vst.idx.msk $0xffff, v9  }
0x1dc: {  	v9 =	vand.u32 $0x7E, v54;
	v11 =	vld.idx.msk [tilespmem:v10+s19+$0x0], $0xffff  }
0x1dd: {  	v9 =	vbroadcast v9, $0x0;
	_ =	sdelay $0x1  }
0x1de: {  	v55 =	vor.u32 v0, v9;
	_ =	sdelay $0x1  }
0x1df: {  	v11 =	vmul.f32 v11, v5;
	_ =	sdelay $0x1  }
0x1e0: {  	[tilespmem:v10+s19+$0x0] =	vst.idx.msk $0xffff, v11  }
0x1e1: {  	v10 =	vld.idx.msk [tilespmem:v55+s19+$0x0], $0xffff;
	_ =	sdelay $0x2  }
0x1e2: {  	v56 =	vor.u32 v2, v9;
	_ =	sdelay $0x1  }
0x1e3: {  	v10 =	vmul.f32 v10, v8;
	_ =	sdelay $0x1  }
0x1e4: {  	[tilespmem:v55+s19+$0x0] =	vst.idx.msk $0xffff, v10  }
0x1e5: {  	v10 =	vld.idx.msk [tilespmem:v56+s19+$0x0], $0xffff;
	_ =	sdelay $0x2  }
0x1e6: {  	v57 =	vor.u32 v3, v9;
	_ =	sdelay $0x1  }
0x1e7: {  	v10 =	vmul.f32 v10, v7;
	_ =	sdelay $0x1  }
0x1e8: {  	[tilespmem:v56+s19+$0x0] =	vst.idx.msk $0xffff, v10  }
0x1e9: {  	v10 =	vld.idx.msk [tilespmem:v57+s19+$0x0], $0xffff;
	_ =	sdelay $0x2  }
0x1ea: {  	v9 =	vor.u32 v4, v9;
	_ =	sdelay $0x1  }
0x1eb: {  	v10 =	vmul.f32 v10, v6  }
0x1ec: {  	s30 =	sadd.s32 $0x3, s29  }
0x1ed: {  	v58 =	vmov s30;
	[tilespmem:v57+s19+$0x0] =	vst.idx.msk $0xffff, v10  }
0x1ee: {  	v10 =	vand.u32 $0x7F, v58;
	v11 =	vld.idx.msk [tilespmem:v9+s19+$0x0], $0xffff  }
0x1ef: {  	v10 =	vbroadcast v10, $0x0;
	_ =	sdelay $0x1  }
0x1f0: {  	v59 =	vor.u32 v0, v10;
	_ =	sdelay $0x1  }
0x1f1: {  	v11 =	vmul.f32 v11, v5;
	_ =	sdelay $0x1  }
0x1f2: {  	[tilespmem:v9+s19+$0x0] =	vst.idx.msk $0xffff, v11  }
0x1f3: {  	v9 =	vld.idx.msk [tilespmem:v59+s19+$0x0], $0xffff;
	_ =	sdelay $0x2  }
0x1f4: {  	v60 =	vor.u32 v2, v10;
	_ =	sdelay $0x1  }
0x1f5: {  	v61 =	vmul.f32 v9, v8;
	_ =	sdelay $0x1  }
0x1f6: {  	[tilespmem:v59+s19+$0x0] =	vst.idx.msk $0xffff, v61  }
0x1f7: {  	v8 =	vld.idx.msk [tilespmem:v60+s19+$0x0], $0xffff;
	_ =	sdelay $0x2  }
0x1f8: {  	v62 =	vor.u32 v3, v10;
	_ =	sdelay $0x1  }
0x1f9: {  	v7 =	vmul.f32 v8, v7;
	_ =	sdelay $0x1  }
0x1fa: {  	[tilespmem:v60+s19+$0x0] =	vst.idx.msk $0xffff, v7  }
0x1fb: {  	v7 =	vld.idx.msk [tilespmem:v62+s19+$0x0], $0xffff;
	_ =	sdelay $0x2  }
0x1fc: {  	v63 =	vor.u32 v4, v10;
	_ =	sdelay $0x1  }
0x1fd: {  	v6 =	vmul.f32 v7, v6;
	_ =	sdelay $0x1  }
0x1fe: {  	[tilespmem:v62+s19+$0x0] =	vst.idx.msk $0xffff, v6  }
0x1ff: {  	v6 =	vld.idx.msk [tilespmem:v63+s19+$0x0], $0xffff;
	_ =	sdelay $0x1  }
0x200: {  	s26 =	sadd.s32 $0x1, s26  }
0x201: {  	p0 =	sne.s32 s26, $0x8  }
.Ltmp4:
0x202: {  	_ = 	snop;
	(pc) =	sbr.rel @p0 .LBB2_7-.Ltmp4, $3  }
0x203: {  	v5 =	vmul.f32 v6, v5;
	_ =	sdelay $0x1  }
0x204: {  	s31 =	sadd.s32 $0x14800, s28;
	[tilespmem:v63+s19+$0x0] =	vst.idx.msk $0xffff, v5  }
0x205: {  	[spmem:s2] =	stream.indirect.scatter.add.f32 [tilespmem:s19], [sflag:$0x4], $0x80, s31, s17, $0xb8;
	[tilespmem:$0x1A000] =	vst v63  }
0x206: {  	s25 =	sadd.s32 $0x1, s25  }
0x207: {  	p0 =	sne.s32 s25, $0xA  }
.Ltmp5:
0x208: {  	_ = 	snop;
	(pc) =	sbr.rel @p0 .LBB2_6-.Ltmp5, $4  }
0x209: {  	_ = 	snop  }
0x20a: {  	_ =	swait.ge [sflag:s23], $0x2000  }
0x20b: {  	[sflag:s23] =	ssyncset.done $0x0  }
0x20c: {  	[sflag:s23] =	ssyncadd.s32 $0xFFFFE000  }
0x20d: {  	s0 =	stileid.u32;
	s4 =	sadd.s32 $0x1, s4  }
0x20e: {  	[bflag:$0x0] =	sbarrier.arrive $0xFFFF;
	s0 =	sshll.u32 s0, $0x6;
	p0 =	sne.s32 s4, s11  }
.Ltmp6:
0x20f: {  	s3 =	sshrl.u32 s8, $0x3;
	s0 =	sor.u32 $0x1C05, s0;
	(pc) =	sbr.rel @p0 .LBB2_1-.Ltmp6, $4  }
0x210: {  	[hbm:s10], [sflag:s0] =	dma.local [spmem:s3], $0x2800  }
0x211: {  	_ =	swait.ge [sflag:s13], $0x2800  }
0x212: {  	[sflag:s13] =	ssyncset.done $0x0  }
0x213: {  	[sflag:s13] =	ssyncadd.s32 $0xFFFFD800  }
0x214: {  	_ =	sfence.sel $0x180000  }
0x215: {  	[bflag:$0x0] =	sbarrier.arrive $0xFFFF  }
0x216: {  	_ =	strace $0x9000004D  }
0x217: {  	s0 =	stileid.u32;
	[bflag:$0x2] =	sbarrier.arrive $0xFFFF  }
0x218: {  	p0 =	sne.s32 s0, $0x0;
	s0 =	rddreg [dreg:$0x3]  }
0x219: {  	s0 =	sadd.s32 @!p0 $0x100000, s0  }
0x21a: {  	[sflag:s0] =	ssyncadd.tile.s32 @!p0 $0x1;
	_ =	shalt  }
.Lfunc_end2:
_tile_overlayer_lowered:
.L_overlay_start_2:
0x21b: {  	(tag) =	ssettag $0x2  }
0x21c: {  	s0 =	rddreg [dreg:$0x0];
	s2 =	stileid.u32  }
0x21d: {  	s1 =	rddreg [dreg:$0x1];
	p0 =	sne.s32 s2, $0x0  }
0x21e: {  	s3 =	rddreg [dreg:$0x2];
	[bflag:$0x3] =	sbarrier.arrive $0xFFFF;
	s2 =	simm.s32 @!p0 $0x1C05  }
0x21f: {  	[timem:s3], [sflag:s2] =	dma.local @!p0 [hbm:s0], s1  }
0x220: {  	s0 =	simm.s32 @!p0 $0x5  }
0x221: {  	_ =	swait.ge @!p0 [sflag:s0], s1  }
0x222: {  	s1 =	ssub.s32 @!p0 $0x0, s1;
	[sflag:s0] =	ssyncset.done @!p0 $0x0  }
0x223: {  	[sflag:s0] =	ssyncadd.s32 @!p0 s1  }
0x224: {  	[bflag:$0x3] =	sbarrier.arrive $0xFFFF  }
0x225: {  	_ =	shalt  }

// kernel: gcn_aggregate_sc.7.cloned.1.call-start
scs
__scs_entry_jumppad:
0x0: {  	(pc) =	sbr.rel $0x88, $3  }
0x1: {  	(tag) =	ssettag $0x0;
	lr =	simm.s32 $0x1  }
0x2: {  	[smem:$0x3F9A] =	sst lr;
	_ =	strace $0xD0000000  }
0x3: {  	_ = 	snop  }
0x4: {  	_ = 	snop  }
0x5: {  	_ = 	snop  }
0x6: {  	_ = 	snop  }
0x7: {  	_ = 	snop  }
__scs_overlays_trampoline_lowered:
0x8: {  	[smem:$0x3FA9] =	sst s0  }
0x9: {  	[smem:$0x3FAA] =	sst s1  }
0xa: {  	[smem:$0x3FAB] =	sst s2  }
0xb: {  	[smem:$0x3FAC] =	sst s3  }
0xc: {  	[smem:$0x3FAD] =	sst s4  }
0xd: {  	[smem:$0x3FAE] =	sst s5  }
0xe: {  	[smem:$0x3FAF] =	sst s6  }
0xf: {  	[smem:$0x3FB0] =	sst s7  }
0x10: {  	[smem:$0x3FB1] =	sst s8  }
0x11: {  	[smem:$0x3FB2] =	sst s9;
	s0 =	simm.s32 @!p0 $0x0  }
0x12: {  	s1 =	sld [smem:$0x3F98];
	s0 =	simm.s32 @p0 $0x1  }
0x13: {  	[smem:$0x3FB3] =	sst s0;
	s0 =	simm.s32 @!p1 $0x0  }
0x14: {  	s2 =	sld [smem:$0x3F97];
	s0 =	simm.s32 @p1 $0x1  }
0x15: {  	[smem:$0x3FB4] =	sst s0;
	s0 =	simm.s32 @!p2 $0x0  }
0x16: {  	s3 =	sld [smem:$0x3FDB];
	s0 =	simm.s32 @p2 $0x1  }
0x17: {  	s4 =	simm.s32 $0x1BF5;
	[smem:$0x3FB6] =	sst s0  }
0x18: {  	s0 =	sld [smem:$0x3F99];
	_ =	swait.ge [sflag:s4], $0x0  }
0x19: {  	s7 =	sld [smem:$0x3F9A]  }
0x1a: {  	s8 =	sadd.s32 $0xFFFFE003, lr  }
0x1b: {  	s9 =	sadd.s32 $0xFFFFFEF7, lr;
	s5 =	simm.s32 $0xFFFFFFFF;
	p2 =	slt.u32 s8, $0xFFFFF086  }
0x1c: {  	p1 =	slt.u32 s9, $0xF7A;
	s5 =	simm.s32 @!p2 $0x0  }
0x1d: {  	s5 =	simm.s32 @p1 $0x1;
	p0 =	seq.s32 s7, s2  }
0x1e: {  	s7 =	smul.u32 @!p0 $0xF7A, s2;
	p2 =	seq.s32 @!p0 s5, $0x0  }
0x1f: {  	s9 =	smul.u32 $0xF7A, s1;
	s8 =	simm.s32 @!p0 $0x1BF5;
	p2 =	por !p2, p0  }
0x20: {  	[sflag:s8] =	ssyncset.s32 @!p0 $0xFFFFF086;
	s6 =	sadd.s32 @!p0 s3, s7;
	s7 =	simm.s32 @!p0 $0x108  }
0x21: {  	s3 =	sadd.s32 s3, s9;
	s6 =	sadd.s32 @!p0 $0x88, s6;
	s7 =	simm.s32 @p2 $0x1082  }
0x22: {  	[simem:s7], [sflag:s8] =	dma.local @!p0 [hbm:s6], $0xF7A  }
0x23: {  	s9 =	sor.u32 $0xD0000000, s2;
	s6 =	simm.s32 $0x108;
	_ =	swait.ge @!p0 [sflag:s8], $0x0  }
0x24: {  	s3 =	sadd.s32 $0x88, s3;
	s6 =	simm.s32 @!p1 $0x1082;
	[sflag:s4] =	ssyncset.s32 $0xFFFFF086  }
0x25: {  	[simem:s6], [sflag:s4] =	dma.local [hbm:s3], $0xF7A  }
0x26: {  	[smem:$0x3F9A] =	sst s1;
	(tag) =	ssettag s2;
	_ =	strace s9  }
0x27: {  	s1 =	sld [smem:$0x3FAA]  }
0x28: {  	s2 =	sld [smem:$0x3FAB]  }
0x29: {  	s4 =	sld [smem:$0x3FAD]  }
0x2a: {  	p0 =	seq.s32 s5, $0x0;
	s5 =	sld [smem:$0x3FAE]  }
0x2b: {  	s6 =	sld [smem:$0x3FAF]  }
0x2c: {  	s7 =	sld [smem:$0x3FB0]  }
0x2d: {  	s3 =	simm.s32 $0x108;
	s8 =	sld [smem:$0x3FB1]  }
0x2e: {  	s3 =	simm.s32 @!p0 $0x1082;
	s9 =	sld [smem:$0x3FB2]  }
0x2f: {  	lr =	sadd.s32 s0, s3;
	s0 =	sld [smem:$0x3FA9]  }
0x30: {  	s3 =	sld [smem:$0x3FAC]  }
0x31: {  	[smem:$0x3FB5] =	sst s10  }
0x32: {  	s10 =	sld [smem:$0x3FB3];
	_ =	sdelay $0x3  }
0x33: {  	p0 =	seq.s32 s10, $0x1;
	s10 =	sld [smem:$0x3FB5];
	_ =	sdelay $0x3  }
0x34: {  	[smem:$0x3FB5] =	sst s10  }
0x35: {  	s10 =	sld [smem:$0x3FB4];
	_ =	sdelay $0x3  }
0x36: {  	p1 =	seq.s32 s10, $0x1;
	s10 =	sld [smem:$0x3FB5];
	_ =	sdelay $0x3  }
0x37: {  	[smem:$0x3FB5] =	sst s10  }
0x38: {  	s10 =	sld [smem:$0x3FB6]  }
0x39: {  	_ = 	snop;
	(pc) =	sbr.ind lr, $3  }
0x3a: {  	_ = 	snop  }
0x3b: {  	_ = 	snop  }
0x3c: {  	p2 =	seq.s32 s10, $0x1;
	s10 =	sld [smem:$0x3FB5]  }
0x3d: {  	_ =	shalt  }
0x3e: {  	_ =	shalt  }
0x3f: {  	_ =	shalt  }
0x40: {  	_ =	shalt  }
0x41: {  	_ =	shalt  }
0x42: {  	_ =	shalt  }
0x43: {  	_ =	shalt  }
0x44: {  	_ =	shalt  }
0x45: {  	_ =	shalt  }
0x46: {  	_ =	shalt  }
0x47: {  	_ =	shalt  }
0x48: {  	_ =	shalt  }
0x49: {  	_ =	shalt  }
0x4a: {  	_ =	shalt  }
0x4b: {  	_ =	shalt  }
0x4c: {  	_ =	shalt  }
0x4d: {  	_ =	shalt  }
0x4e: {  	_ =	shalt  }
0x4f: {  	_ =	shalt  }
0x50: {  	_ =	shalt  }
0x51: {  	_ =	shalt  }
0x52: {  	_ =	shalt  }
0x53: {  	_ =	shalt  }
0x54: {  	_ =	shalt  }
0x55: {  	_ =	shalt  }
0x56: {  	_ =	shalt  }
0x57: {  	_ =	shalt  }
0x58: {  	_ =	shalt  }
0x59: {  	_ =	shalt  }
0x5a: {  	_ =	shalt  }
0x5b: {  	_ =	shalt  }
0x5c: {  	_ =	shalt  }
0x5d: {  	_ =	shalt  }
0x5e: {  	_ =	shalt  }
0x5f: {  	_ =	shalt  }
0x60: {  	_ =	shalt  }
0x61: {  	_ =	shalt  }
0x62: {  	_ =	shalt  }
0x63: {  	_ =	shalt  }
0x64: {  	_ =	shalt  }
0x65: {  	_ =	shalt  }
0x66: {  	_ =	shalt  }
0x67: {  	_ =	shalt  }
0x68: {  	_ =	shalt  }
0x69: {  	_ =	shalt  }
0x6a: {  	_ =	shalt  }
0x6b: {  	_ =	shalt  }
0x6c: {  	_ =	shalt  }
0x6d: {  	_ =	shalt  }
0x6e: {  	_ =	shalt  }
0x6f: {  	_ =	shalt  }
0x70: {  	_ =	shalt  }
0x71: {  	_ =	shalt  }
0x72: {  	_ =	shalt  }
0x73: {  	_ =	shalt  }
0x74: {  	_ =	shalt  }
0x75: {  	_ =	shalt  }
0x76: {  	_ =	shalt  }
0x77: {  	_ =	shalt  }
0x78: {  	_ =	shalt  }
0x79: {  	_ =	shalt  }
0x7a: {  	_ =	shalt  }
0x7b: {  	_ =	shalt  }
0x7c: {  	_ =	shalt  }
0x7d: {  	_ =	shalt  }
0x7e: {  	_ =	shalt  }
0x7f: {  	_ =	shalt  }
0x80: {  	_ =	shalt  }
0x81: {  	_ =	shalt  }
0x82: {  	_ =	shalt  }
0x83: {  	_ =	shalt  }
0x84: {  	_ =	shalt  }
0x85: {  	_ =	shalt  }
0x86: {  	_ =	shalt  }
0x87: {  	_ =	shalt  }
.Lfunc_end0:
.L_simem_size_0:
called_computation.3_lowered:
.L_overlay_start_0:
0x88: {  	s2 =	sld [smem:$0x3FD9]  }
0x89: {  	s3 =	sld [smem:$0x3FFE];
	_ =	sdelay $0x1  }
0x8a: {  	s1 =	srdreg.scid  }
0x8b: {  	s0 =	sand.u32 $0x1, s1  }
0x8c: {  	s17 =	sshll.u32 s0, $0xA;
	s2 =	sadd.s32 s3, s2  }
0x8d: {  	s2 =	sadd.s32 s2, s17  }
0x8e: {  	[smem:$0x3FC1] =	sst s2  }
0x8f: {  	_ = 	snop  }
0x90: {  	s2 =	sld [smem:$0x3FD0];
	(tm) =	ssettm $0x1  }
0x91: {  	s18 =	sld [smem:$0x3FFB];
	_ =	sdelay $0x3  }
0x92: {  	_ =	strace s18  }
0x93: {  	s3 =	sld [smem:$0x3FFC];
	_ =	sdelay $0x3  }
0x94: {  	_ =	strace s3  }
0x95: {  	s3 =	sld [smem:$0x3FFD];
	_ =	sdelay $0x3  }
0x96: {  	_ =	strace s3  }
0x97: {  	_ =	strace $0x8FFFFFFF  }
0x98: {  	s19 =	sld [smem:$0x3FDB];
	_ =	sdelay $0x1  }
0x99: {  	s4 =	simm.s32 $_scs_section_size  }
0x9a: {  	s5 =	simm.s32 $_size__tile_overlayer_lowered;
	s6 =	simm.s32 $_tile_overlayer_lowered  }
0x9b: {  	s22 =	simm.s32 $0x1BFF;
	s21 =	sshll.u32 s6, $0x1;
	s3 =	sadd.s32 s4, s19  }
0x9c: {  	s7 =	simm.s32 $0x0;
	s20 =	sshll.u32 s5, $0x1;
	s5 =	sadd.s32 s21, s3  }
0x9d: {  	[timem:s7], [sflag:s22] =	dma.local [hbm:s5], s20  }
0x9e: {  	_ =	swait.ge [sflag:s22], s20  }
0x9f: {  	s4 =	ssub.s32 $0x0, s20;
	[sflag:s22] =	ssyncset.done $0x0  }
0xa0: {  	[sflag:s22] =	ssyncadd.s32 s4;
	_ =	sdelay $0x1  }
0xa1: {  	s23 =	simm.s32 $0x1B8B  }
0xa2: {  	_ =	swait.ge [sflag:s23], $0x1  }
0xa3: {  	[sflag:s23] =	ssyncset.done $0x0  }
0xa4: {  	s25 =	simm.s32 $0x1B8E;
	s24 =	sld [smem:$0x3FFE];
	[sflag:s23] =	ssyncadd.s32 $0xFFFFFFFF  }
0xa5: {  	s26 =	simm.s32 $execute0_lowered;
	[smem:$0x3FD2] =	sst s25  }
0xa6: {  	s5 =	sshll.u32 s26, $0x1;
	_ =	strace $0x8000004F;
	[dreg:$0x1] =	wrdreg $0xFFFFFFFF  }
0xa7: {  	s28 =	simm.s32 $_size_execute0_lowered;
	s3 =	sadd.s32 s3, s5;
	[dreg:$0x0] =	wrdreg $0x0  }
0xa8: {  	s5 =	sshll.u32 s28, $0x1;
	[dreg:$0x2] =	wrdreg s3  }
0xa9: {  	[dreg:$0x3] =	wrdreg s5  }
0xaa: {  	[dreg:$0x4] =	wrdreg $0xC0  }
0xab: {  	_ =	task [dreg:s7], $0x5FFFF  }
0xac: {  	[dreg:$0x1] =	wrdreg $0xFFFFFFFF  }
0xad: {  	[dreg:$0x0] =	wrdreg $0x60  }
0xae: {  	[dreg:$0x2] =	wrdreg s24  }
0xaf: {  	[dreg:$0x3] =	wrdreg s2  }
0xb0: {  	[dreg:$0x4] =	wrdreg $0x0  }
0xb1: {  	[dreg:$0x5] =	wrdreg $0x9  }
0xb2: {  	_ =	task.clear_ibuf [dreg:s7], $0x6FFFF;
	_ =	strace $0x9000004F  }
0xb3: {  	s29 =	simm.s32 $0x9;
	_ =	strace $0x80000051  }
0xb4: {  	_ =	swait.ge [sflag:s29], $0x1  }
0xb5: {  	[sflag:s29] =	ssyncadd.s32 $0xFFFFFFFF  }
0xb6: {  	_ =	strace $0x90000051  }
0xb7: {  	_ =	sfence  }
0xb8: {  	s30 =	sld [smem:$0x0];
	_ =	sdelay $0x2  }
0xb9: {  	s31 =	sshll.u32 s1, $0xD;
	s1 =	sshrl.u32 s1, $0x2  }
0xba: {  	s3 =	sand.u32 $0x4000, s31;
	s1 =	sadd.s32 s1, s30  }
0xbb: {  	s0 =	sor.u32 s3, s0;
	s1 =	sshll.u32 s1, $0x11  }
0xbc: {  	s0 =	sor.u32 s1, s0  }
0xbd: {  	s0 =	sadd.s32 $0x8F2B, s0  }
0xbe: {  	[sflag:s0] =	ssyncadd.remote.s32 $0x1  }
0xbf: {  	_ =	sfence.sel $0xFFFF  }
0xc0: {  	[dreg:$0x0] =	wrdreg $0xFFFFFFFF;
	(pc) =	sbr.abs _section_cstart, $3  }
0xc1: {  	[dreg:$0x1] =	wrdreg $0xFFFFFFFF  }
0xc2: {  	_ =	task.clear_ibuf [dreg:s7], $0x2FFFF;
	_ =	strace $0x9FFFFFFF  }
0xc3: {  	(tm) =	ssettm $0x7FFFFFFF  }
tec
execute0_lowered:
.L_overlay_start_1:
0x0: {  	(tag) =	ssettag $0x1  }
0x1: {  	s0 =	rddreg [dreg:$0x0]  }
0x2: {  	s1 =	rddreg [dreg:$0x1]  }
0x3: {  	s2 =	rddreg [dreg:$0x2]  }
0x4: {  	s3 =	srdreg.scid;
	s4 =	simm.s32 $0x0;
	s29 =	stileid.u32  }
0x5: {  	s12 =	simm.s32 $0x19800;
	s13 =	simm.s32 $0x5;
	s14 =	simm.s32 $0x14000  }
0x6: {  	s15 =	simm.s32 $0x14800;
	s16 =	simm.s32 $0x15000;
	s17 =	simm.s32 $0x40  }
0x7: {  	s18 =	simm.s32 $0x15800;
	s19 =	simm.s32 $0x17800;
	s20 =	simm.s32 $0x1  }
0x8: {  	s21 =	simm.s32 $0x3;
	s22 =	simm.s32 $0x2;
	s23 =	simm.s32 $0x4  }
0x9: {  	s8 =	sand.u32 $0x1, s3;
	[smem:$0x7FF] =	sst s4;
	s9 =	smul.u32 $0x2800, s29  }
0xa: {  	s5 =	sadd.s32 $0x48E00, s0;
	s6 =	sadd.s32 $0x7B400, s0;
	s10 =	smul.u32 $0x50000, s29  }
0xb: {  	s7 =	smul.u32 $0x28000, s8;
	_ =	strace $0x80000050;
	s30 =	ssub.s32 $0x2, s8  }
0xc: {  	v0 =	vlaneseq.u32;
	s8 =	sshll.u32 s8, $0x4;
	s11 =	sshrl.u32 s30, $0x1;
	s10 =	sshrl.u32 s10, $0x2  }
0xd: {  	v0 =	vmul.u32 $0x80, v0;
	s31 =	sor.u32 s29, s8;
	s9 =	sadd.s32 s9, s7;
	s7 =	sadd.s32 $0x2E00, s0  }
0xe: {  	v1 =	vimm.f32 $0.0e+00;
	s11 =	ssub.s32 s30, s11;
	s8 =	sadd.s32 s10, s2;
	s0 =	sadd.s32 s9, s0  }
0xf: {  	v2 =	vor.u32 $0x800, v0;
	v3 =	vor.u32 $0x1000, v0;
	v4 =	vor.u32 $0x1800, v0;
	s9 =	smul.u32 $0x5000, s31;
	s11 =	smax.u32 s11, $0x1;
	s10 =	sadd.s32 $0x8F400, s0  }
.LBB2_1:
0x10: {  	s0 =	simm.s32 $0x0;
	s24 =	simm.s32 $0x200  }
.LBB2_2:
0x11: {  	p0 =	sne.s32 s24, $0x1E00;
	[tilespmem:s0+$0x19870] =	vst v1  }
0x12: {  	[tilespmem:s0+$0x19800] =	vst v1  }
0x13: {  	[tilespmem:s0+$0x19810] =	vst v1  }
.Ltmp0:
0x14: {  	[tilespmem:s0+$0x19820] =	vst v1;
	(pc) =	sbr.rel @p0 .LBB2_2-.Ltmp0, $4  }
0x15: {  	[tilespmem:s0+$0x19830] =	vst v1  }
0x16: {  	[tilespmem:s0+$0x19840] =	vst v1  }
0x17: {  	[tilespmem:s0+$0x19850] =	vst v1  }
0x18: {  	[tilespmem:s0+$0x19860] =	vst v1;
	s0 =	sshra.s32 s24, $0x2;
	s24 =	sadd.s32 $0x200, s24  }
0x19: {  	[tilespmem:s0+$0x19870] =	vst v1  }
0x1a: {  	[tilespmem:s0+$0x19800] =	vst v1  }
0x1b: {  	[tilespmem:s0+$0x19810] =	vst v1  }
0x1c: {  	[tilespmem:s0+$0x19820] =	vst v1  }
0x1d: {  	[tilespmem:s0+$0x19830] =	vst v1  }
0x1e: {  	[tilespmem:s0+$0x19840] =	vst v1  }
0x1f: {  	[tilespmem:s0+$0x19850] =	vst v1  }
0x20: {  	[tilespmem:s0+$0x19860] =	vst v1;
	s31 =	sadd.s32 $0x0, s8  }
0x21: {  	[spmem:s31] =	stream.linear.scatter [tilespmem:s12], [sflag:$0x5], $0x800, $0x38;
	[tilespmem:$0x1A000] =	vst v63  }
0x22: {  	s0 =	simm.s32 $0x2000;
	_ =	swait.ge [sflag:s13], $0x800  }
.LBB2_4:
0x23: {  	s24 =	sshra.s32 s0, $0x2;
	[sflag:s13] =	ssyncset.done $0x0;
	p0 =	sne.s32 s0, $0x4E000  }
.Ltmp1:
0x24: {  	s24 =	sadd.s32 s24, s8;
	[sflag:s13] =	ssyncadd.s32 $0xFFFFF800;
	(pc) =	sbr.rel @p0 .LBB2_4-.Ltmp1, $3  }
0x25: {  	[spmem:s24] =	stream.linear.scatter [tilespmem:s12], [sflag:$0x5], $0x800, $0x38;
	[tilespmem:$0x1A000] =	vst v63  }
0x26: {  	s0 =	sadd.s32 $0x2000, s0;
	_ =	sdelay $0x1  }
0x27: {  	_ =	swait.ge [sflag:s13], $0x800  }
0x28: {  	[sflag:s13] =	ssyncset.done $0x0  }
0x29: {  	[sflag:s13] =	ssyncadd.s32 $0xFFFFF800  }
0x2a: {  	s24 =	simm.s32 $0x0;
	s25 =	simm.s32 $0x0;
	[bflag:$0x0] =	sbarrier.arrive $0xFFFF  }
.LBB2_6:
0x2b: {  	s0 =	sshll.u32 s25, $0xB  }
0x2c: {  	s0 =	sadd.s32 s9, s0  }
0x2d: {  	s0 =	sshrl.u32 s0, $0x3  }
0x2e: {  	s26 =	sadd.s32 s1, s0  }
0x2f: {  	[tilespmem:s14], [sflag:$0x5] =	stream.linear.gather [hbm4b:s26+s24], $0x800, $0x38;
	[tilespmem:$0x1A000] =	vst v63  }
0x30: {  	_ =	swait.ge [sflag:s13], $0x800  }
0x31: {  	[sflag:s13] =	ssyncset.done $0x0  }
0x32: {  	s31 =	sadd.s32 s6, s0;
	[sflag:s13] =	ssyncadd.s32 $0xFFFFF800  }
0x33: {  	[tilespmem:s15], [sflag:$0x5] =	stream.linear.gather [hbm4b:s31+s24], $0x800, $0x38;
	[tilespmem:$0x1A000] =	vst v63  }
0x34: {  	_ =	swait.ge [sflag:s13], $0x800  }
0x35: {  	[sflag:s13] =	ssyncset.done $0x0  }
0x36: {  	s0 =	sadd.s32 s7, s0;
	[sflag:s13] =	ssyncadd.s32 $0xFFFFF800  }
0x37: {  	[tilespmem:s16], [sflag:$0x5] =	stream.linear.gather [hbm4b:s0+s24], $0x800, $0x38;
	[tilespmem:$0x1A000] =	vst v63  }
0x38: {  	_ =	swait.ge [sflag:s13], $0x800  }
0x39: {  	[sflag:s13] =	ssyncset.done $0x0  }
0x3a: {  	s26 =	simm.s32 $0x0;
	[sflag:s13] =	ssyncadd.s32 $0xFFFFF800  }
0x3b: {  	[tilespmem:s18], [sflag:$0x1] =	stream.indirect.gather [hbm4b:s5+s17], $0x80, s14, s17, $0xb8;
	[tilespmem:$0x1A000] =	vst v63  }
.LBB2_7:
0x3c: {  	s0 =	sshll.u32 s26, $0x1;
	p0 =	seq.s32 s26, $0x0;
	s28 =	simm.s32 $0x0  }
0x3d: {  	s29 =	simm.s32 @!p0 $0x4;
	s0 =	sor.u32 $0x1, s0;
	v5 =	vmov s28  }
0x3e: {  	_ =	swait.ge @!p0 [sflag:s29], $0x2000;
	s28 =	sshll.u32 s0, $0x7;
	v5 =	vand.u32 $0x7C, v5  }
0x3f: {  	[sflag:s29] =	ssyncset.done @!p0 $0x0;
	s0 =	sand.u32 $0x3FFFFF80, s28;
	v9 =	vbroadcast v5, $0x0  }
0x40: {  	[sflag:s29] =	ssyncadd.s32 @!p0 $0xFFFFE000;
	s0 =	sadd.s32 $0x14000, s0  }
0x41: {  	[tilespmem:s19], [sflag:$0x2] =	stream.indirect.gather [hbm4b:s5+s17], $0x80, s0, s17, $0xb8;
	v10 =	vor.u32 v0, v9;
	[tilespmem:$0x1A000] =	vst v63  }
0x42: {  	_ =	swait.ge [sflag:s20], $0x2000  }
0x43: {  	[sflag:s20] =	ssyncset.done $0x0  }
0x44: {  	s29 =	sshll.u32 s26, $0x8;
	[sflag:s20] =	ssyncadd.s32 $0xFFFFE000  }
0x45: {  	v8 =	vld [tilespmem:s29+$0x15000]  }
0x46: {  	v5 =	vld.idx.msk [tilespmem:v10+s18+$0x0], $0xffff;
	_ =	sdelay $0x2  }
0x47: {  	v11 =	vor.u32 v2, v9;
	_ =	sdelay $0x1  }
0x48: {  	v7 =	vld [tilespmem:s29+$0x15010];
	v12 =	vmul.f32 v5, v8  }
0x49: {  	v6 =	vld [tilespmem:s29+$0x15020]  }
0x4a: {  	v5 =	vld [tilespmem:s29+$0x15030];
	[tilespmem:v10+s18+$0x0] =	vst.idx.msk $0xffff, v12  }
0x4b: {  	v10 =	vld.idx.msk [tilespmem:v11+s18+$0x0], $0xffff;
	_ =	sdelay $0x2  }
0x4c: {  	v12 =	vor.u32 v3, v9;
	_ =	sdelay $0x1  }
0x4d: {  	v10 =	vmul.f32 v10, v7;
	_ =	sdelay $0x1  }
0x4e: {  	[tilespmem:v11+s18+$0x0] =	vst.idx.msk $0xffff, v10  }
0x4f: {  	v10 =	vld.idx.msk [tilespmem:v12+s18+$0x0], $0xffff;
	_ =	sdelay $0x2  }
0x50: {  	v9 =	vor.u32 v4, v9;
	_ =	sdelay $0x1  }
0x51: {  	v10 =	vmul.f32 v10, v6  }
0x52: {  	s3 =	simm.s32 $0x1  }
0x53: {  	[tilespmem:v12+s18+$0x0] =	vst.idx.msk $0xffff, v10;
	v10 =	vmov s3  }
0x54: {  	v11 =	vld.idx.msk [tilespmem:v9+s18+$0x0], $0xffff;
	v10 =	vand.u32 $0x7D, v10  }
0x55: {  	v10 =	vbroadcast v10, $0x0;
	_ =	sdelay $0x1  }
0x56: {  	v12 =	vor.u32 v0, v10;
	_ =	sdelay $0x1  }
0x57: {  	v11 =	vmul.f32 v11, v5;
	_ =	sdelay $0x1  }
0x58: {  	[tilespmem:v9+s18+$0x0] =	vst.idx.msk $0xffff, v11  }
0x59: {  	v9 =	vld.idx.msk [tilespmem:v12+s18+$0x0], $0xffff;
	_ =	sdelay $0x2  }
0x5a: {  	v11 =	vor.u32 v2, v10;
	_ =	sdelay $0x1  }
0x5b: {  	v9 =	vmul.f32 v9, v8;
	_ =	sdelay $0x1  }
0x5c: {  	[tilespmem:v12+s18+$0x0] =	vst.idx.msk $0xffff, v9  }
0x5d: {  	v9 =	vld.idx.msk [tilespmem:v11+s18+$0x0], $0xffff;
	_ =	sdelay $0x2  }
0x5e: {  	v12 =	vor.u32 v3, v10;
	_ =	sdelay $0x1  }
0x5f: {  	v9 =	vmul.f32 v9, v7;
	_ =	sdelay $0x1  }
0x60: {  	[tilespmem:v11+s18+$0x0] =	vst.idx.msk $0xffff, v9  }
0x61: {  	v9 =	vld.idx.msk [tilespmem:v12+s18+$0x0], $0xffff;
	_ =	sdelay $0x2  }
0x62: {  	v10 =	vor.u32 v4, v10;
	_ =	sdelay $0x1  }
0x63: {  	v9 =	vmul.f32 v9, v6  }
0x64: {  	s3 =	simm.s32 $0x2  }
0x65: {  	[tilespmem:v12+s18+$0x0] =	vst.idx.msk $0xffff, v9;
	v9 =	vmov s3  }
0x66: {  	v11 =	vld.idx.msk [tilespmem:v10+s18+$0x0], $0xffff;
	v9 =	vand.u32 $0x7E, v9  }
0x67: {  	v9 =	vbroadcast v9, $0x0;
	_ =	sdelay $0x1  }
0x68: {  	v12 =	vor.u32 v0, v9;
	_ =	sdelay $0x1  }
0x69: {  	v11 =	vmul.f32 v11, v5;
	_ =	sdelay $0x1  }
0x6a: {  	[tilespmem:v10+s18+$0x0] =	vst.idx.msk $0xffff, v11  }
0x6b: {  	v10 =	vld.idx.msk [tilespmem:v12+s18+$0x0], $0xffff;
	_ =	sdelay $0x2  }
0x6c: {  	v11 =	vor.u32 v2, v9;
	_ =	sdelay $0x1  }
0x6d: {  	v10 =	vmul.f32 v10, v8;
	_ =	sdelay $0x1  }
0x6e: {  	[tilespmem:v12+s18+$0x0] =	vst.idx.msk $0xffff, v10  }
0x6f: {  	v10 =	vld.idx.msk [tilespmem:v11+s18+$0x0], $0xffff;
	_ =	sdelay $0x2  }
0x70: {  	v12 =	vor.u32 v3, v9;
	_ =	sdelay $0x1  }
0x71: {  	v10 =	vmul.f32 v10, v7;
	_ =	sdelay $0x1  }
0x72: {  	[tilespmem:v11+s18+$0x0] =	vst.idx.msk $0xffff, v10  }
0x73: {  	v10 =	vld.idx.msk [tilespmem:v12+s18+$0x0], $0xffff;
	_ =	sdelay $0x2  }
0x74: {  	v9 =	vor.u32 v4, v9;
	_ =	sdelay $0x1  }
0x75: {  	v10 =	vmul.f32 v10, v6  }
0x76: {  	s3 =	simm.s32 $0x3  }
0x77: {  	[tilespmem:v12+s18+$0x0] =	vst.idx.msk $0xffff, v10;
	v10 =	vmov s3  }
0x78: {  	v11 =	vld.idx.msk [tilespmem:v9+s18+$0x0], $0xffff;
	v10 =	vand.u32 $0x7F, v10  }
0x79: {  	v10 =	vbroadcast v10, $0x0;
	_ =	sdelay $0x1  }
0x7a: {  	v12 =	vor.u32 v0, v10;
	_ =	sdelay $0x1  }
0x7b: {  	v11 =	vmul.f32 v11, v5;
	_ =	sdelay $0x1  }
0x7c: {  	[tilespmem:v9+s18+$0x0] =	vst.idx.msk $0xffff, v11  }
0x7d: {  	v9 =	vld.idx.msk [tilespmem:v12+s18+$0x0], $0xffff;
	_ =	sdelay $0x2  }
0x7e: {  	v11 =	vor.u32 v2, v10;
	_ =	sdelay $0x1  }
0x7f: {  	v9 =	vmul.f32 v9, v8;
	_ =	sdelay $0x1  }
0x80: {  	[tilespmem:v12+s18+$0x0] =	vst.idx.msk $0xffff, v9  }
0x81: {  	v9 =	vld.idx.msk [tilespmem:v11+s18+$0x0], $0xffff;
	_ =	sdelay $0x2  }
0x82: {  	v12 =	vor.u32 v3, v10;
	_ =	sdelay $0x1  }
0x83: {  	v9 =	vmul.f32 v9, v7;
	_ =	sdelay $0x1  }
0x84: {  	[tilespmem:v11+s18+$0x0] =	vst.idx.msk $0xffff, v9  }
0x85: {  	v9 =	vld.idx.msk [tilespmem:v12+s18+$0x0], $0xffff;
	_ =	sdelay $0x2  }
0x86: {  	v10 =	vor.u32 v4, v10;
	_ =	sdelay $0x1  }
0x87: {  	v9 =	vmul.f32 v9, v6  }
0x88: {  	s30 =	simm.s32 $0x4  }
0x89: {  	[tilespmem:v12+s18+$0x0] =	vst.idx.msk $0xffff, v9;
	v9 =	vmov s30  }
0x8a: {  	v12 =	vld.idx.msk [tilespmem:v10+s18+$0x0], $0xffff;
	v9 =	vand.u32 $0x7C, v9  }
0x8b: {  	v9 =	vbroadcast v9, $0x0;
	_ =	sdelay $0x1  }
0x8c: {  	v11 =	vor.u32 v0, v9;
	_ =	sdelay $0x1  }
0x8d: {  	s31 =	simm.s32 $0x8;
	v12 =	vmul.f32 v12, v5  }
.LBB2_8:
0x8e: {  	_ = 	snop  }
0x8f: {  	p0 =	sne.s32 s31, $0x7C;
	s0 =	smov.u32 s31;
	s31 =	sadd.s32 $0x4, s31;
	[tilespmem:v10+s18+$0x0] =	vst.idx.msk $0xffff, v12  }
0x90: {  	v10 =	vld.idx.msk [tilespmem:v11+s18+$0x0], $0xffff;
	_ =	sdelay $0x3  }
0x91: {  	v12 =	vor.u32 v2, v9;
	_ =	sdelay $0x1  }
0x92: {  	v10 =	vmul.f32 v10, v8;
	_ =	sdelay $0x1  }
0x93: {  	[tilespmem:v11+s18+$0x0] =	vst.idx.msk $0xffff, v10  }
0x94: {  	v10 =	vld.idx.msk [tilespmem:v12+s18+$0x0], $0xffff;
	_ =	sdelay $0x3  }
0x95: {  	v11 =	vor.u32 v3, v9;
	_ =	sdelay $0x1  }
0x96: {  	v10 =	vmul.f32 v10, v7;
	_ =	sdelay $0x1  }
0x97: {  	[tilespmem:v12+s18+$0x0] =	vst.idx.msk $0xffff, v10  }
0x98: {  	v10 =	vld.idx.msk [tilespmem:v11+s18+$0x0], $0xffff;
	_ =	sdelay $0x3  }
0x99: {  	v9 =	vor.u32 v4, v9;
	_ =	sdelay $0x1  }
0x9a: {  	v10 =	vmul.f32 v10, v6;
	_ =	sdelay $0x1  }
0x9b: {  	s3 =	sadd.s32 $0x1, s30;
	[tilespmem:v11+s18+$0x0] =	vst.idx.msk $0xffff, v10  }
0x9c: {  	v11 =	vmov s3;
	v10 =	vld.idx.msk [tilespmem:v9+s18+$0x0], $0xffff  }
0x9d: {  	v11 =	vand.u32 $0x7D, v11  }
0x9e: {  	v11 =	vbroadcast v11, $0x0;
	_ =	sdelay $0x1  }
0x9f: {  	v12 =	vor.u32 v0, v11;
	_ =	sdelay $0x1  }
0xa0: {  	v10 =	vmul.f32 v10, v5;
	_ =	sdelay $0x1  }
0xa1: {  	[tilespmem:v9+s18+$0x0] =	vst.idx.msk $0xffff, v10  }
0xa2: {  	v9 =	vld.idx.msk [tilespmem:v12+s18+$0x0], $0xffff;
	_ =	sdelay $0x3  }
0xa3: {  	v10 =	vor.u32 v2, v11;
	_ =	sdelay $0x1  }
0xa4: {  	v9 =	vmul.f32 v9, v8;
	_ =	sdelay $0x1  }
0xa5: {  	[tilespmem:v12+s18+$0x0] =	vst.idx.msk $0xffff, v9  }
0xa6: {  	v9 =	vld.idx.msk [tilespmem:v10+s18+$0x0], $0xffff;
	_ =	sdelay $0x3  }
0xa7: {  	v12 =	vor.u32 v3, v11;
	_ =	sdelay $0x1  }
0xa8: {  	v9 =	vmul.f32 v9, v7;
	_ =	sdelay $0x1  }
0xa9: {  	[tilespmem:v10+s18+$0x0] =	vst.idx.msk $0xffff, v9  }
0xaa: {  	v9 =	vld.idx.msk [tilespmem:v12+s18+$0x0], $0xffff;
	_ =	sdelay $0x3  }
0xab: {  	v10 =	vor.u32 v4, v11;
	_ =	sdelay $0x1  }
0xac: {  	v9 =	vmul.f32 v9, v6;
	_ =	sdelay $0x1  }
0xad: {  	s3 =	sadd.s32 $0x2, s30;
	[tilespmem:v12+s18+$0x0] =	vst.idx.msk $0xffff, v9  }
0xae: {  	v11 =	vmov s3;
	v9 =	vld.idx.msk [tilespmem:v10+s18+$0x0], $0xffff  }
0xaf: {  	v11 =	vand.u32 $0x7E, v11  }
0xb0: {  	v11 =	vbroadcast v11, $0x0;
	_ =	sdelay $0x1  }
0xb1: {  	v12 =	vor.u32 v0, v11;
	_ =	sdelay $0x1  }
0xb2: {  	v9 =	vmul.f32 v9, v5;
	_ =	sdelay $0x1  }
0xb3: {  	[tilespmem:v10+s18+$0x0] =	vst.idx.msk $0xffff, v9  }
0xb4: {  	v9 =	vld.idx.msk [tilespmem:v12+s18+$0x0], $0xffff;
	_ =	sdelay $0x3  }
0xb5: {  	v10 =	vor.u32 v2, v11;
	_ =	sdelay $0x1  }
0xb6: {  	v9 =	vmul.f32 v9, v8;
	_ =	sdelay $0x1  }
0xb7: {  	[tilespmem:v12+s18+$0x0] =	vst.idx.msk $0xffff, v9  }
0xb8: {  	v9 =	vld.idx.msk [tilespmem:v10+s18+$0x0], $0xffff;
	_ =	sdelay $0x3  }
0xb9: {  	v12 =	vor.u32 v3, v11;
	_ =	sdelay $0x1  }
0xba: {  	v9 =	vmul.f32 v9, v7;
	_ =	sdelay $0x1  }
0xbb: {  	[tilespmem:v10+s18+$0x0] =	vst.idx.msk $0xffff, v9  }
0xbc: {  	v9 =	vld.idx.msk [tilespmem:v12+s18+$0x0], $0xffff;
	_ =	sdelay $0x3  }
0xbd: {  	v10 =	vor.u32 v4, v11;
	_ =	sdelay $0x1  }
0xbe: {  	v9 =	vmul.f32 v9, v6;
	_ =	sdelay $0x1  }
0xbf: {  	s3 =	sadd.s32 $0x3, s30;
	s30 =	smov.u32 s0;
	[tilespmem:v12+s18+$0x0] =	vst.idx.msk $0xffff, v9  }
0xc0: {  	v11 =	vmov s3;
	v9 =	vld.idx.msk [tilespmem:v10+s18+$0x0], $0xffff  }
0xc1: {  	v11 =	vand.u32 $0x7F, v11  }
0xc2: {  	v11 =	vbroadcast v11, $0x0;
	_ =	sdelay $0x1  }
0xc3: {  	v12 =	vor.u32 v0, v11;
	_ =	sdelay $0x1  }
0xc4: {  	v9 =	vmul.f32 v9, v5;
	_ =	sdelay $0x1  }
0xc5: {  	[tilespmem:v10+s18+$0x0] =	vst.idx.msk $0xffff, v9  }
0xc6: {  	v9 =	vld.idx.msk [tilespmem:v12+s18+$0x0], $0xffff;
	_ =	sdelay $0x3  }
0xc7: {  	v10 =	vor.u32 v2, v11;
	_ =	sdelay $0x1  }
0xc8: {  	v9 =	vmul.f32 v9, v8;
	_ =	sdelay $0x1  }
0xc9: {  	[tilespmem:v12+s18+$0x0] =	vst.idx.msk $0xffff, v9  }
0xca: {  	v9 =	vld.idx.msk [tilespmem:v10+s18+$0x0], $0xffff;
	_ =	sdelay $0x3  }
0xcb: {  	v12 =	vor.u32 v3, v11;
	_ =	sdelay $0x1  }
0xcc: {  	v9 =	vmul.f32 v9, v7;
	_ =	sdelay $0x1  }
0xcd: {  	[tilespmem:v10+s18+$0x0] =	vst.idx.msk $0xffff, v9  }
0xce: {  	v9 =	vld.idx.msk [tilespmem:v12+s18+$0x0], $0xffff;
	_ =	sdelay $0x3  }
0xcf: {  	v10 =	vor.u32 v4, v11;
	_ =	sdelay $0x1  }
0xd0: {  	v9 =	vmul.f32 v9, v6;
	_ =	sdelay $0x1  }
0xd1: {  	[tilespmem:v12+s18+$0x0] =	vst.idx.msk $0xffff, v9  }
0xd2: {  	v9 =	vmov s30;
	v12 =	vld.idx.msk [tilespmem:v10+s18+$0x0], $0xffff  }
0xd3: {  	v9 =	vand.u32 $0x7C, v9  }
.Ltmp2:
0xd4: {  	v9 =	vbroadcast v9, $0x0;
	(pc) =	sbr.rel @p0 .LBB2_8-.Ltmp2, $3  }
0xd5: {  	_ = 	snop  }
0xd6: {  	v11 =	vor.u32 v0, v9;
	_ =	sdelay $0x1  }
0xd7: {  	v12 =	vmul.f32 v12, v5  }
0xd8: {  	_ =	sdelay $0x3  }
0xd9: {  	[tilespmem:v10+s18+$0x0] =	vst.idx.msk $0xffff, v12  }
0xda: {  	v10 =	vld.idx.msk [tilespmem:v11+s18+$0x0], $0xffff;
	_ =	sdelay $0x2  }
0xdb: {  	v12 =	vor.u32 v2, v9;
	_ =	sdelay $0x1  }
0xdc: {  	v10 =	vmul.f32 v10, v8;
	_ =	sdelay $0x1  }
0xdd: {  	[tilespmem:v11+s18+$0x0] =	vst.idx.msk $0xffff, v10  }
0xde: {  	v10 =	vld.idx.msk [tilespmem:v12+s18+$0x0], $0xffff;
	_ =	sdelay $0x2  }
0xdf: {  	v11 =	vor.u32 v3, v9;
	_ =	sdelay $0x1  }
0xe0: {  	v10 =	vmul.f32 v10, v7;
	_ =	sdelay $0x1  }
0xe1: {  	[tilespmem:v12+s18+$0x0] =	vst.idx.msk $0xffff, v10  }
0xe2: {  	v10 =	vld.idx.msk [tilespmem:v11+s18+$0x0], $0xffff;
	_ =	sdelay $0x2  }
0xe3: {  	v9 =	vor.u32 v4, v9;
	_ =	sdelay $0x1  }
0xe4: {  	v10 =	vmul.f32 v10, v6  }
0xe5: {  	s0 =	sadd.s32 $0x1, s30  }
0xe6: {  	[tilespmem:v11+s18+$0x0] =	vst.idx.msk $0xffff, v10;
	v10 =	vmov s0  }
0xe7: {  	v11 =	vld.idx.msk [tilespmem:v9+s18+$0x0], $0xffff;
	v10 =	vand.u32 $0x7D, v10  }
0xe8: {  	v10 =	vbroadcast v10, $0x0;
	_ =	sdelay $0x1  }
0xe9: {  	v12 =	vor.u32 v0, v10;
	_ =	sdelay $0x1  }
0xea: {  	v11 =	vmul.f32 v11, v5;
	_ =	sdelay $0x1  }
0xeb: {  	[tilespmem:v9+s18+$0x0] =	vst.idx.msk $0xffff, v11  }
0xec: {  	v9 =	vld.idx.msk [tilespmem:v12+s18+$0x0], $0xffff;
	_ =	sdelay $0x2  }
0xed: {  	v11 =	vor.u32 v2, v10;
	_ =	sdelay $0x1  }
0xee: {  	v9 =	vmul.f32 v9, v8;
	_ =	sdelay $0x1  }
0xef: {  	[tilespmem:v12+s18+$0x0] =	vst.idx.msk $0xffff, v9  }
0xf0: {  	v9 =	vld.idx.msk [tilespmem:v11+s18+$0x0], $0xffff;
	_ =	sdelay $0x2  }
0xf1: {  	v12 =	vor.u32 v3, v10;
	_ =	sdelay $0x1  }
0xf2: {  	v9 =	vmul.f32 v9, v7;
	_ =	sdelay $0x1  }
0xf3: {  	[tilespmem:v11+s18+$0x0] =	vst.idx.msk $0xffff, v9  }
0xf4: {  	v9 =	vld.idx.msk [tilespmem:v12+s18+$0x0], $0xffff;
	_ =	sdelay $0x2  }
0xf5: {  	v10 =	vor.u32 v4, v10;
	_ =	sdelay $0x1  }
0xf6: {  	v9 =	vmul.f32 v9, v6  }
0xf7: {  	s31 =	sadd.s32 $0x2, s30  }
0xf8: {  	[tilespmem:v12+s18+$0x0] =	vst.idx.msk $0xffff, v9;
	v9 =	vmov s31  }
0xf9: {  	v11 =	vld.idx.msk [tilespmem:v10+s18+$0x0], $0xffff;
	v9 =	vand.u32 $0x7E, v9  }
0xfa: {  	v9 =	vbroadcast v9, $0x0;
	_ =	sdelay $0x1  }
0xfb: {  	v12 =	vor.u32 v0, v9;
	_ =	sdelay $0x1  }
0xfc: {  	v11 =	vmul.f32 v11, v5;
	_ =	sdelay $0x1  }
0xfd: {  	[tilespmem:v10+s18+$0x0] =	vst.idx.msk $0xffff, v11  }
0xfe: {  	v10 =	vld.idx.msk [tilespmem:v12+s18+$0x0], $0xffff;
	_ =	sdelay $0x2  }
0xff: {  	v11 =	vor.u32 v2, v9;
	_ =	sdelay $0x1  }
0x100: {  	v10 =	vmul.f32 v10, v8;
	_ =	sdelay $0x1  }
0x101: {  	[tilespmem:v12+s18+$0x0] =	vst.idx.msk $0xffff, v10  }
0x102: {  	v10 =	vld.idx.msk [tilespmem:v11+s18+$0x0], $0xffff;
	_ =	sdelay $0x2  }
0x103: {  	v12 =	vor.u32 v3, v9;
	_ =	sdelay $0x1  }
0x104: {  	v10 =	vmul.f32 v10, v7;
	_ =	sdelay $0x1  }
0x105: {  	[tilespmem:v11+s18+$0x0] =	vst.idx.msk $0xffff, v10  }
0x106: {  	v10 =	vld.idx.msk [tilespmem:v12+s18+$0x0], $0xffff;
	_ =	sdelay $0x2  }
0x107: {  	v9 =	vor.u32 v4, v9;
	_ =	sdelay $0x1  }
0x108: {  	v10 =	vmul.f32 v10, v6  }
0x109: {  	s3 =	sadd.s32 $0x3, s30  }
0x10a: {  	[tilespmem:v12+s18+$0x0] =	vst.idx.msk $0xffff, v10;
	v10 =	vmov s3  }
0x10b: {  	v11 =	vld.idx.msk [tilespmem:v9+s18+$0x0], $0xffff;
	v10 =	vand.u32 $0x7F, v10  }
0x10c: {  	v10 =	vbroadcast v10, $0x0;
	_ =	sdelay $0x1  }
0x10d: {  	v12 =	vor.u32 v0, v10;
	_ =	sdelay $0x1  }
0x10e: {  	v11 =	vmul.f32 v11, v5;
	_ =	sdelay $0x1  }
0x10f: {  	[tilespmem:v9+s18+$0x0] =	vst.idx.msk $0xffff, v11  }
0x110: {  	v9 =	vld.idx.msk [tilespmem:v12+s18+$0x0], $0xffff;
	_ =	sdelay $0x2  }
0x111: {  	v11 =	vor.u32 v2, v10;
	_ =	sdelay $0x1  }
0x112: {  	v8 =	vmul.f32 v9, v8;
	_ =	sdelay $0x1  }
0x113: {  	[tilespmem:v12+s18+$0x0] =	vst.idx.msk $0xffff, v8  }
0x114: {  	v8 =	vld.idx.msk [tilespmem:v11+s18+$0x0], $0xffff;
	_ =	sdelay $0x2  }
0x115: {  	v9 =	vor.u32 v3, v10;
	_ =	sdelay $0x1  }
0x116: {  	v7 =	vmul.f32 v8, v7;
	_ =	sdelay $0x1  }
0x117: {  	[tilespmem:v11+s18+$0x0] =	vst.idx.msk $0xffff, v7  }
0x118: {  	v7 =	vld.idx.msk [tilespmem:v9+s18+$0x0], $0xffff;
	_ =	sdelay $0x2  }
0x119: {  	v8 =	vor.u32 v4, v10;
	_ =	sdelay $0x1  }
0x11a: {  	v6 =	vmul.f32 v7, v6;
	_ =	sdelay $0x1  }
0x11b: {  	[tilespmem:v9+s18+$0x0] =	vst.idx.msk $0xffff, v6  }
0x11c: {  	v6 =	vld.idx.msk [tilespmem:v8+s18+$0x0], $0xffff;
	_ =	sdelay $0x4  }
0x11d: {  	v5 =	vmul.f32 v6, v5  }
0x11e: {  	p0 =	seq.s32 s26, $0x7  }
0x11f: {  	s0 =	sshll.u32 @!p0 s26, $0x8;
	s31 =	sadd.s32 $0x14800, s29;
	s3 =	simm.s32 $0x0;
	[tilespmem:v8+s18+$0x0] =	vst.idx.msk $0xffff, v5  }
0x120: {  	v5 =	vmov s3;
	[spmem:s2] =	stream.indirect.scatter.add.f32 [tilespmem:s18], [sflag:$0x3], $0x80, s31, s17, $0xb8;
	[tilespmem:$0x1A000] =	vst v63  }
0x121: {  	s0 =	sand.u32 @!p0 $0x3FFFFF00, s0;
	v5 =	vand.u32 $0x7C, v5;
	_ =	swait.ge [sflag:s21], $0x2000  }
0x122: {  	s0 =	sadd.s32 @!p0 $0x14100, s0;
	v9 =	vbroadcast v5, $0x0;
	[sflag:s21] =	ssyncset.done $0x0  }
0x123: {  	s29 =	simm.s32 @!p0 $0x15800;
	s3 =	simm.s32 @!p0 $0x40;
	[sflag:s21] =	ssyncadd.s32 $0xFFFFE000  }
0x124: {  	v10 =	vor.u32 v0, v9;
	[tilespmem:s29], [sflag:$0x1] =	stream.indirect.gather @!p0 [hbm4b:s5+s3], $0x80, s0, s3, $0xb8;
	[tilespmem:$0x1A000] =	vst v63  }
0x125: {  	_ =	swait.ge [sflag:s22], $0x2000  }
0x126: {  	[sflag:s22] =	ssyncset.done $0x0  }
0x127: {  	[sflag:s22] =	ssyncadd.s32 $0xFFFFE000  }
0x128: {  	v8 =	vld [tilespmem:s28+$0x15000]  }
0x129: {  	v5 =	vld.idx.msk [tilespmem:v10+s19+$0x0], $0xffff;
	_ =	sdelay $0x2  }
0x12a: {  	v11 =	vor.u32 v2, v9;
	_ =	sdelay $0x1  }
0x12b: {  	v7 =	vld [tilespmem:s28+$0x15010];
	v12 =	vmul.f32 v5, v8  }
0x12c: {  	v6 =	vld [tilespmem:s28+$0x15020]  }
0x12d: {  	v5 =	vld [tilespmem:s28+$0x15030];
	[tilespmem:v10+s19+$0x0] =	vst.idx.msk $0xffff, v12  }
0x12e: {  	v10 =	vld.idx.msk [tilespmem:v11+s19+$0x0], $0xffff;
	_ =	sdelay $0x2  }
0x12f: {  	v12 =	vor.u32 v3, v9;
	_ =	sdelay $0x1  }
0x130: {  	v10 =	vmul.f32 v10, v7;
	_ =	sdelay $0x1  }
0x131: {  	[tilespmem:v11+s19+$0x0] =	vst.idx.msk $0xffff, v10  }
0x132: {  	v10 =	vld.idx.msk [tilespmem:v12+s19+$0x0], $0xffff;
	_ =	sdelay $0x2  }
0x133: {  	v9 =	vor.u32 v4, v9;
	_ =	sdelay $0x1  }
0x134: {  	v10 =	vmul.f32 v10, v6  }
0x135: {  	s31 =	simm.s32 $0x1  }
0x136: {  	[tilespmem:v12+s19+$0x0] =	vst.idx.msk $0xffff, v10;
	v10 =	vmov s31  }
0x137: {  	v11 =	vld.idx.msk [tilespmem:v9+s19+$0x0], $0xffff;
	v10 =	vand.u32 $0x7D, v10  }
0x138: {  	v10 =	vbroadcast v10, $0x0;
	_ =	sdelay $0x1  }
0x139: {  	v12 =	vor.u32 v0, v10;
	_ =	sdelay $0x1  }
0x13a: {  	v11 =	vmul.f32 v11, v5;
	_ =	sdelay $0x1  }
0x13b: {  	[tilespmem:v9+s19+$0x0] =	vst.idx.msk $0xffff, v11  }
0x13c: {  	v9 =	vld.idx.msk [tilespmem:v12+s19+$0x0], $0xffff;
	_ =	sdelay $0x2  }
0x13d: {  	v11 =	vor.u32 v2, v10;
	_ =	sdelay $0x1  }
0x13e: {  	v9 =	vmul.f32 v9, v8;
	_ =	sdelay $0x1  }
0x13f: {  	[tilespmem:v12+s19+$0x0] =	vst.idx.msk $0xffff, v9  }
0x140: {  	v9 =	vld.idx.msk [tilespmem:v11+s19+$0x0], $0xffff;
	_ =	sdelay $0x2  }
0x141: {  	v12 =	vor.u32 v3, v10;
	_ =	sdelay $0x1  }
0x142: {  	v9 =	vmul.f32 v9, v7;
	_ =	sdelay $0x1  }
0x143: {  	[tilespmem:v11+s19+$0x0] =	vst.idx.msk $0xffff, v9  }
0x144: {  	v9 =	vld.idx.msk [tilespmem:v12+s19+$0x0], $0xffff;
	_ =	sdelay $0x2  }
0x145: {  	v10 =	vor.u32 v4, v10;
	_ =	sdelay $0x1  }
0x146: {  	v9 =	vmul.f32 v9, v6  }
0x147: {  	s3 =	simm.s32 $0x2  }
0x148: {  	[tilespmem:v12+s19+$0x0] =	vst.idx.msk $0xffff, v9;
	v9 =	vmov s3  }
0x149: {  	v11 =	vld.idx.msk [tilespmem:v10+s19+$0x0], $0xffff;
	v9 =	vand.u32 $0x7E, v9  }
0x14a: {  	v9 =	vbroadcast v9, $0x0;
	_ =	sdelay $0x1  }
0x14b: {  	v12 =	vor.u32 v0, v9;
	_ =	sdelay $0x1  }
0x14c: {  	v11 =	vmul.f32 v11, v5;
	_ =	sdelay $0x1  }
0x14d: {  	[tilespmem:v10+s19+$0x0] =	vst.idx.msk $0xffff, v11  }
0x14e: {  	v10 =	vld.idx.msk [tilespmem:v12+s19+$0x0], $0xffff;
	_ =	sdelay $0x2  }
0x14f: {  	v11 =	vor.u32 v2, v9;
	_ =	sdelay $0x1  }
0x150: {  	v10 =	vmul.f32 v10, v8;
	_ =	sdelay $0x1  }
0x151: {  	[tilespmem:v12+s19+$0x0] =	vst.idx.msk $0xffff, v10  }
0x152: {  	v10 =	vld.idx.msk [tilespmem:v11+s19+$0x0], $0xffff;
	_ =	sdelay $0x2  }
0x153: {  	v12 =	vor.u32 v3, v9;
	_ =	sdelay $0x1  }
0x154: {  	v10 =	vmul.f32 v10, v7;
	_ =	sdelay $0x1  }
0x155: {  	[tilespmem:v11+s19+$0x0] =	vst.idx.msk $0xffff, v10  }
0x156: {  	v10 =	vld.idx.msk [tilespmem:v12+s19+$0x0], $0xffff;
	_ =	sdelay $0x2  }
0x157: {  	v9 =	vor.u32 v4, v9;
	_ =	sdelay $0x1  }
0x158: {  	v10 =	vmul.f32 v10, v6  }
0x159: {  	s31 =	simm.s32 $0x3  }
0x15a: {  	[tilespmem:v12+s19+$0x0] =	vst.idx.msk $0xffff, v10;
	v10 =	vmov s31  }
0x15b: {  	v11 =	vld.idx.msk [tilespmem:v9+s19+$0x0], $0xffff;
	v10 =	vand.u32 $0x7F, v10  }
0x15c: {  	v10 =	vbroadcast v10, $0x0;
	_ =	sdelay $0x1  }
0x15d: {  	v12 =	vor.u32 v0, v10;
	_ =	sdelay $0x1  }
0x15e: {  	v11 =	vmul.f32 v11, v5;
	_ =	sdelay $0x1  }
0x15f: {  	[tilespmem:v9+s19+$0x0] =	vst.idx.msk $0xffff, v11  }
0x160: {  	v9 =	vld.idx.msk [tilespmem:v12+s19+$0x0], $0xffff;
	_ =	sdelay $0x2  }
0x161: {  	v11 =	vor.u32 v2, v10;
	_ =	sdelay $0x1  }
0x162: {  	v9 =	vmul.f32 v9, v8;
	_ =	sdelay $0x1  }
0x163: {  	[tilespmem:v12+s19+$0x0] =	vst.idx.msk $0xffff, v9  }
0x164: {  	v9 =	vld.idx.msk [tilespmem:v11+s19+$0x0], $0xffff;
	_ =	sdelay $0x2  }
0x165: {  	v12 =	vor.u32 v3, v10;
	_ =	sdelay $0x1  }
0x166: {  	v9 =	vmul.f32 v9, v7;
	_ =	sdelay $0x1  }
0x167: {  	[tilespmem:v11+s19+$0x0] =	vst.idx.msk $0xffff, v9  }
0x168: {  	v9 =	vld.idx.msk [tilespmem:v12+s19+$0x0], $0xffff;
	_ =	sdelay $0x2  }
0x169: {  	v10 =	vor.u32 v4, v10;
	_ =	sdelay $0x1  }
0x16a: {  	v9 =	vmul.f32 v9, v6  }
0x16b: {  	s29 =	simm.s32 $0x4  }
0x16c: {  	[tilespmem:v12+s19+$0x0] =	vst.idx.msk $0xffff, v9;
	v9 =	vmov s29  }
0x16d: {  	v12 =	vld.idx.msk [tilespmem:v10+s19+$0x0], $0xffff;
	v9 =	vand.u32 $0x7C, v9  }
0x16e: {  	v9 =	vbroadcast v9, $0x0;
	_ =	sdelay $0x1  }
0x16f: {  	v11 =	vor.u32 v0, v9;
	_ =	sdelay $0x1  }
0x170: {  	s30 =	simm.s32 $0x8;
	v12 =	vmul.f32 v12, v5  }
.LBB2_10:
0x171: {  	_ = 	snop  }
0x172: {  	p0 =	sne.s32 s30, $0x7C;
	s0 =	smov.u32 s30;
	s30 =	sadd.s32 $0x4, s30;
	[tilespmem:v10+s19+$0x0] =	vst.idx.msk $0xffff, v12  }
0x173: {  	v10 =	vld.idx.msk [tilespmem:v11+s19+$0x0], $0xffff;
	_ =	sdelay $0x3  }
0x174: {  	v12 =	vor.u32 v2, v9;
	_ =	sdelay $0x1  }
0x175: {  	v10 =	vmul.f32 v10, v8;
	_ =	sdelay $0x1  }
0x176: {  	[tilespmem:v11+s19+$0x0] =	vst.idx.msk $0xffff, v10  }
0x177: {  	v10 =	vld.idx.msk [tilespmem:v12+s19+$0x0], $0xffff;
	_ =	sdelay $0x3  }
0x178: {  	v11 =	vor.u32 v3, v9;
	_ =	sdelay $0x1  }
0x179: {  	v10 =	vmul.f32 v10, v7;
	_ =	sdelay $0x1  }
0x17a: {  	[tilespmem:v12+s19+$0x0] =	vst.idx.msk $0xffff, v10  }
0x17b: {  	v10 =	vld.idx.msk [tilespmem:v11+s19+$0x0], $0xffff;
	_ =	sdelay $0x3  }
0x17c: {  	v9 =	vor.u32 v4, v9;
	_ =	sdelay $0x1  }
0x17d: {  	v10 =	vmul.f32 v10, v6;
	_ =	sdelay $0x1  }
0x17e: {  	s3 =	sadd.s32 $0x1, s29;
	[tilespmem:v11+s19+$0x0] =	vst.idx.msk $0xffff, v10  }
0x17f: {  	v11 =	vmov s3;
	v10 =	vld.idx.msk [tilespmem:v9+s19+$0x0], $0xffff  }
0x180: {  	v11 =	vand.u32 $0x7D, v11  }
0x181: {  	v11 =	vbroadcast v11, $0x0;
	_ =	sdelay $0x1  }
0x182: {  	v12 =	vor.u32 v0, v11;
	_ =	sdelay $0x1  }
0x183: {  	v10 =	vmul.f32 v10, v5;
	_ =	sdelay $0x1  }
0x184: {  	[tilespmem:v9+s19+$0x0] =	vst.idx.msk $0xffff, v10  }
0x185: {  	v9 =	vld.idx.msk [tilespmem:v12+s19+$0x0], $0xffff;
	_ =	sdelay $0x3  }
0x186: {  	v10 =	vor.u32 v2, v11;
	_ =	sdelay $0x1  }
0x187: {  	v9 =	vmul.f32 v9, v8;
	_ =	sdelay $0x1  }
0x188: {  	[tilespmem:v12+s19+$0x0] =	vst.idx.msk $0xffff, v9  }
0x189: {  	v9 =	vld.idx.msk [tilespmem:v10+s19+$0x0], $0xffff;
	_ =	sdelay $0x3  }
0x18a: {  	v12 =	vor.u32 v3, v11;
	_ =	sdelay $0x1  }
0x18b: {  	v9 =	vmul.f32 v9, v7;
	_ =	sdelay $0x1  }
0x18c: {  	[tilespmem:v10+s19+$0x0] =	vst.idx.msk $0xffff, v9  }
0x18d: {  	v9 =	vld.idx.msk [tilespmem:v12+s19+$0x0], $0xffff;
	_ =	sdelay $0x3  }
0x18e: {  	v10 =	vor.u32 v4, v11;
	_ =	sdelay $0x1  }
0x18f: {  	v9 =	vmul.f32 v9, v6;
	_ =	sdelay $0x1  }
0x190: {  	s3 =	sadd.s32 $0x2, s29;
	[tilespmem:v12+s19+$0x0] =	vst.idx.msk $0xffff, v9  }
0x191: {  	v11 =	vmov s3;
	v9 =	vld.idx.msk [tilespmem:v10+s19+$0x0], $0xffff  }
0x192: {  	v11 =	vand.u32 $0x7E, v11  }
0x193: {  	v11 =	vbroadcast v11, $0x0;
	_ =	sdelay $0x1  }
0x194: {  	v12 =	vor.u32 v0, v11;
	_ =	sdelay $0x1  }
0x195: {  	v9 =	vmul.f32 v9, v5;
	_ =	sdelay $0x1  }
0x196: {  	[tilespmem:v10+s19+$0x0] =	vst.idx.msk $0xffff, v9  }
0x197: {  	v9 =	vld.idx.msk [tilespmem:v12+s19+$0x0], $0xffff;
	_ =	sdelay $0x3  }
0x198: {  	v10 =	vor.u32 v2, v11;
	_ =	sdelay $0x1  }
0x199: {  	v9 =	vmul.f32 v9, v8;
	_ =	sdelay $0x1  }
0x19a: {  	[tilespmem:v12+s19+$0x0] =	vst.idx.msk $0xffff, v9  }
0x19b: {  	v9 =	vld.idx.msk [tilespmem:v10+s19+$0x0], $0xffff;
	_ =	sdelay $0x3  }
0x19c: {  	v12 =	vor.u32 v3, v11;
	_ =	sdelay $0x1  }
0x19d: {  	v9 =	vmul.f32 v9, v7;
	_ =	sdelay $0x1  }
0x19e: {  	[tilespmem:v10+s19+$0x0] =	vst.idx.msk $0xffff, v9  }
0x19f: {  	v9 =	vld.idx.msk [tilespmem:v12+s19+$0x0], $0xffff;
	_ =	sdelay $0x3  }
0x1a0: {  	v10 =	vor.u32 v4, v11;
	_ =	sdelay $0x1  }
0x1a1: {  	v9 =	vmul.f32 v9, v6;
	_ =	sdelay $0x1  }
0x1a2: {  	s3 =	sadd.s32 $0x3, s29;
	s29 =	smov.u32 s0;
	[tilespmem:v12+s19+$0x0] =	vst.idx.msk $0xffff, v9  }
0x1a3: {  	v11 =	vmov s3;
	v9 =	vld.idx.msk [tilespmem:v10+s19+$0x0], $0xffff  }
0x1a4: {  	v11 =	vand.u32 $0x7F, v11  }
0x1a5: {  	v11 =	vbroadcast v11, $0x0;
	_ =	sdelay $0x1  }
0x1a6: {  	v12 =	vor.u32 v0, v11;
	_ =	sdelay $0x1  }
0x1a7: {  	v9 =	vmul.f32 v9, v5;
	_ =	sdelay $0x1  }
0x1a8: {  	[tilespmem:v10+s19+$0x0] =	vst.idx.msk $0xffff, v9  }
0x1a9: {  	v9 =	vld.idx.msk [tilespmem:v12+s19+$0x0], $0xffff;
	_ =	sdelay $0x3  }
0x1aa: {  	v10 =	vor.u32 v2, v11;
	_ =	sdelay $0x1  }
0x1ab: {  	v9 =	vmul.f32 v9, v8;
	_ =	sdelay $0x1  }
0x1ac: {  	[tilespmem:v12+s19+$0x0] =	vst.idx.msk $0xffff, v9  }
0x1ad: {  	v9 =	vld.idx.msk [tilespmem:v10+s19+$0x0], $0xffff;
	_ =	sdelay $0x3  }
0x1ae: {  	v12 =	vor.u32 v3, v11;
	_ =	sdelay $0x1  }
0x1af: {  	v9 =	vmul.f32 v9, v7;
	_ =	sdelay $0x1  }
0x1b0: {  	[tilespmem:v10+s19+$0x0] =	vst.idx.msk $0xffff, v9  }
0x1b1: {  	v9 =	vld.idx.msk [tilespmem:v12+s19+$0x0], $0xffff;
	_ =	sdelay $0x3  }
0x1b2: {  	v10 =	vor.u32 v4, v11;
	_ =	sdelay $0x1  }
0x1b3: {  	v9 =	vmul.f32 v9, v6;
	_ =	sdelay $0x1  }
0x1b4: {  	[tilespmem:v12+s19+$0x0] =	vst.idx.msk $0xffff, v9  }
0x1b5: {  	v9 =	vmov s29;
	v12 =	vld.idx.msk [tilespmem:v10+s19+$0x0], $0xffff  }
0x1b6: {  	v9 =	vand.u32 $0x7C, v9  }
.Ltmp3:
0x1b7: {  	v9 =	vbroadcast v9, $0x0;
	(pc) =	sbr.rel @p0 .LBB2_10-.Ltmp3, $3  }
0x1b8: {  	_ = 	snop  }
0x1b9: {  	v11 =	vor.u32 v0, v9;
	_ =	sdelay $0x1  }
0x1ba: {  	v12 =	vmul.f32 v12, v5  }
0x1bb: {  	_ =	sdelay $0x3  }
0x1bc: {  	[tilespmem:v10+s19+$0x0] =	vst.idx.msk $0xffff, v12  }
0x1bd: {  	v10 =	vld.idx.msk [tilespmem:v11+s19+$0x0], $0xffff;
	_ =	sdelay $0x2  }
0x1be: {  	v47 =	vor.u32 v2, v9;
	_ =	sdelay $0x1  }
0x1bf: {  	v10 =	vmul.f32 v10, v8;
	_ =	sdelay $0x1  }
0x1c0: {  	[tilespmem:v11+s19+$0x0] =	vst.idx.msk $0xffff, v10  }
0x1c1: {  	v10 =	vld.idx.msk [tilespmem:v47+s19+$0x0], $0xffff;
	_ =	sdelay $0x2  }
0x1c2: {  	v48 =	vor.u32 v3, v9;
	_ =	sdelay $0x1  }
0x1c3: {  	v10 =	vmul.f32 v10, v7;
	_ =	sdelay $0x1  }
0x1c4: {  	[tilespmem:v47+s19+$0x0] =	vst.idx.msk $0xffff, v10  }
0x1c5: {  	v10 =	vld.idx.msk [tilespmem:v48+s19+$0x0], $0xffff;
	_ =	sdelay $0x2  }
0x1c6: {  	v49 =	vor.u32 v4, v9;
	_ =	sdelay $0x1  }
0x1c7: {  	v10 =	vmul.f32 v10, v6  }
0x1c8: {  	s0 =	sadd.s32 $0x1, s29  }
0x1c9: {  	v50 =	vmov s0;
	[tilespmem:v48+s19+$0x0] =	vst.idx.msk $0xffff, v10  }
0x1ca: {  	v10 =	vand.u32 $0x7D, v50;
	v11 =	vld.idx.msk [tilespmem:v49+s19+$0x0], $0xffff  }
0x1cb: {  	v10 =	vbroadcast v10, $0x0;
	_ =	sdelay $0x1  }
0x1cc: {  	v51 =	vor.u32 v0, v10;
	_ =	sdelay $0x1  }
0x1cd: {  	v11 =	vmul.f32 v11, v5;
	_ =	sdelay $0x1  }
0x1ce: {  	[tilespmem:v49+s19+$0x0] =	vst.idx.msk $0xffff, v11  }
0x1cf: {  	v9 =	vld.idx.msk [tilespmem:v51+s19+$0x0], $0xffff;
	_ =	sdelay $0x2  }
0x1d0: {  	v52 =	vor.u32 v2, v10;
	_ =	sdelay $0x1  }
0x1d1: {  	v9 =	vmul.f32 v9, v8;
	_ =	sdelay $0x1  }
0x1d2: {  	[tilespmem:v51+s19+$0x0] =	vst.idx.msk $0xffff, v9  }
0x1d3: {  	v9 =	vld.idx.msk [tilespmem:v52+s19+$0x0], $0xffff;
	_ =	sdelay $0x2  }
0x1d4: {  	v53 =	vor.u32 v3, v10;
	_ =	sdelay $0x1  }
0x1d5: {  	v9 =	vmul.f32 v9, v7;
	_ =	sdelay $0x1  }
0x1d6: {  	[tilespmem:v52+s19+$0x0] =	vst.idx.msk $0xffff, v9  }
0x1d7: {  	v9 =	vld.idx.msk [tilespmem:v53+s19+$0x0], $0xffff;
	_ =	sdelay $0x2  }
0x1d8: {  	v10 =	vor.u32 v4, v10;
	_ =	sdelay $0x1  }
0x1d9: {  	v9 =	vmul.f32 v9, v6  }
0x1da: {  	s3 =	sadd.s32 $0x2, s29  }
0x1db: {  	v54 =	vmov s3;
	[tilespmem:v53+s19+$0x0] =	vst.idx.msk $0xffff, v9  }
0x1dc: {  	v9 =	vand.u32 $0x7E, v54;
	v11 =	vld.idx.msk [tilespmem:v10+s19+$0x0], $0xffff  }
0x1dd: {  	v9 =	vbroadcast v9, $0x0;
	_ =	sdelay $0x1  }
0x1de: {  	v55 =	vor.u32 v0, v9;
	_ =	sdelay $0x1  }
0x1df: {  	v11 =	vmul.f32 v11, v5;
	_ =	sdelay $0x1  }
0x1e0: {  	[tilespmem:v10+s19+$0x0] =	vst.idx.msk $0xffff, v11  }
0x1e1: {  	v10 =	vld.idx.msk [tilespmem:v55+s19+$0x0], $0xffff;
	_ =	sdelay $0x2  }
0x1e2: {  	v56 =	vor.u32 v2, v9;
	_ =	sdelay $0x1  }
0x1e3: {  	v10 =	vmul.f32 v10, v8;
	_ =	sdelay $0x1  }
0x1e4: {  	[tilespmem:v55+s19+$0x0] =	vst.idx.msk $0xffff, v10  }
0x1e5: {  	v10 =	vld.idx.msk [tilespmem:v56+s19+$0x0], $0xffff;
	_ =	sdelay $0x2  }
0x1e6: {  	v57 =	vor.u32 v3, v9;
	_ =	sdelay $0x1  }
0x1e7: {  	v10 =	vmul.f32 v10, v7;
	_ =	sdelay $0x1  }
0x1e8: {  	[tilespmem:v56+s19+$0x0] =	vst.idx.msk $0xffff, v10  }
0x1e9: {  	v10 =	vld.idx.msk [tilespmem:v57+s19+$0x0], $0xffff;
	_ =	sdelay $0x2  }
0x1ea: {  	v9 =	vor.u32 v4, v9;
	_ =	sdelay $0x1  }
0x1eb: {  	v10 =	vmul.f32 v10, v6  }
0x1ec: {  	s30 =	sadd.s32 $0x3, s29  }
0x1ed: {  	v58 =	vmov s30;
	[tilespmem:v57+s19+$0x0] =	vst.idx.msk $0xffff, v10  }
0x1ee: {  	v10 =	vand.u32 $0x7F, v58;
	v11 =	vld.idx.msk [tilespmem:v9+s19+$0x0], $0xffff  }
0x1ef: {  	v10 =	vbroadcast v10, $0x0;
	_ =	sdelay $0x1  }
0x1f0: {  	v59 =	vor.u32 v0, v10;
	_ =	sdelay $0x1  }
0x1f1: {  	v11 =	vmul.f32 v11, v5;
	_ =	sdelay $0x1  }
0x1f2: {  	[tilespmem:v9+s19+$0x0] =	vst.idx.msk $0xffff, v11  }
0x1f3: {  	v9 =	vld.idx.msk [tilespmem:v59+s19+$0x0], $0xffff;
	_ =	sdelay $0x2  }
0x1f4: {  	v60 =	vor.u32 v2, v10;
	_ =	sdelay $0x1  }
0x1f5: {  	v61 =	vmul.f32 v9, v8;
	_ =	sdelay $0x1  }
0x1f6: {  	[tilespmem:v59+s19+$0x0] =	vst.idx.msk $0xffff, v61  }
0x1f7: {  	v8 =	vld.idx.msk [tilespmem:v60+s19+$0x0], $0xffff;
	_ =	sdelay $0x2  }
0x1f8: {  	v62 =	vor.u32 v3, v10;
	_ =	sdelay $0x1  }
0x1f9: {  	v7 =	vmul.f32 v8, v7;
	_ =	sdelay $0x1  }
0x1fa: {  	[tilespmem:v60+s19+$0x0] =	vst.idx.msk $0xffff, v7  }
0x1fb: {  	v7 =	vld.idx.msk [tilespmem:v62+s19+$0x0], $0xffff;
	_ =	sdelay $0x2  }
0x1fc: {  	v63 =	vor.u32 v4, v10;
	_ =	sdelay $0x1  }
0x1fd: {  	v6 =	vmul.f32 v7, v6;
	_ =	sdelay $0x1  }
0x1fe: {  	[tilespmem:v62+s19+$0x0] =	vst.idx.msk $0xffff, v6  }
0x1ff: {  	v6 =	vld.idx.msk [tilespmem:v63+s19+$0x0], $0xffff;
	_ =	sdelay $0x1  }
0x200: {  	s26 =	sadd.s32 $0x1, s26  }
0x201: {  	p0 =	sne.s32 s26, $0x8  }
.Ltmp4:
0x202: {  	_ = 	snop;
	(pc) =	sbr.rel @p0 .LBB2_7-.Ltmp4, $3  }
0x203: {  	v5 =	vmul.f32 v6, v5;
	_ =	sdelay $0x1  }
0x204: {  	s31 =	sadd.s32 $0x14800, s28;
	[tilespmem:v63+s19+$0x0] =	vst.idx.msk $0xffff, v5  }
0x205: {  	[spmem:s2] =	stream.indirect.scatter.add.f32 [tilespmem:s19], [sflag:$0x4], $0x80, s31, s17, $0xb8;
	[tilespmem:$0x1A000] =	vst v63  }
0x206: {  	s25 =	sadd.s32 $0x1, s25  }
0x207: {  	p0 =	sne.s32 s25, $0xA  }
.Ltmp5:
0x208: {  	_ = 	snop;
	(pc) =	sbr.rel @p0 .LBB2_6-.Ltmp5, $4  }
0x209: {  	_ = 	snop  }
0x20a: {  	_ =	swait.ge [sflag:s23], $0x2000  }
0x20b: {  	[sflag:s23] =	ssyncset.done $0x0  }
0x20c: {  	[sflag:s23] =	ssyncadd.s32 $0xFFFFE000  }
0x20d: {  	s0 =	stileid.u32;
	s4 =	sadd.s32 $0x1, s4  }
0x20e: {  	[bflag:$0x0] =	sbarrier.arrive $0xFFFF;
	s0 =	sshll.u32 s0, $0x6;
	p0 =	sne.s32 s4, s11  }
.Ltmp6:
0x20f: {  	s3 =	sshrl.u32 s8, $0x3;
	s0 =	sor.u32 $0x1C05, s0;
	(pc) =	sbr.rel @p0 .LBB2_1-.Ltmp6, $4  }
0x210: {  	[hbm:s10], [sflag:s0] =	dma.local [spmem:s3], $0x2800  }
0x211: {  	_ =	swait.ge [sflag:s13], $0x2800  }
0x212: {  	[sflag:s13] =	ssyncset.done $0x0  }
0x213: {  	[sflag:s13] =	ssyncadd.s32 $0xFFFFD800  }
0x214: {  	_ =	sfence.sel $0x180000  }
0x215: {  	[bflag:$0x0] =	sbarrier.arrive $0xFFFF  }
0x216: {  	_ =	strace $0x90000050  }
0x217: {  	s0 =	stileid.u32;
	[bflag:$0x2] =	sbarrier.arrive $0xFFFF  }
0x218: {  	p0 =	sne.s32 s0, $0x0;
	s0 =	rddreg [dreg:$0x3]  }
0x219: {  	s0 =	sadd.s32 @!p0 $0x100000, s0  }
0x21a: {  	[sflag:s0] =	ssyncadd.tile.s32 @!p0 $0x1;
	_ =	shalt  }
.Lfunc_end2:
_tile_overlayer_lowered:
.L_overlay_start_2:
0x21b: {  	(tag) =	ssettag $0x2  }
0x21c: {  	s0 =	rddreg [dreg:$0x0];
	s2 =	stileid.u32  }
0x21d: {  	s1 =	rddreg [dreg:$0x1];
	p0 =	sne.s32 s2, $0x0  }
0x21e: {  	s3 =	rddreg [dreg:$0x2];
	[bflag:$0x3] =	sbarrier.arrive $0xFFFF;
	s2 =	simm.s32 @!p0 $0x1C05  }
0x21f: {  	[timem:s3], [sflag:s2] =	dma.local @!p0 [hbm:s0], s1  }
0x220: {  	s0 =	simm.s32 @!p0 $0x5  }
0x221: {  	_ =	swait.ge @!p0 [sflag:s0], s1  }
0x222: {  	s1 =	ssub.s32 @!p0 $0x0, s1;
	[sflag:s0] =	ssyncset.done @!p0 $0x0  }
0x223: {  	[sflag:s0] =	ssyncadd.s32 @!p0 s1  }
0x224: {  	[bflag:$0x3] =	sbarrier.arrive $0xFFFF  }
0x225: {  	_ =	shalt  }

// kernel: gcn_deg_sc.3.cloned.1.call-start
scs
__scs_entry_jumppad:
0x0: {  	(pc) =	sbr.rel $0x88, $3  }
0x1: {  	(tag) =	ssettag $0x0;
	lr =	simm.s32 $0x1  }
0x2: {  	[smem:$0x3F9A] =	sst lr;
	_ =	strace $0xD0000000  }
0x3: {  	_ = 	snop  }
0x4: {  	_ = 	snop  }
0x5: {  	_ = 	snop  }
0x6: {  	_ = 	snop  }
0x7: {  	_ = 	snop  }
__scs_overlays_trampoline_lowered:
0x8: {  	[smem:$0x3FA9] =	sst s0  }
0x9: {  	[smem:$0x3FAA] =	sst s1  }
0xa: {  	[smem:$0x3FAB] =	sst s2  }
0xb: {  	[smem:$0x3FAC] =	sst s3  }
0xc: {  	[smem:$0x3FAD] =	sst s4  }
0xd: {  	[smem:$0x3FAE] =	sst s5  }
0xe: {  	[smem:$0x3FAF] =	sst s6  }
0xf: {  	[smem:$0x3FB0] =	sst s7  }
0x10: {  	[smem:$0x3FB1] =	sst s8  }
0x11: {  	[smem:$0x3FB2] =	sst s9;
	s0 =	simm.s32 @!p0 $0x0  }
0x12: {  	s1 =	sld [smem:$0x3F98];
	s0 =	simm.s32 @p0 $0x1  }
0x13: {  	[smem:$0x3FB3] =	sst s0;
	s0 =	simm.s32 @!p1 $0x0  }
0x14: {  	s2 =	sld [smem:$0x3F97];
	s0 =	simm.s32 @p1 $0x1  }
0x15: {  	[smem:$0x3FB4] =	sst s0;
	s0 =	simm.s32 @!p2 $0x0  }
0x16: {  	s3 =	sld [smem:$0x3FDB];
	s0 =	simm.s32 @p2 $0x1  }
0x17: {  	s4 =	simm.s32 $0x1BF5;
	[smem:$0x3FB6] =	sst s0  }
0x18: {  	s0 =	sld [smem:$0x3F99];
	_ =	swait.ge [sflag:s4], $0x0  }
0x19: {  	s7 =	sld [smem:$0x3F9A]  }
0x1a: {  	s8 =	sadd.s32 $0xFFFFE003, lr  }
0x1b: {  	s9 =	sadd.s32 $0xFFFFFEF7, lr;
	s5 =	simm.s32 $0xFFFFFFFF;
	p2 =	slt.u32 s8, $0xFFFFF086  }
0x1c: {  	p1 =	slt.u32 s9, $0xF7A;
	s5 =	simm.s32 @!p2 $0x0  }
0x1d: {  	s5 =	simm.s32 @p1 $0x1;
	p0 =	seq.s32 s7, s2  }
0x1e: {  	s7 =	smul.u32 @!p0 $0xF7A, s2;
	p2 =	seq.s32 @!p0 s5, $0x0  }
0x1f: {  	s9 =	smul.u32 $0xF7A, s1;
	s8 =	simm.s32 @!p0 $0x1BF5;
	p2 =	por !p2, p0  }
0x20: {  	[sflag:s8] =	ssyncset.s32 @!p0 $0xFFFFF086;
	s6 =	sadd.s32 @!p0 s3, s7;
	s7 =	simm.s32 @!p0 $0x108  }
0x21: {  	s3 =	sadd.s32 s3, s9;
	s6 =	sadd.s32 @!p0 $0x88, s6;
	s7 =	simm.s32 @p2 $0x1082  }
0x22: {  	[simem:s7], [sflag:s8] =	dma.local @!p0 [hbm:s6], $0xF7A  }
0x23: {  	s9 =	sor.u32 $0xD0000000, s2;
	s6 =	simm.s32 $0x108;
	_ =	swait.ge @!p0 [sflag:s8], $0x0  }
0x24: {  	s3 =	sadd.s32 $0x88, s3;
	s6 =	simm.s32 @!p1 $0x1082;
	[sflag:s4] =	ssyncset.s32 $0xFFFFF086  }
0x25: {  	[simem:s6], [sflag:s4] =	dma.local [hbm:s3], $0xF7A  }
0x26: {  	[smem:$0x3F9A] =	sst s1;
	(tag) =	ssettag s2;
	_ =	strace s9  }
0x27: {  	s1 =	sld [smem:$0x3FAA]  }
0x28: {  	s2 =	sld [smem:$0x3FAB]  }
0x29: {  	s4 =	sld [smem:$0x3FAD]  }
0x2a: {  	p0 =	seq.s32 s5, $0x0;
	s5 =	sld [smem:$0x3FAE]  }
0x2b: {  	s6 =	sld [smem:$0x3FAF]  }
0x2c: {  	s7 =	sld [smem:$0x3FB0]  }
0x2d: {  	s3 =	simm.s32 $0x108;
	s8 =	sld [smem:$0x3FB1]  }
0x2e: {  	s3 =	simm.s32 @!p0 $0x1082;
	s9 =	sld [smem:$0x3FB2]  }
0x2f: {  	lr =	sadd.s32 s0, s3;
	s0 =	sld [smem:$0x3FA9]  }
0x30: {  	s3 =	sld [smem:$0x3FAC]  }
0x31: {  	[smem:$0x3FB5] =	sst s10  }
0x32: {  	s10 =	sld [smem:$0x3FB3];
	_ =	sdelay $0x3  }
0x33: {  	p0 =	seq.s32 s10, $0x1;
	s10 =	sld [smem:$0x3FB5];
	_ =	sdelay $0x3  }
0x34: {  	[smem:$0x3FB5] =	sst s10  }
0x35: {  	s10 =	sld [smem:$0x3FB4];
	_ =	sdelay $0x3  }
0x36: {  	p1 =	seq.s32 s10, $0x1;
	s10 =	sld [smem:$0x3FB5];
	_ =	sdelay $0x3  }
0x37: {  	[smem:$0x3FB5] =	sst s10  }
0x38: {  	s10 =	sld [smem:$0x3FB6]  }
0x39: {  	_ = 	snop;
	(pc) =	sbr.ind lr, $3  }
0x3a: {  	_ = 	snop  }
0x3b: {  	_ = 	snop  }
0x3c: {  	p2 =	seq.s32 s10, $0x1;
	s10 =	sld [smem:$0x3FB5]  }
0x3d: {  	_ =	shalt  }
0x3e: {  	_ =	shalt  }
0x3f: {  	_ =	shalt  }
0x40: {  	_ =	shalt  }
0x41: {  	_ =	shalt  }
0x42: {  	_ =	shalt  }
0x43: {  	_ =	shalt  }
0x44: {  	_ =	shalt  }
0x45: {  	_ =	shalt  }
0x46: {  	_ =	shalt  }
0x47: {  	_ =	shalt  }
0x48: {  	_ =	shalt  }
0x49: {  	_ =	shalt  }
0x4a: {  	_ =	shalt  }
0x4b: {  	_ =	shalt  }
0x4c: {  	_ =	shalt  }
0x4d: {  	_ =	shalt  }
0x4e: {  	_ =	shalt  }
0x4f: {  	_ =	shalt  }
0x50: {  	_ =	shalt  }
0x51: {  	_ =	shalt  }
0x52: {  	_ =	shalt  }
0x53: {  	_ =	shalt  }
0x54: {  	_ =	shalt  }
0x55: {  	_ =	shalt  }
0x56: {  	_ =	shalt  }
0x57: {  	_ =	shalt  }
0x58: {  	_ =	shalt  }
0x59: {  	_ =	shalt  }
0x5a: {  	_ =	shalt  }
0x5b: {  	_ =	shalt  }
0x5c: {  	_ =	shalt  }
0x5d: {  	_ =	shalt  }
0x5e: {  	_ =	shalt  }
0x5f: {  	_ =	shalt  }
0x60: {  	_ =	shalt  }
0x61: {  	_ =	shalt  }
0x62: {  	_ =	shalt  }
0x63: {  	_ =	shalt  }
0x64: {  	_ =	shalt  }
0x65: {  	_ =	shalt  }
0x66: {  	_ =	shalt  }
0x67: {  	_ =	shalt  }
0x68: {  	_ =	shalt  }
0x69: {  	_ =	shalt  }
0x6a: {  	_ =	shalt  }
0x6b: {  	_ =	shalt  }
0x6c: {  	_ =	shalt  }
0x6d: {  	_ =	shalt  }
0x6e: {  	_ =	shalt  }
0x6f: {  	_ =	shalt  }
0x70: {  	_ =	shalt  }
0x71: {  	_ =	shalt  }
0x72: {  	_ =	shalt  }
0x73: {  	_ =	shalt  }
0x74: {  	_ =	shalt  }
0x75: {  	_ =	shalt  }
0x76: {  	_ =	shalt  }
0x77: {  	_ =	shalt  }
0x78: {  	_ =	shalt  }
0x79: {  	_ =	shalt  }
0x7a: {  	_ =	shalt  }
0x7b: {  	_ =	shalt  }
0x7c: {  	_ =	shalt  }
0x7d: {  	_ =	shalt  }
0x7e: {  	_ =	shalt  }
0x7f: {  	_ =	shalt  }
0x80: {  	_ =	shalt  }
0x81: {  	_ =	shalt  }
0x82: {  	_ =	shalt  }
0x83: {  	_ =	shalt  }
0x84: {  	_ =	shalt  }
0x85: {  	_ =	shalt  }
0x86: {  	_ =	shalt  }
0x87: {  	_ =	shalt  }
.Lfunc_end0:
.L_simem_size_0:
called_computation_lowered:
.L_overlay_start_0:
0x88: {  	s2 =	sld [smem:$0x3FD9]  }
0x89: {  	s3 =	sld [smem:$0x3FFE];
	_ =	sdelay $0x1  }
0x8a: {  	s1 =	srdreg.scid  }
0x8b: {  	s0 =	sand.u32 $0x1, s1  }
0x8c: {  	s17 =	sshll.u32 s0, $0xA;
	s2 =	sadd.s32 s3, s2  }
0x8d: {  	s2 =	sadd.s32 s2, s17  }
0x8e: {  	[smem:$0x3FC1] =	sst s2  }
0x8f: {  	_ = 	snop  }
0x90: {  	s2 =	sld [smem:$0x3FD0];
	(tm) =	ssettm $0x1  }
0x91: {  	s18 =	sld [smem:$0x3FFB];
	_ =	sdelay $0x3  }
0x92: {  	_ =	strace s18  }
0x93: {  	s3 =	sld [smem:$0x3FFC];
	_ =	sdelay $0x3  }
0x94: {  	_ =	strace s3  }
0x95: {  	s3 =	sld [smem:$0x3FFD];
	_ =	sdelay $0x3  }
0x96: {  	_ =	strace s3  }
0x97: {  	_ =	strace $0x8FFFFFFF  }
0x98: {  	s19 =	sld [smem:$0x3FDB];
	_ =	sdelay $0x1  }
0x99: {  	s4 =	simm.s32 $_scs_section_size  }
0x9a: {  	s5 =	simm.s32 $_size__tile_overlayer_lowered;
	s6 =	simm.s32 $_tile_overlayer_lowered  }
0x9b: {  	s22 =	simm.s32 $0x1BFF;
	s21 =	sshll.u32 s6, $0x1;
	s3 =	sadd.s32 s4, s19  }
0x9c: {  	s7 =	simm.s32 $0x0;
	s20 =	sshll.u32 s5, $0x1;
	s5 =	sadd.s32 s21, s3  }
0x9d: {  	[timem:s7], [sflag:s22] =	dma.local [hbm:s5], s20  }
0x9e: {  	_ =	swait.ge [sflag:s22], s20  }
0x9f: {  	s4 =	ssub.s32 $0x0, s20;
	[sflag:s22] =	ssyncset.done $0x0  }
0xa0: {  	[sflag:s22] =	ssyncadd.s32 s4;
	_ =	sdelay $0x1  }
0xa1: {  	s23 =	simm.s32 $0x1B8B  }
0xa2: {  	_ =	swait.ge [sflag:s23], $0x1  }
0xa3: {  	[sflag:s23] =	ssyncset.done $0x0  }
0xa4: {  	s25 =	simm.s32 $0x1B8E;
	s24 =	sld [smem:$0x3FFE];
	[sflag:s23] =	ssyncadd.s32 $0xFFFFFFFF  }
0xa5: {  	s26 =	simm.s32 $execute0_lowered;
	[smem:$0x3FD2] =	sst s25  }
0xa6: {  	s5 =	sshll.u32 s26, $0x1;
	_ =	strace $0x80000046;
	[dreg:$0x1] =	wrdreg $0xFFFFFFFF  }
0xa7: {  	s28 =	simm.s32 $_size_execute0_lowered;
	s3 =	sadd.s32 s3, s5;
	[dreg:$0x0] =	wrdreg $0x0  }
0xa8: {  	s5 =	sshll.u32 s28, $0x1;
	[dreg:$0x2] =	wrdreg s3  }
0xa9: {  	[dreg:$0x3] =	wrdreg s5  }
0xaa: {  	[dreg:$0x4] =	wrdreg $0xC0  }
0xab: {  	_ =	task [dreg:s7], $0x5FFFF  }
0xac: {  	[dreg:$0x1] =	wrdreg $0xFFFFFFFF  }
0xad: {  	[dreg:$0x0] =	wrdreg $0x60  }
0xae: {  	[dreg:$0x2] =	wrdreg s24  }
0xaf: {  	[dreg:$0x3] =	wrdreg s2  }
0xb0: {  	[dreg:$0x4] =	wrdreg $0x0  }
0xb1: {  	[dreg:$0x5] =	wrdreg $0x9  }
0xb2: {  	_ =	task.clear_ibuf [dreg:s7], $0x6FFFF;
	_ =	strace $0x90000046  }
0xb3: {  	s29 =	simm.s32 $0x9;
	_ =	strace $0x80000048  }
0xb4: {  	_ =	swait.ge [sflag:s29], $0x1  }
0xb5: {  	[sflag:s29] =	ssyncadd.s32 $0xFFFFFFFF  }
0xb6: {  	_ =	strace $0x90000048  }
0xb7: {  	_ =	sfence  }
0xb8: {  	s30 =	sld [smem:$0x0];
	_ =	sdelay $0x2  }
0xb9: {  	s31 =	sshll.u32 s1, $0xD;
	s1 =	sshrl.u32 s1, $0x2  }
0xba: {  	s3 =	sand.u32 $0x4000, s31;
	s1 =	sadd.s32 s1, s30  }
0xbb: {  	s0 =	sor.u32 s3, s0;
	s1 =	sshll.u32 s1, $0x11  }
0xbc: {  	s0 =	sor.u32 s1, s0  }
0xbd: {  	s0 =	sadd.s32 $0x8F2B, s0  }
0xbe: {  	[sflag:s0] =	ssyncadd.remote.s32 $0x1  }
0xbf: {  	_ =	sfence.sel $0xFFFF  }
0xc0: {  	[dreg:$0x0] =	wrdreg $0xFFFFFFFF;
	(pc) =	sbr.abs _section_cstart, $3  }
0xc1: {  	[dreg:$0x1] =	wrdreg $0xFFFFFFFF  }
0xc2: {  	_ =	task.clear_ibuf [dreg:s7], $0x2FFFF;
	_ =	strace $0x9FFFFFFF  }
0xc3: {  	(tm) =	ssettm $0x7FFFFFFF  }
tec
execute0_lowered:
.L_overlay_start_1:
0x0: {  	(tag) =	ssettag $0x1  }
0x1: {  	s5 =	rddreg [dreg:$0x0]  }
0x2: {  	s0 =	srdreg.scid;
	s7 =	rddreg [dreg:$0x1]  }
0x3: {  	s2 =	rddreg [dreg:$0x2];
	s3 =	simm.s32 $0x0;
	s11 =	simm.s32 $0x280  }
0x4: {  	s12 =	simm.s32 $0x2A80;
	s13 =	simm.s32 $0x80;
	s14 =	simm.s32 $0x1  }
0x5: {  	s17 =	simm.s32 $0x0;
	s4 =	sand.u32 $0x1, s0;
	s0 =	stileid.u32  }
0x6: {  	[smem:$0x7FF] =	sst s3;
	s1 =	sshll.u32 s4, $0x4;
	s8 =	smul.u32 $0x280, s0  }
0x7: {  	s9 =	ssub.s32 $0x2, s4;
	s10 =	smul.u32 $0x2800, s4;
	s15 =	sshll.u32 s0, $0x6  }
0x8: {  	s1 =	sor.u32 s0, s1;
	s31 =	sshrl.u32 s9, $0x1;
	s15 =	sor.u32 $0x1C02, s15  }
0x9: {  	s6 =	smul.u32 $0x500, s1;
	s1 =	rddreg [dreg:$0x3];
	_ =	strace $0x80000047  }
0xa: {  	s9 =	ssub.s32 s9, s31;
	s4 =	sadd.s32 s8, s2;
	s8 =	sadd.s32 s8, s10  }
0xb: {  	s10 =	simm.s32 $0x2;
	s8 =	sshrl.u32 s8, $0x3;
	s16 =	sshrl.u32 s4, $0x3  }
0xc: {  	s6 =	sadd.s32 s6, s5;
	s7 =	sadd.s32 s7, s8;
	s8 =	smax.u32 s9, $0x1  }
0xd: {  	v0 =	vimm.f32 $0.0e+00;
	s9 =	simm.s32 $0x5280;
	s5 =	sadd.s32 $0x16E00, s6;
	s6 =	sadd.s32 $0x2E00, s6  }
.LBB2_1:
0xe: {  	[tilespmem:$0x5280] =	vst v0  }
0xf: {  	[tilespmem:$0x5290] =	vst v0  }
0x10: {  	[tilespmem:$0x52A0] =	vst v0  }
0x11: {  	[tilespmem:$0x52B0] =	vst v0  }
0x12: {  	[tilespmem:$0x52C0] =	vst v0  }
0x13: {  	[tilespmem:$0x52D0] =	vst v0  }
0x14: {  	[tilespmem:$0x52E0] =	vst v0  }
0x15: {  	[tilespmem:$0x52F0] =	vst v0  }
0x16: {  	[tilespmem:$0x5300] =	vst v0  }
0x17: {  	[tilespmem:$0x5310] =	vst v0  }
0x18: {  	[tilespmem:$0x5320] =	vst v0  }
0x19: {  	[tilespmem:$0x5330] =	vst v0  }
0x1a: {  	[tilespmem:$0x5340] =	vst v0  }
0x1b: {  	[tilespmem:$0x5350] =	vst v0  }
0x1c: {  	[tilespmem:$0x5360] =	vst v0  }
0x1d: {  	[tilespmem:$0x5370] =	vst v0  }
0x1e: {  	[tilespmem:$0x5380] =	vst v0  }
0x1f: {  	[tilespmem:$0x5390] =	vst v0  }
0x20: {  	[tilespmem:$0x53A0] =	vst v0  }
0x21: {  	[tilespmem:$0x53B0] =	vst v0  }
0x22: {  	[tilespmem:$0x53C0] =	vst v0  }
0x23: {  	[tilespmem:$0x53D0] =	vst v0  }
0x24: {  	[tilespmem:$0x53E0] =	vst v0  }
0x25: {  	[tilespmem:$0x53F0] =	vst v0  }
0x26: {  	[tilespmem:$0x5400] =	vst v0  }
0x27: {  	[tilespmem:$0x5410] =	vst v0  }
0x28: {  	[tilespmem:$0x5420] =	vst v0  }
0x29: {  	[tilespmem:$0x5430] =	vst v0  }
0x2a: {  	[tilespmem:$0x5440] =	vst v0  }
0x2b: {  	[tilespmem:$0x5450] =	vst v0  }
0x2c: {  	[tilespmem:$0x5460] =	vst v0  }
0x2d: {  	[tilespmem:$0x5470] =	vst v0  }
0x2e: {  	[tilespmem:$0x5480] =	vst v0  }
0x2f: {  	[tilespmem:$0x5490] =	vst v0  }
0x30: {  	[tilespmem:$0x54A0] =	vst v0  }
0x31: {  	[tilespmem:$0x54B0] =	vst v0  }
0x32: {  	[tilespmem:$0x54C0] =	vst v0  }
0x33: {  	[tilespmem:$0x54D0] =	vst v0  }
0x34: {  	[tilespmem:$0x54E0] =	vst v0  }
0x35: {  	[tilespmem:$0x54F0] =	vst v0  }
0x36: {  	[spmem:s4] =	stream.linear.scatter [tilespmem:s9], [sflag:$0x2], $0x280, $0x38;
	[tilespmem:$0x5500] =	vst v63  }
0x37: {  	_ =	swait.ge [sflag:s10], $0x280  }
0x38: {  	[sflag:s10] =	ssyncset.done $0x0  }
0x39: {  	[sflag:s10] =	ssyncadd.s32 $0xFFFFFD80  }
0x3a: {  	[bflag:$0x0] =	sbarrier.arrive $0xFFFF  }
0x3b: {  	[tilespmem:s11], [sflag:$0x2] =	stream.linear.gather [hbm4b:s5+s3], $0x2800, $0x38;
	[tilespmem:$0x5500] =	vst v63  }
0x3c: {  	_ =	swait.ge [sflag:s10], $0x2800  }
0x3d: {  	[sflag:s10] =	ssyncset.done $0x0  }
0x3e: {  	[sflag:s10] =	ssyncadd.s32 $0xFFFFD800  }
0x3f: {  	[tilespmem:s12], [sflag:$0x2] =	stream.linear.gather [hbm4b:s6+s3], $0x2800, $0x38;
	[tilespmem:$0x5500] =	vst v63  }
0x40: {  	_ =	swait.ge [sflag:s10], $0x2800  }
0x41: {  	[sflag:s10] =	ssyncset.done $0x0  }
0x42: {  	s18 =	simm.s32 $0x2A80;
	s19 =	simm.s32 $0x280;
	[sflag:s10] =	ssyncadd.s32 $0xFFFFD800  }
0x43: {  	[spmem:s2] =	stream.indirect.scatter.add.f32 [tilespmem:s18], [sflag:$0x1], $0x1, s19, s13, $0xb8;
	[tilespmem:$0x5500] =	vst v63  }
0x44: {  	s25 =	simm.s32 $0x2B00;
	s26 =	simm.s32 $0x300  }
0x45: {  	[spmem:s2] =	stream.indirect.scatter.add.f32 [tilespmem:s25], [sflag:$0x1], $0x1, s26, s13, $0xb8;
	[tilespmem:$0x5500] =	vst v63  }
0x46: {  	s28 =	simm.s32 $0x2B80;
	s29 =	simm.s32 $0x380  }
0x47: {  	[spmem:s2] =	stream.indirect.scatter.add.f32 [tilespmem:s28], [sflag:$0x1], $0x1, s29, s13, $0xb8;
	[tilespmem:$0x5500] =	vst v63  }
0x48: {  	s30 =	simm.s32 $0x2C00;
	s31 =	simm.s32 $0x400  }
0x49: {  	[spmem:s2] =	stream.indirect.scatter.add.f32 [tilespmem:s30], [sflag:$0x1], $0x1, s31, s13, $0xb8;
	[tilespmem:$0x5500] =	vst v63  }
0x4a: {  	s20 =	simm.s32 $0x480;
	s19 =	simm.s32 $0x2C80  }
0x4b: {  	[spmem:s2] =	stream.indirect.scatter.add.f32 [tilespmem:s19], [sflag:$0x1], $0x1, s20, s13, $0xb8;
	[tilespmem:$0x5500] =	vst v63  }
0x4c: {  	s21 =	simm.s32 $0x2D00;
	s22 =	simm.s32 $0x500  }
0x4d: {  	[spmem:s2] =	stream.indirect.scatter.add.f32 [tilespmem:s21], [sflag:$0x1], $0x1, s22, s13, $0xb8;
	[tilespmem:$0x5500] =	vst v63  }
0x4e: {  	s23 =	simm.s32 $0x2D80;
	s24 =	simm.s32 $0x580  }
0x4f: {  	[spmem:s2] =	stream.indirect.scatter.add.f32 [tilespmem:s23], [sflag:$0x1], $0x1, s24, s13, $0xb8;
	[tilespmem:$0x5500] =	vst v63  }
0x50: {  	s25 =	simm.s32 $0x2E00;
	s26 =	simm.s32 $0x600  }
0x51: {  	[spmem:s2] =	stream.indirect.scatter.add.f32 [tilespmem:s25], [sflag:$0x1], $0x1, s26, s13, $0xb8;
	[tilespmem:$0x5500] =	vst v63  }
0x52: {  	s28 =	simm.s32 $0x2E80;
	s29 =	simm.s32 $0x680  }
0x53: {  	[spmem:s2] =	stream.indirect.scatter.add.f32 [tilespmem:s28], [sflag:$0x1], $0x1, s29, s13, $0xb8;
	[tilespmem:$0x5500] =	vst v63  }
0x54: {  	s30 =	simm.s32 $0x2F00;
	s31 =	simm.s32 $0x700  }
0x55: {  	[spmem:s2] =	stream.indirect.scatter.add.f32 [tilespmem:s30], [sflag:$0x1], $0x1, s31, s13, $0xb8;
	[tilespmem:$0x5500] =	vst v63  }
0x56: {  	s19 =	simm.s32 $0x2F80;
	s20 =	simm.s32 $0x780  }
0x57: {  	[spmem:s2] =	stream.indirect.scatter.add.f32 [tilespmem:s19], [sflag:$0x1], $0x1, s20, s13, $0xb8;
	[tilespmem:$0x5500] =	vst v63  }
0x58: {  	s21 =	simm.s32 $0x3000;
	s22 =	simm.s32 $0x800  }
0x59: {  	[spmem:s2] =	stream.indirect.scatter.add.f32 [tilespmem:s21], [sflag:$0x1], $0x1, s22, s13, $0xb8;
	[tilespmem:$0x5500] =	vst v63  }
0x5a: {  	s23 =	simm.s32 $0x3080;
	s24 =	simm.s32 $0x880  }
0x5b: {  	[spmem:s2] =	stream.indirect.scatter.add.f32 [tilespmem:s23], [sflag:$0x1], $0x1, s24, s13, $0xb8;
	[tilespmem:$0x5500] =	vst v63  }
0x5c: {  	s25 =	simm.s32 $0x3100;
	s26 =	simm.s32 $0x900  }
0x5d: {  	[spmem:s2] =	stream.indirect.scatter.add.f32 [tilespmem:s25], [sflag:$0x1], $0x1, s26, s13, $0xb8;
	[tilespmem:$0x5500] =	vst v63  }
0x5e: {  	s28 =	simm.s32 $0x3180;
	s29 =	simm.s32 $0x980  }
0x5f: {  	[spmem:s2] =	stream.indirect.scatter.add.f32 [tilespmem:s28], [sflag:$0x1], $0x1, s29, s13, $0xb8;
	[tilespmem:$0x5500] =	vst v63  }
0x60: {  	s30 =	simm.s32 $0x3200;
	s31 =	simm.s32 $0xA00  }
0x61: {  	[spmem:s2] =	stream.indirect.scatter.add.f32 [tilespmem:s30], [sflag:$0x1], $0x1, s31, s13, $0xb8;
	[tilespmem:$0x5500] =	vst v63  }
0x62: {  	_ =	swait.ge [sflag:s14], $0x80  }
0x63: {  	[sflag:s14] =	ssyncset.done $0x0  }
0x64: {  	[sflag:s14] =	ssyncadd.s32 $0xFFFFFF80  }
0x65: {  	_ =	swait.ge [sflag:s14], $0x80  }
0x66: {  	[sflag:s14] =	ssyncset.done $0x0  }
0x67: {  	[sflag:s14] =	ssyncadd.s32 $0xFFFFFF80  }
0x68: {  	_ =	swait.ge [sflag:s14], $0x80  }
0x69: {  	[sflag:s14] =	ssyncset.done $0x0  }
0x6a: {  	[sflag:s14] =	ssyncadd.s32 $0xFFFFFF80  }
0x6b: {  	_ =	swait.ge [sflag:s14], $0x80  }
0x6c: {  	[sflag:s14] =	ssyncset.done $0x0  }
0x6d: {  	[sflag:s14] =	ssyncadd.s32 $0xFFFFFF80  }
0x6e: {  	_ =	swait.ge [sflag:s14], $0x80  }
0x6f: {  	[sflag:s14] =	ssyncset.done $0x0  }
0x70: {  	[sflag:s14] =	ssyncadd.s32 $0xFFFFFF80  }
0x71: {  	_ =	swait.ge [sflag:s14], $0x80  }
0x72: {  	[sflag:s14] =	ssyncset.done $0x0  }
0x73: {  	[sflag:s14] =	ssyncadd.s32 $0xFFFFFF80  }
0x74: {  	_ =	swait.ge [sflag:s14], $0x80  }
0x75: {  	[sflag:s14] =	ssyncset.done $0x0  }
0x76: {  	[sflag:s14] =	ssyncadd.s32 $0xFFFFFF80  }
0x77: {  	_ =	swait.ge [sflag:s14], $0x80  }
0x78: {  	[sflag:s14] =	ssyncset.done $0x0  }
0x79: {  	[sflag:s14] =	ssyncadd.s32 $0xFFFFFF80  }
0x7a: {  	_ =	swait.ge [sflag:s14], $0x80  }
0x7b: {  	[sflag:s14] =	ssyncset.done $0x0  }
0x7c: {  	[sflag:s14] =	ssyncadd.s32 $0xFFFFFF80  }
0x7d: {  	_ =	swait.ge [sflag:s14], $0x80  }
0x7e: {  	[sflag:s14] =	ssyncset.done $0x0  }
0x7f: {  	[sflag:s14] =	ssyncadd.s32 $0xFFFFFF80  }
0x80: {  	_ =	swait.ge [sflag:s14], $0x80  }
0x81: {  	[sflag:s14] =	ssyncset.done $0x0  }
0x82: {  	[sflag:s14] =	ssyncadd.s32 $0xFFFFFF80  }
0x83: {  	_ =	swait.ge [sflag:s14], $0x80  }
0x84: {  	[sflag:s14] =	ssyncset.done $0x0  }
0x85: {  	[sflag:s14] =	ssyncadd.s32 $0xFFFFFF80  }
0x86: {  	_ =	swait.ge [sflag:s14], $0x80  }
0x87: {  	[sflag:s14] =	ssyncset.done $0x0  }
0x88: {  	[sflag:s14] =	ssyncadd.s32 $0xFFFFFF80  }
0x89: {  	_ =	swait.ge [sflag:s14], $0x80  }
0x8a: {  	[sflag:s14] =	ssyncset.done $0x0  }
0x8b: {  	[sflag:s14] =	ssyncadd.s32 $0xFFFFFF80  }
0x8c: {  	_ =	swait.ge [sflag:s14], $0x80  }
0x8d: {  	[sflag:s14] =	ssyncset.done $0x0  }
0x8e: {  	[sflag:s14] =	ssyncadd.s32 $0xFFFFFF80  }
0x8f: {  	_ =	swait.ge [sflag:s14], $0x80  }
0x90: {  	s20 =	simm.s32 $0x800;
	s21 =	simm.s32 $0x4000;
	[sflag:s14] =	ssyncset.done $0x0  }
.LBB2_2:
0x91: {  	s19 =	sadd.s32 $0x2A80, s20  }
0x92: {  	s22 =	sadd.s32 $0x280, s20;
	[sflag:s14] =	ssyncadd.s32 $0xFFFFFF80;
	s18 =	smov.u32 s21  }
0x93: {  	[spmem:s2] =	stream.indirect.scatter.add.f32 [tilespmem:s19], [sflag:$0x1], $0x1, s22, s13, $0xb8;
	[tilespmem:$0x5500] =	vst v63  }
0x94: {  	s23 =	sadd.s32 $0x300, s20;
	s19 =	sadd.s32 $0x2000, s21;
	s22 =	sadd.s32 $0x2B00, s20  }
0x95: {  	[spmem:s2] =	stream.indirect.scatter.add.f32 [tilespmem:s22], [sflag:$0x1], $0x1, s23, s13, $0xb8;
	[tilespmem:$0x5500] =	vst v63  }
0x96: {  	p0 =	sne.s32 s21, $0x8000;
	s21 =	sadd.s32 $0x2B80, s20;
	s22 =	sadd.s32 $0x380, s20  }
0x97: {  	[spmem:s2] =	stream.indirect.scatter.add.f32 [tilespmem:s21], [sflag:$0x1], $0x1, s22, s13, $0xb8;
	[tilespmem:$0x5500] =	vst v63  }
0x98: {  	s21 =	sadd.s32 $0x2C00, s20;
	s22 =	sadd.s32 $0x400, s20  }
0x99: {  	[spmem:s2] =	stream.indirect.scatter.add.f32 [tilespmem:s21], [sflag:$0x1], $0x1, s22, s13, $0xb8;
	[tilespmem:$0x5500] =	vst v63  }
0x9a: {  	s21 =	sadd.s32 $0x2C80, s20;
	s22 =	sadd.s32 $0x480, s20  }
0x9b: {  	[spmem:s2] =	stream.indirect.scatter.add.f32 [tilespmem:s21], [sflag:$0x1], $0x1, s22, s13, $0xb8;
	[tilespmem:$0x5500] =	vst v63  }
0x9c: {  	s21 =	sadd.s32 $0x2D00, s20;
	s22 =	sadd.s32 $0x500, s20  }
0x9d: {  	[spmem:s2] =	stream.indirect.scatter.add.f32 [tilespmem:s21], [sflag:$0x1], $0x1, s22, s13, $0xb8;
	[tilespmem:$0x5500] =	vst v63  }
0x9e: {  	s21 =	sadd.s32 $0x2D80, s20;
	s22 =	sadd.s32 $0x580, s20  }
0x9f: {  	[spmem:s2] =	stream.indirect.scatter.add.f32 [tilespmem:s21], [sflag:$0x1], $0x1, s22, s13, $0xb8;
	[tilespmem:$0x5500] =	vst v63  }
0xa0: {  	s21 =	sadd.s32 $0x2E00, s20;
	s22 =	sadd.s32 $0x600, s20  }
0xa1: {  	[spmem:s2] =	stream.indirect.scatter.add.f32 [tilespmem:s21], [sflag:$0x1], $0x1, s22, s13, $0xb8;
	[tilespmem:$0x5500] =	vst v63  }
0xa2: {  	s21 =	sadd.s32 $0x2E80, s20;
	s22 =	sadd.s32 $0x680, s20  }
0xa3: {  	[spmem:s2] =	stream.indirect.scatter.add.f32 [tilespmem:s21], [sflag:$0x1], $0x1, s22, s13, $0xb8;
	[tilespmem:$0x5500] =	vst v63  }
0xa4: {  	s21 =	sadd.s32 $0x2F00, s20;
	s22 =	sadd.s32 $0x700, s20  }
0xa5: {  	[spmem:s2] =	stream.indirect.scatter.add.f32 [tilespmem:s21], [sflag:$0x1], $0x1, s22, s13, $0xb8;
	[tilespmem:$0x5500] =	vst v63  }
0xa6: {  	s21 =	sadd.s32 $0x2F80, s20;
	s22 =	sadd.s32 $0x780, s20  }
0xa7: {  	[spmem:s2] =	stream.indirect.scatter.add.f32 [tilespmem:s21], [sflag:$0x1], $0x1, s22, s13, $0xb8;
	[tilespmem:$0x5500] =	vst v63  }
0xa8: {  	s21 =	sadd.s32 $0x3000, s20;
	s22 =	sadd.s32 $0x800, s20  }
0xa9: {  	[spmem:s2] =	stream.indirect.scatter.add.f32 [tilespmem:s21], [sflag:$0x1], $0x1, s22, s13, $0xb8;
	[tilespmem:$0x5500] =	vst v63  }
0xaa: {  	s21 =	sadd.s32 $0x3080, s20;
	s22 =	sadd.s32 $0x880, s20  }
0xab: {  	[spmem:s2] =	stream.indirect.scatter.add.f32 [tilespmem:s21], [sflag:$0x1], $0x1, s22, s13, $0xb8;
	[tilespmem:$0x5500] =	vst v63  }
0xac: {  	s21 =	sadd.s32 $0x3100, s20;
	s22 =	sadd.s32 $0x900, s20  }
0xad: {  	[spmem:s2] =	stream.indirect.scatter.add.f32 [tilespmem:s21], [sflag:$0x1], $0x1, s22, s13, $0xb8;
	[tilespmem:$0x5500] =	vst v63  }
0xae: {  	s21 =	sadd.s32 $0x3180, s20;
	s22 =	sadd.s32 $0x980, s20  }
0xaf: {  	[spmem:s2] =	stream.indirect.scatter.add.f32 [tilespmem:s21], [sflag:$0x1], $0x1, s22, s13, $0xb8;
	[tilespmem:$0x5500] =	vst v63  }
0xb0: {  	s21 =	sadd.s32 $0x3200, s20;
	s20 =	sadd.s32 $0xA00, s20  }
0xb1: {  	[spmem:s2] =	stream.indirect.scatter.add.f32 [tilespmem:s21], [sflag:$0x1], $0x1, s20, s13, $0xb8;
	[tilespmem:$0x5500] =	vst v63  }
0xb2: {  	_ =	swait.ge [sflag:s14], $0x80  }
0xb3: {  	[sflag:s14] =	ssyncset.done $0x0  }
0xb4: {  	[sflag:s14] =	ssyncadd.s32 $0xFFFFFF80  }
0xb5: {  	_ =	swait.ge [sflag:s14], $0x80  }
0xb6: {  	[sflag:s14] =	ssyncset.done $0x0  }
0xb7: {  	[sflag:s14] =	ssyncadd.s32 $0xFFFFFF80  }
0xb8: {  	_ =	swait.ge [sflag:s14], $0x80  }
0xb9: {  	[sflag:s14] =	ssyncset.done $0x0  }
0xba: {  	[sflag:s14] =	ssyncadd.s32 $0xFFFFFF80  }
0xbb: {  	_ =	swait.ge [sflag:s14], $0x80  }
0xbc: {  	[sflag:s14] =	ssyncset.done $0x0  }
0xbd: {  	[sflag:s14] =	ssyncadd.s32 $0xFFFFFF80  }
0xbe: {  	_ =	swait.ge [sflag:s14], $0x80  }
0xbf: {  	[sflag:s14] =	ssyncset.done $0x0  }
0xc0: {  	[sflag:s14] =	ssyncadd.s32 $0xFFFFFF80  }
0xc1: {  	_ =	swait.ge [sflag:s14], $0x80  }
0xc2: {  	[sflag:s14] =	ssyncset.done $0x0  }
0xc3: {  	[sflag:s14] =	ssyncadd.s32 $0xFFFFFF80  }
0xc4: {  	_ =	swait.ge [sflag:s14], $0x80  }
0xc5: {  	[sflag:s14] =	ssyncset.done $0x0  }
0xc6: {  	[sflag:s14] =	ssyncadd.s32 $0xFFFFFF80  }
0xc7: {  	_ =	swait.ge [sflag:s14], $0x80  }
0xc8: {  	[sflag:s14] =	ssyncset.done $0x0  }
0xc9: {  	[sflag:s14] =	ssyncadd.s32 $0xFFFFFF80  }
0xca: {  	_ =	swait.ge [sflag:s14], $0x80  }
0xcb: {  	[sflag:s14] =	ssyncset.done $0x0  }
0xcc: {  	[sflag:s14] =	ssyncadd.s32 $0xFFFFFF80  }
0xcd: {  	_ =	swait.ge [sflag:s14], $0x80  }
0xce: {  	[sflag:s14] =	ssyncset.done $0x0  }
0xcf: {  	[sflag:s14] =	ssyncadd.s32 $0xFFFFFF80  }
0xd0: {  	_ =	swait.ge [sflag:s14], $0x80  }
0xd1: {  	[sflag:s14] =	ssyncset.done $0x0  }
0xd2: {  	[sflag:s14] =	ssyncadd.s32 $0xFFFFFF80  }
0xd3: {  	_ =	swait.ge [sflag:s14], $0x80  }
0xd4: {  	[sflag:s14] =	ssyncset.done $0x0  }
0xd5: {  	[sflag:s14] =	ssyncadd.s32 $0xFFFFFF80  }
0xd6: {  	_ =	swait.ge [sflag:s14], $0x80  }
0xd7: {  	[sflag:s14] =	ssyncset.done $0x0  }
0xd8: {  	[sflag:s14] =	ssyncadd.s32 $0xFFFFFF80  }
0xd9: {  	_ =	swait.ge [sflag:s14], $0x80  }
0xda: {  	[sflag:s14] =	ssyncset.done $0x0  }
0xdb: {  	[sflag:s14] =	ssyncadd.s32 $0xFFFFFF80  }
.Ltmp0:
0xdc: {  	_ =	swait.ge [sflag:s14], $0x80;
	(pc) =	sbr.rel @p0 .LBB2_2-.Ltmp0, $4  }
0xdd: {  	[sflag:s14] =	ssyncset.done $0x0  }
0xde: {  	[sflag:s14] =	ssyncadd.s32 $0xFFFFFF80  }
0xdf: {  	_ =	swait.ge [sflag:s14], $0x80  }
0xe0: {  	s20 =	sshra.s32 s18, $0x2;
	s21 =	smov.u32 s19;
	[sflag:s14] =	ssyncset.done $0x0  }
0xe1: {  	s18 =	sadd.s32 $0x2A80, s20;
	s19 =	sadd.s32 $0x280, s20;
	[sflag:s14] =	ssyncadd.s32 $0xFFFFFF80  }
0xe2: {  	[spmem:s2] =	stream.indirect.scatter.add.f32 [tilespmem:s18], [sflag:$0x1], $0x1, s19, s13, $0xb8;
	[tilespmem:$0x5500] =	vst v63  }
0xe3: {  	s21 =	sadd.s32 $0x2B00, s20;
	s22 =	sadd.s32 $0x300, s20  }
0xe4: {  	[spmem:s2] =	stream.indirect.scatter.add.f32 [tilespmem:s21], [sflag:$0x1], $0x1, s22, s13, $0xb8;
	[tilespmem:$0x5500] =	vst v63  }
0xe5: {  	s23 =	sadd.s32 $0x2B80, s20;
	s24 =	sadd.s32 $0x380, s20  }
0xe6: {  	[spmem:s2] =	stream.indirect.scatter.add.f32 [tilespmem:s23], [sflag:$0x1], $0x1, s24, s13, $0xb8;
	[tilespmem:$0x5500] =	vst v63  }
0xe7: {  	s25 =	sadd.s32 $0x2C00, s20;
	s26 =	sadd.s32 $0x400, s20  }
0xe8: {  	[spmem:s2] =	stream.indirect.scatter.add.f32 [tilespmem:s25], [sflag:$0x1], $0x1, s26, s13, $0xb8;
	[tilespmem:$0x5500] =	vst v63  }
0xe9: {  	s28 =	sadd.s32 $0x2C80, s20;
	s29 =	sadd.s32 $0x480, s20  }
0xea: {  	[spmem:s2] =	stream.indirect.scatter.add.f32 [tilespmem:s28], [sflag:$0x1], $0x1, s29, s13, $0xb8;
	[tilespmem:$0x5500] =	vst v63  }
0xeb: {  	s30 =	sadd.s32 $0x2D00, s20;
	s31 =	sadd.s32 $0x500, s20  }
0xec: {  	[spmem:s2] =	stream.indirect.scatter.add.f32 [tilespmem:s30], [sflag:$0x1], $0x1, s31, s13, $0xb8;
	[tilespmem:$0x5500] =	vst v63  }
0xed: {  	s21 =	sadd.s32 $0x2D80, s20;
	s22 =	sadd.s32 $0x580, s20  }
0xee: {  	[spmem:s2] =	stream.indirect.scatter.add.f32 [tilespmem:s21], [sflag:$0x1], $0x1, s22, s13, $0xb8;
	[tilespmem:$0x5500] =	vst v63  }
0xef: {  	s23 =	sadd.s32 $0x2E00, s20;
	s24 =	sadd.s32 $0x600, s20  }
0xf0: {  	[spmem:s2] =	stream.indirect.scatter.add.f32 [tilespmem:s23], [sflag:$0x1], $0x1, s24, s13, $0xb8;
	[tilespmem:$0x5500] =	vst v63  }
0xf1: {  	s25 =	sadd.s32 $0x2E80, s20;
	s26 =	sadd.s32 $0x680, s20  }
0xf2: {  	[spmem:s2] =	stream.indirect.scatter.add.f32 [tilespmem:s25], [sflag:$0x1], $0x1, s26, s13, $0xb8;
	[tilespmem:$0x5500] =	vst v63  }
0xf3: {  	s28 =	sadd.s32 $0x2F00, s20;
	s29 =	sadd.s32 $0x700, s20  }
0xf4: {  	[spmem:s2] =	stream.indirect.scatter.add.f32 [tilespmem:s28], [sflag:$0x1], $0x1, s29, s13, $0xb8;
	[tilespmem:$0x5500] =	vst v63  }
0xf5: {  	s30 =	sadd.s32 $0x2F80, s20;
	s31 =	sadd.s32 $0x780, s20  }
0xf6: {  	[spmem:s2] =	stream.indirect.scatter.add.f32 [tilespmem:s30], [sflag:$0x1], $0x1, s31, s13, $0xb8;
	[tilespmem:$0x5500] =	vst v63  }
0xf7: {  	s21 =	sadd.s32 $0x3000, s20;
	s22 =	sadd.s32 $0x800, s20  }
0xf8: {  	[spmem:s2] =	stream.indirect.scatter.add.f32 [tilespmem:s21], [sflag:$0x1], $0x1, s22, s13, $0xb8;
	[tilespmem:$0x5500] =	vst v63  }
0xf9: {  	s23 =	sadd.s32 $0x3080, s20;
	s24 =	sadd.s32 $0x880, s20  }
0xfa: {  	[spmem:s2] =	stream.indirect.scatter.add.f32 [tilespmem:s23], [sflag:$0x1], $0x1, s24, s13, $0xb8;
	[tilespmem:$0x5500] =	vst v63  }
0xfb: {  	s25 =	sadd.s32 $0x3100, s20;
	s26 =	sadd.s32 $0x900, s20  }
0xfc: {  	[spmem:s2] =	stream.indirect.scatter.add.f32 [tilespmem:s25], [sflag:$0x1], $0x1, s26, s13, $0xb8;
	[tilespmem:$0x5500] =	vst v63  }
0xfd: {  	s28 =	sadd.s32 $0x3180, s20;
	s29 =	sadd.s32 $0x980, s20  }
0xfe: {  	[spmem:s2] =	stream.indirect.scatter.add.f32 [tilespmem:s28], [sflag:$0x1], $0x1, s29, s13, $0xb8;
	[tilespmem:$0x5500] =	vst v63  }
0xff: {  	s30 =	sadd.s32 $0x3200, s20;
	s31 =	sadd.s32 $0xA00, s20  }
0x100: {  	[spmem:s2] =	stream.indirect.scatter.add.f32 [tilespmem:s30], [sflag:$0x1], $0x1, s31, s13, $0xb8;
	[tilespmem:$0x5500] =	vst v63  }
0x101: {  	_ =	swait.ge [sflag:s14], $0x80  }
0x102: {  	[sflag:s14] =	ssyncset.done $0x0  }
0x103: {  	[sflag:s14] =	ssyncadd.s32 $0xFFFFFF80  }
0x104: {  	_ =	swait.ge [sflag:s14], $0x80  }
0x105: {  	[sflag:s14] =	ssyncset.done $0x0  }
0x106: {  	[sflag:s14] =	ssyncadd.s32 $0xFFFFFF80  }
0x107: {  	_ =	swait.ge [sflag:s14], $0x80  }
0x108: {  	[sflag:s14] =	ssyncset.done $0x0  }
0x109: {  	[sflag:s14] =	ssyncadd.s32 $0xFFFFFF80  }
0x10a: {  	_ =	swait.ge [sflag:s14], $0x80  }
0x10b: {  	[sflag:s14] =	ssyncset.done $0x0  }
0x10c: {  	[sflag:s14] =	ssyncadd.s32 $0xFFFFFF80  }
0x10d: {  	_ =	swait.ge [sflag:s14], $0x80  }
0x10e: {  	[sflag:s14] =	ssyncset.done $0x0  }
0x10f: {  	[sflag:s14] =	ssyncadd.s32 $0xFFFFFF80  }
0x110: {  	_ =	swait.ge [sflag:s14], $0x80  }
0x111: {  	[sflag:s14] =	ssyncset.done $0x0  }
0x112: {  	[sflag:s14] =	ssyncadd.s32 $0xFFFFFF80  }
0x113: {  	_ =	swait.ge [sflag:s14], $0x80  }
0x114: {  	[sflag:s14] =	ssyncset.done $0x0  }
0x115: {  	[sflag:s14] =	ssyncadd.s32 $0xFFFFFF80  }
0x116: {  	_ =	swait.ge [sflag:s14], $0x80  }
0x117: {  	[sflag:s14] =	ssyncset.done $0x0  }
0x118: {  	[sflag:s14] =	ssyncadd.s32 $0xFFFFFF80  }
0x119: {  	_ =	swait.ge [sflag:s14], $0x80  }
0x11a: {  	[sflag:s14] =	ssyncset.done $0x0  }
0x11b: {  	[sflag:s14] =	ssyncadd.s32 $0xFFFFFF80  }
0x11c: {  	_ =	swait.ge [sflag:s14], $0x80  }
0x11d: {  	[sflag:s14] =	ssyncset.done $0x0  }
0x11e: {  	[sflag:s14] =	ssyncadd.s32 $0xFFFFFF80  }
0x11f: {  	_ =	swait.ge [sflag:s14], $0x80  }
0x120: {  	[sflag:s14] =	ssyncset.done $0x0  }
0x121: {  	[sflag:s14] =	ssyncadd.s32 $0xFFFFFF80  }
0x122: {  	_ =	swait.ge [sflag:s14], $0x80  }
0x123: {  	[sflag:s14] =	ssyncset.done $0x0  }
0x124: {  	[sflag:s14] =	ssyncadd.s32 $0xFFFFFF80  }
0x125: {  	_ =	swait.ge [sflag:s14], $0x80  }
0x126: {  	[sflag:s14] =	ssyncset.done $0x0  }
0x127: {  	[sflag:s14] =	ssyncadd.s32 $0xFFFFFF80  }
0x128: {  	_ =	swait.ge [sflag:s14], $0x80  }
0x129: {  	[sflag:s14] =	ssyncset.done $0x0  }
0x12a: {  	[sflag:s14] =	ssyncadd.s32 $0xFFFFFF80  }
0x12b: {  	_ =	swait.ge [sflag:s14], $0x80  }
0x12c: {  	[sflag:s14] =	ssyncset.done $0x0  }
0x12d: {  	[sflag:s14] =	ssyncadd.s32 $0xFFFFFF80  }
0x12e: {  	_ =	swait.ge [sflag:s14], $0x80  }
0x12f: {  	s17 =	sadd.s32 $0x1, s17;
	[sflag:s14] =	ssyncset.done $0x0  }
0x130: {  	p0 =	sne.s32 s17, s8;
	[sflag:s14] =	ssyncadd.s32 $0xFFFFFF80  }
.Ltmp1:
0x131: {  	[bflag:$0x0] =	sbarrier.arrive $0xFFFF;
	(pc) =	sbr.rel @p0 .LBB2_1-.Ltmp1, $4  }
0x132: {  	[hbm:s7], [sflag:s15] =	dma.local [spmem:s16], $0x50  }
0x133: {  	_ =	swait.ge [sflag:s10], $0x50  }
0x134: {  	[sflag:s10] =	ssyncset.done $0x0  }
0x135: {  	[sflag:s10] =	ssyncadd.s32 $0xFFFFFFB0  }
0x136: {  	_ =	sfence.sel $0x180000  }
0x137: {  	[bflag:$0x0] =	sbarrier.arrive $0xFFFF  }
0x138: {  	p0 =	sne.s32 s0, $0x0;
	_ =	strace $0x90000047  }
0x139: {  	s0 =	sadd.s32 @!p0 $0x100000, s1;
	[bflag:$0x2] =	sbarrier.arrive $0xFFFF  }
0x13a: {  	[sflag:s0] =	ssyncadd.tile.s32 @!p0 $0x1;
	_ =	shalt  }
.Lfunc_end2:
_tile_overlayer_lowered:
.L_overlay_start_2:
0x13b: {  	(tag) =	ssettag $0x2  }
0x13c: {  	s0 =	rddreg [dreg:$0x0];
	s2 =	stileid.u32  }
0x13d: {  	s1 =	rddreg [dreg:$0x1];
	p0 =	sne.s32 s2, $0x0  }
0x13e: {  	s3 =	rddreg [dreg:$0x2];
	[bflag:$0x3] =	sbarrier.arrive $0xFFFF;
	s2 =	simm.s32 @!p0 $0x1C02  }
0x13f: {  	[timem:s3], [sflag:s2] =	dma.local @!p0 [hbm:s0], s1  }
0x140: {  	s0 =	simm.s32 @!p0 $0x2  }
0x141: {  	_ =	swait.ge @!p0 [sflag:s0], s1  }
0x142: {  	s1 =	ssub.s32 @!p0 $0x0, s1;
	[sflag:s0] =	ssyncset.done @!p0 $0x0  }
0x143: {  	[sflag:s0] =	ssyncadd.s32 @!p0 s1  }
0x144: {  	[bflag:$0x3] =	sbarrier.arrive $0xFFFF  }
0x145: {  	_ =	shalt  }

// kernel: gcn_norm_sc.3.cloned.1.call-start
scs
__scs_entry_jumppad:
0x0: {  	(pc) =	sbr.rel $0x88, $3  }
0x1: {  	(tag) =	ssettag $0x0;
	lr =	simm.s32 $0x1  }
0x2: {  	[smem:$0x3F9A] =	sst lr;
	_ =	strace $0xD0000000  }
0x3: {  	_ = 	snop  }
0x4: {  	_ = 	snop  }
0x5: {  	_ = 	snop  }
0x6: {  	_ = 	snop  }
0x7: {  	_ = 	snop  }
__scs_overlays_trampoline_lowered:
0x8: {  	[smem:$0x3FA9] =	sst s0  }
0x9: {  	[smem:$0x3FAA] =	sst s1  }
0xa: {  	[smem:$0x3FAB] =	sst s2  }
0xb: {  	[smem:$0x3FAC] =	sst s3  }
0xc: {  	[smem:$0x3FAD] =	sst s4  }
0xd: {  	[smem:$0x3FAE] =	sst s5  }
0xe: {  	[smem:$0x3FAF] =	sst s6  }
0xf: {  	[smem:$0x3FB0] =	sst s7  }
0x10: {  	[smem:$0x3FB1] =	sst s8  }
0x11: {  	[smem:$0x3FB2] =	sst s9;
	s0 =	simm.s32 @!p0 $0x0  }
0x12: {  	s1 =	sld [smem:$0x3F98];
	s0 =	simm.s32 @p0 $0x1  }
0x13: {  	[smem:$0x3FB3] =	sst s0;
	s0 =	simm.s32 @!p1 $0x0  }
0x14: {  	s2 =	sld [smem:$0x3F97];
	s0 =	simm.s32 @p1 $0x1  }
0x15: {  	[smem:$0x3FB4] =	sst s0;
	s0 =	simm.s32 @!p2 $0x0  }
0x16: {  	s3 =	sld [smem:$0x3FDB];
	s0 =	simm.s32 @p2 $0x1  }
0x17: {  	s4 =	simm.s32 $0x1BF5;
	[smem:$0x3FB6] =	sst s0  }
0x18: {  	s0 =	sld [smem:$0x3F99];
	_ =	swait.ge [sflag:s4], $0x0  }
0x19: {  	s7 =	sld [smem:$0x3F9A]  }
0x1a: {  	s8 =	sadd.s32 $0xFFFFE003, lr  }
0x1b: {  	s9 =	sadd.s32 $0xFFFFFEF7, lr;
	s5 =	simm.s32 $0xFFFFFFFF;
	p2 =	slt.u32 s8, $0xFFFFF086  }
0x1c: {  	p1 =	slt.u32 s9, $0xF7A;
	s5 =	simm.s32 @!p2 $0x0  }
0x1d: {  	s5 =	simm.s32 @p1 $0x1;
	p0 =	seq.s32 s7, s2  }
0x1e: {  	s7 =	smul.u32 @!p0 $0xF7A, s2;
	p2 =	seq.s32 @!p0 s5, $0x0  }
0x1f: {  	s9 =	smul.u32 $0xF7A, s1;
	s8 =	simm.s32 @!p0 $0x1BF5;
	p2 =	por !p2, p0  }
0x20: {  	[sflag:s8] =	ssyncset.s32 @!p0 $0xFFFFF086;
	s6 =	sadd.s32 @!p0 s3, s7;
	s7 =	simm.s32 @!p0 $0x108  }
0x21: {  	s3 =	sadd.s32 s3, s9;
	s6 =	sadd.s32 @!p0 $0x88, s6;
	s7 =	simm.s32 @p2 $0x1082  }
0x22: {  	[simem:s7], [sflag:s8] =	dma.local @!p0 [hbm:s6], $0xF7A  }
0x23: {  	s9 =	sor.u32 $0xD0000000, s2;
	s6 =	simm.s32 $0x108;
	_ =	swait.ge @!p0 [sflag:s8], $0x0  }
0x24: {  	s3 =	sadd.s32 $0x88, s3;
	s6 =	simm.s32 @!p1 $0x1082;
	[sflag:s4] =	ssyncset.s32 $0xFFFFF086  }
0x25: {  	[simem:s6], [sflag:s4] =	dma.local [hbm:s3], $0xF7A  }
0x26: {  	[smem:$0x3F9A] =	sst s1;
	(tag) =	ssettag s2;
	_ =	strace s9  }
0x27: {  	s1 =	sld [smem:$0x3FAA]  }
0x28: {  	s2 =	sld [smem:$0x3FAB]  }
0x29: {  	s4 =	sld [smem:$0x3FAD]  }
0x2a: {  	p0 =	seq.s32 s5, $0x0;
	s5 =	sld [smem:$0x3FAE]  }
0x2b: {  	s6 =	sld [smem:$0x3FAF]  }
0x2c: {  	s7 =	sld [smem:$0x3FB0]  }
0x2d: {  	s3 =	simm.s32 $0x108;
	s8 =	sld [smem:$0x3FB1]  }
0x2e: {  	s3 =	simm.s32 @!p0 $0x1082;
	s9 =	sld [smem:$0x3FB2]  }
0x2f: {  	lr =	sadd.s32 s0, s3;
	s0 =	sld [smem:$0x3FA9]  }
0x30: {  	s3 =	sld [smem:$0x3FAC]  }
0x31: {  	[smem:$0x3FB5] =	sst s10  }
0x32: {  	s10 =	sld [smem:$0x3FB3];
	_ =	sdelay $0x3  }
0x33: {  	p0 =	seq.s32 s10, $0x1;
	s10 =	sld [smem:$0x3FB5];
	_ =	sdelay $0x3  }
0x34: {  	[smem:$0x3FB5] =	sst s10  }
0x35: {  	s10 =	sld [smem:$0x3FB4];
	_ =	sdelay $0x3  }
0x36: {  	p1 =	seq.s32 s10, $0x1;
	s10 =	sld [smem:$0x3FB5];
	_ =	sdelay $0x3  }
0x37: {  	[smem:$0x3FB5] =	sst s10  }
0x38: {  	s10 =	sld [smem:$0x3FB6]  }
0x39: {  	_ = 	snop;
	(pc) =	sbr.ind lr, $3  }
0x3a: {  	_ = 	snop  }
0x3b: {  	_ = 	snop  }
0x3c: {  	p2 =	seq.s32 s10, $0x1;
	s10 =	sld [smem:$0x3FB5]  }
0x3d: {  	_ =	shalt  }
0x3e: {  	_ =	shalt  }
0x3f: {  	_ =	shalt  }
0x40: {  	_ =	shalt  }
0x41: {  	_ =	shalt  }
0x42: {  	_ =	shalt  }
0x43: {  	_ =	shalt  }
0x44: {  	_ =	shalt  }
0x45: {  	_ =	shalt  }
0x46: {  	_ =	shalt  }
0x47: {  	_ =	shalt  }
0x48: {  	_ =	shalt  }
0x49: {  	_ =	shalt  }
0x4a: {  	_ =	shalt  }
0x4b: {  	_ =	shalt  }
0x4c: {  	_ =	shalt  }
0x4d: {  	_ =	shalt  }
0x4e: {  	_ =	shalt  }
0x4f: {  	_ =	shalt  }
0x50: {  	_ =	shalt  }
0x51: {  	_ =	shalt  }
0x52: {  	_ =	shalt  }
0x53: {  	_ =	shalt  }
0x54: {  	_ =	shalt  }
0x55: {  	_ =	shalt  }
0x56: {  	_ =	shalt  }
0x57: {  	_ =	shalt  }
0x58: {  	_ =	shalt  }
0x59: {  	_ =	shalt  }
0x5a: {  	_ =	shalt  }
0x5b: {  	_ =	shalt  }
0x5c: {  	_ =	shalt  }
0x5d: {  	_ =	shalt  }
0x5e: {  	_ =	shalt  }
0x5f: {  	_ =	shalt  }
0x60: {  	_ =	shalt  }
0x61: {  	_ =	shalt  }
0x62: {  	_ =	shalt  }
0x63: {  	_ =	shalt  }
0x64: {  	_ =	shalt  }
0x65: {  	_ =	shalt  }
0x66: {  	_ =	shalt  }
0x67: {  	_ =	shalt  }
0x68: {  	_ =	shalt  }
0x69: {  	_ =	shalt  }
0x6a: {  	_ =	shalt  }
0x6b: {  	_ =	shalt  }
0x6c: {  	_ =	shalt  }
0x6d: {  	_ =	shalt  }
0x6e: {  	_ =	shalt  }
0x6f: {  	_ =	shalt  }
0x70: {  	_ =	shalt  }
0x71: {  	_ =	shalt  }
0x72: {  	_ =	shalt  }
0x73: {  	_ =	shalt  }
0x74: {  	_ =	shalt  }
0x75: {  	_ =	shalt  }
0x76: {  	_ =	shalt  }
0x77: {  	_ =	shalt  }
0x78: {  	_ =	shalt  }
0x79: {  	_ =	shalt  }
0x7a: {  	_ =	shalt  }
0x7b: {  	_ =	shalt  }
0x7c: {  	_ =	shalt  }
0x7d: {  	_ =	shalt  }
0x7e: {  	_ =	shalt  }
0x7f: {  	_ =	shalt  }
0x80: {  	_ =	shalt  }
0x81: {  	_ =	shalt  }
0x82: {  	_ =	shalt  }
0x83: {  	_ =	shalt  }
0x84: {  	_ =	shalt  }
0x85: {  	_ =	shalt  }
0x86: {  	_ =	shalt  }
0x87: {  	_ =	shalt  }
.Lfunc_end0:
.L_simem_size_0:
called_computation.1_lowered:
.L_overlay_start_0:
0x88: {  	s2 =	sld [smem:$0x3FD9]  }
0x89: {  	s3 =	sld [smem:$0x3FFE];
	_ =	sdelay $0x1  }
0x8a: {  	s1 =	srdreg.scid  }
0x8b: {  	s0 =	sand.u32 $0x1, s1  }
0x8c: {  	s16 =	sshll.u32 s0, $0xA;
	s2 =	sadd.s32 s3, s2  }
0x8d: {  	s2 =	sadd.s32 s2, s16  }
0x8e: {  	[smem:$0x3FC1] =	sst s2  }
0x8f: {  	_ = 	snop  }
0x90: {  	(tm) =	ssettm $0x1  }
0x91: {  	s17 =	sld [smem:$0x3FFB];
	_ =	sdelay $0x3  }
0x92: {  	_ =	strace s17  }
0x93: {  	s2 =	sld [smem:$0x3FFC];
	_ =	sdelay $0x3  }
0x94: {  	_ =	strace s2  }
0x95: {  	s2 =	sld [smem:$0x3FFD];
	_ =	sdelay $0x3  }
0x96: {  	_ =	strace s2  }
0x97: {  	_ =	strace $0x8FFFFFFF  }
0x98: {  	s18 =	sld [smem:$0x3FDB];
	_ =	sdelay $0x1  }
0x99: {  	s19 =	simm.s32 $_scs_section_size  }
0x9a: {  	s4 =	simm.s32 $_size__tile_overlayer_lowered;
	s5 =	simm.s32 $_tile_overlayer_lowered  }
0x9b: {  	s22 =	simm.s32 $0x1BFF;
	s21 =	sshll.u32 s5, $0x1;
	s2 =	sadd.s32 s19, s18  }
0x9c: {  	s6 =	simm.s32 $0x0;
	s20 =	sshll.u32 s4, $0x1;
	s4 =	sadd.s32 s21, s2  }
0x9d: {  	[timem:s6], [sflag:s22] =	dma.local [hbm:s4], s20  }
0x9e: {  	_ =	swait.ge [sflag:s22], s20  }
0x9f: {  	s3 =	ssub.s32 $0x0, s20;
	[sflag:s22] =	ssyncset.done $0x0  }
0xa0: {  	[sflag:s22] =	ssyncadd.s32 s3;
	_ =	sdelay $0x1  }
0xa1: {  	s23 =	simm.s32 $0x1B8B  }
0xa2: {  	_ =	swait.ge [sflag:s23], $0x1  }
0xa3: {  	[sflag:s23] =	ssyncset.done $0x0  }
0xa4: {  	s25 =	simm.s32 $0x1B8E;
	s24 =	sld [smem:$0x3FFE];
	[sflag:s23] =	ssyncadd.s32 $0xFFFFFFFF  }
0xa5: {  	s26 =	simm.s32 $execute0_lowered;
	[smem:$0x3FD2] =	sst s25  }
0xa6: {  	s4 =	sshll.u32 s26, $0x1;
	_ =	strace $0x80000049;
	[dreg:$0x1] =	wrdreg $0xFFFFFFFF  }
0xa7: {  	s28 =	simm.s32 $_size_execute0_lowered;
	s2 =	sadd.s32 s2, s4;
	[dreg:$0x0] =	wrdreg $0x0  }
0xa8: {  	s4 =	sshll.u32 s28, $0x1;
	[dreg:$0x2] =	wrdreg s2  }
0xa9: {  	[dreg:$0x3] =	wrdreg s4  }
0xaa: {  	[dreg:$0x4] =	wrdreg $0xC0  }
0xab: {  	_ =	task [dreg:s6], $0x5FFFF  }
0xac: {  	[dreg:$0x1] =	wrdreg $0xFFFFFFFF  }
0xad: {  	[dreg:$0x0] =	wrdreg $0x60  }
0xae: {  	[dreg:$0x2] =	wrdreg s24  }
0xaf: {  	[dreg:$0x3] =	wrdreg $0x9  }
0xb0: {  	_ =	task.clear_ibuf [dreg:s6], $0x4FFFF;
	_ =	strace $0x90000049  }
0xb1: {  	s29 =	simm.s32 $0x9;
	_ =	strace $0x8000004B  }
0xb2: {  	_ =	swait.ge [sflag:s29], $0x1  }
0xb3: {  	[sflag:s29] =	ssyncadd.s32 $0xFFFFFFFF  }
0xb4: {  	_ =	strace $0x9000004B  }
0xb5: {  	_ =	sfence  }
0xb6: {  	s30 =	sld [smem:$0x0];
	_ =	sdelay $0x2  }
0xb7: {  	s31 =	sshll.u32 s1, $0xD;
	s1 =	sshrl.u32 s1, $0x2  }
0xb8: {  	s3 =	sand.u32 $0x4000, s31;
	s1 =	sadd.s32 s1, s30  }
0xb9: {  	s0 =	sor.u32 s3, s0;
	s1 =	sshll.u32 s1, $0x11  }
0xba: {  	s0 =	sor.u32 s1, s0  }
0xbb: {  	s0 =	sadd.s32 $0x8F2B, s0  }
0xbc: {  	[sflag:s0] =	ssyncadd.remote.s32 $0x1  }
0xbd: {  	_ =	sfence.sel $0xFFFF  }
0xbe: {  	[dreg:$0x0] =	wrdreg $0xFFFFFFFF;
	(pc) =	sbr.abs _section_cstart, $3  }
0xbf: {  	[dreg:$0x1] =	wrdreg $0xFFFFFFFF  }
0xc0: {  	_ =	task.clear_ibuf [dreg:s6], $0x2FFFF;
	_ =	strace $0x9FFFFFFF  }
0xc1: {  	(tm) =	ssettm $0x7FFFFFFF  }
tec
execute0_lowered:
.L_overlay_start_1:
0x0: {  	(tag) =	ssettag $0x1  }
0x1: {  	s0 =	srdreg.scid  }
0x2: {  	s4 =	rddreg [dreg:$0x0];
	s1 =	stileid.u32  }
0x3: {  	s2 =	simm.s32 $0x0;
	s9 =	simm.s32 $0xA000;
	s3 =	sand.u32 $0x1, s0  }
0x4: {  	s10 =	simm.s32 $0x1;
	s11 =	simm.s32 $0x2800;
	s5 =	sshll.u32 s3, $0x4  }
0x5: {  	s12 =	simm.s32 $0x5000;
	s13 =	simm.s32 $0x7800;
	s5 =	sor.u32 s1, s5  }
0x6: {  	s0 =	rddreg [dreg:$0x1];
	s6 =	ssub.s32 $0x2, s3;
	s5 =	smul.u32 $0x500, s5  }
0x7: {  	s14 =	simm.s32 $0x0;
	[smem:$0x7FF] =	sst s2;
	s31 =	sshrl.u32 s6, $0x1  }
0x8: {  	_ =	strace $0x8000004A;
	s8 =	ssub.s32 s6, s31;
	s7 =	sadd.s32 s5, s4  }
0x9: {  	s3 =	sadd.s32 $0x70E00, s4;
	s8 =	smax.u32 s8, $0x1;
	s4 =	sadd.s32 $0xCE00, s7  }
0xa: {  	s5 =	sadd.s32 $0x16E00, s7;
	s6 =	sadd.s32 $0x2E00, s7;
	s7 =	sadd.s32 $0x71400, s7  }
.LBB2_1:
0xb: {  	[tilespmem:s9], [sflag:$0x1] =	stream.linear.gather [hbm4b:s3+s2], $0x2800, $0x38;
	[tilespmem:$0xC800] =	vst v63  }
0xc: {  	_ =	swait.ge [sflag:s10], $0x2800  }
0xd: {  	[sflag:s10] =	ssyncset.done $0x0  }
0xe: {  	[sflag:s10] =	ssyncadd.s32 $0xFFFFD800  }
0xf: {  	[tilespmem:s2], [sflag:$0x1] =	stream.linear.gather [hbm4b:s4+s2], $0x2800, $0x38;
	[tilespmem:$0xC800] =	vst v63  }
0x10: {  	_ =	swait.ge [sflag:s10], $0x2800  }
0x11: {  	[sflag:s10] =	ssyncset.done $0x0  }
0x12: {  	[sflag:s10] =	ssyncadd.s32 $0xFFFFD800  }
0x13: {  	[tilespmem:s11], [sflag:$0x1] =	stream.linear.gather [hbm4b:s5+s2], $0x2800, $0x38;
	[tilespmem:$0xC800] =	vst v63  }
0x14: {  	_ =	swait.ge [sflag:s10], $0x2800  }
0x15: {  	[sflag:s10] =	ssyncset.done $0x0  }
0x16: {  	[sflag:s10] =	ssyncadd.s32 $0xFFFFD800  }
0x17: {  	[tilespmem:s12], [sflag:$0x1] =	stream.linear.gather [hbm4b:s6+s2], $0x2800, $0x38;
	[tilespmem:$0xC800] =	vst v63  }
0x18: {  	_ =	swait.ge [sflag:s10], $0x2800  }
0x19: {  	[sflag:s10] =	ssyncset.done $0x0  }
0x1a: {  	s15 =	simm.s32 $0x0;
	[sflag:s10] =	ssyncadd.s32 $0xFFFFD800  }
0x1b: {  	v0 =	vld [tilespmem:s15+$0x0];
	_ =	sdelay $0x1  }
0x1c: {  	v1 =	vld [tilespmem:s15+$0x2800];
	_ =	sdelay $0x4  }
0x1d: {  	v2 =	vld [tilespmem:s15+$0x5000]  }
0x1e: {  	v0 =	vld.idx.msk [tilespmem:v0+s9+$0x0], $0xffff  }
0x1f: {  	v3 =	vld [tilespmem:s15+$0x10]  }
0x20: {  	v1 =	vld.idx.msk [tilespmem:v1+s9+$0x0], $0xffff  }
0x21: {  	v4 =	vld [tilespmem:s15+$0x2810];
	_ =	sdelay $0x1  }
0x22: {  	v0 =	vmul.f32 v0, v2;
	_ =	sdelay $0x1  }
0x23: {  	v0 =	vmul.f32 v1, v0;
	_ =	sdelay $0x1  }
0x24: {  	v1 =	vld [tilespmem:s15+$0x5010];
	[tilespmem:s15+$0x7800] =	vst v0  }
0x25: {  	v0 =	vld.idx.msk [tilespmem:v3+s9+$0x0], $0xffff  }
0x26: {  	v2 =	vld.idx.msk [tilespmem:v4+s9+$0x0], $0xffff  }
0x27: {  	v3 =	vld [tilespmem:s15+$0x20]  }
0x28: {  	v58 =	vld [tilespmem:s15+$0x2820];
	_ =	sdelay $0x1  }
0x29: {  	v0 =	vmul.f32 v0, v1;
	_ =	sdelay $0x1  }
0x2a: {  	v0 =	vmul.f32 v2, v0;
	_ =	sdelay $0x1  }
0x2b: {  	v1 =	vld [tilespmem:s15+$0x5020];
	[tilespmem:s15+$0x7810] =	vst v0  }
0x2c: {  	v0 =	vld.idx.msk [tilespmem:v3+s9+$0x0], $0xffff  }
0x2d: {  	v2 =	vld.idx.msk [tilespmem:v58+s9+$0x0], $0xffff  }
0x2e: {  	v3 =	vld [tilespmem:s15+$0x30]  }
0x2f: {  	v59 =	vld [tilespmem:s15+$0x2830];
	_ =	sdelay $0x1  }
0x30: {  	v0 =	vmul.f32 v0, v1;
	_ =	sdelay $0x1  }
0x31: {  	v0 =	vmul.f32 v2, v0;
	_ =	sdelay $0x1  }
0x32: {  	v1 =	vld [tilespmem:s15+$0x5030];
	[tilespmem:s15+$0x7820] =	vst v0  }
0x33: {  	v0 =	vld.idx.msk [tilespmem:v3+s9+$0x0], $0xffff  }
0x34: {  	v2 =	vld.idx.msk [tilespmem:v59+s9+$0x0], $0xffff  }
0x35: {  	v3 =	vld [tilespmem:s15+$0x40]  }
0x36: {  	v60 =	vld [tilespmem:s15+$0x2840];
	_ =	sdelay $0x1  }
0x37: {  	v0 =	vmul.f32 v0, v1;
	_ =	sdelay $0x1  }
0x38: {  	v0 =	vmul.f32 v2, v0;
	_ =	sdelay $0x1  }
0x39: {  	v1 =	vld [tilespmem:s15+$0x5040];
	[tilespmem:s15+$0x7830] =	vst v0  }
0x3a: {  	v0 =	vld.idx.msk [tilespmem:v3+s9+$0x0], $0xffff  }
0x3b: {  	v2 =	vld.idx.msk [tilespmem:v60+s9+$0x0], $0xffff  }
0x3c: {  	v3 =	vld [tilespmem:s15+$0x50]  }
0x3d: {  	v61 =	vld [tilespmem:s15+$0x2850];
	_ =	sdelay $0x1  }
0x3e: {  	v0 =	vmul.f32 v0, v1;
	_ =	sdelay $0x1  }
0x3f: {  	v0 =	vmul.f32 v2, v0;
	_ =	sdelay $0x1  }
0x40: {  	[tilespmem:s15+$0x7840] =	vst v0;
	v0 =	vld [tilespmem:s15+$0x5050]  }
0x41: {  	v1 =	vld.idx.msk [tilespmem:v3+s9+$0x0], $0xffff  }
0x42: {  	v2 =	vld.idx.msk [tilespmem:v61+s9+$0x0], $0xffff  }
0x43: {  	v3 =	vld [tilespmem:s15+$0x60]  }
0x44: {  	v62 =	vld [tilespmem:s15+$0x2860];
	_ =	sdelay $0x1  }
0x45: {  	v0 =	vmul.f32 v1, v0;
	_ =	sdelay $0x1  }
0x46: {  	v0 =	vmul.f32 v2, v0;
	_ =	sdelay $0x1  }
0x47: {  	[tilespmem:s15+$0x7850] =	vst v0;
	v0 =	vld [tilespmem:s15+$0x5060]  }
0x48: {  	v1 =	vld.idx.msk [tilespmem:v3+s9+$0x0], $0xffff  }
0x49: {  	v2 =	vld.idx.msk [tilespmem:v62+s9+$0x0], $0xffff  }
0x4a: {  	v3 =	vld [tilespmem:s15+$0x70];
	_ =	sdelay $0x2  }
0x4b: {  	v0 =	vmul.f32 v1, v0  }
0x4c: {  	v63 =	vld [tilespmem:s15+$0x2870]  }
0x4d: {  	v0 =	vmul.f32 v2, v0;
	_ =	sdelay $0x1  }
0x4e: {  	[tilespmem:s15+$0x7860] =	vst v0;
	v0 =	vld [tilespmem:s15+$0x5070]  }
0x4f: {  	v1 =	vld.idx.msk [tilespmem:v3+s9+$0x0], $0xffff;
	_ =	sdelay $0x3  }
0x50: {  	s18 =	simm.s32 $0x80;
	v2 =	vld.idx.msk [tilespmem:v63+s9+$0x0], $0xffff  }
0x51: {  	v3 =	vmul.f32 v1, v0;
	v1 =	vld [tilespmem:s18+$0x0];
	_ =	sdelay $0x1  }
0x52: {  	v0 =	vld [tilespmem:s18+$0x2800];
	_ =	sdelay $0x2  }
0x53: {  	s16 =	simm.s32 $0x400;
	v2 =	vmul.f32 v2, v3  }
.LBB2_2:
0x54: {  	_ = 	snop  }
0x55: {  	p0 =	sne.s32 s16, $0x9E00;
	s17 =	smov.u32 s16;
	s16 =	sadd.s32 $0x200, s16;
	[tilespmem:s15+$0x7870] =	vst v2  }
0x56: {  	s15 =	smov.u32 s18;
	v1 =	vld.idx.msk [tilespmem:v1+s9+$0x0], $0xffff  }
0x57: {  	v2 =	vld [tilespmem:s15+$0x5000]  }
0x58: {  	v0 =	vld.idx.msk [tilespmem:v0+s9+$0x0], $0xffff  }
0x59: {  	v3 =	vld [tilespmem:s15+$0x10];
	_ =	sdelay $0x1  }
0x5a: {  	v4 =	vld [tilespmem:s15+$0x2810]  }
0x5b: {  	v1 =	vmul.f32 v1, v2;
	_ =	sdelay $0x1  }
0x5c: {  	v0 =	vmul.f32 v0, v1;
	_ =	sdelay $0x1  }
0x5d: {  	[tilespmem:s15+$0x7800] =	vst v0  }
0x5e: {  	v0 =	vld.idx.msk [tilespmem:v3+s9+$0x0], $0xffff  }
0x5f: {  	v1 =	vld [tilespmem:s15+$0x5010]  }
0x60: {  	v2 =	vld.idx.msk [tilespmem:v4+s9+$0x0], $0xffff  }
0x61: {  	v3 =	vld [tilespmem:s15+$0x20];
	_ =	sdelay $0x1  }
0x62: {  	v4 =	vld [tilespmem:s15+$0x2820]  }
0x63: {  	v0 =	vmul.f32 v0, v1;
	_ =	sdelay $0x1  }
0x64: {  	v0 =	vmul.f32 v2, v0;
	_ =	sdelay $0x1  }
0x65: {  	[tilespmem:s15+$0x7810] =	vst v0  }
0x66: {  	v0 =	vld.idx.msk [tilespmem:v3+s9+$0x0], $0xffff  }
0x67: {  	v1 =	vld [tilespmem:s15+$0x5020]  }
0x68: {  	v2 =	vld.idx.msk [tilespmem:v4+s9+$0x0], $0xffff  }
0x69: {  	v3 =	vld [tilespmem:s15+$0x30];
	_ =	sdelay $0x1  }
0x6a: {  	v4 =	vld [tilespmem:s15+$0x2830]  }
0x6b: {  	v0 =	vmul.f32 v0, v1;
	_ =	sdelay $0x1  }
0x6c: {  	v0 =	vmul.f32 v2, v0;
	_ =	sdelay $0x1  }
0x6d: {  	[tilespmem:s15+$0x7820] =	vst v0  }
0x6e: {  	v0 =	vld.idx.msk [tilespmem:v3+s9+$0x0], $0xffff  }
0x6f: {  	v1 =	vld [tilespmem:s15+$0x5030]  }
0x70: {  	v2 =	vld.idx.msk [tilespmem:v4+s9+$0x0], $0xffff  }
0x71: {  	v3 =	vld [tilespmem:s15+$0x40];
	_ =	sdelay $0x1  }
0x72: {  	v4 =	vld [tilespmem:s15+$0x2840]  }
0x73: {  	v0 =	vmul.f32 v0, v1;
	_ =	sdelay $0x1  }
0x74: {  	v0 =	vmul.f32 v2, v0;
	_ =	sdelay $0x1  }
0x75: {  	[tilespmem:s15+$0x7830] =	vst v0  }
0x76: {  	v0 =	vld.idx.msk [tilespmem:v3+s9+$0x0], $0xffff  }
0x77: {  	v1 =	vld [tilespmem:s15+$0x5040]  }
0x78: {  	v2 =	vld.idx.msk [tilespmem:v4+s9+$0x0], $0xffff  }
0x79: {  	v3 =	vld [tilespmem:s15+$0x50]  }
0x7a: {  	v4 =	vld [tilespmem:s15+$0x2850];
	_ =	sdelay $0x1  }
0x7b: {  	v0 =	vmul.f32 v0, v1;
	_ =	sdelay $0x1  }
0x7c: {  	v0 =	vmul.f32 v2, v0;
	_ =	sdelay $0x1  }
0x7d: {  	[tilespmem:s15+$0x7840] =	vst v0;
	v0 =	vld [tilespmem:s15+$0x5050]  }
0x7e: {  	v1 =	vld.idx.msk [tilespmem:v3+s9+$0x0], $0xffff  }
0x7f: {  	v2 =	vld.idx.msk [tilespmem:v4+s9+$0x0], $0xffff;
	_ =	sdelay $0x1  }
0x80: {  	v3 =	vld [tilespmem:s15+$0x60]  }
0x81: {  	v4 =	vld [tilespmem:s15+$0x2860];
	_ =	sdelay $0x1  }
0x82: {  	v0 =	vmul.f32 v1, v0;
	_ =	sdelay $0x1  }
0x83: {  	v0 =	vmul.f32 v2, v0;
	_ =	sdelay $0x1  }
0x84: {  	[tilespmem:s15+$0x7850] =	vst v0;
	v0 =	vld [tilespmem:s15+$0x5060]  }
0x85: {  	v1 =	vld.idx.msk [tilespmem:v3+s9+$0x0], $0xffff  }
0x86: {  	v2 =	vld.idx.msk [tilespmem:v4+s9+$0x0], $0xffff;
	_ =	sdelay $0x1  }
0x87: {  	v3 =	vld [tilespmem:s15+$0x70]  }
0x88: {  	v4 =	vld [tilespmem:s15+$0x2870];
	_ =	sdelay $0x1  }
0x89: {  	v0 =	vmul.f32 v1, v0;
	_ =	sdelay $0x1  }
0x8a: {  	v0 =	vmul.f32 v2, v0;
	_ =	sdelay $0x1  }
0x8b: {  	[tilespmem:s15+$0x7860] =	vst v0;
	v2 =	vld [tilespmem:s15+$0x5070]  }
0x8c: {  	v3 =	vld.idx.msk [tilespmem:v3+s9+$0x0], $0xffff  }
0x8d: {  	v4 =	vld.idx.msk [tilespmem:v4+s9+$0x0], $0xffff  }
0x8e: {  	s18 =	sshra.s32 s17, $0x2  }
0x8f: {  	v1 =	vld [tilespmem:s18+$0x0]  }
.Ltmp0:
0x90: {  	v0 =	vld [tilespmem:s18+$0x2800];
	(pc) =	sbr.rel @p0 .LBB2_2-.Ltmp0, $3  }
0x91: {  	_ = 	snop  }
0x92: {  	v2 =	vmul.f32 v3, v2;
	_ =	sdelay $0x1  }
0x93: {  	v2 =	vmul.f32 v4, v2  }
0x94: {  	_ =	sdelay $0x2  }
0x95: {  	[tilespmem:s15+$0x7870] =	vst v2  }
0x96: {  	v1 =	vld.idx.msk [tilespmem:v1+s9+$0x0], $0xffff  }
0x97: {  	v2 =	vld [tilespmem:s18+$0x5000]  }
0x98: {  	v0 =	vld.idx.msk [tilespmem:v0+s9+$0x0], $0xffff  }
0x99: {  	v3 =	vld [tilespmem:s18+$0x10];
	_ =	sdelay $0x1  }
0x9a: {  	v4 =	vld [tilespmem:s18+$0x2810]  }
0x9b: {  	v1 =	vmul.f32 v1, v2;
	_ =	sdelay $0x1  }
0x9c: {  	v0 =	vmul.f32 v0, v1;
	_ =	sdelay $0x1  }
0x9d: {  	v35 =	vld [tilespmem:s18+$0x5010];
	[tilespmem:s18+$0x7800] =	vst v0  }
0x9e: {  	v0 =	vld.idx.msk [tilespmem:v3+s9+$0x0], $0xffff  }
0x9f: {  	v37 =	vld [tilespmem:s18+$0x20]  }
0xa0: {  	v36 =	vld.idx.msk [tilespmem:v4+s9+$0x0], $0xffff;
	_ =	sdelay $0x1  }
0xa1: {  	v38 =	vld [tilespmem:s18+$0x2820]  }
0xa2: {  	v0 =	vmul.f32 v0, v35;
	_ =	sdelay $0x1  }
0xa3: {  	v0 =	vmul.f32 v36, v0;
	_ =	sdelay $0x1  }
0xa4: {  	v39 =	vld [tilespmem:s18+$0x5020];
	[tilespmem:s18+$0x7810] =	vst v0  }
0xa5: {  	v0 =	vld.idx.msk [tilespmem:v37+s9+$0x0], $0xffff  }
0xa6: {  	v41 =	vld [tilespmem:s18+$0x30]  }
0xa7: {  	v40 =	vld.idx.msk [tilespmem:v38+s9+$0x0], $0xffff;
	_ =	sdelay $0x1  }
0xa8: {  	v42 =	vld [tilespmem:s18+$0x2830]  }
0xa9: {  	v0 =	vmul.f32 v0, v39;
	_ =	sdelay $0x1  }
0xaa: {  	v0 =	vmul.f32 v40, v0;
	_ =	sdelay $0x1  }
0xab: {  	v43 =	vld [tilespmem:s18+$0x5030];
	[tilespmem:s18+$0x7820] =	vst v0  }
0xac: {  	v0 =	vld.idx.msk [tilespmem:v41+s9+$0x0], $0xffff  }
0xad: {  	v45 =	vld [tilespmem:s18+$0x40]  }
0xae: {  	v44 =	vld.idx.msk [tilespmem:v42+s9+$0x0], $0xffff;
	_ =	sdelay $0x1  }
0xaf: {  	v46 =	vld [tilespmem:s18+$0x2840]  }
0xb0: {  	v0 =	vmul.f32 v0, v43;
	_ =	sdelay $0x1  }
0xb1: {  	v0 =	vmul.f32 v44, v0;
	_ =	sdelay $0x1  }
0xb2: {  	v47 =	vld [tilespmem:s18+$0x5040];
	[tilespmem:s18+$0x7830] =	vst v0  }
0xb3: {  	v0 =	vld.idx.msk [tilespmem:v45+s9+$0x0], $0xffff  }
0xb4: {  	v49 =	vld [tilespmem:s18+$0x50]  }
0xb5: {  	v48 =	vld.idx.msk [tilespmem:v46+s9+$0x0], $0xffff;
	_ =	sdelay $0x1  }
0xb6: {  	v50 =	vld [tilespmem:s18+$0x2850]  }
0xb7: {  	v0 =	vmul.f32 v0, v47;
	_ =	sdelay $0x1  }
0xb8: {  	v0 =	vmul.f32 v48, v0;
	_ =	sdelay $0x1  }
0xb9: {  	v51 =	vld [tilespmem:s18+$0x5050];
	[tilespmem:s18+$0x7840] =	vst v0  }
0xba: {  	v52 =	vld.idx.msk [tilespmem:v49+s9+$0x0], $0xffff  }
0xbb: {  	v54 =	vld [tilespmem:s18+$0x60]  }
0xbc: {  	v53 =	vld.idx.msk [tilespmem:v50+s9+$0x0], $0xffff;
	_ =	sdelay $0x1  }
0xbd: {  	v55 =	vld [tilespmem:s18+$0x2860]  }
0xbe: {  	v0 =	vmul.f32 v52, v51;
	_ =	sdelay $0x1  }
0xbf: {  	v0 =	vmul.f32 v53, v0;
	_ =	sdelay $0x1  }
0xc0: {  	v56 =	vld [tilespmem:s18+$0x5060];
	[tilespmem:s18+$0x7850] =	vst v0  }
0xc1: {  	v57 =	vld.idx.msk [tilespmem:v54+s9+$0x0], $0xffff  }
0xc2: {  	v59 =	vld [tilespmem:s18+$0x70]  }
0xc3: {  	v58 =	vld.idx.msk [tilespmem:v55+s9+$0x0], $0xffff;
	_ =	sdelay $0x1  }
0xc4: {  	v60 =	vld [tilespmem:s18+$0x2870]  }
0xc5: {  	v0 =	vmul.f32 v57, v56;
	_ =	sdelay $0x1  }
0xc6: {  	v0 =	vmul.f32 v58, v0;
	_ =	sdelay $0x1  }
0xc7: {  	v61 =	vld [tilespmem:s18+$0x5070];
	[tilespmem:s18+$0x7860] =	vst v0  }
0xc8: {  	v62 =	vld.idx.msk [tilespmem:v59+s9+$0x0], $0xffff;
	_ =	sdelay $0x1  }
0xc9: {  	v63 =	vld.idx.msk [tilespmem:v60+s9+$0x0], $0xffff;
	_ =	sdelay $0x2  }
0xca: {  	v0 =	vmul.f32 v62, v61;
	_ =	sdelay $0x1  }
0xcb: {  	s14 =	sadd.s32 $0x1, s14;
	v0 =	vmul.f32 v63, v0  }
0xcc: {  	p0 =	sne.s32 s14, s8  }
.Ltmp1:
0xcd: {  	[tilespmem:s18+$0x7870] =	vst v0;
	(pc) =	sbr.rel @p0 .LBB2_1-.Ltmp1, $4  }
0xce: {  	[hbm4b:s7+s2] =	stream.linear.scatter [tilespmem:s13], [sflag:$0x1], $0x2800, $0x38;
	[tilespmem:$0xC800] =	vst v63  }
0xcf: {  	_ =	swait.ge [sflag:s10], $0x2800  }
0xd0: {  	[sflag:s10] =	ssyncset.done $0x0  }
0xd1: {  	[sflag:s10] =	ssyncadd.s32 $0xFFFFD800  }
0xd2: {  	_ =	sfence.sel $0x180000  }
0xd3: {  	[bflag:$0x0] =	sbarrier.arrive $0xFFFF  }
0xd4: {  	p0 =	sne.s32 s1, $0x0;
	_ =	strace $0x9000004A  }
0xd5: {  	s0 =	sadd.s32 @!p0 $0x100000, s0;
	[bflag:$0x2] =	sbarrier.arrive $0xFFFF  }
0xd6: {  	[sflag:s0] =	ssyncadd.tile.s32 @!p0 $0x1;
	_ =	shalt  }
.Lfunc_end2:
_tile_overlayer_lowered:
.L_overlay_start_2:
0xd7: {  	(tag) =	ssettag $0x2  }
0xd8: {  	s0 =	rddreg [dreg:$0x0];
	s2 =	stileid.u32  }
0xd9: {  	s1 =	rddreg [dreg:$0x1];
	p0 =	sne.s32 s2, $0x0  }
0xda: {  	s3 =	rddreg [dreg:$0x2];
	[bflag:$0x3] =	sbarrier.arrive $0xFFFF;
	s2 =	simm.s32 @!p0 $0x1C01  }
0xdb: {  	[timem:s3], [sflag:s2] =	dma.local @!p0 [hbm:s0], s1  }
0xdc: {  	s0 =	simm.s32 @!p0 $0x1  }
0xdd: {  	_ =	swait.ge @!p0 [sflag:s0], s1  }
0xde: {  	s1 =	ssub.s32 @!p0 $0x0, s1;
	[sflag:s0] =	ssyncset.done @!p0 $0x0  }
0xdf: {  	[sflag:s0] =	ssyncadd.s32 @!p0 s1  }
0xe0: {  	[bflag:$0x3] =	sbarrier.arrive $0xFFFF  }
0xe1: {  	_ =	shalt  }

</sc_bundles>
